<compile_context>
chip_gen: v7x
topology: tpu7x:2x2x1
jax: 0.10.2.dev20260603
libtpu: 0.0.44.dev20260713+nightly
codegen_flags: <defaults>
</compile_context>

<pallas_src>
import functools

import jax
import jax.numpy as jnp
from jax import lax
from jax.experimental import pallas as pl
from jax.experimental.pallas import tpu as pltpu
from jax.experimental.pallas import tpu_sc as plsc

_NC = 2
_NS = 16
_L = 16

_B = 128


def _sc_supports(src, dst, vals, X, n, n_pad, d, r_total, e_pad):
    r_per_core = r_total // _NC
    e_per_tile = e_pad // _NS
    nbatch = e_per_tile // _B
    assert nbatch % 2 == 0
    rows_per_tile = n_pad // _NS
    nsl = d // _L
    zrows = 16

    mesh = plsc.VectorSubcoreMesh(core_axis_name="c", subcore_axis_name="s")

    @functools.partial(
        pl.kernel,
        out_type=jax.ShapeDtypeStruct((r_total, n_pad, d), jnp.float32),
        mesh=mesh,
        scratch_types=[
            pltpu.VMEM((zrows, d), jnp.float32),
            pltpu.VMEM((nbatch, _B), jnp.int32),
            pltpu.VMEM((nbatch, _B), jnp.int32),
            pltpu.VMEM((_B, d), jnp.float32),
            pltpu.VMEM((_B, d), jnp.float32),
            pltpu.VMEM((_B + _L,), jnp.float32),
            pltpu.VMEM((_B + _L,), jnp.float32),
            pltpu.VMEM_SHARED((n_pad, d), jnp.float32),
            pltpu.SemaphoreType.DMA,
            pltpu.SemaphoreType.DMA,
            pltpu.SemaphoreType.DMA,
            pltpu.SemaphoreType.DMA,
        ],
    )
    def body(src_hbm, dst_hbm, val_hbm, x_hbm, sup_hbm,
             zbuf, sidx_all, didx_all, rows0, rows1, vbuf0, vbuf1, acc,
             gsem0, gsem1, vsem0, vsem1):
        cid = lax.axis_index("c")
        sid = lax.axis_index("s")
        row0 = sid * rows_per_tile
        rows = (rows0, rows1)
        vbufs = (vbuf0, vbuf1)
        gsems = (gsem0, gsem1)
        vsems = (vsem0, vsem1)

        zero_v = jnp.zeros((_L,), jnp.float32)

        def zfill(i, _):
            e = i // nsl
            j = i % nsl
            zbuf[e, pl.ds(j * _L, _L)] = zero_v
            return 0

        lax.fori_loop(0, zrows * nsl, zfill, 0)

        for rr in range(r_per_core):
            r = cid * r_per_core + rr
            vbase_rel = r * e_pad + sid * e_per_tile

            def zero_acc(z, _):
                pltpu.sync_copy(zbuf, acc.at[pl.ds(row0 + z * zrows, zrows)])
                return 0

            lax.fori_loop(0, rows_per_tile // zrows, zero_acc, 0)

            pltpu.sync_copy(src_hbm.at[r, sid], sidx_all)
            pltpu.sync_copy(dst_hbm.at[r, sid], didx_all)
            plsc.subcore_barrier()

            pltpu.async_copy(x_hbm.at[sidx_all.at[0]], rows0, gsem0)
            pltpu.async_copy(val_hbm.at[pl.ds(vbase_rel, _B)],
                             vbuf0.at[pl.ds(0, _B)], vsem0)

            def pair_body(g, _):
                for p in range(2):
                    b = 2 * g + p
                    nb = b + 1

                    @pl.when(nb < nbatch)
                    def _():
                        pltpu.async_copy(x_hbm.at[sidx_all.at[nb]],
                                         rows[1 - p], gsems[1 - p])
                        pltpu.async_copy(
                            val_hbm.at[pl.ds(vbase_rel + nb * _B, _B)],
                            vbufs[1 - p].at[pl.ds(0, _B)], vsems[1 - p])

                    pltpu.make_async_copy(x_hbm.at[sidx_all.at[b]],
                                          rows[p], gsems[p]).wait()
                    pltpu.make_async_copy(
                        val_hbm.at[pl.ds(vbase_rel + b * _B, _B)],
                        vbufs[p].at[pl.ds(0, _B)], vsems[p]).wait()

                    @plsc.parallel_loop(0, _B, 1, unroll=4)
                    def _(e):
                        v = vbufs[p][pl.ds(e, _L)][0]
                        for j in range(nsl):
                            sl = rows[p][e, pl.ds(j * _L, _L)]
                            rows[p][e, pl.ds(j * _L, _L)] = sl * v

                    pltpu.sync_copy(rows[p], acc.at[didx_all.at[b]], add=True)
                return 0

            lax.fori_loop(0, nbatch // 2, pair_body, 0)
            plsc.subcore_barrier()

            pltpu.sync_copy(acc.at[pl.ds(row0, rows_per_tile)],
                            sup_hbm.at[r, pl.ds(row0, rows_per_tile)])
            plsc.subcore_barrier()

    return body(src, dst, vals, X)


def _tc_matmul(sup, w, n, d, r_total, o):
    bn = 1000
    assert n % bn == 0

    def body(sup_ref, w_ref, out_ref):
        acc = jnp.zeros((bn, o), jnp.float32)
        for r in range(r_total):
            acc = acc + jnp.dot(sup_ref[r], w_ref[r],
                                preferred_element_type=jnp.float32)
        out_ref[...] = acc

    return pl.pallas_call(
        body,
        grid=(n // bn,),
        in_specs=[
            pl.BlockSpec((r_total, bn, d), lambda i: (0, i, 0)),
            pl.BlockSpec((r_total, d, o), lambda i: (0, 0, 0)),
        ],
        out_specs=pl.BlockSpec((bn, o), lambda i: (i, 0)),
        out_shape=jax.ShapeDtypeStruct((n, o), jnp.float32),
    )(sup, w)


def kernel(A_edge_index, A_values, X, w):
    n, d = X.shape
    r_total, _, e = A_edge_index.shape
    o = w.shape[2]

    chunk = _NS * _B * 2
    e_pad = ((e + chunk - 1) // chunk) * chunk
    pad = e_pad - e
    dst = A_edge_index[:, 0, :]
    src = A_edge_index[:, 1, :]
    if pad:
        dst = jnp.pad(dst, ((0, 0), (0, pad)))
        src = jnp.pad(src, ((0, 0), (0, pad)))
        vals = jnp.pad(A_values, ((0, 0), (0, pad)))
    else:
        vals = A_values

    n_pad = ((n + _NS * 16 - 1) // (_NS * 16)) * (_NS * 16)

    nbatch = e_pad // (_NS * _B)
    src4 = src.reshape(r_total, _NS, nbatch, _B)
    dst4 = dst.reshape(r_total, _NS, nbatch, _B)

    sup = _sc_supports(src4, dst4, vals.reshape(-1), X, n, n_pad, d,
                       r_total, e_pad)
    return _tc_matmul(sup, w, n, d, r_total, o)

# --- scband reference (transcript-rebuilt; emitter-appended) ---
"""Pipeline reference for scband-relational-graph-conv-layer-61615600828794 (READ-ONLY COPY).

The authoritative reference and input builder live on the scoring server;
editing this copy changes nothing except your own understanding.
"""

import jax, jax.numpy as jnp
import numpy as np

N, D, O, R, E = 10000, 128, 128, 8, 40000

def setup_inputs(seed: int = 0) -> dict:
    key = jax.random.key(seed)
    k1, k2, k3, k4 = jax.random.split(key, 4)
    X = jax.random.normal(k1, (N, D), dtype=jnp.float32)
    A_edge_index = jax.random.randint(k2, (R, 2, E), 0, N, dtype=jnp.int32)
    A_values = jax.random.uniform(k3, (R, E), dtype=jnp.float32)
    # learned weight per relation: w[R, D, O], xavier-uniform init (num_bases=0 path)
    bound = float(np.sqrt(6.0 / (D + O)))
    w = jax.random.uniform(k4, (R, D, O), dtype=jnp.float32, minval=-bound, maxval=bound)
    return {"A_edge_index": A_edge_index, "A_values": A_values, "X": X, "w": w}

def reference(A_edge_index, A_values, X, w):
    # Each relation r has a sparse adjacency A[r] in COO form:
    #   rows = A_edge_index[r, 0] (dst), cols = A_edge_index[r, 1] (src), vals = A_values[r]
    # torch.sparse.mm(A[r], X) == scatter-add of vals * X[src] into dst rows.
    n, d = X.shape
    supports = []
    for r in range(R):
        dst = A_edge_index[r, 0]
        src = A_edge_index[r, 1]
        msgs = jnp.take(X, src, axis=0) * A_values[r][:, None]
        sup = jnp.zeros((n, d), dtype=X.dtype).at[dst].add(msgs)
        supports.append(sup)
    tmp = jnp.concatenate(supports, axis=1)              # [N, R*D]
    weights = w.reshape(R * d, -1)                        # [R*D, O]
    out = jnp.matmul(tmp, weights)                        # [N, O]
    return out

if __name__ == "__main__":
    import jax
    _d = setup_inputs()
    print(jax.jit(kernel)(*tuple(_d.values())))

</pallas_src>

<mosaic_0001>
#map = affine_map<(d0, d1) -> (0, 0, 0, 0)>
#map1 = affine_map<(d0, d1) -> (0)>
#map2 = affine_map<(d0, d1) -> (0, 0)>
#map3 = affine_map<(d0, d1) -> (0, 0, 0)>
module attributes {stable_mosaic.version = 14 : i64} {
  func.func @body(%arg0: i32, %arg1: i32, %arg2: memref<8x16x20x128xi32, #tpu.memory_space<hbm>>, %arg3: memref<8x16x20x128xi32, #tpu.memory_space<hbm>>, %arg4: memref<327680xf32, #tpu.memory_space<hbm>>, %arg5: memref<10000x128xf32, #tpu.memory_space<hbm>>, %arg6: memref<8x10240x128xf32, #tpu.memory_space<hbm>>, %arg7: memref<16x128xf32, #tpu.memory_space<vmem>>, %arg8: memref<20x128xi32, #tpu.memory_space<vmem>>, %arg9: memref<20x128xi32, #tpu.memory_space<vmem>>, %arg10: memref<128x128xf32, #tpu.memory_space<vmem>>, %arg11: memref<128x128xf32, #tpu.memory_space<vmem>>, %arg12: memref<144xf32, #tpu.memory_space<vmem>>, %arg13: memref<144xf32, #tpu.memory_space<vmem>>, %arg14: memref<10240x128xf32, #tpu.memory_space<vmem_shared>>, %arg15: memref<!tpu.dma_semaphore, #tpu.memory_space<semaphore_mem>>, %arg16: memref<!tpu.dma_semaphore, #tpu.memory_space<semaphore_mem>>, %arg17: memref<!tpu.dma_semaphore, #tpu.memory_space<semaphore_mem>>, %arg18: memref<!tpu.dma_semaphore, #tpu.memory_space<semaphore_mem>>) attributes {dimension_semantics = [#tpu.dimension_semantics<core_parallel>, #tpu.dimension_semantics<subcore_parallel>], iteration_bounds = array<i64: 2, 16>, scalar_prefetch = 0 : i64, scratch_operands = 12 : i64, tpu.core_type = #tpu.core_type<sc_vector_subcore>, window_params = [{transform_indices = #map}, {transform_indices = #map}, {transform_indices = #map1}, {transform_indices = #map2}, {transform_indices = #map3}]} {
    %mul3A = arith.constant 640 : i32
    %mul3A_0 = arith.muli %arg1, %mul3A : i32
    %broadcast_in_dim3A = arith.constant 0.000000e+00 : f32
    %broadcast_in_dim3A_1 = vector.broadcast %broadcast_in_dim3A : f32 to vector<16xf32>
    %scan3A = arith.constant 0 : i32
    %scan3A_2 = arith.constant 0 : i32
    %scan3A_3 = arith.constant 128 : i32
    %scan3A_4 = arith.addi %scan3A_2, %scan3A_3 : i32
    %scan3A_5 = arith.constant 1 : i32
    %scan3A_6 = scf.for %scan3A_161 = %scan3A_2 to %scan3A_4 step %scan3A_5 iter_args(%scan3A_162 = %scan3A) -> (i32)  : i32 {
      %jit3A = arith.constant 8 : i32
      %div3A = arith.divsi %scan3A_161, %jit3A : i32
      %sign3A = arith.constant 0 : i32
      %sign3A_163 = arith.cmpi sgt, %scan3A_161, %sign3A : i32
      %sign3A_164 = arith.extui %sign3A_163 : i1 to i32
      %sign3A_165 = arith.constant 0 : i32
      %sign3A_166 = arith.cmpi slt, %scan3A_161, %sign3A_165 : i32
      %sign3A_167 = arith.extui %sign3A_166 : i1 to i32
      %sign3A_168 = arith.subi %sign3A_164, %sign3A_167 : i32
      %sign3A_169 = arith.constant 0 : i32
      %sign3A_170 = arith.cmpi sgt, %jit3A, %sign3A_169 : i32
      %sign3A_171 = arith.extui %sign3A_170 : i1 to i32
      %sign3A_172 = arith.constant 0 : i32
      %sign3A_173 = arith.cmpi slt, %jit3A, %sign3A_172 : i32
      %sign3A_174 = arith.extui %sign3A_173 : i1 to i32
      %sign3A_175 = arith.subi %sign3A_171, %sign3A_174 : i32
      %ne3A = arith.cmpi ne, %sign3A_168, %sign3A_175 : i32
      %rem3A = arith.remsi %scan3A_161, %jit3A : i32
      %ne3A_176 = arith.constant 0 : i32
      %ne3A_177 = arith.cmpi ne, %rem3A, %ne3A_176 : i32
      %and3A = arith.andi %ne3A, %ne3A_177 : i1
      %sub3A = arith.constant 1 : i32
      %sub3A_178 = arith.subi %div3A, %sub3A : i32
      %select_n3A = arith.select %and3A, %sub3A_178, %div3A : i32
      %jit3A_179 = arith.constant 8 : i32
      %eq3A = arith.constant 0 : i32
      %eq3A_180 = arith.cmpi eq, %jit3A_179, %eq3A : i32
      %jit3A_181 = arith.constant 1 : i32
      %select_n3A_182 = arith.select %eq3A_180, %jit3A_181, %jit3A_179 : i32
      %rem3A_183 = arith.remsi %scan3A_161, %select_n3A_182 : i32
      %ne3A_184 = arith.constant 0 : i32
      %ne3A_185 = arith.cmpi ne, %rem3A_183, %ne3A_184 : i32
      %lt3A = arith.constant 0 : i32
      %lt3A_186 = arith.cmpi slt, %rem3A_183, %lt3A : i32
      %lt3A_187 = arith.constant 0 : i32
      %lt3A_188 = arith.cmpi slt, %select_n3A_182, %lt3A_187 : i32
      %ne3A_189 = arith.xori %lt3A_186, %lt3A_188 : i1
      %and3A_190 = arith.andi %ne3A_189, %ne3A_185 : i1
      %add3A_191 = arith.addi %rem3A_183, %select_n3A_182 : i32
      %select_n3A_192 = arith.select %and3A_190, %add3A_191, %rem3A_183 : i32
      %mul3A_193 = arith.constant 16 : i32
      %mul3A_194 = arith.muli %select_n3A_192, %mul3A_193 : i32
      %swap3A = arith.index_cast %select_n3A : i32 to index
      %swap3A_195 = arith.index_cast %mul3A_194 : i32 to index
      %swap3A_196 = tpu.vector_load %arg7[%swap3A, %swap3A_195] {strides = array<i32>} : memref<16x128xf32, #tpu.memory_space<vmem>>, vector<1x16xf32>,
      %swap3A_197 = vector.shape_cast %swap3A_196 : vector<1x16xf32> to vector<16xf32>
      %swap3A_198 = vector.shape_cast %broadcast_in_dim3A_1 : vector<16xf32> to vector<1x16xf32>
      tpu.vector_store %arg7[%swap3A, %swap3A_195], %swap3A_198 {strides = array<i32>} : memref<16x128xf32, #tpu.memory_space<vmem>>, vector<1x16xf32>,
      %scan3A_199 = arith.constant 0 : i32
      scf.yield %scan3A_199 : i32
    }
    %scan3A_7 = arith.constant 128 : i32
    %mul3A_8 = arith.constant 4 : i32
    %mul3A_9 = arith.muli %arg0, %mul3A_8 : i32
    %add3A = arith.constant 0 : i32
    %add3A_10 = arith.addi %mul3A_9, %add3A : i32
    %mul3A_11 = arith.constant 40960 : i32
    %mul3A_12 = arith.muli %add3A_10, %mul3A_11 : i32
    %mul3A_13 = arith.constant 2560 : i32
    %mul3A_14 = arith.muli %arg1, %mul3A_13 : i32
    %add3A_15 = arith.addi %mul3A_12, %mul3A_14 : i32
    %scan3A_16 = arith.constant 0 : i32
    %scan3A_17 = arith.constant 0 : i32
    %scan3A_18 = arith.constant 40 : i32
    %scan3A_19 = arith.addi %scan3A_17, %scan3A_18 : i32
    %scan3A_20 = arith.constant 1 : i32
    %scan3A_21 = scf.for %scan3A_161 = %scan3A_17 to %scan3A_19 step %scan3A_20 iter_args(%scan3A_162 = %scan3A_16) -> (i32)  : i32 {
      %mul3A_163 = arith.constant 16 : i32
      %mul3A_164 = arith.muli %scan3A_161, %mul3A_163 : i32
      %add3A_165 = arith.addi %mul3A_0, %mul3A_164 : i32
      "tpu.region"() ({
        %run_scoped3A = tpu.sem_alloc : memref<!tpu.dma_semaphore, #tpu.memory_space<semaphore_mem>>
        %dma_start3A_167 = arith.constant 0 : i32
        %dma_start3A_168 = tpu.memref_slice %arg14[%add3A_165, %dma_start3A_167] : memref<10240x128xf32, #tpu.memory_space<vmem_shared>> -> memref<16x128xf32, #tpu.memory_space<vmem_shared>>
        %dma_start3A_169 = arith.constant 0 : i32
        %dma_start3A_170 = tpu.memref_slice %arg14[%add3A_165, %dma_start3A_169] : memref<10240x128xf32, #tpu.memory_space<vmem_shared>> -> memref<16x128xf32, #tpu.memory_space<vmem_shared>>
        tpu.enqueue_dma source(%arg7 : memref<16x128xf32, #tpu.memory_space<vmem>>) target(%dma_start3A_170 : memref<16x128xf32, #tpu.memory_space<vmem_shared>>) target_semaphore(%run_scoped3A : memref<!tpu.dma_semaphore, #tpu.memory_space<semaphore_mem>>)
        %dma_wait3A = arith.constant 0 : i32
        %dma_wait3A_171 = tpu.memref_slice %arg14[%add3A_165, %dma_wait3A] : memref<10240x128xf32, #tpu.memory_space<vmem_shared>> -> memref<16x128xf32, #tpu.memory_space<vmem_shared>>
        %dma_wait3A_172 = arith.constant 0 : i32
        %dma_wait3A_173 = tpu.memref_slice %arg14[%add3A_165, %dma_wait3A_172] : memref<10240x128xf32, #tpu.memory_space<vmem_shared>> -> memref<16x128xf32, #tpu.memory_space<vmem_shared>>
        tpu.wait_dma2 semaphore(%run_scoped3A : memref<!tpu.dma_semaphore, #tpu.memory_space<semaphore_mem>>) src(%arg7 : memref<16x128xf32, #tpu.memory_space<vmem>>) dst(%dma_wait3A_173 : memref<16x128xf32, #tpu.memory_space<vmem_shared>>)
        tpu.yield
      }) : () -> ()
      %scan3A_166 = arith.constant 0 : i32
      scf.yield %scan3A_166 : i32
    }
    %scan3A_22 = arith.constant 40 : i32
    "tpu.region"() ({
      %run_scoped3A = tpu.sem_alloc : memref<!tpu.dma_semaphore, #tpu.memory_space<semaphore_mem>>
      %dma_start3A_161 = arith.constant 0 : i32
      %dma_start3A_162 = arith.constant 0 : i32
      %dma_start3A_163 = tpu.memref_slice %arg2[%add3A_10, %arg1, %dma_start3A_161, %dma_start3A_162] : memref<8x16x20x128xi32, #tpu.memory_space<hbm>> -> memref<1x1x20x128xi32, #tpu.memory_space<hbm>>
      %dma_start3A_164 = tpu.memref_squeeze %dma_start3A_163 : memref<1x1x20x128xi32, #tpu.memory_space<hbm>> -> memref<20x128xi32, #tpu.memory_space<hbm>>
      %dma_start3A_165 = arith.constant 0 : i32
      %dma_start3A_166 = arith.constant 0 : i32
      %dma_start3A_167 = tpu.memref_slice %arg2[%add3A_10, %arg1, %dma_start3A_165, %dma_start3A_166] : memref<8x16x20x128xi32, #tpu.memory_space<hbm>> -> memref<1x1x20x128xi32, #tpu.memory_space<hbm>>
      %dma_start3A_168 = tpu.memref_squeeze %dma_start3A_167 : memref<1x1x20x128xi32, #tpu.memory_space<hbm>> -> memref<20x128xi32, #tpu.memory_space<hbm>>
      tpu.enqueue_dma source(%dma_start3A_168 : memref<20x128xi32, #tpu.memory_space<hbm>>) target(%arg8 : memref<20x128xi32, #tpu.memory_space<vmem>>) target_semaphore(%run_scoped3A : memref<!tpu.dma_semaphore, #tpu.memory_space<semaphore_mem>>)
      %dma_wait3A = arith.constant 0 : i32
      %dma_wait3A_169 = arith.constant 0 : i32
      %dma_wait3A_170 = tpu.memref_slice %arg2[%add3A_10, %arg1, %dma_wait3A, %dma_wait3A_169] : memref<8x16x20x128xi32, #tpu.memory_space<hbm>> -> memref<1x1x20x128xi32, #tpu.memory_space<hbm>>
      %dma_wait3A_171 = tpu.memref_squeeze %dma_wait3A_170 : memref<1x1x20x128xi32, #tpu.memory_space<hbm>> -> memref<20x128xi32, #tpu.memory_space<hbm>>
      %dma_wait3A_172 = arith.constant 0 : i32
      %dma_wait3A_173 = arith.constant 0 : i32
      %dma_wait3A_174 = tpu.memref_slice %arg2[%add3A_10, %arg1, %dma_wait3A_172, %dma_wait3A_173] : memref<8x16x20x128xi32, #tpu.memory_space<hbm>> -> memref<1x1x20x128xi32, #tpu.memory_space<hbm>>
      %dma_wait3A_175 = tpu.memref_squeeze %dma_wait3A_174 : memref<1x1x20x128xi32, #tpu.memory_space<hbm>> -> memref<20x128xi32, #tpu.memory_space<hbm>>
      tpu.wait_dma2 semaphore(%run_scoped3A : memref<!tpu.dma_semaphore, #tpu.memory_space<semaphore_mem>>) src(%dma_wait3A_175 : memref<20x128xi32, #tpu.memory_space<hbm>>) dst(%arg8 : memref<20x128xi32, #tpu.memory_space<vmem>>)
      tpu.yield
    }) : () -> ()
    "tpu.region"() ({
      %run_scoped3A = tpu.sem_alloc : memref<!tpu.dma_semaphore, #tpu.memory_space<semaphore_mem>>
      %dma_start3A_161 = arith.constant 0 : i32
      %dma_start3A_162 = arith.constant 0 : i32
      %dma_start3A_163 = tpu.memref_slice %arg3[%add3A_10, %arg1, %dma_start3A_161, %dma_start3A_162] : memref<8x16x20x128xi32, #tpu.memory_space<hbm>> -> memref<1x1x20x128xi32, #tpu.memory_space<hbm>>
      %dma_start3A_164 = tpu.memref_squeeze %dma_start3A_163 : memref<1x1x20x128xi32, #tpu.memory_space<hbm>> -> memref<20x128xi32, #tpu.memory_space<hbm>>
      %dma_start3A_165 = arith.constant 0 : i32
      %dma_start3A_166 = arith.constant 0 : i32
      %dma_start3A_167 = tpu.memref_slice %arg3[%add3A_10, %arg1, %dma_start3A_165, %dma_start3A_166] : memref<8x16x20x128xi32, #tpu.memory_space<hbm>> -> memref<1x1x20x128xi32, #tpu.memory_space<hbm>>
      %dma_start3A_168 = tpu.memref_squeeze %dma_start3A_167 : memref<1x1x20x128xi32, #tpu.memory_space<hbm>> -> memref<20x128xi32, #tpu.memory_space<hbm>>
      tpu.enqueue_dma source(%dma_start3A_168 : memref<20x128xi32, #tpu.memory_space<hbm>>) target(%arg9 : memref<20x128xi32, #tpu.memory_space<vmem>>) target_semaphore(%run_scoped3A : memref<!tpu.dma_semaphore, #tpu.memory_space<semaphore_mem>>)
      %dma_wait3A = arith.constant 0 : i32
      %dma_wait3A_169 = arith.constant 0 : i32
      %dma_wait3A_170 = tpu.memref_slice %arg3[%add3A_10, %arg1, %dma_wait3A, %dma_wait3A_169] : memref<8x16x20x128xi32, #tpu.memory_space<hbm>> -> memref<1x1x20x128xi32, #tpu.memory_space<hbm>>
      %dma_wait3A_171 = tpu.memref_squeeze %dma_wait3A_170 : memref<1x1x20x128xi32, #tpu.memory_space<hbm>> -> memref<20x128xi32, #tpu.memory_space<hbm>>
      %dma_wait3A_172 = arith.constant 0 : i32
      %dma_wait3A_173 = arith.constant 0 : i32
      %dma_wait3A_174 = tpu.memref_slice %arg3[%add3A_10, %arg1, %dma_wait3A_172, %dma_wait3A_173] : memref<8x16x20x128xi32, #tpu.memory_space<hbm>> -> memref<1x1x20x128xi32, #tpu.memory_space<hbm>>
      %dma_wait3A_175 = tpu.memref_squeeze %dma_wait3A_174 : memref<1x1x20x128xi32, #tpu.memory_space<hbm>> -> memref<20x128xi32, #tpu.memory_space<hbm>>
      tpu.wait_dma2 semaphore(%run_scoped3A : memref<!tpu.dma_semaphore, #tpu.memory_space<semaphore_mem>>) src(%dma_wait3A_175 : memref<20x128xi32, #tpu.memory_space<hbm>>) dst(%arg9 : memref<20x128xi32, #tpu.memory_space<vmem>>)
      tpu.yield
    }) : () -> ()
    %barrier3A = arith.constant 0 : index
    tpu.barrier barrier_id(%barrier3A)
    %dma_start3A = arith.constant 0 : i32
    %dma_start3A_23 = arith.constant 0 : i32
    %dma_start3A_24 = tpu.memref_slice %arg8[%dma_start3A, %dma_start3A_23] : memref<20x128xi32, #tpu.memory_space<vmem>> -> memref<1x128xi32, #tpu.memory_space<vmem>>
    %dma_start3A_25 = tpu.memref_squeeze %dma_start3A_24 : memref<1x128xi32, #tpu.memory_space<vmem>> -> memref<128xi32, #tpu.memory_space<vmem>>
    %dma_start3A_26 = arith.constant 0 : i32
    %dma_start3A_27 = arith.constant 0 : i32
    %dma_start3A_28 = tpu.memref_slice %arg5[%dma_start3A_26, %dma_start3A_27] : memref<10000x128xf32, #tpu.memory_space<hbm>> -> memref<10000x128xf32, #tpu.memory_space<hbm>>
    tpu.enqueue_indirect_dma source(%dma_start3A_28 : memref<10000x128xf32, #tpu.memory_space<hbm>>) target(%arg10 : memref<128x128xf32, #tpu.memory_space<vmem>>) offsets(%dma_start3A_25 : memref<128xi32, #tpu.memory_space<vmem>>) semaphore(%arg15 : memref<!tpu.dma_semaphore, #tpu.memory_space<semaphore_mem>>)
    %dma_start3A_29 = arith.constant 0 : i32
    %dma_start3A_30 = tpu.memref_slice %arg12[%dma_start3A_29] : memref<144xf32, #tpu.memory_space<vmem>> -> memref<128xf32, #tpu.memory_space<vmem>>
    %dma_start3A_31 = tpu.memref_slice %arg4[%add3A_15] : memref<327680xf32, #tpu.memory_space<hbm>> -> memref<128xf32, #tpu.memory_space<hbm>>
    %dma_start3A_32 = arith.constant 0 : i32
    %dma_start3A_33 = tpu.memref_slice %arg12[%dma_start3A_32] : memref<144xf32, #tpu.memory_space<vmem>> -> memref<128xf32, #tpu.memory_space<vmem>>
    %dma_start3A_34 = tpu.memref_slice %arg4[%add3A_15] : memref<327680xf32, #tpu.memory_space<hbm>> -> memref<128xf32, #tpu.memory_space<hbm>>
    tpu.enqueue_dma source(%dma_start3A_34 : memref<128xf32, #tpu.memory_space<hbm>>) target(%dma_start3A_33 : memref<128xf32, #tpu.memory_space<vmem>>) target_semaphore(%arg17 : memref<!tpu.dma_semaphore, #tpu.memory_space<semaphore_mem>>)
    %scan3A_35 = arith.constant 0 : i32
    %scan3A_36 = arith.constant 0 : i32
    %scan3A_37 = arith.constant 10 : i32
    %scan3A_38 = arith.addi %scan3A_36, %scan3A_37 : i32
    %scan3A_39 = arith.constant 1 : i32
    %scan3A_40 = scf.for %scan3A_161 = %scan3A_36 to %scan3A_38 step %scan3A_39 iter_args(%scan3A_162 = %scan3A_35) -> (i32)  : i32 {
      %mul3A_163 = arith.constant 2 : i32
      %mul3A_164 = arith.muli %mul3A_163, %scan3A_161 : i32
      %add3A_165 = arith.constant 0 : i32
      %add3A_166 = arith.addi %mul3A_164, %add3A_165 : i32
      %add3A_167 = arith.constant 1 : i32
      %add3A_168 = arith.addi %add3A_166, %add3A_167 : i32
      %lt3A = arith.constant 20 : i32
      %lt3A_169 = arith.cmpi slt, %add3A_168, %lt3A : i32
      %convert_element_type3A = arith.extui %lt3A_169 : i1 to i32
      %cond3A = arith.constant 0 : i32
      %cond3A_170 = arith.cmpi ne, %convert_element_type3A, %cond3A : i32
      scf.if %cond3A_170 {
        %dma_start3A_217 = arith.constant 0 : i32
        %dma_start3A_218 = tpu.memref_slice %arg8[%add3A_168, %dma_start3A_217] : memref<20x128xi32, #tpu.memory_space<vmem>> -> memref<1x128xi32, #tpu.memory_space<vmem>>
        %dma_start3A_219 = tpu.memref_squeeze %dma_start3A_218 : memref<1x128xi32, #tpu.memory_space<vmem>> -> memref<128xi32, #tpu.memory_space<vmem>>
        %dma_start3A_220 = arith.constant 0 : i32
        %dma_start3A_221 = arith.constant 0 : i32
        %dma_start3A_222 = tpu.memref_slice %arg5[%dma_start3A_220, %dma_start3A_221] : memref<10000x128xf32, #tpu.memory_space<hbm>> -> memref<10000x128xf32, #tpu.memory_space<hbm>>
        tpu.enqueue_indirect_dma source(%dma_start3A_222 : memref<10000x128xf32, #tpu.memory_space<hbm>>) target(%arg11 : memref<128x128xf32, #tpu.memory_space<vmem>>) offsets(%dma_start3A_219 : memref<128xi32, #tpu.memory_space<vmem>>) semaphore(%arg16 : memref<!tpu.dma_semaphore, #tpu.memory_space<semaphore_mem>>)
        %mul3A_223 = arith.constant 128 : i32
        %mul3A_224 = arith.muli %add3A_168, %mul3A_223 : i32
        %add3A_225 = arith.addi %add3A_15, %mul3A_224 : i32
        %dma_start3A_226 = arith.constant 0 : i32
        %dma_start3A_227 = tpu.memref_slice %arg13[%dma_start3A_226] : memref<144xf32, #tpu.memory_space<vmem>> -> memref<128xf32, #tpu.memory_space<vmem>>
        %dma_start3A_228 = tpu.memref_slice %arg4[%add3A_225] : memref<327680xf32, #tpu.memory_space<hbm>> -> memref<128xf32, #tpu.memory_space<hbm>>
        %dma_start3A_229 = arith.constant 0 : i32
        %dma_start3A_230 = tpu.memref_slice %arg13[%dma_start3A_229] : memref<144xf32, #tpu.memory_space<vmem>> -> memref<128xf32, #tpu.memory_space<vmem>>
        %dma_start3A_231 = tpu.memref_slice %arg4[%add3A_225] : memref<327680xf32, #tpu.memory_space<hbm>> -> memref<128xf32, #tpu.memory_space<hbm>>
        tpu.enqueue_dma source(%dma_start3A_231 : memref<128xf32, #tpu.memory_space<hbm>>) target(%dma_start3A_230 : memref<128xf32, #tpu.memory_space<vmem>>) target_semaphore(%arg18 : memref<!tpu.dma_semaphore, #tpu.memory_space<semaphore_mem>>)
      } else {
      }
      %dma_wait3A = arith.constant 0 : i32
      %dma_wait3A_171 = tpu.memref_slice %arg8[%add3A_166, %dma_wait3A] : memref<20x128xi32, #tpu.memory_space<vmem>> -> memref<1x128xi32, #tpu.memory_space<vmem>>
      %dma_wait3A_172 = tpu.memref_squeeze %dma_wait3A_171 : memref<1x128xi32, #tpu.memory_space<vmem>> -> memref<128xi32, #tpu.memory_space<vmem>>
      %dma_wait3A_173 = arith.constant 0 : i32
      %dma_wait3A_174 = arith.constant 0 : i32
      %dma_wait3A_175 = tpu.memref_slice %arg5[%dma_wait3A_173, %dma_wait3A_174] : memref<10000x128xf32, #tpu.memory_space<hbm>> -> memref<10000x128xf32, #tpu.memory_space<hbm>>
      tpu.wait_indirect_dma semaphore(%arg15 : memref<!tpu.dma_semaphore, #tpu.memory_space<semaphore_mem>>) src(%dma_wait3A_175 : memref<10000x128xf32, #tpu.memory_space<hbm>>) dst(%arg10 : memref<128x128xf32, #tpu.memory_space<vmem>>)
      %mul3A_176 = arith.constant 128 : i32
      %mul3A_177 = arith.muli %add3A_166, %mul3A_176 : i32
      %add3A_178 = arith.addi %add3A_15, %mul3A_177 : i32
      %dma_wait3A_179 = arith.constant 0 : i32
      %dma_wait3A_180 = tpu.memref_slice %arg12[%dma_wait3A_179] : memref<144xf32, #tpu.memory_space<vmem>> -> memref<128xf32, #tpu.memory_space<vmem>>
      %dma_wait3A_181 = tpu.memref_slice %arg4[%add3A_178] : memref<327680xf32, #tpu.memory_space<hbm>> -> memref<128xf32, #tpu.memory_space<hbm>>
      %dma_wait3A_182 = arith.constant 0 : i32
      %dma_wait3A_183 = tpu.memref_slice %arg12[%dma_wait3A_182] : memref<144xf32, #tpu.memory_space<vmem>> -> memref<128xf32, #tpu.memory_space<vmem>>
      %dma_wait3A_184 = tpu.memref_slice %arg4[%add3A_178] : memref<327680xf32, #tpu.memory_space<hbm>> -> memref<128xf32, #tpu.memory_space<hbm>>
      tpu.wait_dma2 semaphore(%arg17 : memref<!tpu.dma_semaphore, #tpu.memory_space<semaphore_mem>>) src(%dma_wait3A_184 : memref<128xf32, #tpu.memory_space<hbm>>) dst(%dma_wait3A_183 : memref<128xf32, #tpu.memory_space<vmem>>)
      %parallel_loop3A = arith.constant 0 : i32
      %parallel_loop3A_185 = arith.constant 128 : i32
      %parallel_loop3A_186 = arith.constant 1 : i32
      scf.for %parallel_loop3A_217 = %parallel_loop3A to %parallel_loop3A_185 step %parallel_loop3A_186  : i32 {
        %parallel_loop3A_218 = arith.index_cast %parallel_loop3A_217 : i32 to index
        %parallel_loop3A_219 = tpu.vector_load %arg12[%parallel_loop3A_218] {strides = array<i32>} : memref<144xf32, #tpu.memory_space<vmem>>, vector<16xf32>,
        %parallel_loop3A_220 = vector.shape_cast %parallel_loop3A_219 : vector<16xf32> to vector<16xf32>
        %parallel_loop3A_221 = vector.extract_strided_slice %parallel_loop3A_220 {offsets = [0], sizes = [1], strides = [1]} : vector<16xf32> to vector<1xf32>
        %parallel_loop3A_222 = vector.extract %parallel_loop3A_221[0] : f32 from vector<1xf32>
        %parallel_loop3A_223 = arith.index_cast %parallel_loop3A_217 : i32 to index
        %parallel_loop3A_224 = arith.constant 0 : index
        %parallel_loop3A_225 = tpu.vector_load %arg10[%parallel_loop3A_223, %parallel_loop3A_224] {strides = array<i32>} : memref<128x128xf32, #tpu.memory_space<vmem>>, vector<1x16xf32>,
        %parallel_loop3A_226 = vector.shape_cast %parallel_loop3A_225 : vector<1x16xf32> to vector<16xf32>
        %parallel_loop3A_227 = vector.broadcast %parallel_loop3A_222 : f32 to vector<16xf32>
        %parallel_loop3A_228 = arith.mulf %parallel_loop3A_226, %parallel_loop3A_227 : vector<16xf32>
        %parallel_loop3A_229 = arith.index_cast %parallel_loop3A_217 : i32 to index
        %parallel_loop3A_230 = arith.constant 0 : index
        %parallel_loop3A_231 = tpu.vector_load %arg10[%parallel_loop3A_229, %parallel_loop3A_230] {strides = array<i32>} : memref<128x128xf32, #tpu.memory_space<vmem>>, vector<1x16xf32>,
        %parallel_loop3A_232 = vector.shape_cast %parallel_loop3A_231 : vector<1x16xf32> to vector<16xf32>
        %parallel_loop3A_233 = vector.shape_cast %parallel_loop3A_228 : vector<16xf32> to vector<1x16xf32>
        tpu.vector_store %arg10[%parallel_loop3A_229, %parallel_loop3A_230], %parallel_loop3A_233 {strides = array<i32>} : memref<128x128xf32, #tpu.memory_space<vmem>>, vector<1x16xf32>,
        %parallel_loop3A_234 = arith.index_cast %parallel_loop3A_217 : i32 to index
        %parallel_loop3A_235 = arith.constant 16 : index
        %parallel_loop3A_236 = tpu.vector_load %arg10[%parallel_loop3A_234, %parallel_loop3A_235] {strides = array<i32>} : memref<128x128xf32, #tpu.memory_space<vmem>>, vector<1x16xf32>,
        %parallel_loop3A_237 = vector.shape_cast %parallel_loop3A_236 : vector<1x16xf32> to vector<16xf32>
        %parallel_loop3A_238 = vector.broadcast %parallel_loop3A_222 : f32 to vector<16xf32>
        %parallel_loop3A_239 = arith.mulf %parallel_loop3A_237, %parallel_loop3A_238 : vector<16xf32>
        %parallel_loop3A_240 = arith.index_cast %parallel_loop3A_217 : i32 to index
        %parallel_loop3A_241 = arith.constant 16 : index
        %parallel_loop3A_242 = tpu.vector_load %arg10[%parallel_loop3A_240, %parallel_loop3A_241] {strides = array<i32>} : memref<128x128xf32, #tpu.memory_space<vmem>>, vector<1x16xf32>,
        %parallel_loop3A_243 = vector.shape_cast %parallel_loop3A_242 : vector<1x16xf32> to vector<16xf32>
        %parallel_loop3A_244 = vector.shape_cast %parallel_loop3A_239 : vector<16xf32> to vector<1x16xf32>
        tpu.vector_store %arg10[%parallel_loop3A_240, %parallel_loop3A_241], %parallel_loop3A_244 {strides = array<i32>} : memref<128x128xf32, #tpu.memory_space<vmem>>, vector<1x16xf32>,
        %parallel_loop3A_245 = arith.index_cast %parallel_loop3A_217 : i32 to index
        %parallel_loop3A_246 = arith.constant 32 : index
        %parallel_loop3A_247 = tpu.vector_load %arg10[%parallel_loop3A_245, %parallel_loop3A_246] {strides = array<i32>} : memref<128x128xf32, #tpu.memory_space<vmem>>, vector<1x16xf32>,
        %parallel_loop3A_248 = vector.shape_cast %parallel_loop3A_247 : vector<1x16xf32> to vector<16xf32>
        %parallel_loop3A_249 = vector.broadcast %parallel_loop3A_222 : f32 to vector<16xf32>
        %parallel_loop3A_250 = arith.mulf %parallel_loop3A_248, %parallel_loop3A_249 : vector<16xf32>
        %parallel_loop3A_251 = arith.index_cast %parallel_loop3A_217 : i32 to index
        %parallel_loop3A_252 = arith.constant 32 : index
        %parallel_loop3A_253 = tpu.vector_load %arg10[%parallel_loop3A_251, %parallel_loop3A_252] {strides = array<i32>} : memref<128x128xf32, #tpu.memory_space<vmem>>, vector<1x16xf32>,
        %parallel_loop3A_254 = vector.shape_cast %parallel_loop3A_253 : vector<1x16xf32> to vector<16xf32>
        %parallel_loop3A_255 = vector.shape_cast %parallel_loop3A_250 : vector<16xf32> to vector<1x16xf32>
        tpu.vector_store %arg10[%parallel_loop3A_251, %parallel_loop3A_252], %parallel_loop3A_255 {strides = array<i32>} : memref<128x128xf32, #tpu.memory_space<vmem>>, vector<1x16xf32>,
        %parallel_loop3A_256 = arith.index_cast %parallel_loop3A_217 : i32 to index
        %parallel_loop3A_257 = arith.constant 48 : index
        %parallel_loop3A_258 = tpu.vector_load %arg10[%parallel_loop3A_256, %parallel_loop3A_257] {strides = array<i32>} : memref<128x128xf32, #tpu.memory_space<vmem>>, vector<1x16xf32>,
        %parallel_loop3A_259 = vector.shape_cast %parallel_loop3A_258 : vector<1x16xf32> to vector<16xf32>
        %parallel_loop3A_260 = vector.broadcast %parallel_loop3A_222 : f32 to vector<16xf32>
        %parallel_loop3A_261 = arith.mulf %parallel_loop3A_259, %parallel_loop3A_260 : vector<16xf32>
        %parallel_loop3A_262 = arith.index_cast %parallel_loop3A_217 : i32 to index
        %parallel_loop3A_263 = arith.constant 48 : index
        %parallel_loop3A_264 = tpu.vector_load %arg10[%parallel_loop3A_262, %parallel_loop3A_263] {strides = array<i32>} : memref<128x128xf32, #tpu.memory_space<vmem>>, vector<1x16xf32>,
        %parallel_loop3A_265 = vector.shape_cast %parallel_loop3A_264 : vector<1x16xf32> to vector<16xf32>
        %parallel_loop3A_266 = vector.shape_cast %parallel_loop3A_261 : vector<16xf32> to vector<1x16xf32>
        tpu.vector_store %arg10[%parallel_loop3A_262, %parallel_loop3A_263], %parallel_loop3A_266 {strides = array<i32>} : memref<128x128xf32, #tpu.memory_space<vmem>>, vector<1x16xf32>,
        %parallel_loop3A_267 = arith.index_cast %parallel_loop3A_217 : i32 to index
        %parallel_loop3A_268 = arith.constant 64 : index
        %parallel_loop3A_269 = tpu.vector_load %arg10[%parallel_loop3A_267, %parallel_loop3A_268] {strides = array<i32>} : memref<128x128xf32, #tpu.memory_space<vmem>>, vector<1x16xf32>,
        %parallel_loop3A_270 = vector.shape_cast %parallel_loop3A_269 : vector<1x16xf32> to vector<16xf32>
        %parallel_loop3A_271 = vector.broadcast %parallel_loop3A_222 : f32 to vector<16xf32>
        %parallel_loop3A_272 = arith.mulf %parallel_loop3A_270, %parallel_loop3A_271 : vector<16xf32>
        %parallel_loop3A_273 = arith.index_cast %parallel_loop3A_217 : i32 to index
        %parallel_loop3A_274 = arith.constant 64 : index
        %parallel_loop3A_275 = tpu.vector_load %arg10[%parallel_loop3A_273, %parallel_loop3A_274] {strides = array<i32>} : memref<128x128xf32, #tpu.memory_space<vmem>>, vector<1x16xf32>,
        %parallel_loop3A_276 = vector.shape_cast %parallel_loop3A_275 : vector<1x16xf32> to vector<16xf32>
        %parallel_loop3A_277 = vector.shape_cast %parallel_loop3A_272 : vector<16xf32> to vector<1x16xf32>
        tpu.vector_store %arg10[%parallel_loop3A_273, %parallel_loop3A_274], %parallel_loop3A_277 {strides = array<i32>} : memref<128x128xf32, #tpu.memory_space<vmem>>, vector<1x16xf32>,
        %parallel_loop3A_278 = arith.index_cast %parallel_loop3A_217 : i32 to index
        %parallel_loop3A_279 = arith.constant 80 : index
        %parallel_loop3A_280 = tpu.vector_load %arg10[%parallel_loop3A_278, %parallel_loop3A_279] {strides = array<i32>} : memref<128x128xf32, #tpu.memory_space<vmem>>, vector<1x16xf32>,
        %parallel_loop3A_281 = vector.shape_cast %parallel_loop3A_280 : vector<1x16xf32> to vector<16xf32>
        %parallel_loop3A_282 = vector.broadcast %parallel_loop3A_222 : f32 to vector<16xf32>
        %parallel_loop3A_283 = arith.mulf %parallel_loop3A_281, %parallel_loop3A_282 : vector<16xf32>
        %parallel_loop3A_284 = arith.index_cast %parallel_loop3A_217 : i32 to index
        %parallel_loop3A_285 = arith.constant 80 : index
        %parallel_loop3A_286 = tpu.vector_load %arg10[%parallel_loop3A_284, %parallel_loop3A_285] {strides = array<i32>} : memref<128x128xf32, #tpu.memory_space<vmem>>, vector<1x16xf32>,
        %parallel_loop3A_287 = vector.shape_cast %parallel_loop3A_286 : vector<1x16xf32> to vector<16xf32>
        %parallel_loop3A_288 = vector.shape_cast %parallel_loop3A_283 : vector<16xf32> to vector<1x16xf32>
        tpu.vector_store %arg10[%parallel_loop3A_284, %parallel_loop3A_285], %parallel_loop3A_288 {strides = array<i32>} : memref<128x128xf32, #tpu.memory_space<vmem>>, vector<1x16xf32>,
        %parallel_loop3A_289 = arith.index_cast %parallel_loop3A_217 : i32 to index
        %parallel_loop3A_290 = arith.constant 96 : index
        %parallel_loop3A_291 = tpu.vector_load %arg10[%parallel_loop3A_289, %parallel_loop3A_290] {strides = array<i32>} : memref<128x128xf32, #tpu.memory_space<vmem>>, vector<1x16xf32>,
        %parallel_loop3A_292 = vector.shape_cast %parallel_loop3A_291 : vector<1x16xf32> to vector<16xf32>
        %parallel_loop3A_293 = vector.broadcast %parallel_loop3A_222 : f32 to vector<16xf32>
        %parallel_loop3A_294 = arith.mulf %parallel_loop3A_292, %parallel_loop3A_293 : vector<16xf32>
        %parallel_loop3A_295 = arith.index_cast %parallel_loop3A_217 : i32 to index
        %parallel_loop3A_296 = arith.constant 96 : index
        %parallel_loop3A_297 = tpu.vector_load %arg10[%parallel_loop3A_295, %parallel_loop3A_296] {strides = array<i32>} : memref<128x128xf32, #tpu.memory_space<vmem>>, vector<1x16xf32>,
        %parallel_loop3A_298 = vector.shape_cast %parallel_loop3A_297 : vector<1x16xf32> to vector<16xf32>
        %parallel_loop3A_299 = vector.shape_cast %parallel_loop3A_294 : vector<16xf32> to vector<1x16xf32>
        tpu.vector_store %arg10[%parallel_loop3A_295, %parallel_loop3A_296], %parallel_loop3A_299 {strides = array<i32>} : memref<128x128xf32, #tpu.memory_space<vmem>>, vector<1x16xf32>,
        %parallel_loop3A_300 = arith.index_cast %parallel_loop3A_217 : i32 to index
        %parallel_loop3A_301 = arith.constant 112 : index
        %parallel_loop3A_302 = tpu.vector_load %arg10[%parallel_loop3A_300, %parallel_loop3A_301] {strides = array<i32>} : memref<128x128xf32, #tpu.memory_space<vmem>>, vector<1x16xf32>,
        %parallel_loop3A_303 = vector.shape_cast %parallel_loop3A_302 : vector<1x16xf32> to vector<16xf32>
        %parallel_loop3A_304 = vector.broadcast %parallel_loop3A_222 : f32 to vector<16xf32>
        %parallel_loop3A_305 = arith.mulf %parallel_loop3A_303, %parallel_loop3A_304 : vector<16xf32>
        %parallel_loop3A_306 = arith.index_cast %parallel_loop3A_217 : i32 to index
        %parallel_loop3A_307 = arith.constant 112 : index
        %parallel_loop3A_308 = tpu.vector_load %arg10[%parallel_loop3A_306, %parallel_loop3A_307] {strides = array<i32>} : memref<128x128xf32, #tpu.memory_space<vmem>>, vector<1x16xf32>,
        %parallel_loop3A_309 = vector.shape_cast %parallel_loop3A_308 : vector<1x16xf32> to vector<16xf32>
        %parallel_loop3A_310 = vector.shape_cast %parallel_loop3A_305 : vector<16xf32> to vector<1x16xf32>
        tpu.vector_store %arg10[%parallel_loop3A_306, %parallel_loop3A_307], %parallel_loop3A_310 {strides = array<i32>} : memref<128x128xf32, #tpu.memory_space<vmem>>, vector<1x16xf32>,
      } {sc.loop_unroll_factor = 4 : i64, sc.parallel_access}
      "tpu.region"() ({
        %run_scoped3A = tpu.sem_alloc : memref<!tpu.dma_semaphore, #tpu.memory_space<semaphore_mem>>
        %dma_start3A_217 = arith.constant 0 : i32
        %dma_start3A_218 = tpu.memref_slice %arg9[%add3A_166, %dma_start3A_217] : memref<20x128xi32, #tpu.memory_space<vmem>> -> memref<1x128xi32, #tpu.memory_space<vmem>>
        %dma_start3A_219 = tpu.memref_squeeze %dma_start3A_218 : memref<1x128xi32, #tpu.memory_space<vmem>> -> memref<128xi32, #tpu.memory_space<vmem>>
        %dma_start3A_220 = arith.constant 0 : i32
        %dma_start3A_221 = arith.constant 0 : i32
        %dma_start3A_222 = tpu.memref_slice %arg14[%dma_start3A_220, %dma_start3A_221] : memref<10240x128xf32, #tpu.memory_space<vmem_shared>> -> memref<10240x128xf32, #tpu.memory_space<vmem_shared>>
        tpu.enqueue_indirect_dma source(%arg10 : memref<128x128xf32, #tpu.memory_space<vmem>>) target(%dma_start3A_222 : memref<10240x128xf32, #tpu.memory_space<vmem_shared>>) offsets(%dma_start3A_219 : memref<128xi32, #tpu.memory_space<vmem>>) semaphore(%run_scoped3A : memref<!tpu.dma_semaphore, #tpu.memory_space<semaphore_mem>>) {add = true}
        %dma_wait3A_223 = arith.constant 0 : i32
        %dma_wait3A_224 = tpu.memref_slice %arg9[%add3A_166, %dma_wait3A_223] : memref<20x128xi32, #tpu.memory_space<vmem>> -> memref<1x128xi32, #tpu.memory_space<vmem>>
        %dma_wait3A_225 = tpu.memref_squeeze %dma_wait3A_224 : memref<1x128xi32, #tpu.memory_space<vmem>> -> memref<128xi32, #tpu.memory_space<vmem>>
        %dma_wait3A_226 = arith.constant 0 : i32
        %dma_wait3A_227 = arith.constant 0 : i32
        %dma_wait3A_228 = tpu.memref_slice %arg14[%dma_wait3A_226, %dma_wait3A_227] : memref<10240x128xf32, #tpu.memory_space<vmem_shared>> -> memref<10240x128xf32, #tpu.memory_space<vmem_shared>>
        tpu.wait_indirect_dma semaphore(%run_scoped3A : memref<!tpu.dma_semaphore, #tpu.memory_space<semaphore_mem>>) src(%arg10 : memref<128x128xf32, #tpu.memory_space<vmem>>) dst(%dma_wait3A_228 : memref<10240x128xf32, #tpu.memory_space<vmem_shared>>)
        tpu.yield
      }) : () -> ()
      %mul3A_187 = arith.constant 2 : i32
      %mul3A_188 = arith.muli %mul3A_187, %scan3A_161 : i32
      %add3A_189 = arith.constant 1 : i32
      %add3A_190 = arith.addi %mul3A_188, %add3A_189 : i32
      %add3A_191 = arith.constant 1 : i32
      %add3A_192 = arith.addi %add3A_190, %add3A_191 : i32
      %lt3A_193 = arith.constant 20 : i32
      %lt3A_194 = arith.cmpi slt, %add3A_192, %lt3A_193 : i32
      %convert_element_type3A_195 = arith.extui %lt3A_194 : i1 to i32
      %cond3A_196 = arith.constant 0 : i32
      %cond3A_197 = arith.cmpi ne, %convert_element_type3A_195, %cond3A_196 : i32
      scf.if %cond3A_197 {
        %dma_start3A_217 = arith.constant 0 : i32
        %dma_start3A_218 = tpu.memref_slice %arg8[%add3A_192, %dma_start3A_217] : memref<20x128xi32, #tpu.memory_space<vmem>> -> memref<1x128xi32, #tpu.memory_space<vmem>>
        %dma_start3A_219 = tpu.memref_squeeze %dma_start3A_218 : memref<1x128xi32, #tpu.memory_space<vmem>> -> memref<128xi32, #tpu.memory_space<vmem>>
        %dma_start3A_220 = arith.constant 0 : i32
        %dma_start3A_221 = arith.constant 0 : i32
        %dma_start3A_222 = tpu.memref_slice %arg5[%dma_start3A_220, %dma_start3A_221] : memref<10000x128xf32, #tpu.memory_space<hbm>> -> memref<10000x128xf32, #tpu.memory_space<hbm>>
        tpu.enqueue_indirect_dma source(%dma_start3A_222 : memref<10000x128xf32, #tpu.memory_space<hbm>>) target(%arg10 : memref<128x128xf32, #tpu.memory_space<vmem>>) offsets(%dma_start3A_219 : memref<128xi32, #tpu.memory_space<vmem>>) semaphore(%arg15 : memref<!tpu.dma_semaphore, #tpu.memory_space<semaphore_mem>>)
        %mul3A_223 = arith.constant 128 : i32
        %mul3A_224 = arith.muli %add3A_192, %mul3A_223 : i32
        %add3A_225 = arith.addi %add3A_15, %mul3A_224 : i32
        %dma_start3A_226 = arith.constant 0 : i32
        %dma_start3A_227 = tpu.memref_slice %arg12[%dma_start3A_226] : memref<144xf32, #tpu.memory_space<vmem>> -> memref<128xf32, #tpu.memory_space<vmem>>
        %dma_start3A_228 = tpu.memref_slice %arg4[%add3A_225] : memref<327680xf32, #tpu.memory_space<hbm>> -> memref<128xf32, #tpu.memory_space<hbm>>
        %dma_start3A_229 = arith.constant 0 : i32
        %dma_start3A_230 = tpu.memref_slice %arg12[%dma_start3A_229] : memref<144xf32, #tpu.memory_space<vmem>> -> memref<128xf32, #tpu.memory_space<vmem>>
        %dma_start3A_231 = tpu.memref_slice %arg4[%add3A_225] : memref<327680xf32, #tpu.memory_space<hbm>> -> memref<128xf32, #tpu.memory_space<hbm>>
        tpu.enqueue_dma source(%dma_start3A_231 : memref<128xf32, #tpu.memory_space<hbm>>) target(%dma_start3A_230 : memref<128xf32, #tpu.memory_space<vmem>>) target_semaphore(%arg17 : memref<!tpu.dma_semaphore, #tpu.memory_space<semaphore_mem>>)
      } else {
      }
      %dma_wait3A_198 = arith.constant 0 : i32
      %dma_wait3A_199 = tpu.memref_slice %arg8[%add3A_190, %dma_wait3A_198] : memref<20x128xi32, #tpu.memory_space<vmem>> -> memref<1x128xi32, #tpu.memory_space<vmem>>
      %dma_wait3A_200 = tpu.memref_squeeze %dma_wait3A_199 : memref<1x128xi32, #tpu.memory_space<vmem>> -> memref<128xi32, #tpu.memory_space<vmem>>
      %dma_wait3A_201 = arith.constant 0 : i32
      %dma_wait3A_202 = arith.constant 0 : i32
      %dma_wait3A_203 = tpu.memref_slice %arg5[%dma_wait3A_201, %dma_wait3A_202] : memref<10000x128xf32, #tpu.memory_space<hbm>> -> memref<10000x128xf32, #tpu.memory_space<hbm>>
      tpu.wait_indirect_dma semaphore(%arg16 : memref<!tpu.dma_semaphore, #tpu.memory_space<semaphore_mem>>) src(%dma_wait3A_203 : memref<10000x128xf32, #tpu.memory_space<hbm>>) dst(%arg11 : memref<128x128xf32, #tpu.memory_space<vmem>>)
      %mul3A_204 = arith.constant 128 : i32
      %mul3A_205 = arith.muli %add3A_190, %mul3A_204 : i32
      %add3A_206 = arith.addi %add3A_15, %mul3A_205 : i32
      %dma_wait3A_207 = arith.constant 0 : i32
      %dma_wait3A_208 = tpu.memref_slice %arg13[%dma_wait3A_207] : memref<144xf32, #tpu.memory_space<vmem>> -> memref<128xf32, #tpu.memory_space<vmem>>
      %dma_wait3A_209 = tpu.memref_slice %arg4[%add3A_206] : memref<327680xf32, #tpu.memory_space<hbm>> -> memref<128xf32, #tpu.memory_space<hbm>>
      %dma_wait3A_210 = arith.constant 0 : i32
      %dma_wait3A_211 = tpu.memref_slice %arg13[%dma_wait3A_210] : memref<144xf32, #tpu.memory_space<vmem>> -> memref<128xf32, #tpu.memory_space<vmem>>
      %dma_wait3A_212 = tpu.memref_slice %arg4[%add3A_206] : memref<327680xf32, #tpu.memory_space<hbm>> -> memref<128xf32, #tpu.memory_space<hbm>>
      tpu.wait_dma2 semaphore(%arg18 : memref<!tpu.dma_semaphore, #tpu.memory_space<semaphore_mem>>) src(%dma_wait3A_212 : memref<128xf32, #tpu.memory_space<hbm>>) dst(%dma_wait3A_211 : memref<128xf32, #tpu.memory_space<vmem>>)
      %parallel_loop3A_213 = arith.constant 0 : i32
      %parallel_loop3A_214 = arith.constant 128 : i32
      %parallel_loop3A_215 = arith.constant 1 : i32
      scf.for %parallel_loop3A_217 = %parallel_loop3A_213 to %parallel_loop3A_214 step %parallel_loop3A_215  : i32 {
        %parallel_loop3A_218 = arith.index_cast %parallel_loop3A_217 : i32 to index
        %parallel_loop3A_219 = tpu.vector_load %arg13[%parallel_loop3A_218] {strides = array<i32>} : memref<144xf32, #tpu.memory_space<vmem>>, vector<16xf32>,
        %parallel_loop3A_220 = vector.shape_cast %parallel_loop3A_219 : vector<16xf32> to vector<16xf32>
        %parallel_loop3A_221 = vector.extract_strided_slice %parallel_loop3A_220 {offsets = [0], sizes = [1], strides = [1]} : vector<16xf32> to vector<1xf32>
        %parallel_loop3A_222 = vector.extract %parallel_loop3A_221[0] : f32 from vector<1xf32>
        %parallel_loop3A_223 = arith.index_cast %parallel_loop3A_217 : i32 to index
        %parallel_loop3A_224 = arith.constant 0 : index
        %parallel_loop3A_225 = tpu.vector_load %arg11[%parallel_loop3A_223, %parallel_loop3A_224] {strides = array<i32>} : memref<128x128xf32, #tpu.memory_space<vmem>>, vector<1x16xf32>,
        %parallel_loop3A_226 = vector.shape_cast %parallel_loop3A_225 : vector<1x16xf32> to vector<16xf32>
        %parallel_loop3A_227 = vector.broadcast %parallel_loop3A_222 : f32 to vector<16xf32>
        %parallel_loop3A_228 = arith.mulf %parallel_loop3A_226, %parallel_loop3A_227 : vector<16xf32>
        %parallel_loop3A_229 = arith.index_cast %parallel_loop3A_217 : i32 to index
        %parallel_loop3A_230 = arith.constant 0 : index
        %parallel_loop3A_231 = tpu.vector_load %arg11[%parallel_loop3A_229, %parallel_loop3A_230] {strides = array<i32>} : memref<128x128xf32, #tpu.memory_space<vmem>>, vector<1x16xf32>,
        %parallel_loop3A_232 = vector.shape_cast %parallel_loop3A_231 : vector<1x16xf32> to vector<16xf32>
        %parallel_loop3A_233 = vector.shape_cast %parallel_loop3A_228 : vector<16xf32> to vector<1x16xf32>
        tpu.vector_store %arg11[%parallel_loop3A_229, %parallel_loop3A_230], %parallel_loop3A_233 {strides = array<i32>} : memref<128x128xf32, #tpu.memory_space<vmem>>, vector<1x16xf32>,
        %parallel_loop3A_234 = arith.index_cast %parallel_loop3A_217 : i32 to index
        %parallel_loop3A_235 = arith.constant 16 : index
        %parallel_loop3A_236 = tpu.vector_load %arg11[%parallel_loop3A_234, %parallel_loop3A_235] {strides = array<i32>} : memref<128x128xf32, #tpu.memory_space<vmem>>, vector<1x16xf32>,
        %parallel_loop3A_237 = vector.shape_cast %parallel_loop3A_236 : vector<1x16xf32> to vector<16xf32>
        %parallel_loop3A_238 = vector.broadcast %parallel_loop3A_222 : f32 to vector<16xf32>
        %parallel_loop3A_239 = arith.mulf %parallel_loop3A_237, %parallel_loop3A_238 : vector<16xf32>
        %parallel_loop3A_240 = arith.index_cast %parallel_loop3A_217 : i32 to index
        %parallel_loop3A_241 = arith.constant 16 : index
        %parallel_loop3A_242 = tpu.vector_load %arg11[%parallel_loop3A_240, %parallel_loop3A_241] {strides = array<i32>} : memref<128x128xf32, #tpu.memory_space<vmem>>, vector<1x16xf32>,
        %parallel_loop3A_243 = vector.shape_cast %parallel_loop3A_242 : vector<1x16xf32> to vector<16xf32>
        %parallel_loop3A_244 = vector.shape_cast %parallel_loop3A_239 : vector<16xf32> to vector<1x16xf32>
        tpu.vector_store %arg11[%parallel_loop3A_240, %parallel_loop3A_241], %parallel_loop3A_244 {strides = array<i32>} : memref<128x128xf32, #tpu.memory_space<vmem>>, vector<1x16xf32>,
        %parallel_loop3A_245 = arith.index_cast %parallel_loop3A_217 : i32 to index
        %parallel_loop3A_246 = arith.constant 32 : index
        %parallel_loop3A_247 = tpu.vector_load %arg11[%parallel_loop3A_245, %parallel_loop3A_246] {strides = array<i32>} : memref<128x128xf32, #tpu.memory_space<vmem>>, vector<1x16xf32>,
        %parallel_loop3A_248 = vector.shape_cast %parallel_loop3A_247 : vector<1x16xf32> to vector<16xf32>
        %parallel_loop3A_249 = vector.broadcast %parallel_loop3A_222 : f32 to vector<16xf32>
        %parallel_loop3A_250 = arith.mulf %parallel_loop3A_248, %parallel_loop3A_249 : vector<16xf32>
        %parallel_loop3A_251 = arith.index_cast %parallel_loop3A_217 : i32 to index
        %parallel_loop3A_252 = arith.constant 32 : index
        %parallel_loop3A_253 = tpu.vector_load %arg11[%parallel_loop3A_251, %parallel_loop3A_252] {strides = array<i32>} : memref<128x128xf32, #tpu.memory_space<vmem>>, vector<1x16xf32>,
        %parallel_loop3A_254 = vector.shape_cast %parallel_loop3A_253 : vector<1x16xf32> to vector<16xf32>
        %parallel_loop3A_255 = vector.shape_cast %parallel_loop3A_250 : vector<16xf32> to vector<1x16xf32>
        tpu.vector_store %arg11[%parallel_loop3A_251, %parallel_loop3A_252], %parallel_loop3A_255 {strides = array<i32>} : memref<128x128xf32, #tpu.memory_space<vmem>>, vector<1x16xf32>,
        %parallel_loop3A_256 = arith.index_cast %parallel_loop3A_217 : i32 to index
        %parallel_loop3A_257 = arith.constant 48 : index
        %parallel_loop3A_258 = tpu.vector_load %arg11[%parallel_loop3A_256, %parallel_loop3A_257] {strides = array<i32>} : memref<128x128xf32, #tpu.memory_space<vmem>>, vector<1x16xf32>,
        %parallel_loop3A_259 = vector.shape_cast %parallel_loop3A_258 : vector<1x16xf32> to vector<16xf32>
        %parallel_loop3A_260 = vector.broadcast %parallel_loop3A_222 : f32 to vector<16xf32>
        %parallel_loop3A_261 = arith.mulf %parallel_loop3A_259, %parallel_loop3A_260 : vector<16xf32>
        %parallel_loop3A_262 = arith.index_cast %parallel_loop3A_217 : i32 to index
        %parallel_loop3A_263 = arith.constant 48 : index
        %parallel_loop3A_264 = tpu.vector_load %arg11[%parallel_loop3A_262, %parallel_loop3A_263] {strides = array<i32>} : memref<128x128xf32, #tpu.memory_space<vmem>>, vector<1x16xf32>,
        %parallel_loop3A_265 = vector.shape_cast %parallel_loop3A_264 : vector<1x16xf32> to vector<16xf32>
        %parallel_loop3A_266 = vector.shape_cast %parallel_loop3A_261 : vector<16xf32> to vector<1x16xf32>
        tpu.vector_store %arg11[%parallel_loop3A_262, %parallel_loop3A_263], %parallel_loop3A_266 {strides = array<i32>} : memref<128x128xf32, #tpu.memory_space<vmem>>, vector<1x16xf32>,
        %parallel_loop3A_267 = arith.index_cast %parallel_loop3A_217 : i32 to index
        %parallel_loop3A_268 = arith.constant 64 : index
        %parallel_loop3A_269 = tpu.vector_load %arg11[%parallel_loop3A_267, %parallel_loop3A_268] {strides = array<i32>} : memref<128x128xf32, #tpu.memory_space<vmem>>, vector<1x16xf32>,
        %parallel_loop3A_270 = vector.shape_cast %parallel_loop3A_269 : vector<1x16xf32> to vector<16xf32>
        %parallel_loop3A_271 = vector.broadcast %parallel_loop3A_222 : f32 to vector<16xf32>
        %parallel_loop3A_272 = arith.mulf %parallel_loop3A_270, %parallel_loop3A_271 : vector<16xf32>
        %parallel_loop3A_273 = arith.index_cast %parallel_loop3A_217 : i32 to index
        %parallel_loop3A_274 = arith.constant 64 : index
        %parallel_loop3A_275 = tpu.vector_load %arg11[%parallel_loop3A_273, %parallel_loop3A_274] {strides = array<i32>} : memref<128x128xf32, #tpu.memory_space<vmem>>, vector<1x16xf32>,
        %parallel_loop3A_276 = vector.shape_cast %parallel_loop3A_275 : vector<1x16xf32> to vector<16xf32>
        %parallel_loop3A_277 = vector.shape_cast %parallel_loop3A_272 : vector<16xf32> to vector<1x16xf32>
        tpu.vector_store %arg11[%parallel_loop3A_273, %parallel_loop3A_274], %parallel_loop3A_277 {strides = array<i32>} : memref<128x128xf32, #tpu.memory_space<vmem>>, vector<1x16xf32>,
        %parallel_loop3A_278 = arith.index_cast %parallel_loop3A_217 : i32 to index
        %parallel_loop3A_279 = arith.constant 80 : index
        %parallel_loop3A_280 = tpu.vector_load %arg11[%parallel_loop3A_278, %parallel_loop3A_279] {strides = array<i32>} : memref<128x128xf32, #tpu.memory_space<vmem>>, vector<1x16xf32>,
        %parallel_loop3A_281 = vector.shape_cast %parallel_loop3A_280 : vector<1x16xf32> to vector<16xf32>
        %parallel_loop3A_282 = vector.broadcast %parallel_loop3A_222 : f32 to vector<16xf32>
        %parallel_loop3A_283 = arith.mulf %parallel_loop3A_281, %parallel_loop3A_282 : vector<16xf32>
        %parallel_loop3A_284 = arith.index_cast %parallel_loop3A_217 : i32 to index
        %parallel_loop3A_285 = arith.constant 80 : index
        %parallel_loop3A_286 = tpu.vector_load %arg11[%parallel_loop3A_284, %parallel_loop3A_285] {strides = array<i32>} : memref<128x128xf32, #tpu.memory_space<vmem>>, vector<1x16xf32>,
        %parallel_loop3A_287 = vector.shape_cast %parallel_loop3A_286 : vector<1x16xf32> to vector<16xf32>
        %parallel_loop3A_288 = vector.shape_cast %parallel_loop3A_283 : vector<16xf32> to vector<1x16xf32>
        tpu.vector_store %arg11[%parallel_loop3A_284, %parallel_loop3A_285], %parallel_loop3A_288 {strides = array<i32>} : memref<128x128xf32, #tpu.memory_space<vmem>>, vector<1x16xf32>,
        %parallel_loop3A_289 = arith.index_cast %parallel_loop3A_217 : i32 to index
        %parallel_loop3A_290 = arith.constant 96 : index
        %parallel_loop3A_291 = tpu.vector_load %arg11[%parallel_loop3A_289, %parallel_loop3A_290] {strides = array<i32>} : memref<128x128xf32, #tpu.memory_space<vmem>>, vector<1x16xf32>,
        %parallel_loop3A_292 = vector.shape_cast %parallel_loop3A_291 : vector<1x16xf32> to vector<16xf32>
        %parallel_loop3A_293 = vector.broadcast %parallel_loop3A_222 : f32 to vector<16xf32>
        %parallel_loop3A_294 = arith.mulf %parallel_loop3A_292, %parallel_loop3A_293 : vector<16xf32>
        %parallel_loop3A_295 = arith.index_cast %parallel_loop3A_217 : i32 to index
        %parallel_loop3A_296 = arith.constant 96 : index
        %parallel_loop3A_297 = tpu.vector_load %arg11[%parallel_loop3A_295, %parallel_loop3A_296] {strides = array<i32>} : memref<128x128xf32, #tpu.memory_space<vmem>>, vector<1x16xf32>,
        %parallel_loop3A_298 = vector.shape_cast %parallel_loop3A_297 : vector<1x16xf32> to vector<16xf32>
        %parallel_loop3A_299 = vector.shape_cast %parallel_loop3A_294 : vector<16xf32> to vector<1x16xf32>
        tpu.vector_store %arg11[%parallel_loop3A_295, %parallel_loop3A_296], %parallel_loop3A_299 {strides = array<i32>} : memref<128x128xf32, #tpu.memory_space<vmem>>, vector<1x16xf32>,
        %parallel_loop3A_300 = arith.index_cast %parallel_loop3A_217 : i32 to index
        %parallel_loop3A_301 = arith.constant 112 : index
        %parallel_loop3A_302 = tpu.vector_load %arg11[%parallel_loop3A_300, %parallel_loop3A_301] {strides = array<i32>} : memref<128x128xf32, #tpu.memory_space<vmem>>, vector<1x16xf32>,
        %parallel_loop3A_303 = vector.shape_cast %parallel_loop3A_302 : vector<1x16xf32> to vector<16xf32>
        %parallel_loop3A_304 = vector.broadcast %parallel_loop3A_222 : f32 to vector<16xf32>
        %parallel_loop3A_305 = arith.mulf %parallel_loop3A_303, %parallel_loop3A_304 : vector<16xf32>
        %parallel_loop3A_306 = arith.index_cast %parallel_loop3A_217 : i32 to index
        %parallel_loop3A_307 = arith.constant 112 : index
        %parallel_loop3A_308 = tpu.vector_load %arg11[%parallel_loop3A_306, %parallel_loop3A_307] {strides = array<i32>} : memref<128x128xf32, #tpu.memory_space<vmem>>, vector<1x16xf32>,
        %parallel_loop3A_309 = vector.shape_cast %parallel_loop3A_308 : vector<1x16xf32> to vector<16xf32>
        %parallel_loop3A_310 = vector.shape_cast %parallel_loop3A_305 : vector<16xf32> to vector<1x16xf32>
        tpu.vector_store %arg11[%parallel_loop3A_306, %parallel_loop3A_307], %parallel_loop3A_310 {strides = array<i32>} : memref<128x128xf32, #tpu.memory_space<vmem>>, vector<1x16xf32>,
      } {sc.loop_unroll_factor = 4 : i64, sc.parallel_access}
      "tpu.region"() ({
        %run_scoped3A = tpu.sem_alloc : memref<!tpu.dma_semaphore, #tpu.memory_space<semaphore_mem>>
        %dma_start3A_217 = arith.constant 0 : i32
        %dma_start3A_218 = tpu.memref_slice %arg9[%add3A_190, %dma_start3A_217] : memref<20x128xi32, #tpu.memory_space<vmem>> -> memref<1x128xi32, #tpu.memory_space<vmem>>
        %dma_start3A_219 = tpu.memref_squeeze %dma_start3A_218 : memref<1x128xi32, #tpu.memory_space<vmem>> -> memref<128xi32, #tpu.memory_space<vmem>>
        %dma_start3A_220 = arith.constant 0 : i32
        %dma_start3A_221 = arith.constant 0 : i32
        %dma_start3A_222 = tpu.memref_slice %arg14[%dma_start3A_220, %dma_start3A_221] : memref<10240x128xf32, #tpu.memory_space<vmem_shared>> -> memref<10240x128xf32, #tpu.memory_space<vmem_shared>>
        tpu.enqueue_indirect_dma source(%arg11 : memref<128x128xf32, #tpu.memory_space<vmem>>) target(%dma_start3A_222 : memref<10240x128xf32, #tpu.memory_space<vmem_shared>>) offsets(%dma_start3A_219 : memref<128xi32, #tpu.memory_space<vmem>>) semaphore(%run_scoped3A : memref<!tpu.dma_semaphore, #tpu.memory_space<semaphore_mem>>) {add = true}
        %dma_wait3A_223 = arith.constant 0 : i32
        %dma_wait3A_224 = tpu.memref_slice %arg9[%add3A_190, %dma_wait3A_223] : memref<20x128xi32, #tpu.memory_space<vmem>> -> memref<1x128xi32, #tpu.memory_space<vmem>>
        %dma_wait3A_225 = tpu.memref_squeeze %dma_wait3A_224 : memref<1x128xi32, #tpu.memory_space<vmem>> -> memref<128xi32, #tpu.memory_space<vmem>>
        %dma_wait3A_226 = arith.constant 0 : i32
        %dma_wait3A_227 = arith.constant 0 : i32
        %dma_wait3A_228 = tpu.memref_slice %arg14[%dma_wait3A_226, %dma_wait3A_227] : memref<10240x128xf32, #tpu.memory_space<vmem_shared>> -> memref<10240x128xf32, #tpu.memory_space<vmem_shared>>
        tpu.wait_indirect_dma semaphore(%run_scoped3A : memref<!tpu.dma_semaphore, #tpu.memory_space<semaphore_mem>>) src(%arg11 : memref<128x128xf32, #tpu.memory_space<vmem>>) dst(%dma_wait3A_228 : memref<10240x128xf32, #tpu.memory_space<vmem_shared>>)
        tpu.yield
      }) : () -> ()
      %scan3A_216 = arith.constant 0 : i32
      scf.yield %scan3A_216 : i32
    }
    %scan3A_41 = arith.constant 10 : i32
    %barrier3A_42 = arith.constant 0 : index
    tpu.barrier barrier_id(%barrier3A_42)
    "tpu.region"() ({
      %run_scoped3A = tpu.sem_alloc : memref<!tpu.dma_semaphore, #tpu.memory_space<semaphore_mem>>
      %dma_start3A_161 = arith.constant 0 : i32
      %dma_start3A_162 = tpu.memref_slice %arg6[%add3A_10, %mul3A_0, %dma_start3A_161] : memref<8x10240x128xf32, #tpu.memory_space<hbm>> -> memref<1x640x128xf32, #tpu.memory_space<hbm>>
      %dma_start3A_163 = tpu.memref_squeeze %dma_start3A_162 : memref<1x640x128xf32, #tpu.memory_space<hbm>> -> memref<640x128xf32, #tpu.memory_space<hbm>>
      %dma_start3A_164 = arith.constant 0 : i32
      %dma_start3A_165 = tpu.memref_slice %arg14[%mul3A_0, %dma_start3A_164] : memref<10240x128xf32, #tpu.memory_space<vmem_shared>> -> memref<640x128xf32, #tpu.memory_space<vmem_shared>>
      tpu.enqueue_dma source(%dma_start3A_165 : memref<640x128xf32, #tpu.memory_space<vmem_shared>>) target(%dma_start3A_163 : memref<640x128xf32, #tpu.memory_space<hbm>>) target_semaphore(%run_scoped3A : memref<!tpu.dma_semaphore, #tpu.memory_space<semaphore_mem>>)
      %dma_wait3A = arith.constant 0 : i32
      %dma_wait3A_166 = tpu.memref_slice %arg6[%add3A_10, %mul3A_0, %dma_wait3A] : memref<8x10240x128xf32, #tpu.memory_space<hbm>> -> memref<1x640x128xf32, #tpu.memory_space<hbm>>
      %dma_wait3A_167 = tpu.memref_squeeze %dma_wait3A_166 : memref<1x640x128xf32, #tpu.memory_space<hbm>> -> memref<640x128xf32, #tpu.memory_space<hbm>>
      %dma_wait3A_168 = arith.constant 0 : i32
      %dma_wait3A_169 = tpu.memref_slice %arg14[%mul3A_0, %dma_wait3A_168] : memref<10240x128xf32, #tpu.memory_space<vmem_shared>> -> memref<640x128xf32, #tpu.memory_space<vmem_shared>>
      tpu.wait_dma2 semaphore(%run_scoped3A : memref<!tpu.dma_semaphore, #tpu.memory_space<semaphore_mem>>) src(%dma_wait3A_169 : memref<640x128xf32, #tpu.memory_space<vmem_shared>>) dst(%dma_wait3A_167 : memref<640x128xf32, #tpu.memory_space<hbm>>)
      tpu.yield
    }) : () -> ()
    %barrier3A_43 = arith.constant 0 : index
    tpu.barrier barrier_id(%barrier3A_43)
    %mul3A_44 = arith.constant 4 : i32
    %mul3A_45 = arith.muli %arg0, %mul3A_44 : i32
    %add3A_46 = arith.constant 1 : i32
    %add3A_47 = arith.addi %mul3A_45, %add3A_46 : i32
    %mul3A_48 = arith.constant 40960 : i32
    %mul3A_49 = arith.muli %add3A_47, %mul3A_48 : i32
    %mul3A_50 = arith.constant 2560 : i32
    %mul3A_51 = arith.muli %arg1, %mul3A_50 : i32
    %add3A_52 = arith.addi %mul3A_49, %mul3A_51 : i32
    %scan3A_53 = arith.constant 0 : i32
    %scan3A_54 = arith.constant 0 : i32
    %scan3A_55 = arith.constant 40 : i32
    %scan3A_56 = arith.addi %scan3A_54, %scan3A_55 : i32
    %scan3A_57 = arith.constant 1 : i32
    %scan3A_58 = scf.for %scan3A_161 = %scan3A_54 to %scan3A_56 step %scan3A_57 iter_args(%scan3A_162 = %scan3A_53) -> (i32)  : i32 {
      %mul3A_163 = arith.constant 16 : i32
      %mul3A_164 = arith.muli %scan3A_161, %mul3A_163 : i32
      %add3A_165 = arith.addi %mul3A_0, %mul3A_164 : i32
      "tpu.region"() ({
        %run_scoped3A = tpu.sem_alloc : memref<!tpu.dma_semaphore, #tpu.memory_space<semaphore_mem>>
        %dma_start3A_167 = arith.constant 0 : i32
        %dma_start3A_168 = tpu.memref_slice %arg14[%add3A_165, %dma_start3A_167] : memref<10240x128xf32, #tpu.memory_space<vmem_shared>> -> memref<16x128xf32, #tpu.memory_space<vmem_shared>>
        %dma_start3A_169 = arith.constant 0 : i32
        %dma_start3A_170 = tpu.memref_slice %arg14[%add3A_165, %dma_start3A_169] : memref<10240x128xf32, #tpu.memory_space<vmem_shared>> -> memref<16x128xf32, #tpu.memory_space<vmem_shared>>
        tpu.enqueue_dma source(%arg7 : memref<16x128xf32, #tpu.memory_space<vmem>>) target(%dma_start3A_170 : memref<16x128xf32, #tpu.memory_space<vmem_shared>>) target_semaphore(%run_scoped3A : memref<!tpu.dma_semaphore, #tpu.memory_space<semaphore_mem>>)
        %dma_wait3A = arith.constant 0 : i32
        %dma_wait3A_171 = tpu.memref_slice %arg14[%add3A_165, %dma_wait3A] : memref<10240x128xf32, #tpu.memory_space<vmem_shared>> -> memref<16x128xf32, #tpu.memory_space<vmem_shared>>
        %dma_wait3A_172 = arith.constant 0 : i32
        %dma_wait3A_173 = tpu.memref_slice %arg14[%add3A_165, %dma_wait3A_172] : memref<10240x128xf32, #tpu.memory_space<vmem_shared>> -> memref<16x128xf32, #tpu.memory_space<vmem_shared>>
        tpu.wait_dma2 semaphore(%run_scoped3A : memref<!tpu.dma_semaphore, #tpu.memory_space<semaphore_mem>>) src(%arg7 : memref<16x128xf32, #tpu.memory_space<vmem>>) dst(%dma_wait3A_173 : memref<16x128xf32, #tpu.memory_space<vmem_shared>>)
        tpu.yield
      }) : () -> ()
      %scan3A_166 = arith.constant 0 : i32
      scf.yield %scan3A_166 : i32
    }
    %scan3A_59 = arith.constant 40 : i32
    "tpu.region"() ({
      %run_scoped3A = tpu.sem_alloc : memref<!tpu.dma_semaphore, #tpu.memory_space<semaphore_mem>>
      %dma_start3A_161 = arith.constant 0 : i32
      %dma_start3A_162 = arith.constant 0 : i32
      %dma_start3A_163 = tpu.memref_slice %arg2[%add3A_47, %arg1, %dma_start3A_161, %dma_start3A_162] : memref<8x16x20x128xi32, #tpu.memory_space<hbm>> -> memref<1x1x20x128xi32, #tpu.memory_space<hbm>>
      %dma_start3A_164 = tpu.memref_squeeze %dma_start3A_163 : memref<1x1x20x128xi32, #tpu.memory_space<hbm>> -> memref<20x128xi32, #tpu.memory_space<hbm>>
      %dma_start3A_165 = arith.constant 0 : i32
      %dma_start3A_166 = arith.constant 0 : i32
      %dma_start3A_167 = tpu.memref_slice %arg2[%add3A_47, %arg1, %dma_start3A_165, %dma_start3A_166] : memref<8x16x20x128xi32, #tpu.memory_space<hbm>> -> memref<1x1x20x128xi32, #tpu.memory_space<hbm>>
      %dma_start3A_168 = tpu.memref_squeeze %dma_start3A_167 : memref<1x1x20x128xi32, #tpu.memory_space<hbm>> -> memref<20x128xi32, #tpu.memory_space<hbm>>
      tpu.enqueue_dma source(%dma_start3A_168 : memref<20x128xi32, #tpu.memory_space<hbm>>) target(%arg8 : memref<20x128xi32, #tpu.memory_space<vmem>>) target_semaphore(%run_scoped3A : memref<!tpu.dma_semaphore, #tpu.memory_space<semaphore_mem>>)
      %dma_wait3A = arith.constant 0 : i32
      %dma_wait3A_169 = arith.constant 0 : i32
      %dma_wait3A_170 = tpu.memref_slice %arg2[%add3A_47, %arg1, %dma_wait3A, %dma_wait3A_169] : memref<8x16x20x128xi32, #tpu.memory_space<hbm>> -> memref<1x1x20x128xi32, #tpu.memory_space<hbm>>
      %dma_wait3A_171 = tpu.memref_squeeze %dma_wait3A_170 : memref<1x1x20x128xi32, #tpu.memory_space<hbm>> -> memref<20x128xi32, #tpu.memory_space<hbm>>
      %dma_wait3A_172 = arith.constant 0 : i32
      %dma_wait3A_173 = arith.constant 0 : i32
      %dma_wait3A_174 = tpu.memref_slice %arg2[%add3A_47, %arg1, %dma_wait3A_172, %dma_wait3A_173] : memref<8x16x20x128xi32, #tpu.memory_space<hbm>> -> memref<1x1x20x128xi32, #tpu.memory_space<hbm>>
      %dma_wait3A_175 = tpu.memref_squeeze %dma_wait3A_174 : memref<1x1x20x128xi32, #tpu.memory_space<hbm>> -> memref<20x128xi32, #tpu.memory_space<hbm>>
      tpu.wait_dma2 semaphore(%run_scoped3A : memref<!tpu.dma_semaphore, #tpu.memory_space<semaphore_mem>>) src(%dma_wait3A_175 : memref<20x128xi32, #tpu.memory_space<hbm>>) dst(%arg8 : memref<20x128xi32, #tpu.memory_space<vmem>>)
      tpu.yield
    }) : () -> ()
    "tpu.region"() ({
      %run_scoped3A = tpu.sem_alloc : memref<!tpu.dma_semaphore, #tpu.memory_space<semaphore_mem>>
      %dma_start3A_161 = arith.constant 0 : i32
      %dma_start3A_162 = arith.constant 0 : i32
      %dma_start3A_163 = tpu.memref_slice %arg3[%add3A_47, %arg1, %dma_start3A_161, %dma_start3A_162] : memref<8x16x20x128xi32, #tpu.memory_space<hbm>> -> memref<1x1x20x128xi32, #tpu.memory_space<hbm>>
      %dma_start3A_164 = tpu.memref_squeeze %dma_start3A_163 : memref<1x1x20x128xi32, #tpu.memory_space<hbm>> -> memref<20x128xi32, #tpu.memory_space<hbm>>
      %dma_start3A_165 = arith.constant 0 : i32
      %dma_start3A_166 = arith.constant 0 : i32
      %dma_start3A_167 = tpu.memref_slice %arg3[%add3A_47, %arg1, %dma_start3A_165, %dma_start3A_166] : memref<8x16x20x128xi32, #tpu.memory_space<hbm>> -> memref<1x1x20x128xi32, #tpu.memory_space<hbm>>
      %dma_start3A_168 = tpu.memref_squeeze %dma_start3A_167 : memref<1x1x20x128xi32, #tpu.memory_space<hbm>> -> memref<20x128xi32, #tpu.memory_space<hbm>>
      tpu.enqueue_dma source(%dma_start3A_168 : memref<20x128xi32, #tpu.memory_space<hbm>>) target(%arg9 : memref<20x128xi32, #tpu.memory_space<vmem>>) target_semaphore(%run_scoped3A : memref<!tpu.dma_semaphore, #tpu.memory_space<semaphore_mem>>)
      %dma_wait3A = arith.constant 0 : i32
      %dma_wait3A_169 = arith.constant 0 : i32
      %dma_wait3A_170 = tpu.memref_slice %arg3[%add3A_47, %arg1, %dma_wait3A, %dma_wait3A_169] : memref<8x16x20x128xi32, #tpu.memory_space<hbm>> -> memref<1x1x20x128xi32, #tpu.memory_space<hbm>>
      %dma_wait3A_171 = tpu.memref_squeeze %dma_wait3A_170 : memref<1x1x20x128xi32, #tpu.memory_space<hbm>> -> memref<20x128xi32, #tpu.memory_space<hbm>>
      %dma_wait3A_172 = arith.constant 0 : i32
      %dma_wait3A_173 = arith.constant 0 : i32
      %dma_wait3A_174 = tpu.memref_slice %arg3[%add3A_47, %arg1, %dma_wait3A_172, %dma_wait3A_173] : memref<8x16x20x128xi32, #tpu.memory_space<hbm>> -> memref<1x1x20x128xi32, #tpu.memory_space<hbm>>
      %dma_wait3A_175 = tpu.memref_squeeze %dma_wait3A_174 : memref<1x1x20x128xi32, #tpu.memory_space<hbm>> -> memref<20x128xi32, #tpu.memory_space<hbm>>
      tpu.wait_dma2 semaphore(%run_scoped3A : memref<!tpu.dma_semaphore, #tpu.memory_space<semaphore_mem>>) src(%dma_wait3A_175 : memref<20x128xi32, #tpu.memory_space<hbm>>) dst(%arg9 : memref<20x128xi32, #tpu.memory_space<vmem>>)
      tpu.yield
    }) : () -> ()
    %barrier3A_60 = arith.constant 0 : index
    tpu.barrier barrier_id(%barrier3A_60)
    %dma_start3A_61 = arith.constant 0 : i32
    %dma_start3A_62 = arith.constant 0 : i32
    %dma_start3A_63 = tpu.memref_slice %arg8[%dma_start3A_61, %dma_start3A_62] : memref<20x128xi32, #tpu.memory_space<vmem>> -> memref<1x128xi32, #tpu.memory_space<vmem>>
    %dma_start3A_64 = tpu.memref_squeeze %dma_start3A_63 : memref<1x128xi32, #tpu.memory_space<vmem>> -> memref<128xi32, #tpu.memory_space<vmem>>
    %dma_start3A_65 = arith.constant 0 : i32
    %dma_start3A_66 = arith.constant 0 : i32
    %dma_start3A_67 = tpu.memref_slice %arg5[%dma_start3A_65, %dma_start3A_66] : memref<10000x128xf32, #tpu.memory_space<hbm>> -> memref<10000x128xf32, #tpu.memory_space<hbm>>
    tpu.enqueue_indirect_dma source(%dma_start3A_67 : memref<10000x128xf32, #tpu.memory_space<hbm>>) target(%arg10 : memref<128x128xf32, #tpu.memory_space<vmem>>) offsets(%dma_start3A_64 : memref<128xi32, #tpu.memory_space<vmem>>) semaphore(%arg15 : memref<!tpu.dma_semaphore, #tpu.memory_space<semaphore_mem>>)
    %dma_start3A_68 = arith.constant 0 : i32
    %dma_start3A_69 = tpu.memref_slice %arg12[%dma_start3A_68] : memref<144xf32, #tpu.memory_space<vmem>> -> memref<128xf32, #tpu.memory_space<vmem>>
    %dma_start3A_70 = tpu.memref_slice %arg4[%add3A_52] : memref<327680xf32, #tpu.memory_space<hbm>> -> memref<128xf32, #tpu.memory_space<hbm>>
    %dma_start3A_71 = arith.constant 0 : i32
    %dma_start3A_72 = tpu.memref_slice %arg12[%dma_start3A_71] : memref<144xf32, #tpu.memory_space<vmem>> -> memref<128xf32, #tpu.memory_space<vmem>>
    %dma_start3A_73 = tpu.memref_slice %arg4[%add3A_52] : memref<327680xf32, #tpu.memory_space<hbm>> -> memref<128xf32, #tpu.memory_space<hbm>>
    tpu.enqueue_dma source(%dma_start3A_73 : memref<128xf32, #tpu.memory_space<hbm>>) target(%dma_start3A_72 : memref<128xf32, #tpu.memory_space<vmem>>) target_semaphore(%arg17 : memref<!tpu.dma_semaphore, #tpu.memory_space<semaphore_mem>>)
    %scan3A_74 = arith.constant 0 : i32
    %scan3A_75 = arith.constant 0 : i32
    %scan3A_76 = arith.constant 10 : i32
    %scan3A_77 = arith.addi %scan3A_75, %scan3A_76 : i32
    %scan3A_78 = arith.constant 1 : i32
    %scan3A_79 = scf.for %scan3A_161 = %scan3A_75 to %scan3A_77 step %scan3A_78 iter_args(%scan3A_162 = %scan3A_74) -> (i32)  : i32 {
      %mul3A_163 = arith.constant 2 : i32
      %mul3A_164 = arith.muli %mul3A_163, %scan3A_161 : i32
      %add3A_165 = arith.constant 0 : i32
      %add3A_166 = arith.addi %mul3A_164, %add3A_165 : i32
      %add3A_167 = arith.constant 1 : i32
      %add3A_168 = arith.addi %add3A_166, %add3A_167 : i32
      %lt3A = arith.constant 20 : i32
      %lt3A_169 = arith.cmpi slt, %add3A_168, %lt3A : i32
      %convert_element_type3A = arith.extui %lt3A_169 : i1 to i32
      %cond3A = arith.constant 0 : i32
      %cond3A_170 = arith.cmpi ne, %convert_element_type3A, %cond3A : i32
      scf.if %cond3A_170 {
        %dma_start3A_217 = arith.constant 0 : i32
        %dma_start3A_218 = tpu.memref_slice %arg8[%add3A_168, %dma_start3A_217] : memref<20x128xi32, #tpu.memory_space<vmem>> -> memref<1x128xi32, #tpu.memory_space<vmem>>
        %dma_start3A_219 = tpu.memref_squeeze %dma_start3A_218 : memref<1x128xi32, #tpu.memory_space<vmem>> -> memref<128xi32, #tpu.memory_space<vmem>>
        %dma_start3A_220 = arith.constant 0 : i32
        %dma_start3A_221 = arith.constant 0 : i32
        %dma_start3A_222 = tpu.memref_slice %arg5[%dma_start3A_220, %dma_start3A_221] : memref<10000x128xf32, #tpu.memory_space<hbm>> -> memref<10000x128xf32, #tpu.memory_space<hbm>>
        tpu.enqueue_indirect_dma source(%dma_start3A_222 : memref<10000x128xf32, #tpu.memory_space<hbm>>) target(%arg11 : memref<128x128xf32, #tpu.memory_space<vmem>>) offsets(%dma_start3A_219 : memref<128xi32, #tpu.memory_space<vmem>>) semaphore(%arg16 : memref<!tpu.dma_semaphore, #tpu.memory_space<semaphore_mem>>)
        %mul3A_223 = arith.constant 128 : i32
        %mul3A_224 = arith.muli %add3A_168, %mul3A_223 : i32
        %add3A_225 = arith.addi %add3A_52, %mul3A_224 : i32
        %dma_start3A_226 = arith.constant 0 : i32
        %dma_start3A_227 = tpu.memref_slice %arg13[%dma_start3A_226] : memref<144xf32, #tpu.memory_space<vmem>> -> memref<128xf32, #tpu.memory_space<vmem>>
        %dma_start3A_228 = tpu.memref_slice %arg4[%add3A_225] : memref<327680xf32, #tpu.memory_space<hbm>> -> memref<128xf32, #tpu.memory_space<hbm>>
        %dma_start3A_229 = arith.constant 0 : i32
        %dma_start3A_230 = tpu.memref_slice %arg13[%dma_start3A_229] : memref<144xf32, #tpu.memory_space<vmem>> -> memref<128xf32, #tpu.memory_space<vmem>>
        %dma_start3A_231 = tpu.memref_slice %arg4[%add3A_225] : memref<327680xf32, #tpu.memory_space<hbm>> -> memref<128xf32, #tpu.memory_space<hbm>>
        tpu.enqueue_dma source(%dma_start3A_231 : memref<128xf32, #tpu.memory_space<hbm>>) target(%dma_start3A_230 : memref<128xf32, #tpu.memory_space<vmem>>) target_semaphore(%arg18 : memref<!tpu.dma_semaphore, #tpu.memory_space<semaphore_mem>>)
      } else {
      }
      %dma_wait3A = arith.constant 0 : i32
      %dma_wait3A_171 = tpu.memref_slice %arg8[%add3A_166, %dma_wait3A] : memref<20x128xi32, #tpu.memory_space<vmem>> -> memref<1x128xi32, #tpu.memory_space<vmem>>
      %dma_wait3A_172 = tpu.memref_squeeze %dma_wait3A_171 : memref<1x128xi32, #tpu.memory_space<vmem>> -> memref<128xi32, #tpu.memory_space<vmem>>
      %dma_wait3A_173 = arith.constant 0 : i32
      %dma_wait3A_174 = arith.constant 0 : i32
      %dma_wait3A_175 = tpu.memref_slice %arg5[%dma_wait3A_173, %dma_wait3A_174] : memref<10000x128xf32, #tpu.memory_space<hbm>> -> memref<10000x128xf32, #tpu.memory_space<hbm>>
      tpu.wait_indirect_dma semaphore(%arg15 : memref<!tpu.dma_semaphore, #tpu.memory_space<semaphore_mem>>) src(%dma_wait3A_175 : memref<10000x128xf32, #tpu.memory_space<hbm>>) dst(%arg10 : memref<128x128xf32, #tpu.memory_space<vmem>>)
      %mul3A_176 = arith.constant 128 : i32
      %mul3A_177 = arith.muli %add3A_166, %mul3A_176 : i32
      %add3A_178 = arith.addi %add3A_52, %mul3A_177 : i32
      %dma_wait3A_179 = arith.constant 0 : i32
      %dma_wait3A_180 = tpu.memref_slice %arg12[%dma_wait3A_179] : memref<144xf32, #tpu.memory_space<vmem>> -> memref<128xf32, #tpu.memory_space<vmem>>
      %dma_wait3A_181 = tpu.memref_slice %arg4[%add3A_178] : memref<327680xf32, #tpu.memory_space<hbm>> -> memref<128xf32, #tpu.memory_space<hbm>>
      %dma_wait3A_182 = arith.constant 0 : i32
      %dma_wait3A_183 = tpu.memref_slice %arg12[%dma_wait3A_182] : memref<144xf32, #tpu.memory_space<vmem>> -> memref<128xf32, #tpu.memory_space<vmem>>
      %dma_wait3A_184 = tpu.memref_slice %arg4[%add3A_178] : memref<327680xf32, #tpu.memory_space<hbm>> -> memref<128xf32, #tpu.memory_space<hbm>>
      tpu.wait_dma2 semaphore(%arg17 : memref<!tpu.dma_semaphore, #tpu.memory_space<semaphore_mem>>) src(%dma_wait3A_184 : memref<128xf32, #tpu.memory_space<hbm>>) dst(%dma_wait3A_183 : memref<128xf32, #tpu.memory_space<vmem>>)
      %parallel_loop3A = arith.constant 0 : i32
      %parallel_loop3A_185 = arith.constant 128 : i32
      %parallel_loop3A_186 = arith.constant 1 : i32
      scf.for %parallel_loop3A_217 = %parallel_loop3A to %parallel_loop3A_185 step %parallel_loop3A_186  : i32 {
        %parallel_loop3A_218 = arith.index_cast %parallel_loop3A_217 : i32 to index
        %parallel_loop3A_219 = tpu.vector_load %arg12[%parallel_loop3A_218] {strides = array<i32>} : memref<144xf32, #tpu.memory_space<vmem>>, vector<16xf32>,
        %parallel_loop3A_220 = vector.shape_cast %parallel_loop3A_219 : vector<16xf32> to vector<16xf32>
        %parallel_loop3A_221 = vector.extract_strided_slice %parallel_loop3A_220 {offsets = [0], sizes = [1], strides = [1]} : vector<16xf32> to vector<1xf32>
        %parallel_loop3A_222 = vector.extract %parallel_loop3A_221[0] : f32 from vector<1xf32>
        %parallel_loop3A_223 = arith.index_cast %parallel_loop3A_217 : i32 to index
        %parallel_loop3A_224 = arith.constant 0 : index
        %parallel_loop3A_225 = tpu.vector_load %arg10[%parallel_loop3A_223, %parallel_loop3A_224] {strides = array<i32>} : memref<128x128xf32, #tpu.memory_space<vmem>>, vector<1x16xf32>,
        %parallel_loop3A_226 = vector.shape_cast %parallel_loop3A_225 : vector<1x16xf32> to vector<16xf32>
        %parallel_loop3A_227 = vector.broadcast %parallel_loop3A_222 : f32 to vector<16xf32>
        %parallel_loop3A_228 = arith.mulf %parallel_loop3A_226, %parallel_loop3A_227 : vector<16xf32>
        %parallel_loop3A_229 = arith.index_cast %parallel_loop3A_217 : i32 to index
        %parallel_loop3A_230 = arith.constant 0 : index
        %parallel_loop3A_231 = tpu.vector_load %arg10[%parallel_loop3A_229, %parallel_loop3A_230] {strides = array<i32>} : memref<128x128xf32, #tpu.memory_space<vmem>>, vector<1x16xf32>,
        %parallel_loop3A_232 = vector.shape_cast %parallel_loop3A_231 : vector<1x16xf32> to vector<16xf32>
        %parallel_loop3A_233 = vector.shape_cast %parallel_loop3A_228 : vector<16xf32> to vector<1x16xf32>
        tpu.vector_store %arg10[%parallel_loop3A_229, %parallel_loop3A_230], %parallel_loop3A_233 {strides = array<i32>} : memref<128x128xf32, #tpu.memory_space<vmem>>, vector<1x16xf32>,
        %parallel_loop3A_234 = arith.index_cast %parallel_loop3A_217 : i32 to index
        %parallel_loop3A_235 = arith.constant 16 : index
        %parallel_loop3A_236 = tpu.vector_load %arg10[%parallel_loop3A_234, %parallel_loop3A_235] {strides = array<i32>} : memref<128x128xf32, #tpu.memory_space<vmem>>, vector<1x16xf32>,
        %parallel_loop3A_237 = vector.shape_cast %parallel_loop3A_236 : vector<1x16xf32> to vector<16xf32>
        %parallel_loop3A_238 = vector.broadcast %parallel_loop3A_222 : f32 to vector<16xf32>
        %parallel_loop3A_239 = arith.mulf %parallel_loop3A_237, %parallel_loop3A_238 : vector<16xf32>
        %parallel_loop3A_240 = arith.index_cast %parallel_loop3A_217 : i32 to index
        %parallel_loop3A_241 = arith.constant 16 : index
        %parallel_loop3A_242 = tpu.vector_load %arg10[%parallel_loop3A_240, %parallel_loop3A_241] {strides = array<i32>} : memref<128x128xf32, #tpu.memory_space<vmem>>, vector<1x16xf32>,
        %parallel_loop3A_243 = vector.shape_cast %parallel_loop3A_242 : vector<1x16xf32> to vector<16xf32>
        %parallel_loop3A_244 = vector.shape_cast %parallel_loop3A_239 : vector<16xf32> to vector<1x16xf32>
        tpu.vector_store %arg10[%parallel_loop3A_240, %parallel_loop3A_241], %parallel_loop3A_244 {strides = array<i32>} : memref<128x128xf32, #tpu.memory_space<vmem>>, vector<1x16xf32>,
        %parallel_loop3A_245 = arith.index_cast %parallel_loop3A_217 : i32 to index
        %parallel_loop3A_246 = arith.constant 32 : index
        %parallel_loop3A_247 = tpu.vector_load %arg10[%parallel_loop3A_245, %parallel_loop3A_246] {strides = array<i32>} : memref<128x128xf32, #tpu.memory_space<vmem>>, vector<1x16xf32>,
        %parallel_loop3A_248 = vector.shape_cast %parallel_loop3A_247 : vector<1x16xf32> to vector<16xf32>
        %parallel_loop3A_249 = vector.broadcast %parallel_loop3A_222 : f32 to vector<16xf32>
        %parallel_loop3A_250 = arith.mulf %parallel_loop3A_248, %parallel_loop3A_249 : vector<16xf32>
        %parallel_loop3A_251 = arith.index_cast %parallel_loop3A_217 : i32 to index
        %parallel_loop3A_252 = arith.constant 32 : index
        %parallel_loop3A_253 = tpu.vector_load %arg10[%parallel_loop3A_251, %parallel_loop3A_252] {strides = array<i32>} : memref<128x128xf32, #tpu.memory_space<vmem>>, vector<1x16xf32>,
        %parallel_loop3A_254 = vector.shape_cast %parallel_loop3A_253 : vector<1x16xf32> to vector<16xf32>
        %parallel_loop3A_255 = vector.shape_cast %parallel_loop3A_250 : vector<16xf32> to vector<1x16xf32>
        tpu.vector_store %arg10[%parallel_loop3A_251, %parallel_loop3A_252], %parallel_loop3A_255 {strides = array<i32>} : memref<128x128xf32, #tpu.memory_space<vmem>>, vector<1x16xf32>,
        %parallel_loop3A_256 = arith.index_cast %parallel_loop3A_217 : i32 to index
        %parallel_loop3A_257 = arith.constant 48 : index
        %parallel_loop3A_258 = tpu.vector_load %arg10[%parallel_loop3A_256, %parallel_loop3A_257] {strides = array<i32>} : memref<128x128xf32, #tpu.memory_space<vmem>>, vector<1x16xf32>,
        %parallel_loop3A_259 = vector.shape_cast %parallel_loop3A_258 : vector<1x16xf32> to vector<16xf32>
        %parallel_loop3A_260 = vector.broadcast %parallel_loop3A_222 : f32 to vector<16xf32>
        %parallel_loop3A_261 = arith.mulf %parallel_loop3A_259, %parallel_loop3A_260 : vector<16xf32>
        %parallel_loop3A_262 = arith.index_cast %parallel_loop3A_217 : i32 to index
        %parallel_loop3A_263 = arith.constant 48 : index
        %parallel_loop3A_264 = tpu.vector_load %arg10[%parallel_loop3A_262, %parallel_loop3A_263] {strides = array<i32>} : memref<128x128xf32, #tpu.memory_space<vmem>>, vector<1x16xf32>,
        %parallel_loop3A_265 = vector.shape_cast %parallel_loop3A_264 : vector<1x16xf32> to vector<16xf32>
        %parallel_loop3A_266 = vector.shape_cast %parallel_loop3A_261 : vector<16xf32> to vector<1x16xf32>
        tpu.vector_store %arg10[%parallel_loop3A_262, %parallel_loop3A_263], %parallel_loop3A_266 {strides = array<i32>} : memref<128x128xf32, #tpu.memory_space<vmem>>, vector<1x16xf32>,
        %parallel_loop3A_267 = arith.index_cast %parallel_loop3A_217 : i32 to index
        %parallel_loop3A_268 = arith.constant 64 : index
        %parallel_loop3A_269 = tpu.vector_load %arg10[%parallel_loop3A_267, %parallel_loop3A_268] {strides = array<i32>} : memref<128x128xf32, #tpu.memory_space<vmem>>, vector<1x16xf32>,
        %parallel_loop3A_270 = vector.shape_cast %parallel_loop3A_269 : vector<1x16xf32> to vector<16xf32>
        %parallel_loop3A_271 = vector.broadcast %parallel_loop3A_222 : f32 to vector<16xf32>
        %parallel_loop3A_272 = arith.mulf %parallel_loop3A_270, %parallel_loop3A_271 : vector<16xf32>
        %parallel_loop3A_273 = arith.index_cast %parallel_loop3A_217 : i32 to index
        %parallel_loop3A_274 = arith.constant 64 : index
        %parallel_loop3A_275 = tpu.vector_load %arg10[%parallel_loop3A_273, %parallel_loop3A_274] {strides = array<i32>} : memref<128x128xf32, #tpu.memory_space<vmem>>, vector<1x16xf32>,
        %parallel_loop3A_276 = vector.shape_cast %parallel_loop3A_275 : vector<1x16xf32> to vector<16xf32>
        %parallel_loop3A_277 = vector.shape_cast %parallel_loop3A_272 : vector<16xf32> to vector<1x16xf32>
        tpu.vector_store %arg10[%parallel_loop3A_273, %parallel_loop3A_274], %parallel_loop3A_277 {strides = array<i32>} : memref<128x128xf32, #tpu.memory_space<vmem>>, vector<1x16xf32>,
        %parallel_loop3A_278 = arith.index_cast %parallel_loop3A_217 : i32 to index
        %parallel_loop3A_279 = arith.constant 80 : index
        %parallel_loop3A_280 = tpu.vector_load %arg10[%parallel_loop3A_278, %parallel_loop3A_279] {strides = array<i32>} : memref<128x128xf32, #tpu.memory_space<vmem>>, vector<1x16xf32>,
        %parallel_loop3A_281 = vector.shape_cast %parallel_loop3A_280 : vector<1x16xf32> to vector<16xf32>
        %parallel_loop3A_282 = vector.broadcast %parallel_loop3A_222 : f32 to vector<16xf32>
        %parallel_loop3A_283 = arith.mulf %parallel_loop3A_281, %parallel_loop3A_282 : vector<16xf32>
        %parallel_loop3A_284 = arith.index_cast %parallel_loop3A_217 : i32 to index
        %parallel_loop3A_285 = arith.constant 80 : index
        %parallel_loop3A_286 = tpu.vector_load %arg10[%parallel_loop3A_284, %parallel_loop3A_285] {strides = array<i32>} : memref<128x128xf32, #tpu.memory_space<vmem>>, vector<1x16xf32>,
        %parallel_loop3A_287 = vector.shape_cast %parallel_loop3A_286 : vector<1x16xf32> to vector<16xf32>
        %parallel_loop3A_288 = vector.shape_cast %parallel_loop3A_283 : vector<16xf32> to vector<1x16xf32>
        tpu.vector_store %arg10[%parallel_loop3A_284, %parallel_loop3A_285], %parallel_loop3A_288 {strides = array<i32>} : memref<128x128xf32, #tpu.memory_space<vmem>>, vector<1x16xf32>,
        %parallel_loop3A_289 = arith.index_cast %parallel_loop3A_217 : i32 to index
        %parallel_loop3A_290 = arith.constant 96 : index
        %parallel_loop3A_291 = tpu.vector_load %arg10[%parallel_loop3A_289, %parallel_loop3A_290] {strides = array<i32>} : memref<128x128xf32, #tpu.memory_space<vmem>>, vector<1x16xf32>,
        %parallel_loop3A_292 = vector.shape_cast %parallel_loop3A_291 : vector<1x16xf32> to vector<16xf32>
        %parallel_loop3A_293 = vector.broadcast %parallel_loop3A_222 : f32 to vector<16xf32>
        %parallel_loop3A_294 = arith.mulf %parallel_loop3A_292, %parallel_loop3A_293 : vector<16xf32>
        %parallel_loop3A_295 = arith.index_cast %parallel_loop3A_217 : i32 to index
        %parallel_loop3A_296 = arith.constant 96 : index
        %parallel_loop3A_297 = tpu.vector_load %arg10[%parallel_loop3A_295, %parallel_loop3A_296] {strides = array<i32>} : memref<128x128xf32, #tpu.memory_space<vmem>>, vector<1x16xf32>,
        %parallel_loop3A_298 = vector.shape_cast %parallel_loop3A_297 : vector<1x16xf32> to vector<16xf32>
        %parallel_loop3A_299 = vector.shape_cast %parallel_loop3A_294 : vector<16xf32> to vector<1x16xf32>
        tpu.vector_store %arg10[%parallel_loop3A_295, %parallel_loop3A_296], %parallel_loop3A_299 {strides = array<i32>} : memref<128x128xf32, #tpu.memory_space<vmem>>, vector<1x16xf32>,
        %parallel_loop3A_300 = arith.index_cast %parallel_loop3A_217 : i32 to index
        %parallel_loop3A_301 = arith.constant 112 : index
        %parallel_loop3A_302 = tpu.vector_load %arg10[%parallel_loop3A_300, %parallel_loop3A_301] {strides = array<i32>} : memref<128x128xf32, #tpu.memory_space<vmem>>, vector<1x16xf32>,
        %parallel_loop3A_303 = vector.shape_cast %parallel_loop3A_302 : vector<1x16xf32> to vector<16xf32>
        %parallel_loop3A_304 = vector.broadcast %parallel_loop3A_222 : f32 to vector<16xf32>
        %parallel_loop3A_305 = arith.mulf %parallel_loop3A_303, %parallel_loop3A_304 : vector<16xf32>
        %parallel_loop3A_306 = arith.index_cast %parallel_loop3A_217 : i32 to index
        %parallel_loop3A_307 = arith.constant 112 : index
        %parallel_loop3A_308 = tpu.vector_load %arg10[%parallel_loop3A_306, %parallel_loop3A_307] {strides = array<i32>} : memref<128x128xf32, #tpu.memory_space<vmem>>, vector<1x16xf32>,
        %parallel_loop3A_309 = vector.shape_cast %parallel_loop3A_308 : vector<1x16xf32> to vector<16xf32>
        %parallel_loop3A_310 = vector.shape_cast %parallel_loop3A_305 : vector<16xf32> to vector<1x16xf32>
        tpu.vector_store %arg10[%parallel_loop3A_306, %parallel_loop3A_307], %parallel_loop3A_310 {strides = array<i32>} : memref<128x128xf32, #tpu.memory_space<vmem>>, vector<1x16xf32>,
      } {sc.loop_unroll_factor = 4 : i64, sc.parallel_access}
      "tpu.region"() ({
        %run_scoped3A = tpu.sem_alloc : memref<!tpu.dma_semaphore, #tpu.memory_space<semaphore_mem>>
        %dma_start3A_217 = arith.constant 0 : i32
        %dma_start3A_218 = tpu.memref_slice %arg9[%add3A_166, %dma_start3A_217] : memref<20x128xi32, #tpu.memory_space<vmem>> -> memref<1x128xi32, #tpu.memory_space<vmem>>
        %dma_start3A_219 = tpu.memref_squeeze %dma_start3A_218 : memref<1x128xi32, #tpu.memory_space<vmem>> -> memref<128xi32, #tpu.memory_space<vmem>>
        %dma_start3A_220 = arith.constant 0 : i32
        %dma_start3A_221 = arith.constant 0 : i32
        %dma_start3A_222 = tpu.memref_slice %arg14[%dma_start3A_220, %dma_start3A_221] : memref<10240x128xf32, #tpu.memory_space<vmem_shared>> -> memref<10240x128xf32, #tpu.memory_space<vmem_shared>>
        tpu.enqueue_indirect_dma source(%arg10 : memref<128x128xf32, #tpu.memory_space<vmem>>) target(%dma_start3A_222 : memref<10240x128xf32, #tpu.memory_space<vmem_shared>>) offsets(%dma_start3A_219 : memref<128xi32, #tpu.memory_space<vmem>>) semaphore(%run_scoped3A : memref<!tpu.dma_semaphore, #tpu.memory_space<semaphore_mem>>) {add = true}
        %dma_wait3A_223 = arith.constant 0 : i32
        %dma_wait3A_224 = tpu.memref_slice %arg9[%add3A_166, %dma_wait3A_223] : memref<20x128xi32, #tpu.memory_space<vmem>> -> memref<1x128xi32, #tpu.memory_space<vmem>>
        %dma_wait3A_225 = tpu.memref_squeeze %dma_wait3A_224 : memref<1x128xi32, #tpu.memory_space<vmem>> -> memref<128xi32, #tpu.memory_space<vmem>>
        %dma_wait3A_226 = arith.constant 0 : i32
        %dma_wait3A_227 = arith.constant 0 : i32
        %dma_wait3A_228 = tpu.memref_slice %arg14[%dma_wait3A_226, %dma_wait3A_227] : memref<10240x128xf32, #tpu.memory_space<vmem_shared>> -> memref<10240x128xf32, #tpu.memory_space<vmem_shared>>
        tpu.wait_indirect_dma semaphore(%run_scoped3A : memref<!tpu.dma_semaphore, #tpu.memory_space<semaphore_mem>>) src(%arg10 : memref<128x128xf32, #tpu.memory_space<vmem>>) dst(%dma_wait3A_228 : memref<10240x128xf32, #tpu.memory_space<vmem_shared>>)
        tpu.yield
      }) : () -> ()
      %mul3A_187 = arith.constant 2 : i32
      %mul3A_188 = arith.muli %mul3A_187, %scan3A_161 : i32
      %add3A_189 = arith.constant 1 : i32
      %add3A_190 = arith.addi %mul3A_188, %add3A_189 : i32
      %add3A_191 = arith.constant 1 : i32
      %add3A_192 = arith.addi %add3A_190, %add3A_191 : i32
      %lt3A_193 = arith.constant 20 : i32
      %lt3A_194 = arith.cmpi slt, %add3A_192, %lt3A_193 : i32
      %convert_element_type3A_195 = arith.extui %lt3A_194 : i1 to i32
      %cond3A_196 = arith.constant 0 : i32
      %cond3A_197 = arith.cmpi ne, %convert_element_type3A_195, %cond3A_196 : i32
      scf.if %cond3A_197 {
        %dma_start3A_217 = arith.constant 0 : i32
        %dma_start3A_218 = tpu.memref_slice %arg8[%add3A_192, %dma_start3A_217] : memref<20x128xi32, #tpu.memory_space<vmem>> -> memref<1x128xi32, #tpu.memory_space<vmem>>
        %dma_start3A_219 = tpu.memref_squeeze %dma_start3A_218 : memref<1x128xi32, #tpu.memory_space<vmem>> -> memref<128xi32, #tpu.memory_space<vmem>>
        %dma_start3A_220 = arith.constant 0 : i32
        %dma_start3A_221 = arith.constant 0 : i32
        %dma_start3A_222 = tpu.memref_slice %arg5[%dma_start3A_220, %dma_start3A_221] : memref<10000x128xf32, #tpu.memory_space<hbm>> -> memref<10000x128xf32, #tpu.memory_space<hbm>>
        tpu.enqueue_indirect_dma source(%dma_start3A_222 : memref<10000x128xf32, #tpu.memory_space<hbm>>) target(%arg10 : memref<128x128xf32, #tpu.memory_space<vmem>>) offsets(%dma_start3A_219 : memref<128xi32, #tpu.memory_space<vmem>>) semaphore(%arg15 : memref<!tpu.dma_semaphore, #tpu.memory_space<semaphore_mem>>)
        %mul3A_223 = arith.constant 128 : i32
        %mul3A_224 = arith.muli %add3A_192, %mul3A_223 : i32
        %add3A_225 = arith.addi %add3A_52, %mul3A_224 : i32
        %dma_start3A_226 = arith.constant 0 : i32
        %dma_start3A_227 = tpu.memref_slice %arg12[%dma_start3A_226] : memref<144xf32, #tpu.memory_space<vmem>> -> memref<128xf32, #tpu.memory_space<vmem>>
        %dma_start3A_228 = tpu.memref_slice %arg4[%add3A_225] : memref<327680xf32, #tpu.memory_space<hbm>> -> memref<128xf32, #tpu.memory_space<hbm>>
        %dma_start3A_229 = arith.constant 0 : i32
        %dma_start3A_230 = tpu.memref_slice %arg12[%dma_start3A_229] : memref<144xf32, #tpu.memory_space<vmem>> -> memref<128xf32, #tpu.memory_space<vmem>>
        %dma_start3A_231 = tpu.memref_slice %arg4[%add3A_225] : memref<327680xf32, #tpu.memory_space<hbm>> -> memref<128xf32, #tpu.memory_space<hbm>>
        tpu.enqueue_dma source(%dma_start3A_231 : memref<128xf32, #tpu.memory_space<hbm>>) target(%dma_start3A_230 : memref<128xf32, #tpu.memory_space<vmem>>) target_semaphore(%arg17 : memref<!tpu.dma_semaphore, #tpu.memory_space<semaphore_mem>>)
      } else {
      }
      %dma_wait3A_198 = arith.constant 0 : i32
      %dma_wait3A_199 = tpu.memref_slice %arg8[%add3A_190, %dma_wait3A_198] : memref<20x128xi32, #tpu.memory_space<vmem>> -> memref<1x128xi32, #tpu.memory_space<vmem>>
      %dma_wait3A_200 = tpu.memref_squeeze %dma_wait3A_199 : memref<1x128xi32, #tpu.memory_space<vmem>> -> memref<128xi32, #tpu.memory_space<vmem>>
      %dma_wait3A_201 = arith.constant 0 : i32
      %dma_wait3A_202 = arith.constant 0 : i32
      %dma_wait3A_203 = tpu.memref_slice %arg5[%dma_wait3A_201, %dma_wait3A_202] : memref<10000x128xf32, #tpu.memory_space<hbm>> -> memref<10000x128xf32, #tpu.memory_space<hbm>>
      tpu.wait_indirect_dma semaphore(%arg16 : memref<!tpu.dma_semaphore, #tpu.memory_space<semaphore_mem>>) src(%dma_wait3A_203 : memref<10000x128xf32, #tpu.memory_space<hbm>>) dst(%arg11 : memref<128x128xf32, #tpu.memory_space<vmem>>)
      %mul3A_204 = arith.constant 128 : i32
      %mul3A_205 = arith.muli %add3A_190, %mul3A_204 : i32
      %add3A_206 = arith.addi %add3A_52, %mul3A_205 : i32
      %dma_wait3A_207 = arith.constant 0 : i32
      %dma_wait3A_208 = tpu.memref_slice %arg13[%dma_wait3A_207] : memref<144xf32, #tpu.memory_space<vmem>> -> memref<128xf32, #tpu.memory_space<vmem>>
      %dma_wait3A_209 = tpu.memref_slice %arg4[%add3A_206] : memref<327680xf32, #tpu.memory_space<hbm>> -> memref<128xf32, #tpu.memory_space<hbm>>
      %dma_wait3A_210 = arith.constant 0 : i32
      %dma_wait3A_211 = tpu.memref_slice %arg13[%dma_wait3A_210] : memref<144xf32, #tpu.memory_space<vmem>> -> memref<128xf32, #tpu.memory_space<vmem>>
      %dma_wait3A_212 = tpu.memref_slice %arg4[%add3A_206] : memref<327680xf32, #tpu.memory_space<hbm>> -> memref<128xf32, #tpu.memory_space<hbm>>
      tpu.wait_dma2 semaphore(%arg18 : memref<!tpu.dma_semaphore, #tpu.memory_space<semaphore_mem>>) src(%dma_wait3A_212 : memref<128xf32, #tpu.memory_space<hbm>>) dst(%dma_wait3A_211 : memref<128xf32, #tpu.memory_space<vmem>>)
      %parallel_loop3A_213 = arith.constant 0 : i32
      %parallel_loop3A_214 = arith.constant 128 : i32
      %parallel_loop3A_215 = arith.constant 1 : i32
      scf.for %parallel_loop3A_217 = %parallel_loop3A_213 to %parallel_loop3A_214 step %parallel_loop3A_215  : i32 {
        %parallel_loop3A_218 = arith.index_cast %parallel_loop3A_217 : i32 to index
        %parallel_loop3A_219 = tpu.vector_load %arg13[%parallel_loop3A_218] {strides = array<i32>} : memref<144xf32, #tpu.memory_space<vmem>>, vector<16xf32>,
        %parallel_loop3A_220 = vector.shape_cast %parallel_loop3A_219 : vector<16xf32> to vector<16xf32>
        %parallel_loop3A_221 = vector.extract_strided_slice %parallel_loop3A_220 {offsets = [0], sizes = [1], strides = [1]} : vector<16xf32> to vector<1xf32>
        %parallel_loop3A_222 = vector.extract %parallel_loop3A_221[0] : f32 from vector<1xf32>
        %parallel_loop3A_223 = arith.index_cast %parallel_loop3A_217 : i32 to index
        %parallel_loop3A_224 = arith.constant 0 : index
        %parallel_loop3A_225 = tpu.vector_load %arg11[%parallel_loop3A_223, %parallel_loop3A_224] {strides = array<i32>} : memref<128x128xf32, #tpu.memory_space<vmem>>, vector<1x16xf32>,
        %parallel_loop3A_226 = vector.shape_cast %parallel_loop3A_225 : vector<1x16xf32> to vector<16xf32>
        %parallel_loop3A_227 = vector.broadcast %parallel_loop3A_222 : f32 to vector<16xf32>
        %parallel_loop3A_228 = arith.mulf %parallel_loop3A_226, %parallel_loop3A_227 : vector<16xf32>
        %parallel_loop3A_229 = arith.index_cast %parallel_loop3A_217 : i32 to index
        %parallel_loop3A_230 = arith.constant 0 : index
        %parallel_loop3A_231 = tpu.vector_load %arg11[%parallel_loop3A_229, %parallel_loop3A_230] {strides = array<i32>} : memref<128x128xf32, #tpu.memory_space<vmem>>, vector<1x16xf32>,
        %parallel_loop3A_232 = vector.shape_cast %parallel_loop3A_231 : vector<1x16xf32> to vector<16xf32>
        %parallel_loop3A_233 = vector.shape_cast %parallel_loop3A_228 : vector<16xf32> to vector<1x16xf32>
        tpu.vector_store %arg11[%parallel_loop3A_229, %parallel_loop3A_230], %parallel_loop3A_233 {strides = array<i32>} : memref<128x128xf32, #tpu.memory_space<vmem>>, vector<1x16xf32>,
        %parallel_loop3A_234 = arith.index_cast %parallel_loop3A_217 : i32 to index
        %parallel_loop3A_235 = arith.constant 16 : index
        %parallel_loop3A_236 = tpu.vector_load %arg11[%parallel_loop3A_234, %parallel_loop3A_235] {strides = array<i32>} : memref<128x128xf32, #tpu.memory_space<vmem>>, vector<1x16xf32>,
        %parallel_loop3A_237 = vector.shape_cast %parallel_loop3A_236 : vector<1x16xf32> to vector<16xf32>
        %parallel_loop3A_238 = vector.broadcast %parallel_loop3A_222 : f32 to vector<16xf32>
        %parallel_loop3A_239 = arith.mulf %parallel_loop3A_237, %parallel_loop3A_238 : vector<16xf32>
        %parallel_loop3A_240 = arith.index_cast %parallel_loop3A_217 : i32 to index
        %parallel_loop3A_241 = arith.constant 16 : index
        %parallel_loop3A_242 = tpu.vector_load %arg11[%parallel_loop3A_240, %parallel_loop3A_241] {strides = array<i32>} : memref<128x128xf32, #tpu.memory_space<vmem>>, vector<1x16xf32>,
        %parallel_loop3A_243 = vector.shape_cast %parallel_loop3A_242 : vector<1x16xf32> to vector<16xf32>
        %parallel_loop3A_244 = vector.shape_cast %parallel_loop3A_239 : vector<16xf32> to vector<1x16xf32>
        tpu.vector_store %arg11[%parallel_loop3A_240, %parallel_loop3A_241], %parallel_loop3A_244 {strides = array<i32>} : memref<128x128xf32, #tpu.memory_space<vmem>>, vector<1x16xf32>,
        %parallel_loop3A_245 = arith.index_cast %parallel_loop3A_217 : i32 to index
        %parallel_loop3A_246 = arith.constant 32 : index
        %parallel_loop3A_247 = tpu.vector_load %arg11[%parallel_loop3A_245, %parallel_loop3A_246] {strides = array<i32>} : memref<128x128xf32, #tpu.memory_space<vmem>>, vector<1x16xf32>,
        %parallel_loop3A_248 = vector.shape_cast %parallel_loop3A_247 : vector<1x16xf32> to vector<16xf32>
        %parallel_loop3A_249 = vector.broadcast %parallel_loop3A_222 : f32 to vector<16xf32>
        %parallel_loop3A_250 = arith.mulf %parallel_loop3A_248, %parallel_loop3A_249 : vector<16xf32>
        %parallel_loop3A_251 = arith.index_cast %parallel_loop3A_217 : i32 to index
        %parallel_loop3A_252 = arith.constant 32 : index
        %parallel_loop3A_253 = tpu.vector_load %arg11[%parallel_loop3A_251, %parallel_loop3A_252] {strides = array<i32>} : memref<128x128xf32, #tpu.memory_space<vmem>>, vector<1x16xf32>,
        %parallel_loop3A_254 = vector.shape_cast %parallel_loop3A_253 : vector<1x16xf32> to vector<16xf32>
        %parallel_loop3A_255 = vector.shape_cast %parallel_loop3A_250 : vector<16xf32> to vector<1x16xf32>
        tpu.vector_store %arg11[%parallel_loop3A_251, %parallel_loop3A_252], %parallel_loop3A_255 {strides = array<i32>} : memref<128x128xf32, #tpu.memory_space<vmem>>, vector<1x16xf32>,
        %parallel_loop3A_256 = arith.index_cast %parallel_loop3A_217 : i32 to index
        %parallel_loop3A_257 = arith.constant 48 : index
        %parallel_loop3A_258 = tpu.vector_load %arg11[%parallel_loop3A_256, %parallel_loop3A_257] {strides = array<i32>} : memref<128x128xf32, #tpu.memory_space<vmem>>, vector<1x16xf32>,
        %parallel_loop3A_259 = vector.shape_cast %parallel_loop3A_258 : vector<1x16xf32> to vector<16xf32>
        %parallel_loop3A_260 = vector.broadcast %parallel_loop3A_222 : f32 to vector<16xf32>
        %parallel_loop3A_261 = arith.mulf %parallel_loop3A_259, %parallel_loop3A_260 : vector<16xf32>
        %parallel_loop3A_262 = arith.index_cast %parallel_loop3A_217 : i32 to index
        %parallel_loop3A_263 = arith.constant 48 : index
        %parallel_loop3A_264 = tpu.vector_load %arg11[%parallel_loop3A_262, %parallel_loop3A_263] {strides = array<i32>} : memref<128x128xf32, #tpu.memory_space<vmem>>, vector<1x16xf32>,
        %parallel_loop3A_265 = vector.shape_cast %parallel_loop3A_264 : vector<1x16xf32> to vector<16xf32>
        %parallel_loop3A_266 = vector.shape_cast %parallel_loop3A_261 : vector<16xf32> to vector<1x16xf32>
        tpu.vector_store %arg11[%parallel_loop3A_262, %parallel_loop3A_263], %parallel_loop3A_266 {strides = array<i32>} : memref<128x128xf32, #tpu.memory_space<vmem>>, vector<1x16xf32>,
        %parallel_loop3A_267 = arith.index_cast %parallel_loop3A_217 : i32 to index
        %parallel_loop3A_268 = arith.constant 64 : index
        %parallel_loop3A_269 = tpu.vector_load %arg11[%parallel_loop3A_267, %parallel_loop3A_268] {strides = array<i32>} : memref<128x128xf32, #tpu.memory_space<vmem>>, vector<1x16xf32>,
        %parallel_loop3A_270 = vector.shape_cast %parallel_loop3A_269 : vector<1x16xf32> to vector<16xf32>
        %parallel_loop3A_271 = vector.broadcast %parallel_loop3A_222 : f32 to vector<16xf32>
        %parallel_loop3A_272 = arith.mulf %parallel_loop3A_270, %parallel_loop3A_271 : vector<16xf32>
        %parallel_loop3A_273 = arith.index_cast %parallel_loop3A_217 : i32 to index
        %parallel_loop3A_274 = arith.constant 64 : index
        %parallel_loop3A_275 = tpu.vector_load %arg11[%parallel_loop3A_273, %parallel_loop3A_274] {strides = array<i32>} : memref<128x128xf32, #tpu.memory_space<vmem>>, vector<1x16xf32>,
        %parallel_loop3A_276 = vector.shape_cast %parallel_loop3A_275 : vector<1x16xf32> to vector<16xf32>
        %parallel_loop3A_277 = vector.shape_cast %parallel_loop3A_272 : vector<16xf32> to vector<1x16xf32>
        tpu.vector_store %arg11[%parallel_loop3A_273, %parallel_loop3A_274], %parallel_loop3A_277 {strides = array<i32>} : memref<128x128xf32, #tpu.memory_space<vmem>>, vector<1x16xf32>,
        %parallel_loop3A_278 = arith.index_cast %parallel_loop3A_217 : i32 to index
        %parallel_loop3A_279 = arith.constant 80 : index
        %parallel_loop3A_280 = tpu.vector_load %arg11[%parallel_loop3A_278, %parallel_loop3A_279] {strides = array<i32>} : memref<128x128xf32, #tpu.memory_space<vmem>>, vector<1x16xf32>,
        %parallel_loop3A_281 = vector.shape_cast %parallel_loop3A_280 : vector<1x16xf32> to vector<16xf32>
        %parallel_loop3A_282 = vector.broadcast %parallel_loop3A_222 : f32 to vector<16xf32>
        %parallel_loop3A_283 = arith.mulf %parallel_loop3A_281, %parallel_loop3A_282 : vector<16xf32>
        %parallel_loop3A_284 = arith.index_cast %parallel_loop3A_217 : i32 to index
        %parallel_loop3A_285 = arith.constant 80 : index
        %parallel_loop3A_286 = tpu.vector_load %arg11[%parallel_loop3A_284, %parallel_loop3A_285] {strides = array<i32>} : memref<128x128xf32, #tpu.memory_space<vmem>>, vector<1x16xf32>,
        %parallel_loop3A_287 = vector.shape_cast %parallel_loop3A_286 : vector<1x16xf32> to vector<16xf32>
        %parallel_loop3A_288 = vector.shape_cast %parallel_loop3A_283 : vector<16xf32> to vector<1x16xf32>
        tpu.vector_store %arg11[%parallel_loop3A_284, %parallel_loop3A_285], %parallel_loop3A_288 {strides = array<i32>} : memref<128x128xf32, #tpu.memory_space<vmem>>, vector<1x16xf32>,
        %parallel_loop3A_289 = arith.index_cast %parallel_loop3A_217 : i32 to index
        %parallel_loop3A_290 = arith.constant 96 : index
        %parallel_loop3A_291 = tpu.vector_load %arg11[%parallel_loop3A_289, %parallel_loop3A_290] {strides = array<i32>} : memref<128x128xf32, #tpu.memory_space<vmem>>, vector<1x16xf32>,
        %parallel_loop3A_292 = vector.shape_cast %parallel_loop3A_291 : vector<1x16xf32> to vector<16xf32>
        %parallel_loop3A_293 = vector.broadcast %parallel_loop3A_222 : f32 to vector<16xf32>
        %parallel_loop3A_294 = arith.mulf %parallel_loop3A_292, %parallel_loop3A_293 : vector<16xf32>
        %parallel_loop3A_295 = arith.index_cast %parallel_loop3A_217 : i32 to index
        %parallel_loop3A_296 = arith.constant 96 : index
        %parallel_loop3A_297 = tpu.vector_load %arg11[%parallel_loop3A_295, %parallel_loop3A_296] {strides = array<i32>} : memref<128x128xf32, #tpu.memory_space<vmem>>, vector<1x16xf32>,
        %parallel_loop3A_298 = vector.shape_cast %parallel_loop3A_297 : vector<1x16xf32> to vector<16xf32>
        %parallel_loop3A_299 = vector.shape_cast %parallel_loop3A_294 : vector<16xf32> to vector<1x16xf32>
        tpu.vector_store %arg11[%parallel_loop3A_295, %parallel_loop3A_296], %parallel_loop3A_299 {strides = array<i32>} : memref<128x128xf32, #tpu.memory_space<vmem>>, vector<1x16xf32>,
        %parallel_loop3A_300 = arith.index_cast %parallel_loop3A_217 : i32 to index
        %parallel_loop3A_301 = arith.constant 112 : index
        %parallel_loop3A_302 = tpu.vector_load %arg11[%parallel_loop3A_300, %parallel_loop3A_301] {strides = array<i32>} : memref<128x128xf32, #tpu.memory_space<vmem>>, vector<1x16xf32>,
        %parallel_loop3A_303 = vector.shape_cast %parallel_loop3A_302 : vector<1x16xf32> to vector<16xf32>
        %parallel_loop3A_304 = vector.broadcast %parallel_loop3A_222 : f32 to vector<16xf32>
        %parallel_loop3A_305 = arith.mulf %parallel_loop3A_303, %parallel_loop3A_304 : vector<16xf32>
        %parallel_loop3A_306 = arith.index_cast %parallel_loop3A_217 : i32 to index
        %parallel_loop3A_307 = arith.constant 112 : index
        %parallel_loop3A_308 = tpu.vector_load %arg11[%parallel_loop3A_306, %parallel_loop3A_307] {strides = array<i32>} : memref<128x128xf32, #tpu.memory_space<vmem>>, vector<1x16xf32>,
        %parallel_loop3A_309 = vector.shape_cast %parallel_loop3A_308 : vector<1x16xf32> to vector<16xf32>
        %parallel_loop3A_310 = vector.shape_cast %parallel_loop3A_305 : vector<16xf32> to vector<1x16xf32>
        tpu.vector_store %arg11[%parallel_loop3A_306, %parallel_loop3A_307], %parallel_loop3A_310 {strides = array<i32>} : memref<128x128xf32, #tpu.memory_space<vmem>>, vector<1x16xf32>,
      } {sc.loop_unroll_factor = 4 : i64, sc.parallel_access}
      "tpu.region"() ({
        %run_scoped3A = tpu.sem_alloc : memref<!tpu.dma_semaphore, #tpu.memory_space<semaphore_mem>>
        %dma_start3A_217 = arith.constant 0 : i32
        %dma_start3A_218 = tpu.memref_slice %arg9[%add3A_190, %dma_start3A_217] : memref<20x128xi32, #tpu.memory_space<vmem>> -> memref<1x128xi32, #tpu.memory_space<vmem>>
        %dma_start3A_219 = tpu.memref_squeeze %dma_start3A_218 : memref<1x128xi32, #tpu.memory_space<vmem>> -> memref<128xi32, #tpu.memory_space<vmem>>
        %dma_start3A_220 = arith.constant 0 : i32
        %dma_start3A_221 = arith.constant 0 : i32
        %dma_start3A_222 = tpu.memref_slice %arg14[%dma_start3A_220, %dma_start3A_221] : memref<10240x128xf32, #tpu.memory_space<vmem_shared>> -> memref<10240x128xf32, #tpu.memory_space<vmem_shared>>
        tpu.enqueue_indirect_dma source(%arg11 : memref<128x128xf32, #tpu.memory_space<vmem>>) target(%dma_start3A_222 : memref<10240x128xf32, #tpu.memory_space<vmem_shared>>) offsets(%dma_start3A_219 : memref<128xi32, #tpu.memory_space<vmem>>) semaphore(%run_scoped3A : memref<!tpu.dma_semaphore, #tpu.memory_space<semaphore_mem>>) {add = true}
        %dma_wait3A_223 = arith.constant 0 : i32
        %dma_wait3A_224 = tpu.memref_slice %arg9[%add3A_190, %dma_wait3A_223] : memref<20x128xi32, #tpu.memory_space<vmem>> -> memref<1x128xi32, #tpu.memory_space<vmem>>
        %dma_wait3A_225 = tpu.memref_squeeze %dma_wait3A_224 : memref<1x128xi32, #tpu.memory_space<vmem>> -> memref<128xi32, #tpu.memory_space<vmem>>
        %dma_wait3A_226 = arith.constant 0 : i32
        %dma_wait3A_227 = arith.constant 0 : i32
        %dma_wait3A_228 = tpu.memref_slice %arg14[%dma_wait3A_226, %dma_wait3A_227] : memref<10240x128xf32, #tpu.memory_space<vmem_shared>> -> memref<10240x128xf32, #tpu.memory_space<vmem_shared>>
        tpu.wait_indirect_dma semaphore(%run_scoped3A : memref<!tpu.dma_semaphore, #tpu.memory_space<semaphore_mem>>) src(%arg11 : memref<128x128xf32, #tpu.memory_space<vmem>>) dst(%dma_wait3A_228 : memref<10240x128xf32, #tpu.memory_space<vmem_shared>>)
        tpu.yield
      }) : () -> ()
      %scan3A_216 = arith.constant 0 : i32
      scf.yield %scan3A_216 : i32
    }
    %scan3A_80 = arith.constant 10 : i32
    %barrier3A_81 = arith.constant 0 : index
    tpu.barrier barrier_id(%barrier3A_81)
    "tpu.region"() ({
      %run_scoped3A = tpu.sem_alloc : memref<!tpu.dma_semaphore, #tpu.memory_space<semaphore_mem>>
      %dma_start3A_161 = arith.constant 0 : i32
      %dma_start3A_162 = tpu.memref_slice %arg6[%add3A_47, %mul3A_0, %dma_start3A_161] : memref<8x10240x128xf32, #tpu.memory_space<hbm>> -> memref<1x640x128xf32, #tpu.memory_space<hbm>>
      %dma_start3A_163 = tpu.memref_squeeze %dma_start3A_162 : memref<1x640x128xf32, #tpu.memory_space<hbm>> -> memref<640x128xf32, #tpu.memory_space<hbm>>
      %dma_start3A_164 = arith.constant 0 : i32
      %dma_start3A_165 = tpu.memref_slice %arg14[%mul3A_0, %dma_start3A_164] : memref<10240x128xf32, #tpu.memory_space<vmem_shared>> -> memref<640x128xf32, #tpu.memory_space<vmem_shared>>
      tpu.enqueue_dma source(%dma_start3A_165 : memref<640x128xf32, #tpu.memory_space<vmem_shared>>) target(%dma_start3A_163 : memref<640x128xf32, #tpu.memory_space<hbm>>) target_semaphore(%run_scoped3A : memref<!tpu.dma_semaphore, #tpu.memory_space<semaphore_mem>>)
      %dma_wait3A = arith.constant 0 : i32
      %dma_wait3A_166 = tpu.memref_slice %arg6[%add3A_47, %mul3A_0, %dma_wait3A] : memref<8x10240x128xf32, #tpu.memory_space<hbm>> -> memref<1x640x128xf32, #tpu.memory_space<hbm>>
      %dma_wait3A_167 = tpu.memref_squeeze %dma_wait3A_166 : memref<1x640x128xf32, #tpu.memory_space<hbm>> -> memref<640x128xf32, #tpu.memory_space<hbm>>
      %dma_wait3A_168 = arith.constant 0 : i32
      %dma_wait3A_169 = tpu.memref_slice %arg14[%mul3A_0, %dma_wait3A_168] : memref<10240x128xf32, #tpu.memory_space<vmem_shared>> -> memref<640x128xf32, #tpu.memory_space<vmem_shared>>
      tpu.wait_dma2 semaphore(%run_scoped3A : memref<!tpu.dma_semaphore, #tpu.memory_space<semaphore_mem>>) src(%dma_wait3A_169 : memref<640x128xf32, #tpu.memory_space<vmem_shared>>) dst(%dma_wait3A_167 : memref<640x128xf32, #tpu.memory_space<hbm>>)
      tpu.yield
    }) : () -> ()
    %barrier3A_82 = arith.constant 0 : index
    tpu.barrier barrier_id(%barrier3A_82)
    %mul3A_83 = arith.constant 4 : i32
    %mul3A_84 = arith.muli %arg0, %mul3A_83 : i32
    %add3A_85 = arith.constant 2 : i32
    %add3A_86 = arith.addi %mul3A_84, %add3A_85 : i32
    %mul3A_87 = arith.constant 40960 : i32
    %mul3A_88 = arith.muli %add3A_86, %mul3A_87 : i32
    %mul3A_89 = arith.constant 2560 : i32
    %mul3A_90 = arith.muli %arg1, %mul3A_89 : i32
    %add3A_91 = arith.addi %mul3A_88, %mul3A_90 : i32
    %scan3A_92 = arith.constant 0 : i32
    %scan3A_93 = arith.constant 0 : i32
    %scan3A_94 = arith.constant 40 : i32
    %scan3A_95 = arith.addi %scan3A_93, %scan3A_94 : i32
    %scan3A_96 = arith.constant 1 : i32
    %scan3A_97 = scf.for %scan3A_161 = %scan3A_93 to %scan3A_95 step %scan3A_96 iter_args(%scan3A_162 = %scan3A_92) -> (i32)  : i32 {
      %mul3A_163 = arith.constant 16 : i32
      %mul3A_164 = arith.muli %scan3A_161, %mul3A_163 : i32
      %add3A_165 = arith.addi %mul3A_0, %mul3A_164 : i32
      "tpu.region"() ({
        %run_scoped3A = tpu.sem_alloc : memref<!tpu.dma_semaphore, #tpu.memory_space<semaphore_mem>>
        %dma_start3A_167 = arith.constant 0 : i32
        %dma_start3A_168 = tpu.memref_slice %arg14[%add3A_165, %dma_start3A_167] : memref<10240x128xf32, #tpu.memory_space<vmem_shared>> -> memref<16x128xf32, #tpu.memory_space<vmem_shared>>
        %dma_start3A_169 = arith.constant 0 : i32
        %dma_start3A_170 = tpu.memref_slice %arg14[%add3A_165, %dma_start3A_169] : memref<10240x128xf32, #tpu.memory_space<vmem_shared>> -> memref<16x128xf32, #tpu.memory_space<vmem_shared>>
        tpu.enqueue_dma source(%arg7 : memref<16x128xf32, #tpu.memory_space<vmem>>) target(%dma_start3A_170 : memref<16x128xf32, #tpu.memory_space<vmem_shared>>) target_semaphore(%run_scoped3A : memref<!tpu.dma_semaphore, #tpu.memory_space<semaphore_mem>>)
        %dma_wait3A = arith.constant 0 : i32
        %dma_wait3A_171 = tpu.memref_slice %arg14[%add3A_165, %dma_wait3A] : memref<10240x128xf32, #tpu.memory_space<vmem_shared>> -> memref<16x128xf32, #tpu.memory_space<vmem_shared>>
        %dma_wait3A_172 = arith.constant 0 : i32
        %dma_wait3A_173 = tpu.memref_slice %arg14[%add3A_165, %dma_wait3A_172] : memref<10240x128xf32, #tpu.memory_space<vmem_shared>> -> memref<16x128xf32, #tpu.memory_space<vmem_shared>>
        tpu.wait_dma2 semaphore(%run_scoped3A : memref<!tpu.dma_semaphore, #tpu.memory_space<semaphore_mem>>) src(%arg7 : memref<16x128xf32, #tpu.memory_space<vmem>>) dst(%dma_wait3A_173 : memref<16x128xf32, #tpu.memory_space<vmem_shared>>)
        tpu.yield
      }) : () -> ()
      %scan3A_166 = arith.constant 0 : i32
      scf.yield %scan3A_166 : i32
    }
    %scan3A_98 = arith.constant 40 : i32
    "tpu.region"() ({
      %run_scoped3A = tpu.sem_alloc : memref<!tpu.dma_semaphore, #tpu.memory_space<semaphore_mem>>
      %dma_start3A_161 = arith.constant 0 : i32
      %dma_start3A_162 = arith.constant 0 : i32
      %dma_start3A_163 = tpu.memref_slice %arg2[%add3A_86, %arg1, %dma_start3A_161, %dma_start3A_162] : memref<8x16x20x128xi32, #tpu.memory_space<hbm>> -> memref<1x1x20x128xi32, #tpu.memory_space<hbm>>
      %dma_start3A_164 = tpu.memref_squeeze %dma_start3A_163 : memref<1x1x20x128xi32, #tpu.memory_space<hbm>> -> memref<20x128xi32, #tpu.memory_space<hbm>>
      %dma_start3A_165 = arith.constant 0 : i32
      %dma_start3A_166 = arith.constant 0 : i32
      %dma_start3A_167 = tpu.memref_slice %arg2[%add3A_86, %arg1, %dma_start3A_165, %dma_start3A_166] : memref<8x16x20x128xi32, #tpu.memory_space<hbm>> -> memref<1x1x20x128xi32, #tpu.memory_space<hbm>>
      %dma_start3A_168 = tpu.memref_squeeze %dma_start3A_167 : memref<1x1x20x128xi32, #tpu.memory_space<hbm>> -> memref<20x128xi32, #tpu.memory_space<hbm>>
      tpu.enqueue_dma source(%dma_start3A_168 : memref<20x128xi32, #tpu.memory_space<hbm>>) target(%arg8 : memref<20x128xi32, #tpu.memory_space<vmem>>) target_semaphore(%run_scoped3A : memref<!tpu.dma_semaphore, #tpu.memory_space<semaphore_mem>>)
      %dma_wait3A = arith.constant 0 : i32
      %dma_wait3A_169 = arith.constant 0 : i32
      %dma_wait3A_170 = tpu.memref_slice %arg2[%add3A_86, %arg1, %dma_wait3A, %dma_wait3A_169] : memref<8x16x20x128xi32, #tpu.memory_space<hbm>> -> memref<1x1x20x128xi32, #tpu.memory_space<hbm>>
      %dma_wait3A_171 = tpu.memref_squeeze %dma_wait3A_170 : memref<1x1x20x128xi32, #tpu.memory_space<hbm>> -> memref<20x128xi32, #tpu.memory_space<hbm>>
      %dma_wait3A_172 = arith.constant 0 : i32
      %dma_wait3A_173 = arith.constant 0 : i32
      %dma_wait3A_174 = tpu.memref_slice %arg2[%add3A_86, %arg1, %dma_wait3A_172, %dma_wait3A_173] : memref<8x16x20x128xi32, #tpu.memory_space<hbm>> -> memref<1x1x20x128xi32, #tpu.memory_space<hbm>>
      %dma_wait3A_175 = tpu.memref_squeeze %dma_wait3A_174 : memref<1x1x20x128xi32, #tpu.memory_space<hbm>> -> memref<20x128xi32, #tpu.memory_space<hbm>>
      tpu.wait_dma2 semaphore(%run_scoped3A : memref<!tpu.dma_semaphore, #tpu.memory_space<semaphore_mem>>) src(%dma_wait3A_175 : memref<20x128xi32, #tpu.memory_space<hbm>>) dst(%arg8 : memref<20x128xi32, #tpu.memory_space<vmem>>)
      tpu.yield
    }) : () -> ()
    "tpu.region"() ({
      %run_scoped3A = tpu.sem_alloc : memref<!tpu.dma_semaphore, #tpu.memory_space<semaphore_mem>>
      %dma_start3A_161 = arith.constant 0 : i32
      %dma_start3A_162 = arith.constant 0 : i32
      %dma_start3A_163 = tpu.memref_slice %arg3[%add3A_86, %arg1, %dma_start3A_161, %dma_start3A_162] : memref<8x16x20x128xi32, #tpu.memory_space<hbm>> -> memref<1x1x20x128xi32, #tpu.memory_space<hbm>>
      %dma_start3A_164 = tpu.memref_squeeze %dma_start3A_163 : memref<1x1x20x128xi32, #tpu.memory_space<hbm>> -> memref<20x128xi32, #tpu.memory_space<hbm>>
      %dma_start3A_165 = arith.constant 0 : i32
      %dma_start3A_166 = arith.constant 0 : i32
      %dma_start3A_167 = tpu.memref_slice %arg3[%add3A_86, %arg1, %dma_start3A_165, %dma_start3A_166] : memref<8x16x20x128xi32, #tpu.memory_space<hbm>> -> memref<1x1x20x128xi32, #tpu.memory_space<hbm>>
      %dma_start3A_168 = tpu.memref_squeeze %dma_start3A_167 : memref<1x1x20x128xi32, #tpu.memory_space<hbm>> -> memref<20x128xi32, #tpu.memory_space<hbm>>
      tpu.enqueue_dma source(%dma_start3A_168 : memref<20x128xi32, #tpu.memory_space<hbm>>) target(%arg9 : memref<20x128xi32, #tpu.memory_space<vmem>>) target_semaphore(%run_scoped3A : memref<!tpu.dma_semaphore, #tpu.memory_space<semaphore_mem>>)
      %dma_wait3A = arith.constant 0 : i32
      %dma_wait3A_169 = arith.constant 0 : i32
      %dma_wait3A_170 = tpu.memref_slice %arg3[%add3A_86, %arg1, %dma_wait3A, %dma_wait3A_169] : memref<8x16x20x128xi32, #tpu.memory_space<hbm>> -> memref<1x1x20x128xi32, #tpu.memory_space<hbm>>
      %dma_wait3A_171 = tpu.memref_squeeze %dma_wait3A_170 : memref<1x1x20x128xi32, #tpu.memory_space<hbm>> -> memref<20x128xi32, #tpu.memory_space<hbm>>
      %dma_wait3A_172 = arith.constant 0 : i32
      %dma_wait3A_173 = arith.constant 0 : i32
      %dma_wait3A_174 = tpu.memref_slice %arg3[%add3A_86, %arg1, %dma_wait3A_172, %dma_wait3A_173] : memref<8x16x20x128xi32, #tpu.memory_space<hbm>> -> memref<1x1x20x128xi32, #tpu.memory_space<hbm>>
      %dma_wait3A_175 = tpu.memref_squeeze %dma_wait3A_174 : memref<1x1x20x128xi32, #tpu.memory_space<hbm>> -> memref<20x128xi32, #tpu.memory_space<hbm>>
      tpu.wait_dma2 semaphore(%run_scoped3A : memref<!tpu.dma_semaphore, #tpu.memory_space<semaphore_mem>>) src(%dma_wait3A_175 : memref<20x128xi32, #tpu.memory_space<hbm>>) dst(%arg9 : memref<20x128xi32, #tpu.memory_space<vmem>>)
      tpu.yield
    }) : () -> ()
    %barrier3A_99 = arith.constant 0 : index
    tpu.barrier barrier_id(%barrier3A_99)
    %dma_start3A_100 = arith.constant 0 : i32
    %dma_start3A_101 = arith.constant 0 : i32
    %dma_start3A_102 = tpu.memref_slice %arg8[%dma_start3A_100, %dma_start3A_101] : memref<20x128xi32, #tpu.memory_space<vmem>> -> memref<1x128xi32, #tpu.memory_space<vmem>>
    %dma_start3A_103 = tpu.memref_squeeze %dma_start3A_102 : memref<1x128xi32, #tpu.memory_space<vmem>> -> memref<128xi32, #tpu.memory_space<vmem>>
    %dma_start3A_104 = arith.constant 0 : i32
    %dma_start3A_105 = arith.constant 0 : i32
    %dma_start3A_106 = tpu.memref_slice %arg5[%dma_start3A_104, %dma_start3A_105] : memref<10000x128xf32, #tpu.memory_space<hbm>> -> memref<10000x128xf32, #tpu.memory_space<hbm>>
    tpu.enqueue_indirect_dma source(%dma_start3A_106 : memref<10000x128xf32, #tpu.memory_space<hbm>>) target(%arg10 : memref<128x128xf32, #tpu.memory_space<vmem>>) offsets(%dma_start3A_103 : memref<128xi32, #tpu.memory_space<vmem>>) semaphore(%arg15 : memref<!tpu.dma_semaphore, #tpu.memory_space<semaphore_mem>>)
    %dma_start3A_107 = arith.constant 0 : i32
    %dma_start3A_108 = tpu.memref_slice %arg12[%dma_start3A_107] : memref<144xf32, #tpu.memory_space<vmem>> -> memref<128xf32, #tpu.memory_space<vmem>>
    %dma_start3A_109 = tpu.memref_slice %arg4[%add3A_91] : memref<327680xf32, #tpu.memory_space<hbm>> -> memref<128xf32, #tpu.memory_space<hbm>>
    %dma_start3A_110 = arith.constant 0 : i32
    %dma_start3A_111 = tpu.memref_slice %arg12[%dma_start3A_110] : memref<144xf32, #tpu.memory_space<vmem>> -> memref<128xf32, #tpu.memory_space<vmem>>
    %dma_start3A_112 = tpu.memref_slice %arg4[%add3A_91] : memref<327680xf32, #tpu.memory_space<hbm>> -> memref<128xf32, #tpu.memory_space<hbm>>
    tpu.enqueue_dma source(%dma_start3A_112 : memref<128xf32, #tpu.memory_space<hbm>>) target(%dma_start3A_111 : memref<128xf32, #tpu.memory_space<vmem>>) target_semaphore(%arg17 : memref<!tpu.dma_semaphore, #tpu.memory_space<semaphore_mem>>)
    %scan3A_113 = arith.constant 0 : i32
    %scan3A_114 = arith.constant 0 : i32
    %scan3A_115 = arith.constant 10 : i32
    %scan3A_116 = arith.addi %scan3A_114, %scan3A_115 : i32
    %scan3A_117 = arith.constant 1 : i32
    %scan3A_118 = scf.for %scan3A_161 = %scan3A_114 to %scan3A_116 step %scan3A_117 iter_args(%scan3A_162 = %scan3A_113) -> (i32)  : i32 {
      %mul3A_163 = arith.constant 2 : i32
      %mul3A_164 = arith.muli %mul3A_163, %scan3A_161 : i32
      %add3A_165 = arith.constant 0 : i32
      %add3A_166 = arith.addi %mul3A_164, %add3A_165 : i32
      %add3A_167 = arith.constant 1 : i32
      %add3A_168 = arith.addi %add3A_166, %add3A_167 : i32
      %lt3A = arith.constant 20 : i32
      %lt3A_169 = arith.cmpi slt, %add3A_168, %lt3A : i32
      %convert_element_type3A = arith.extui %lt3A_169 : i1 to i32
      %cond3A = arith.constant 0 : i32
      %cond3A_170 = arith.cmpi ne, %convert_element_type3A, %cond3A : i32
      scf.if %cond3A_170 {
        %dma_start3A_217 = arith.constant 0 : i32
        %dma_start3A_218 = tpu.memref_slice %arg8[%add3A_168, %dma_start3A_217] : memref<20x128xi32, #tpu.memory_space<vmem>> -> memref<1x128xi32, #tpu.memory_space<vmem>>
        %dma_start3A_219 = tpu.memref_squeeze %dma_start3A_218 : memref<1x128xi32, #tpu.memory_space<vmem>> -> memref<128xi32, #tpu.memory_space<vmem>>
        %dma_start3A_220 = arith.constant 0 : i32
        %dma_start3A_221 = arith.constant 0 : i32
        %dma_start3A_222 = tpu.memref_slice %arg5[%dma_start3A_220, %dma_start3A_221] : memref<10000x128xf32, #tpu.memory_space<hbm>> -> memref<10000x128xf32, #tpu.memory_space<hbm>>
        tpu.enqueue_indirect_dma source(%dma_start3A_222 : memref<10000x128xf32, #tpu.memory_space<hbm>>) target(%arg11 : memref<128x128xf32, #tpu.memory_space<vmem>>) offsets(%dma_start3A_219 : memref<128xi32, #tpu.memory_space<vmem>>) semaphore(%arg16 : memref<!tpu.dma_semaphore, #tpu.memory_space<semaphore_mem>>)
        %mul3A_223 = arith.constant 128 : i32
        %mul3A_224 = arith.muli %add3A_168, %mul3A_223 : i32
        %add3A_225 = arith.addi %add3A_91, %mul3A_224 : i32
        %dma_start3A_226 = arith.constant 0 : i32
        %dma_start3A_227 = tpu.memref_slice %arg13[%dma_start3A_226] : memref<144xf32, #tpu.memory_space<vmem>> -> memref<128xf32, #tpu.memory_space<vmem>>
        %dma_start3A_228 = tpu.memref_slice %arg4[%add3A_225] : memref<327680xf32, #tpu.memory_space<hbm>> -> memref<128xf32, #tpu.memory_space<hbm>>
        %dma_start3A_229 = arith.constant 0 : i32
        %dma_start3A_230 = tpu.memref_slice %arg13[%dma_start3A_229] : memref<144xf32, #tpu.memory_space<vmem>> -> memref<128xf32, #tpu.memory_space<vmem>>
        %dma_start3A_231 = tpu.memref_slice %arg4[%add3A_225] : memref<327680xf32, #tpu.memory_space<hbm>> -> memref<128xf32, #tpu.memory_space<hbm>>
        tpu.enqueue_dma source(%dma_start3A_231 : memref<128xf32, #tpu.memory_space<hbm>>) target(%dma_start3A_230 : memref<128xf32, #tpu.memory_space<vmem>>) target_semaphore(%arg18 : memref<!tpu.dma_semaphore, #tpu.memory_space<semaphore_mem>>)
      } else {
      }
      %dma_wait3A = arith.constant 0 : i32
      %dma_wait3A_171 = tpu.memref_slice %arg8[%add3A_166, %dma_wait3A] : memref<20x128xi32, #tpu.memory_space<vmem>> -> memref<1x128xi32, #tpu.memory_space<vmem>>
      %dma_wait3A_172 = tpu.memref_squeeze %dma_wait3A_171 : memref<1x128xi32, #tpu.memory_space<vmem>> -> memref<128xi32, #tpu.memory_space<vmem>>
      %dma_wait3A_173 = arith.constant 0 : i32
      %dma_wait3A_174 = arith.constant 0 : i32
      %dma_wait3A_175 = tpu.memref_slice %arg5[%dma_wait3A_173, %dma_wait3A_174] : memref<10000x128xf32, #tpu.memory_space<hbm>> -> memref<10000x128xf32, #tpu.memory_space<hbm>>
      tpu.wait_indirect_dma semaphore(%arg15 : memref<!tpu.dma_semaphore, #tpu.memory_space<semaphore_mem>>) src(%dma_wait3A_175 : memref<10000x128xf32, #tpu.memory_space<hbm>>) dst(%arg10 : memref<128x128xf32, #tpu.memory_space<vmem>>)
      %mul3A_176 = arith.constant 128 : i32
      %mul3A_177 = arith.muli %add3A_166, %mul3A_176 : i32
      %add3A_178 = arith.addi %add3A_91, %mul3A_177 : i32
      %dma_wait3A_179 = arith.constant 0 : i32
      %dma_wait3A_180 = tpu.memref_slice %arg12[%dma_wait3A_179] : memref<144xf32, #tpu.memory_space<vmem>> -> memref<128xf32, #tpu.memory_space<vmem>>
      %dma_wait3A_181 = tpu.memref_slice %arg4[%add3A_178] : memref<327680xf32, #tpu.memory_space<hbm>> -> memref<128xf32, #tpu.memory_space<hbm>>
      %dma_wait3A_182 = arith.constant 0 : i32
      %dma_wait3A_183 = tpu.memref_slice %arg12[%dma_wait3A_182] : memref<144xf32, #tpu.memory_space<vmem>> -> memref<128xf32, #tpu.memory_space<vmem>>
      %dma_wait3A_184 = tpu.memref_slice %arg4[%add3A_178] : memref<327680xf32, #tpu.memory_space<hbm>> -> memref<128xf32, #tpu.memory_space<hbm>>
      tpu.wait_dma2 semaphore(%arg17 : memref<!tpu.dma_semaphore, #tpu.memory_space<semaphore_mem>>) src(%dma_wait3A_184 : memref<128xf32, #tpu.memory_space<hbm>>) dst(%dma_wait3A_183 : memref<128xf32, #tpu.memory_space<vmem>>)
      %parallel_loop3A = arith.constant 0 : i32
      %parallel_loop3A_185 = arith.constant 128 : i32
      %parallel_loop3A_186 = arith.constant 1 : i32
      scf.for %parallel_loop3A_217 = %parallel_loop3A to %parallel_loop3A_185 step %parallel_loop3A_186  : i32 {
        %parallel_loop3A_218 = arith.index_cast %parallel_loop3A_217 : i32 to index
        %parallel_loop3A_219 = tpu.vector_load %arg12[%parallel_loop3A_218] {strides = array<i32>} : memref<144xf32, #tpu.memory_space<vmem>>, vector<16xf32>,
        %parallel_loop3A_220 = vector.shape_cast %parallel_loop3A_219 : vector<16xf32> to vector<16xf32>
        %parallel_loop3A_221 = vector.extract_strided_slice %parallel_loop3A_220 {offsets = [0], sizes = [1], strides = [1]} : vector<16xf32> to vector<1xf32>
        %parallel_loop3A_222 = vector.extract %parallel_loop3A_221[0] : f32 from vector<1xf32>
        %parallel_loop3A_223 = arith.index_cast %parallel_loop3A_217 : i32 to index
        %parallel_loop3A_224 = arith.constant 0 : index
        %parallel_loop3A_225 = tpu.vector_load %arg10[%parallel_loop3A_223, %parallel_loop3A_224] {strides = array<i32>} : memref<128x128xf32, #tpu.memory_space<vmem>>, vector<1x16xf32>,
        %parallel_loop3A_226 = vector.shape_cast %parallel_loop3A_225 : vector<1x16xf32> to vector<16xf32>
        %parallel_loop3A_227 = vector.broadcast %parallel_loop3A_222 : f32 to vector<16xf32>
        %parallel_loop3A_228 = arith.mulf %parallel_loop3A_226, %parallel_loop3A_227 : vector<16xf32>
        %parallel_loop3A_229 = arith.index_cast %parallel_loop3A_217 : i32 to index
        %parallel_loop3A_230 = arith.constant 0 : index
        %parallel_loop3A_231 = tpu.vector_load %arg10[%parallel_loop3A_229, %parallel_loop3A_230] {strides = array<i32>} : memref<128x128xf32, #tpu.memory_space<vmem>>, vector<1x16xf32>,
        %parallel_loop3A_232 = vector.shape_cast %parallel_loop3A_231 : vector<1x16xf32> to vector<16xf32>
        %parallel_loop3A_233 = vector.shape_cast %parallel_loop3A_228 : vector<16xf32> to vector<1x16xf32>
        tpu.vector_store %arg10[%parallel_loop3A_229, %parallel_loop3A_230], %parallel_loop3A_233 {strides = array<i32>} : memref<128x128xf32, #tpu.memory_space<vmem>>, vector<1x16xf32>,
        %parallel_loop3A_234 = arith.index_cast %parallel_loop3A_217 : i32 to index
        %parallel_loop3A_235 = arith.constant 16 : index
        %parallel_loop3A_236 = tpu.vector_load %arg10[%parallel_loop3A_234, %parallel_loop3A_235] {strides = array<i32>} : memref<128x128xf32, #tpu.memory_space<vmem>>, vector<1x16xf32>,
        %parallel_loop3A_237 = vector.shape_cast %parallel_loop3A_236 : vector<1x16xf32> to vector<16xf32>
        %parallel_loop3A_238 = vector.broadcast %parallel_loop3A_222 : f32 to vector<16xf32>
        %parallel_loop3A_239 = arith.mulf %parallel_loop3A_237, %parallel_loop3A_238 : vector<16xf32>
        %parallel_loop3A_240 = arith.index_cast %parallel_loop3A_217 : i32 to index
        %parallel_loop3A_241 = arith.constant 16 : index
        %parallel_loop3A_242 = tpu.vector_load %arg10[%parallel_loop3A_240, %parallel_loop3A_241] {strides = array<i32>} : memref<128x128xf32, #tpu.memory_space<vmem>>, vector<1x16xf32>,
        %parallel_loop3A_243 = vector.shape_cast %parallel_loop3A_242 : vector<1x16xf32> to vector<16xf32>
        %parallel_loop3A_244 = vector.shape_cast %parallel_loop3A_239 : vector<16xf32> to vector<1x16xf32>
        tpu.vector_store %arg10[%parallel_loop3A_240, %parallel_loop3A_241], %parallel_loop3A_244 {strides = array<i32>} : memref<128x128xf32, #tpu.memory_space<vmem>>, vector<1x16xf32>,
        %parallel_loop3A_245 = arith.index_cast %parallel_loop3A_217 : i32 to index
        %parallel_loop3A_246 = arith.constant 32 : index
        %parallel_loop3A_247 = tpu.vector_load %arg10[%parallel_loop3A_245, %parallel_loop3A_246] {strides = array<i32>} : memref<128x128xf32, #tpu.memory_space<vmem>>, vector<1x16xf32>,
        %parallel_loop3A_248 = vector.shape_cast %parallel_loop3A_247 : vector<1x16xf32> to vector<16xf32>
        %parallel_loop3A_249 = vector.broadcast %parallel_loop3A_222 : f32 to vector<16xf32>
        %parallel_loop3A_250 = arith.mulf %parallel_loop3A_248, %parallel_loop3A_249 : vector<16xf32>
        %parallel_loop3A_251 = arith.index_cast %parallel_loop3A_217 : i32 to index
        %parallel_loop3A_252 = arith.constant 32 : index
        %parallel_loop3A_253 = tpu.vector_load %arg10[%parallel_loop3A_251, %parallel_loop3A_252] {strides = array<i32>} : memref<128x128xf32, #tpu.memory_space<vmem>>, vector<1x16xf32>,
        %parallel_loop3A_254 = vector.shape_cast %parallel_loop3A_253 : vector<1x16xf32> to vector<16xf32>
        %parallel_loop3A_255 = vector.shape_cast %parallel_loop3A_250 : vector<16xf32> to vector<1x16xf32>
        tpu.vector_store %arg10[%parallel_loop3A_251, %parallel_loop3A_252], %parallel_loop3A_255 {strides = array<i32>} : memref<128x128xf32, #tpu.memory_space<vmem>>, vector<1x16xf32>,
        %parallel_loop3A_256 = arith.index_cast %parallel_loop3A_217 : i32 to index
        %parallel_loop3A_257 = arith.constant 48 : index
        %parallel_loop3A_258 = tpu.vector_load %arg10[%parallel_loop3A_256, %parallel_loop3A_257] {strides = array<i32>} : memref<128x128xf32, #tpu.memory_space<vmem>>, vector<1x16xf32>,
        %parallel_loop3A_259 = vector.shape_cast %parallel_loop3A_258 : vector<1x16xf32> to vector<16xf32>
        %parallel_loop3A_260 = vector.broadcast %parallel_loop3A_222 : f32 to vector<16xf32>
        %parallel_loop3A_261 = arith.mulf %parallel_loop3A_259, %parallel_loop3A_260 : vector<16xf32>
        %parallel_loop3A_262 = arith.index_cast %parallel_loop3A_217 : i32 to index
        %parallel_loop3A_263 = arith.constant 48 : index
        %parallel_loop3A_264 = tpu.vector_load %arg10[%parallel_loop3A_262, %parallel_loop3A_263] {strides = array<i32>} : memref<128x128xf32, #tpu.memory_space<vmem>>, vector<1x16xf32>,
        %parallel_loop3A_265 = vector.shape_cast %parallel_loop3A_264 : vector<1x16xf32> to vector<16xf32>
        %parallel_loop3A_266 = vector.shape_cast %parallel_loop3A_261 : vector<16xf32> to vector<1x16xf32>
        tpu.vector_store %arg10[%parallel_loop3A_262, %parallel_loop3A_263], %parallel_loop3A_266 {strides = array<i32>} : memref<128x128xf32, #tpu.memory_space<vmem>>, vector<1x16xf32>,
        %parallel_loop3A_267 = arith.index_cast %parallel_loop3A_217 : i32 to index
        %parallel_loop3A_268 = arith.constant 64 : index
        %parallel_loop3A_269 = tpu.vector_load %arg10[%parallel_loop3A_267, %parallel_loop3A_268] {strides = array<i32>} : memref<128x128xf32, #tpu.memory_space<vmem>>, vector<1x16xf32>,
        %parallel_loop3A_270 = vector.shape_cast %parallel_loop3A_269 : vector<1x16xf32> to vector<16xf32>
        %parallel_loop3A_271 = vector.broadcast %parallel_loop3A_222 : f32 to vector<16xf32>
        %parallel_loop3A_272 = arith.mulf %parallel_loop3A_270, %parallel_loop3A_271 : vector<16xf32>
        %parallel_loop3A_273 = arith.index_cast %parallel_loop3A_217 : i32 to index
        %parallel_loop3A_274 = arith.constant 64 : index
        %parallel_loop3A_275 = tpu.vector_load %arg10[%parallel_loop3A_273, %parallel_loop3A_274] {strides = array<i32>} : memref<128x128xf32, #tpu.memory_space<vmem>>, vector<1x16xf32>,
        %parallel_loop3A_276 = vector.shape_cast %parallel_loop3A_275 : vector<1x16xf32> to vector<16xf32>
        %parallel_loop3A_277 = vector.shape_cast %parallel_loop3A_272 : vector<16xf32> to vector<1x16xf32>
        tpu.vector_store %arg10[%parallel_loop3A_273, %parallel_loop3A_274], %parallel_loop3A_277 {strides = array<i32>} : memref<128x128xf32, #tpu.memory_space<vmem>>, vector<1x16xf32>,
        %parallel_loop3A_278 = arith.index_cast %parallel_loop3A_217 : i32 to index
        %parallel_loop3A_279 = arith.constant 80 : index
        %parallel_loop3A_280 = tpu.vector_load %arg10[%parallel_loop3A_278, %parallel_loop3A_279] {strides = array<i32>} : memref<128x128xf32, #tpu.memory_space<vmem>>, vector<1x16xf32>,
        %parallel_loop3A_281 = vector.shape_cast %parallel_loop3A_280 : vector<1x16xf32> to vector<16xf32>
        %parallel_loop3A_282 = vector.broadcast %parallel_loop3A_222 : f32 to vector<16xf32>
        %parallel_loop3A_283 = arith.mulf %parallel_loop3A_281, %parallel_loop3A_282 : vector<16xf32>
        %parallel_loop3A_284 = arith.index_cast %parallel_loop3A_217 : i32 to index
        %parallel_loop3A_285 = arith.constant 80 : index
        %parallel_loop3A_286 = tpu.vector_load %arg10[%parallel_loop3A_284, %parallel_loop3A_285] {strides = array<i32>} : memref<128x128xf32, #tpu.memory_space<vmem>>, vector<1x16xf32>,
        %parallel_loop3A_287 = vector.shape_cast %parallel_loop3A_286 : vector<1x16xf32> to vector<16xf32>
        %parallel_loop3A_288 = vector.shape_cast %parallel_loop3A_283 : vector<16xf32> to vector<1x16xf32>
        tpu.vector_store %arg10[%parallel_loop3A_284, %parallel_loop3A_285], %parallel_loop3A_288 {strides = array<i32>} : memref<128x128xf32, #tpu.memory_space<vmem>>, vector<1x16xf32>,
        %parallel_loop3A_289 = arith.index_cast %parallel_loop3A_217 : i32 to index
        %parallel_loop3A_290 = arith.constant 96 : index
        %parallel_loop3A_291 = tpu.vector_load %arg10[%parallel_loop3A_289, %parallel_loop3A_290] {strides = array<i32>} : memref<128x128xf32, #tpu.memory_space<vmem>>, vector<1x16xf32>,
        %parallel_loop3A_292 = vector.shape_cast %parallel_loop3A_291 : vector<1x16xf32> to vector<16xf32>
        %parallel_loop3A_293 = vector.broadcast %parallel_loop3A_222 : f32 to vector<16xf32>
        %parallel_loop3A_294 = arith.mulf %parallel_loop3A_292, %parallel_loop3A_293 : vector<16xf32>
        %parallel_loop3A_295 = arith.index_cast %parallel_loop3A_217 : i32 to index
        %parallel_loop3A_296 = arith.constant 96 : index
        %parallel_loop3A_297 = tpu.vector_load %arg10[%parallel_loop3A_295, %parallel_loop3A_296] {strides = array<i32>} : memref<128x128xf32, #tpu.memory_space<vmem>>, vector<1x16xf32>,
        %parallel_loop3A_298 = vector.shape_cast %parallel_loop3A_297 : vector<1x16xf32> to vector<16xf32>
        %parallel_loop3A_299 = vector.shape_cast %parallel_loop3A_294 : vector<16xf32> to vector<1x16xf32>
        tpu.vector_store %arg10[%parallel_loop3A_295, %parallel_loop3A_296], %parallel_loop3A_299 {strides = array<i32>} : memref<128x128xf32, #tpu.memory_space<vmem>>, vector<1x16xf32>,
        %parallel_loop3A_300 = arith.index_cast %parallel_loop3A_217 : i32 to index
        %parallel_loop3A_301 = arith.constant 112 : index
        %parallel_loop3A_302 = tpu.vector_load %arg10[%parallel_loop3A_300, %parallel_loop3A_301] {strides = array<i32>} : memref<128x128xf32, #tpu.memory_space<vmem>>, vector<1x16xf32>,
        %parallel_loop3A_303 = vector.shape_cast %parallel_loop3A_302 : vector<1x16xf32> to vector<16xf32>
        %parallel_loop3A_304 = vector.broadcast %parallel_loop3A_222 : f32 to vector<16xf32>
        %parallel_loop3A_305 = arith.mulf %parallel_loop3A_303, %parallel_loop3A_304 : vector<16xf32>
        %parallel_loop3A_306 = arith.index_cast %parallel_loop3A_217 : i32 to index
        %parallel_loop3A_307 = arith.constant 112 : index
        %parallel_loop3A_308 = tpu.vector_load %arg10[%parallel_loop3A_306, %parallel_loop3A_307] {strides = array<i32>} : memref<128x128xf32, #tpu.memory_space<vmem>>, vector<1x16xf32>,
        %parallel_loop3A_309 = vector.shape_cast %parallel_loop3A_308 : vector<1x16xf32> to vector<16xf32>
        %parallel_loop3A_310 = vector.shape_cast %parallel_loop3A_305 : vector<16xf32> to vector<1x16xf32>
        tpu.vector_store %arg10[%parallel_loop3A_306, %parallel_loop3A_307], %parallel_loop3A_310 {strides = array<i32>} : memref<128x128xf32, #tpu.memory_space<vmem>>, vector<1x16xf32>,
      } {sc.loop_unroll_factor = 4 : i64, sc.parallel_access}
      "tpu.region"() ({
        %run_scoped3A = tpu.sem_alloc : memref<!tpu.dma_semaphore, #tpu.memory_space<semaphore_mem>>
        %dma_start3A_217 = arith.constant 0 : i32
        %dma_start3A_218 = tpu.memref_slice %arg9[%add3A_166, %dma_start3A_217] : memref<20x128xi32, #tpu.memory_space<vmem>> -> memref<1x128xi32, #tpu.memory_space<vmem>>
        %dma_start3A_219 = tpu.memref_squeeze %dma_start3A_218 : memref<1x128xi32, #tpu.memory_space<vmem>> -> memref<128xi32, #tpu.memory_space<vmem>>
        %dma_start3A_220 = arith.constant 0 : i32
        %dma_start3A_221 = arith.constant 0 : i32
        %dma_start3A_222 = tpu.memref_slice %arg14[%dma_start3A_220, %dma_start3A_221] : memref<10240x128xf32, #tpu.memory_space<vmem_shared>> -> memref<10240x128xf32, #tpu.memory_space<vmem_shared>>
        tpu.enqueue_indirect_dma source(%arg10 : memref<128x128xf32, #tpu.memory_space<vmem>>) target(%dma_start3A_222 : memref<10240x128xf32, #tpu.memory_space<vmem_shared>>) offsets(%dma_start3A_219 : memref<128xi32, #tpu.memory_space<vmem>>) semaphore(%run_scoped3A : memref<!tpu.dma_semaphore, #tpu.memory_space<semaphore_mem>>) {add = true}
        %dma_wait3A_223 = arith.constant 0 : i32
        %dma_wait3A_224 = tpu.memref_slice %arg9[%add3A_166, %dma_wait3A_223] : memref<20x128xi32, #tpu.memory_space<vmem>> -> memref<1x128xi32, #tpu.memory_space<vmem>>
        %dma_wait3A_225 = tpu.memref_squeeze %dma_wait3A_224 : memref<1x128xi32, #tpu.memory_space<vmem>> -> memref<128xi32, #tpu.memory_space<vmem>>
        %dma_wait3A_226 = arith.constant 0 : i32
        %dma_wait3A_227 = arith.constant 0 : i32
        %dma_wait3A_228 = tpu.memref_slice %arg14[%dma_wait3A_226, %dma_wait3A_227] : memref<10240x128xf32, #tpu.memory_space<vmem_shared>> -> memref<10240x128xf32, #tpu.memory_space<vmem_shared>>
        tpu.wait_indirect_dma semaphore(%run_scoped3A : memref<!tpu.dma_semaphore, #tpu.memory_space<semaphore_mem>>) src(%arg10 : memref<128x128xf32, #tpu.memory_space<vmem>>) dst(%dma_wait3A_228 : memref<10240x128xf32, #tpu.memory_space<vmem_shared>>)
        tpu.yield
      }) : () -> ()
      %mul3A_187 = arith.constant 2 : i32
      %mul3A_188 = arith.muli %mul3A_187, %scan3A_161 : i32
      %add3A_189 = arith.constant 1 : i32
      %add3A_190 = arith.addi %mul3A_188, %add3A_189 : i32
      %add3A_191 = arith.constant 1 : i32
      %add3A_192 = arith.addi %add3A_190, %add3A_191 : i32
      %lt3A_193 = arith.constant 20 : i32
      %lt3A_194 = arith.cmpi slt, %add3A_192, %lt3A_193 : i32
      %convert_element_type3A_195 = arith.extui %lt3A_194 : i1 to i32
      %cond3A_196 = arith.constant 0 : i32
      %cond3A_197 = arith.cmpi ne, %convert_element_type3A_195, %cond3A_196 : i32
      scf.if %cond3A_197 {
        %dma_start3A_217 = arith.constant 0 : i32
        %dma_start3A_218 = tpu.memref_slice %arg8[%add3A_192, %dma_start3A_217] : memref<20x128xi32, #tpu.memory_space<vmem>> -> memref<1x128xi32, #tpu.memory_space<vmem>>
        %dma_start3A_219 = tpu.memref_squeeze %dma_start3A_218 : memref<1x128xi32, #tpu.memory_space<vmem>> -> memref<128xi32, #tpu.memory_space<vmem>>
        %dma_start3A_220 = arith.constant 0 : i32
        %dma_start3A_221 = arith.constant 0 : i32
        %dma_start3A_222 = tpu.memref_slice %arg5[%dma_start3A_220, %dma_start3A_221] : memref<10000x128xf32, #tpu.memory_space<hbm>> -> memref<10000x128xf32, #tpu.memory_space<hbm>>
        tpu.enqueue_indirect_dma source(%dma_start3A_222 : memref<10000x128xf32, #tpu.memory_space<hbm>>) target(%arg10 : memref<128x128xf32, #tpu.memory_space<vmem>>) offsets(%dma_start3A_219 : memref<128xi32, #tpu.memory_space<vmem>>) semaphore(%arg15 : memref<!tpu.dma_semaphore, #tpu.memory_space<semaphore_mem>>)
        %mul3A_223 = arith.constant 128 : i32
        %mul3A_224 = arith.muli %add3A_192, %mul3A_223 : i32
        %add3A_225 = arith.addi %add3A_91, %mul3A_224 : i32
        %dma_start3A_226 = arith.constant 0 : i32
        %dma_start3A_227 = tpu.memref_slice %arg12[%dma_start3A_226] : memref<144xf32, #tpu.memory_space<vmem>> -> memref<128xf32, #tpu.memory_space<vmem>>
        %dma_start3A_228 = tpu.memref_slice %arg4[%add3A_225] : memref<327680xf32, #tpu.memory_space<hbm>> -> memref<128xf32, #tpu.memory_space<hbm>>
        %dma_start3A_229 = arith.constant 0 : i32
        %dma_start3A_230 = tpu.memref_slice %arg12[%dma_start3A_229] : memref<144xf32, #tpu.memory_space<vmem>> -> memref<128xf32, #tpu.memory_space<vmem>>
        %dma_start3A_231 = tpu.memref_slice %arg4[%add3A_225] : memref<327680xf32, #tpu.memory_space<hbm>> -> memref<128xf32, #tpu.memory_space<hbm>>
        tpu.enqueue_dma source(%dma_start3A_231 : memref<128xf32, #tpu.memory_space<hbm>>) target(%dma_start3A_230 : memref<128xf32, #tpu.memory_space<vmem>>) target_semaphore(%arg17 : memref<!tpu.dma_semaphore, #tpu.memory_space<semaphore_mem>>)
      } else {
      }
      %dma_wait3A_198 = arith.constant 0 : i32
      %dma_wait3A_199 = tpu.memref_slice %arg8[%add3A_190, %dma_wait3A_198] : memref<20x128xi32, #tpu.memory_space<vmem>> -> memref<1x128xi32, #tpu.memory_space<vmem>>
      %dma_wait3A_200 = tpu.memref_squeeze %dma_wait3A_199 : memref<1x128xi32, #tpu.memory_space<vmem>> -> memref<128xi32, #tpu.memory_space<vmem>>
      %dma_wait3A_201 = arith.constant 0 : i32
      %dma_wait3A_202 = arith.constant 0 : i32
      %dma_wait3A_203 = tpu.memref_slice %arg5[%dma_wait3A_201, %dma_wait3A_202] : memref<10000x128xf32, #tpu.memory_space<hbm>> -> memref<10000x128xf32, #tpu.memory_space<hbm>>
      tpu.wait_indirect_dma semaphore(%arg16 : memref<!tpu.dma_semaphore, #tpu.memory_space<semaphore_mem>>) src(%dma_wait3A_203 : memref<10000x128xf32, #tpu.memory_space<hbm>>) dst(%arg11 : memref<128x128xf32, #tpu.memory_space<vmem>>)
      %mul3A_204 = arith.constant 128 : i32
      %mul3A_205 = arith.muli %add3A_190, %mul3A_204 : i32
      %add3A_206 = arith.addi %add3A_91, %mul3A_205 : i32
      %dma_wait3A_207 = arith.constant 0 : i32
      %dma_wait3A_208 = tpu.memref_slice %arg13[%dma_wait3A_207] : memref<144xf32, #tpu.memory_space<vmem>> -> memref<128xf32, #tpu.memory_space<vmem>>
      %dma_wait3A_209 = tpu.memref_slice %arg4[%add3A_206] : memref<327680xf32, #tpu.memory_space<hbm>> -> memref<128xf32, #tpu.memory_space<hbm>>
      %dma_wait3A_210 = arith.constant 0 : i32
      %dma_wait3A_211 = tpu.memref_slice %arg13[%dma_wait3A_210] : memref<144xf32, #tpu.memory_space<vmem>> -> memref<128xf32, #tpu.memory_space<vmem>>
      %dma_wait3A_212 = tpu.memref_slice %arg4[%add3A_206] : memref<327680xf32, #tpu.memory_space<hbm>> -> memref<128xf32, #tpu.memory_space<hbm>>
      tpu.wait_dma2 semaphore(%arg18 : memref<!tpu.dma_semaphore, #tpu.memory_space<semaphore_mem>>) src(%dma_wait3A_212 : memref<128xf32, #tpu.memory_space<hbm>>) dst(%dma_wait3A_211 : memref<128xf32, #tpu.memory_space<vmem>>)
      %parallel_loop3A_213 = arith.constant 0 : i32
      %parallel_loop3A_214 = arith.constant 128 : i32
      %parallel_loop3A_215 = arith.constant 1 : i32
      scf.for %parallel_loop3A_217 = %parallel_loop3A_213 to %parallel_loop3A_214 step %parallel_loop3A_215  : i32 {
        %parallel_loop3A_218 = arith.index_cast %parallel_loop3A_217 : i32 to index
        %parallel_loop3A_219 = tpu.vector_load %arg13[%parallel_loop3A_218] {strides = array<i32>} : memref<144xf32, #tpu.memory_space<vmem>>, vector<16xf32>,
        %parallel_loop3A_220 = vector.shape_cast %parallel_loop3A_219 : vector<16xf32> to vector<16xf32>
        %parallel_loop3A_221 = vector.extract_strided_slice %parallel_loop3A_220 {offsets = [0], sizes = [1], strides = [1]} : vector<16xf32> to vector<1xf32>
        %parallel_loop3A_222 = vector.extract %parallel_loop3A_221[0] : f32 from vector<1xf32>
        %parallel_loop3A_223 = arith.index_cast %parallel_loop3A_217 : i32 to index
        %parallel_loop3A_224 = arith.constant 0 : index
        %parallel_loop3A_225 = tpu.vector_load %arg11[%parallel_loop3A_223, %parallel_loop3A_224] {strides = array<i32>} : memref<128x128xf32, #tpu.memory_space<vmem>>, vector<1x16xf32>,
        %parallel_loop3A_226 = vector.shape_cast %parallel_loop3A_225 : vector<1x16xf32> to vector<16xf32>
        %parallel_loop3A_227 = vector.broadcast %parallel_loop3A_222 : f32 to vector<16xf32>
        %parallel_loop3A_228 = arith.mulf %parallel_loop3A_226, %parallel_loop3A_227 : vector<16xf32>
        %parallel_loop3A_229 = arith.index_cast %parallel_loop3A_217 : i32 to index
        %parallel_loop3A_230 = arith.constant 0 : index
        %parallel_loop3A_231 = tpu.vector_load %arg11[%parallel_loop3A_229, %parallel_loop3A_230] {strides = array<i32>} : memref<128x128xf32, #tpu.memory_space<vmem>>, vector<1x16xf32>,
        %parallel_loop3A_232 = vector.shape_cast %parallel_loop3A_231 : vector<1x16xf32> to vector<16xf32>
        %parallel_loop3A_233 = vector.shape_cast %parallel_loop3A_228 : vector<16xf32> to vector<1x16xf32>
        tpu.vector_store %arg11[%parallel_loop3A_229, %parallel_loop3A_230], %parallel_loop3A_233 {strides = array<i32>} : memref<128x128xf32, #tpu.memory_space<vmem>>, vector<1x16xf32>,
        %parallel_loop3A_234 = arith.index_cast %parallel_loop3A_217 : i32 to index
        %parallel_loop3A_235 = arith.constant 16 : index
        %parallel_loop3A_236 = tpu.vector_load %arg11[%parallel_loop3A_234, %parallel_loop3A_235] {strides = array<i32>} : memref<128x128xf32, #tpu.memory_space<vmem>>, vector<1x16xf32>,
        %parallel_loop3A_237 = vector.shape_cast %parallel_loop3A_236 : vector<1x16xf32> to vector<16xf32>
        %parallel_loop3A_238 = vector.broadcast %parallel_loop3A_222 : f32 to vector<16xf32>
        %parallel_loop3A_239 = arith.mulf %parallel_loop3A_237, %parallel_loop3A_238 : vector<16xf32>
        %parallel_loop3A_240 = arith.index_cast %parallel_loop3A_217 : i32 to index
        %parallel_loop3A_241 = arith.constant 16 : index
        %parallel_loop3A_242 = tpu.vector_load %arg11[%parallel_loop3A_240, %parallel_loop3A_241] {strides = array<i32>} : memref<128x128xf32, #tpu.memory_space<vmem>>, vector<1x16xf32>,
        %parallel_loop3A_243 = vector.shape_cast %parallel_loop3A_242 : vector<1x16xf32> to vector<16xf32>
        %parallel_loop3A_244 = vector.shape_cast %parallel_loop3A_239 : vector<16xf32> to vector<1x16xf32>
        tpu.vector_store %arg11[%parallel_loop3A_240, %parallel_loop3A_241], %parallel_loop3A_244 {strides = array<i32>} : memref<128x128xf32, #tpu.memory_space<vmem>>, vector<1x16xf32>,
        %parallel_loop3A_245 = arith.index_cast %parallel_loop3A_217 : i32 to index
        %parallel_loop3A_246 = arith.constant 32 : index
        %parallel_loop3A_247 = tpu.vector_load %arg11[%parallel_loop3A_245, %parallel_loop3A_246] {strides = array<i32>} : memref<128x128xf32, #tpu.memory_space<vmem>>, vector<1x16xf32>,
        %parallel_loop3A_248 = vector.shape_cast %parallel_loop3A_247 : vector<1x16xf32> to vector<16xf32>
        %parallel_loop3A_249 = vector.broadcast %parallel_loop3A_222 : f32 to vector<16xf32>
        %parallel_loop3A_250 = arith.mulf %parallel_loop3A_248, %parallel_loop3A_249 : vector<16xf32>
        %parallel_loop3A_251 = arith.index_cast %parallel_loop3A_217 : i32 to index
        %parallel_loop3A_252 = arith.constant 32 : index
        %parallel_loop3A_253 = tpu.vector_load %arg11[%parallel_loop3A_251, %parallel_loop3A_252] {strides = array<i32>} : memref<128x128xf32, #tpu.memory_space<vmem>>, vector<1x16xf32>,
        %parallel_loop3A_254 = vector.shape_cast %parallel_loop3A_253 : vector<1x16xf32> to vector<16xf32>
        %parallel_loop3A_255 = vector.shape_cast %parallel_loop3A_250 : vector<16xf32> to vector<1x16xf32>
        tpu.vector_store %arg11[%parallel_loop3A_251, %parallel_loop3A_252], %parallel_loop3A_255 {strides = array<i32>} : memref<128x128xf32, #tpu.memory_space<vmem>>, vector<1x16xf32>,
        %parallel_loop3A_256 = arith.index_cast %parallel_loop3A_217 : i32 to index
        %parallel_loop3A_257 = arith.constant 48 : index
        %parallel_loop3A_258 = tpu.vector_load %arg11[%parallel_loop3A_256, %parallel_loop3A_257] {strides = array<i32>} : memref<128x128xf32, #tpu.memory_space<vmem>>, vector<1x16xf32>,
        %parallel_loop3A_259 = vector.shape_cast %parallel_loop3A_258 : vector<1x16xf32> to vector<16xf32>
        %parallel_loop3A_260 = vector.broadcast %parallel_loop3A_222 : f32 to vector<16xf32>
        %parallel_loop3A_261 = arith.mulf %parallel_loop3A_259, %parallel_loop3A_260 : vector<16xf32>
        %parallel_loop3A_262 = arith.index_cast %parallel_loop3A_217 : i32 to index
        %parallel_loop3A_263 = arith.constant 48 : index
        %parallel_loop3A_264 = tpu.vector_load %arg11[%parallel_loop3A_262, %parallel_loop3A_263] {strides = array<i32>} : memref<128x128xf32, #tpu.memory_space<vmem>>, vector<1x16xf32>,
        %parallel_loop3A_265 = vector.shape_cast %parallel_loop3A_264 : vector<1x16xf32> to vector<16xf32>
        %parallel_loop3A_266 = vector.shape_cast %parallel_loop3A_261 : vector<16xf32> to vector<1x16xf32>
        tpu.vector_store %arg11[%parallel_loop3A_262, %parallel_loop3A_263], %parallel_loop3A_266 {strides = array<i32>} : memref<128x128xf32, #tpu.memory_space<vmem>>, vector<1x16xf32>,
        %parallel_loop3A_267 = arith.index_cast %parallel_loop3A_217 : i32 to index
        %parallel_loop3A_268 = arith.constant 64 : index
        %parallel_loop3A_269 = tpu.vector_load %arg11[%parallel_loop3A_267, %parallel_loop3A_268] {strides = array<i32>} : memref<128x128xf32, #tpu.memory_space<vmem>>, vector<1x16xf32>,
        %parallel_loop3A_270 = vector.shape_cast %parallel_loop3A_269 : vector<1x16xf32> to vector<16xf32>
        %parallel_loop3A_271 = vector.broadcast %parallel_loop3A_222 : f32 to vector<16xf32>
        %parallel_loop3A_272 = arith.mulf %parallel_loop3A_270, %parallel_loop3A_271 : vector<16xf32>
        %parallel_loop3A_273 = arith.index_cast %parallel_loop3A_217 : i32 to index
        %parallel_loop3A_274 = arith.constant 64 : index
        %parallel_loop3A_275 = tpu.vector_load %arg11[%parallel_loop3A_273, %parallel_loop3A_274] {strides = array<i32>} : memref<128x128xf32, #tpu.memory_space<vmem>>, vector<1x16xf32>,
        %parallel_loop3A_276 = vector.shape_cast %parallel_loop3A_275 : vector<1x16xf32> to vector<16xf32>
        %parallel_loop3A_277 = vector.shape_cast %parallel_loop3A_272 : vector<16xf32> to vector<1x16xf32>
        tpu.vector_store %arg11[%parallel_loop3A_273, %parallel_loop3A_274], %parallel_loop3A_277 {strides = array<i32>} : memref<128x128xf32, #tpu.memory_space<vmem>>, vector<1x16xf32>,
        %parallel_loop3A_278 = arith.index_cast %parallel_loop3A_217 : i32 to index
        %parallel_loop3A_279 = arith.constant 80 : index
        %parallel_loop3A_280 = tpu.vector_load %arg11[%parallel_loop3A_278, %parallel_loop3A_279] {strides = array<i32>} : memref<128x128xf32, #tpu.memory_space<vmem>>, vector<1x16xf32>,
        %parallel_loop3A_281 = vector.shape_cast %parallel_loop3A_280 : vector<1x16xf32> to vector<16xf32>
        %parallel_loop3A_282 = vector.broadcast %parallel_loop3A_222 : f32 to vector<16xf32>
        %parallel_loop3A_283 = arith.mulf %parallel_loop3A_281, %parallel_loop3A_282 : vector<16xf32>
        %parallel_loop3A_284 = arith.index_cast %parallel_loop3A_217 : i32 to index
        %parallel_loop3A_285 = arith.constant 80 : index
        %parallel_loop3A_286 = tpu.vector_load %arg11[%parallel_loop3A_284, %parallel_loop3A_285] {strides = array<i32>} : memref<128x128xf32, #tpu.memory_space<vmem>>, vector<1x16xf32>,
        %parallel_loop3A_287 = vector.shape_cast %parallel_loop3A_286 : vector<1x16xf32> to vector<16xf32>
        %parallel_loop3A_288 = vector.shape_cast %parallel_loop3A_283 : vector<16xf32> to vector<1x16xf32>
        tpu.vector_store %arg11[%parallel_loop3A_284, %parallel_loop3A_285], %parallel_loop3A_288 {strides = array<i32>} : memref<128x128xf32, #tpu.memory_space<vmem>>, vector<1x16xf32>,
        %parallel_loop3A_289 = arith.index_cast %parallel_loop3A_217 : i32 to index
        %parallel_loop3A_290 = arith.constant 96 : index
        %parallel_loop3A_291 = tpu.vector_load %arg11[%parallel_loop3A_289, %parallel_loop3A_290] {strides = array<i32>} : memref<128x128xf32, #tpu.memory_space<vmem>>, vector<1x16xf32>,
        %parallel_loop3A_292 = vector.shape_cast %parallel_loop3A_291 : vector<1x16xf32> to vector<16xf32>
        %parallel_loop3A_293 = vector.broadcast %parallel_loop3A_222 : f32 to vector<16xf32>
        %parallel_loop3A_294 = arith.mulf %parallel_loop3A_292, %parallel_loop3A_293 : vector<16xf32>
        %parallel_loop3A_295 = arith.index_cast %parallel_loop3A_217 : i32 to index
        %parallel_loop3A_296 = arith.constant 96 : index
        %parallel_loop3A_297 = tpu.vector_load %arg11[%parallel_loop3A_295, %parallel_loop3A_296] {strides = array<i32>} : memref<128x128xf32, #tpu.memory_space<vmem>>, vector<1x16xf32>,
        %parallel_loop3A_298 = vector.shape_cast %parallel_loop3A_297 : vector<1x16xf32> to vector<16xf32>
        %parallel_loop3A_299 = vector.shape_cast %parallel_loop3A_294 : vector<16xf32> to vector<1x16xf32>
        tpu.vector_store %arg11[%parallel_loop3A_295, %parallel_loop3A_296], %parallel_loop3A_299 {strides = array<i32>} : memref<128x128xf32, #tpu.memory_space<vmem>>, vector<1x16xf32>,
        %parallel_loop3A_300 = arith.index_cast %parallel_loop3A_217 : i32 to index
        %parallel_loop3A_301 = arith.constant 112 : index
        %parallel_loop3A_302 = tpu.vector_load %arg11[%parallel_loop3A_300, %parallel_loop3A_301] {strides = array<i32>} : memref<128x128xf32, #tpu.memory_space<vmem>>, vector<1x16xf32>,
        %parallel_loop3A_303 = vector.shape_cast %parallel_loop3A_302 : vector<1x16xf32> to vector<16xf32>
        %parallel_loop3A_304 = vector.broadcast %parallel_loop3A_222 : f32 to vector<16xf32>
        %parallel_loop3A_305 = arith.mulf %parallel_loop3A_303, %parallel_loop3A_304 : vector<16xf32>
        %parallel_loop3A_306 = arith.index_cast %parallel_loop3A_217 : i32 to index
        %parallel_loop3A_307 = arith.constant 112 : index
        %parallel_loop3A_308 = tpu.vector_load %arg11[%parallel_loop3A_306, %parallel_loop3A_307] {strides = array<i32>} : memref<128x128xf32, #tpu.memory_space<vmem>>, vector<1x16xf32>,
        %parallel_loop3A_309 = vector.shape_cast %parallel_loop3A_308 : vector<1x16xf32> to vector<16xf32>
        %parallel_loop3A_310 = vector.shape_cast %parallel_loop3A_305 : vector<16xf32> to vector<1x16xf32>
        tpu.vector_store %arg11[%parallel_loop3A_306, %parallel_loop3A_307], %parallel_loop3A_310 {strides = array<i32>} : memref<128x128xf32, #tpu.memory_space<vmem>>, vector<1x16xf32>,
      } {sc.loop_unroll_factor = 4 : i64, sc.parallel_access}
      "tpu.region"() ({
        %run_scoped3A = tpu.sem_alloc : memref<!tpu.dma_semaphore, #tpu.memory_space<semaphore_mem>>
        %dma_start3A_217 = arith.constant 0 : i32
        %dma_start3A_218 = tpu.memref_slice %arg9[%add3A_190, %dma_start3A_217] : memref<20x128xi32, #tpu.memory_space<vmem>> -> memref<1x128xi32, #tpu.memory_space<vmem>>
        %dma_start3A_219 = tpu.memref_squeeze %dma_start3A_218 : memref<1x128xi32, #tpu.memory_space<vmem>> -> memref<128xi32, #tpu.memory_space<vmem>>
        %dma_start3A_220 = arith.constant 0 : i32
        %dma_start3A_221 = arith.constant 0 : i32
        %dma_start3A_222 = tpu.memref_slice %arg14[%dma_start3A_220, %dma_start3A_221] : memref<10240x128xf32, #tpu.memory_space<vmem_shared>> -> memref<10240x128xf32, #tpu.memory_space<vmem_shared>>
        tpu.enqueue_indirect_dma source(%arg11 : memref<128x128xf32, #tpu.memory_space<vmem>>) target(%dma_start3A_222 : memref<10240x128xf32, #tpu.memory_space<vmem_shared>>) offsets(%dma_start3A_219 : memref<128xi32, #tpu.memory_space<vmem>>) semaphore(%run_scoped3A : memref<!tpu.dma_semaphore, #tpu.memory_space<semaphore_mem>>) {add = true}
        %dma_wait3A_223 = arith.constant 0 : i32
        %dma_wait3A_224 = tpu.memref_slice %arg9[%add3A_190, %dma_wait3A_223] : memref<20x128xi32, #tpu.memory_space<vmem>> -> memref<1x128xi32, #tpu.memory_space<vmem>>
        %dma_wait3A_225 = tpu.memref_squeeze %dma_wait3A_224 : memref<1x128xi32, #tpu.memory_space<vmem>> -> memref<128xi32, #tpu.memory_space<vmem>>
        %dma_wait3A_226 = arith.constant 0 : i32
        %dma_wait3A_227 = arith.constant 0 : i32
        %dma_wait3A_228 = tpu.memref_slice %arg14[%dma_wait3A_226, %dma_wait3A_227] : memref<10240x128xf32, #tpu.memory_space<vmem_shared>> -> memref<10240x128xf32, #tpu.memory_space<vmem_shared>>
        tpu.wait_indirect_dma semaphore(%run_scoped3A : memref<!tpu.dma_semaphore, #tpu.memory_space<semaphore_mem>>) src(%arg11 : memref<128x128xf32, #tpu.memory_space<vmem>>) dst(%dma_wait3A_228 : memref<10240x128xf32, #tpu.memory_space<vmem_shared>>)
        tpu.yield
      }) : () -> ()
      %scan3A_216 = arith.constant 0 : i32
      scf.yield %scan3A_216 : i32
    }
    %scan3A_119 = arith.constant 10 : i32
    %barrier3A_120 = arith.constant 0 : index
    tpu.barrier barrier_id(%barrier3A_120)
    "tpu.region"() ({
      %run_scoped3A = tpu.sem_alloc : memref<!tpu.dma_semaphore, #tpu.memory_space<semaphore_mem>>
      %dma_start3A_161 = arith.constant 0 : i32
      %dma_start3A_162 = tpu.memref_slice %arg6[%add3A_86, %mul3A_0, %dma_start3A_161] : memref<8x10240x128xf32, #tpu.memory_space<hbm>> -> memref<1x640x128xf32, #tpu.memory_space<hbm>>
      %dma_start3A_163 = tpu.memref_squeeze %dma_start3A_162 : memref<1x640x128xf32, #tpu.memory_space<hbm>> -> memref<640x128xf32, #tpu.memory_space<hbm>>
      %dma_start3A_164 = arith.constant 0 : i32
      %dma_start3A_165 = tpu.memref_slice %arg14[%mul3A_0, %dma_start3A_164] : memref<10240x128xf32, #tpu.memory_space<vmem_shared>> -> memref<640x128xf32, #tpu.memory_space<vmem_shared>>
      tpu.enqueue_dma source(%dma_start3A_165 : memref<640x128xf32, #tpu.memory_space<vmem_shared>>) target(%dma_start3A_163 : memref<640x128xf32, #tpu.memory_space<hbm>>) target_semaphore(%run_scoped3A : memref<!tpu.dma_semaphore, #tpu.memory_space<semaphore_mem>>)
      %dma_wait3A = arith.constant 0 : i32
      %dma_wait3A_166 = tpu.memref_slice %arg6[%add3A_86, %mul3A_0, %dma_wait3A] : memref<8x10240x128xf32, #tpu.memory_space<hbm>> -> memref<1x640x128xf32, #tpu.memory_space<hbm>>
      %dma_wait3A_167 = tpu.memref_squeeze %dma_wait3A_166 : memref<1x640x128xf32, #tpu.memory_space<hbm>> -> memref<640x128xf32, #tpu.memory_space<hbm>>
      %dma_wait3A_168 = arith.constant 0 : i32
      %dma_wait3A_169 = tpu.memref_slice %arg14[%mul3A_0, %dma_wait3A_168] : memref<10240x128xf32, #tpu.memory_space<vmem_shared>> -> memref<640x128xf32, #tpu.memory_space<vmem_shared>>
      tpu.wait_dma2 semaphore(%run_scoped3A : memref<!tpu.dma_semaphore, #tpu.memory_space<semaphore_mem>>) src(%dma_wait3A_169 : memref<640x128xf32, #tpu.memory_space<vmem_shared>>) dst(%dma_wait3A_167 : memref<640x128xf32, #tpu.memory_space<hbm>>)
      tpu.yield
    }) : () -> ()
    %barrier3A_121 = arith.constant 0 : index
    tpu.barrier barrier_id(%barrier3A_121)
    %mul3A_122 = arith.constant 4 : i32
    %mul3A_123 = arith.muli %arg0, %mul3A_122 : i32
    %add3A_124 = arith.constant 3 : i32
    %add3A_125 = arith.addi %mul3A_123, %add3A_124 : i32
    %mul3A_126 = arith.constant 40960 : i32
    %mul3A_127 = arith.muli %add3A_125, %mul3A_126 : i32
    %mul3A_128 = arith.constant 2560 : i32
    %mul3A_129 = arith.muli %arg1, %mul3A_128 : i32
    %add3A_130 = arith.addi %mul3A_127, %mul3A_129 : i32
    %scan3A_131 = arith.constant 0 : i32
    %scan3A_132 = arith.constant 0 : i32
    %scan3A_133 = arith.constant 40 : i32
    %scan3A_134 = arith.addi %scan3A_132, %scan3A_133 : i32
    %scan3A_135 = arith.constant 1 : i32
    %scan3A_136 = scf.for %scan3A_161 = %scan3A_132 to %scan3A_134 step %scan3A_135 iter_args(%scan3A_162 = %scan3A_131) -> (i32)  : i32 {
      %mul3A_163 = arith.constant 16 : i32
      %mul3A_164 = arith.muli %scan3A_161, %mul3A_163 : i32
      %add3A_165 = arith.addi %mul3A_0, %mul3A_164 : i32
      "tpu.region"() ({
        %run_scoped3A = tpu.sem_alloc : memref<!tpu.dma_semaphore, #tpu.memory_space<semaphore_mem>>
        %dma_start3A_167 = arith.constant 0 : i32
        %dma_start3A_168 = tpu.memref_slice %arg14[%add3A_165, %dma_start3A_167] : memref<10240x128xf32, #tpu.memory_space<vmem_shared>> -> memref<16x128xf32, #tpu.memory_space<vmem_shared>>
        %dma_start3A_169 = arith.constant 0 : i32
        %dma_start3A_170 = tpu.memref_slice %arg14[%add3A_165, %dma_start3A_169] : memref<10240x128xf32, #tpu.memory_space<vmem_shared>> -> memref<16x128xf32, #tpu.memory_space<vmem_shared>>
        tpu.enqueue_dma source(%arg7 : memref<16x128xf32, #tpu.memory_space<vmem>>) target(%dma_start3A_170 : memref<16x128xf32, #tpu.memory_space<vmem_shared>>) target_semaphore(%run_scoped3A : memref<!tpu.dma_semaphore, #tpu.memory_space<semaphore_mem>>)
        %dma_wait3A = arith.constant 0 : i32
        %dma_wait3A_171 = tpu.memref_slice %arg14[%add3A_165, %dma_wait3A] : memref<10240x128xf32, #tpu.memory_space<vmem_shared>> -> memref<16x128xf32, #tpu.memory_space<vmem_shared>>
        %dma_wait3A_172 = arith.constant 0 : i32
        %dma_wait3A_173 = tpu.memref_slice %arg14[%add3A_165, %dma_wait3A_172] : memref<10240x128xf32, #tpu.memory_space<vmem_shared>> -> memref<16x128xf32, #tpu.memory_space<vmem_shared>>
        tpu.wait_dma2 semaphore(%run_scoped3A : memref<!tpu.dma_semaphore, #tpu.memory_space<semaphore_mem>>) src(%arg7 : memref<16x128xf32, #tpu.memory_space<vmem>>) dst(%dma_wait3A_173 : memref<16x128xf32, #tpu.memory_space<vmem_shared>>)
        tpu.yield
      }) : () -> ()
      %scan3A_166 = arith.constant 0 : i32
      scf.yield %scan3A_166 : i32
    }
    %scan3A_137 = arith.constant 40 : i32
    "tpu.region"() ({
      %run_scoped3A = tpu.sem_alloc : memref<!tpu.dma_semaphore, #tpu.memory_space<semaphore_mem>>
      %dma_start3A_161 = arith.constant 0 : i32
      %dma_start3A_162 = arith.constant 0 : i32
      %dma_start3A_163 = tpu.memref_slice %arg2[%add3A_125, %arg1, %dma_start3A_161, %dma_start3A_162] : memref<8x16x20x128xi32, #tpu.memory_space<hbm>> -> memref<1x1x20x128xi32, #tpu.memory_space<hbm>>
      %dma_start3A_164 = tpu.memref_squeeze %dma_start3A_163 : memref<1x1x20x128xi32, #tpu.memory_space<hbm>> -> memref<20x128xi32, #tpu.memory_space<hbm>>
      %dma_start3A_165 = arith.constant 0 : i32
      %dma_start3A_166 = arith.constant 0 : i32
      %dma_start3A_167 = tpu.memref_slice %arg2[%add3A_125, %arg1, %dma_start3A_165, %dma_start3A_166] : memref<8x16x20x128xi32, #tpu.memory_space<hbm>> -> memref<1x1x20x128xi32, #tpu.memory_space<hbm>>
      %dma_start3A_168 = tpu.memref_squeeze %dma_start3A_167 : memref<1x1x20x128xi32, #tpu.memory_space<hbm>> -> memref<20x128xi32, #tpu.memory_space<hbm>>
      tpu.enqueue_dma source(%dma_start3A_168 : memref<20x128xi32, #tpu.memory_space<hbm>>) target(%arg8 : memref<20x128xi32, #tpu.memory_space<vmem>>) target_semaphore(%run_scoped3A : memref<!tpu.dma_semaphore, #tpu.memory_space<semaphore_mem>>)
      %dma_wait3A = arith.constant 0 : i32
      %dma_wait3A_169 = arith.constant 0 : i32
      %dma_wait3A_170 = tpu.memref_slice %arg2[%add3A_125, %arg1, %dma_wait3A, %dma_wait3A_169] : memref<8x16x20x128xi32, #tpu.memory_space<hbm>> -> memref<1x1x20x128xi32, #tpu.memory_space<hbm>>
      %dma_wait3A_171 = tpu.memref_squeeze %dma_wait3A_170 : memref<1x1x20x128xi32, #tpu.memory_space<hbm>> -> memref<20x128xi32, #tpu.memory_space<hbm>>
      %dma_wait3A_172 = arith.constant 0 : i32
      %dma_wait3A_173 = arith.constant 0 : i32
      %dma_wait3A_174 = tpu.memref_slice %arg2[%add3A_125, %arg1, %dma_wait3A_172, %dma_wait3A_173] : memref<8x16x20x128xi32, #tpu.memory_space<hbm>> -> memref<1x1x20x128xi32, #tpu.memory_space<hbm>>
      %dma_wait3A_175 = tpu.memref_squeeze %dma_wait3A_174 : memref<1x1x20x128xi32, #tpu.memory_space<hbm>> -> memref<20x128xi32, #tpu.memory_space<hbm>>
      tpu.wait_dma2 semaphore(%run_scoped3A : memref<!tpu.dma_semaphore, #tpu.memory_space<semaphore_mem>>) src(%dma_wait3A_175 : memref<20x128xi32, #tpu.memory_space<hbm>>) dst(%arg8 : memref<20x128xi32, #tpu.memory_space<vmem>>)
      tpu.yield
    }) : () -> ()
    "tpu.region"() ({
      %run_scoped3A = tpu.sem_alloc : memref<!tpu.dma_semaphore, #tpu.memory_space<semaphore_mem>>
      %dma_start3A_161 = arith.constant 0 : i32
      %dma_start3A_162 = arith.constant 0 : i32
      %dma_start3A_163 = tpu.memref_slice %arg3[%add3A_125, %arg1, %dma_start3A_161, %dma_start3A_162] : memref<8x16x20x128xi32, #tpu.memory_space<hbm>> -> memref<1x1x20x128xi32, #tpu.memory_space<hbm>>
      %dma_start3A_164 = tpu.memref_squeeze %dma_start3A_163 : memref<1x1x20x128xi32, #tpu.memory_space<hbm>> -> memref<20x128xi32, #tpu.memory_space<hbm>>
      %dma_start3A_165 = arith.constant 0 : i32
      %dma_start3A_166 = arith.constant 0 : i32
      %dma_start3A_167 = tpu.memref_slice %arg3[%add3A_125, %arg1, %dma_start3A_165, %dma_start3A_166] : memref<8x16x20x128xi32, #tpu.memory_space<hbm>> -> memref<1x1x20x128xi32, #tpu.memory_space<hbm>>
      %dma_start3A_168 = tpu.memref_squeeze %dma_start3A_167 : memref<1x1x20x128xi32, #tpu.memory_space<hbm>> -> memref<20x128xi32, #tpu.memory_space<hbm>>
      tpu.enqueue_dma source(%dma_start3A_168 : memref<20x128xi32, #tpu.memory_space<hbm>>) target(%arg9 : memref<20x128xi32, #tpu.memory_space<vmem>>) target_semaphore(%run_scoped3A : memref<!tpu.dma_semaphore, #tpu.memory_space<semaphore_mem>>)
      %dma_wait3A = arith.constant 0 : i32
      %dma_wait3A_169 = arith.constant 0 : i32
      %dma_wait3A_170 = tpu.memref_slice %arg3[%add3A_125, %arg1, %dma_wait3A, %dma_wait3A_169] : memref<8x16x20x128xi32, #tpu.memory_space<hbm>> -> memref<1x1x20x128xi32, #tpu.memory_space<hbm>>
      %dma_wait3A_171 = tpu.memref_squeeze %dma_wait3A_170 : memref<1x1x20x128xi32, #tpu.memory_space<hbm>> -> memref<20x128xi32, #tpu.memory_space<hbm>>
      %dma_wait3A_172 = arith.constant 0 : i32
      %dma_wait3A_173 = arith.constant 0 : i32
      %dma_wait3A_174 = tpu.memref_slice %arg3[%add3A_125, %arg1, %dma_wait3A_172, %dma_wait3A_173] : memref<8x16x20x128xi32, #tpu.memory_space<hbm>> -> memref<1x1x20x128xi32, #tpu.memory_space<hbm>>
      %dma_wait3A_175 = tpu.memref_squeeze %dma_wait3A_174 : memref<1x1x20x128xi32, #tpu.memory_space<hbm>> -> memref<20x128xi32, #tpu.memory_space<hbm>>
      tpu.wait_dma2 semaphore(%run_scoped3A : memref<!tpu.dma_semaphore, #tpu.memory_space<semaphore_mem>>) src(%dma_wait3A_175 : memref<20x128xi32, #tpu.memory_space<hbm>>) dst(%arg9 : memref<20x128xi32, #tpu.memory_space<vmem>>)
      tpu.yield
    }) : () -> ()
    %barrier3A_138 = arith.constant 0 : index
    tpu.barrier barrier_id(%barrier3A_138)
    %dma_start3A_139 = arith.constant 0 : i32
    %dma_start3A_140 = arith.constant 0 : i32
    %dma_start3A_141 = tpu.memref_slice %arg8[%dma_start3A_139, %dma_start3A_140] : memref<20x128xi32, #tpu.memory_space<vmem>> -> memref<1x128xi32, #tpu.memory_space<vmem>>
    %dma_start3A_142 = tpu.memref_squeeze %dma_start3A_141 : memref<1x128xi32, #tpu.memory_space<vmem>> -> memref<128xi32, #tpu.memory_space<vmem>>
    %dma_start3A_143 = arith.constant 0 : i32
    %dma_start3A_144 = arith.constant 0 : i32
    %dma_start3A_145 = tpu.memref_slice %arg5[%dma_start3A_143, %dma_start3A_144] : memref<10000x128xf32, #tpu.memory_space<hbm>> -> memref<10000x128xf32, #tpu.memory_space<hbm>>
    tpu.enqueue_indirect_dma source(%dma_start3A_145 : memref<10000x128xf32, #tpu.memory_space<hbm>>) target(%arg10 : memref<128x128xf32, #tpu.memory_space<vmem>>) offsets(%dma_start3A_142 : memref<128xi32, #tpu.memory_space<vmem>>) semaphore(%arg15 : memref<!tpu.dma_semaphore, #tpu.memory_space<semaphore_mem>>)
    %dma_start3A_146 = arith.constant 0 : i32
    %dma_start3A_147 = tpu.memref_slice %arg12[%dma_start3A_146] : memref<144xf32, #tpu.memory_space<vmem>> -> memref<128xf32, #tpu.memory_space<vmem>>
    %dma_start3A_148 = tpu.memref_slice %arg4[%add3A_130] : memref<327680xf32, #tpu.memory_space<hbm>> -> memref<128xf32, #tpu.memory_space<hbm>>
    %dma_start3A_149 = arith.constant 0 : i32
    %dma_start3A_150 = tpu.memref_slice %arg12[%dma_start3A_149] : memref<144xf32, #tpu.memory_space<vmem>> -> memref<128xf32, #tpu.memory_space<vmem>>
    %dma_start3A_151 = tpu.memref_slice %arg4[%add3A_130] : memref<327680xf32, #tpu.memory_space<hbm>> -> memref<128xf32, #tpu.memory_space<hbm>>
    tpu.enqueue_dma source(%dma_start3A_151 : memref<128xf32, #tpu.memory_space<hbm>>) target(%dma_start3A_150 : memref<128xf32, #tpu.memory_space<vmem>>) target_semaphore(%arg17 : memref<!tpu.dma_semaphore, #tpu.memory_space<semaphore_mem>>)
    %scan3A_152 = arith.constant 0 : i32
    %scan3A_153 = arith.constant 0 : i32
    %scan3A_154 = arith.constant 10 : i32
    %scan3A_155 = arith.addi %scan3A_153, %scan3A_154 : i32
    %scan3A_156 = arith.constant 1 : i32
    %scan3A_157 = scf.for %scan3A_161 = %scan3A_153 to %scan3A_155 step %scan3A_156 iter_args(%scan3A_162 = %scan3A_152) -> (i32)  : i32 {
      %mul3A_163 = arith.constant 2 : i32
      %mul3A_164 = arith.muli %mul3A_163, %scan3A_161 : i32
      %add3A_165 = arith.constant 0 : i32
      %add3A_166 = arith.addi %mul3A_164, %add3A_165 : i32
      %add3A_167 = arith.constant 1 : i32
      %add3A_168 = arith.addi %add3A_166, %add3A_167 : i32
      %lt3A = arith.constant 20 : i32
      %lt3A_169 = arith.cmpi slt, %add3A_168, %lt3A : i32
      %convert_element_type3A = arith.extui %lt3A_169 : i1 to i32
      %cond3A = arith.constant 0 : i32
      %cond3A_170 = arith.cmpi ne, %convert_element_type3A, %cond3A : i32
      scf.if %cond3A_170 {
        %dma_start3A_217 = arith.constant 0 : i32
        %dma_start3A_218 = tpu.memref_slice %arg8[%add3A_168, %dma_start3A_217] : memref<20x128xi32, #tpu.memory_space<vmem>> -> memref<1x128xi32, #tpu.memory_space<vmem>>
        %dma_start3A_219 = tpu.memref_squeeze %dma_start3A_218 : memref<1x128xi32, #tpu.memory_space<vmem>> -> memref<128xi32, #tpu.memory_space<vmem>>
        %dma_start3A_220 = arith.constant 0 : i32
        %dma_start3A_221 = arith.constant 0 : i32
        %dma_start3A_222 = tpu.memref_slice %arg5[%dma_start3A_220, %dma_start3A_221] : memref<10000x128xf32, #tpu.memory_space<hbm>> -> memref<10000x128xf32, #tpu.memory_space<hbm>>
        tpu.enqueue_indirect_dma source(%dma_start3A_222 : memref<10000x128xf32, #tpu.memory_space<hbm>>) target(%arg11 : memref<128x128xf32, #tpu.memory_space<vmem>>) offsets(%dma_start3A_219 : memref<128xi32, #tpu.memory_space<vmem>>) semaphore(%arg16 : memref<!tpu.dma_semaphore, #tpu.memory_space<semaphore_mem>>)
        %mul3A_223 = arith.constant 128 : i32
        %mul3A_224 = arith.muli %add3A_168, %mul3A_223 : i32
        %add3A_225 = arith.addi %add3A_130, %mul3A_224 : i32
        %dma_start3A_226 = arith.constant 0 : i32
        %dma_start3A_227 = tpu.memref_slice %arg13[%dma_start3A_226] : memref<144xf32, #tpu.memory_space<vmem>> -> memref<128xf32, #tpu.memory_space<vmem>>
        %dma_start3A_228 = tpu.memref_slice %arg4[%add3A_225] : memref<327680xf32, #tpu.memory_space<hbm>> -> memref<128xf32, #tpu.memory_space<hbm>>
        %dma_start3A_229 = arith.constant 0 : i32
        %dma_start3A_230 = tpu.memref_slice %arg13[%dma_start3A_229] : memref<144xf32, #tpu.memory_space<vmem>> -> memref<128xf32, #tpu.memory_space<vmem>>
        %dma_start3A_231 = tpu.memref_slice %arg4[%add3A_225] : memref<327680xf32, #tpu.memory_space<hbm>> -> memref<128xf32, #tpu.memory_space<hbm>>
        tpu.enqueue_dma source(%dma_start3A_231 : memref<128xf32, #tpu.memory_space<hbm>>) target(%dma_start3A_230 : memref<128xf32, #tpu.memory_space<vmem>>) target_semaphore(%arg18 : memref<!tpu.dma_semaphore, #tpu.memory_space<semaphore_mem>>)
      } else {
      }
      %dma_wait3A = arith.constant 0 : i32
      %dma_wait3A_171 = tpu.memref_slice %arg8[%add3A_166, %dma_wait3A] : memref<20x128xi32, #tpu.memory_space<vmem>> -> memref<1x128xi32, #tpu.memory_space<vmem>>
      %dma_wait3A_172 = tpu.memref_squeeze %dma_wait3A_171 : memref<1x128xi32, #tpu.memory_space<vmem>> -> memref<128xi32, #tpu.memory_space<vmem>>
      %dma_wait3A_173 = arith.constant 0 : i32
      %dma_wait3A_174 = arith.constant 0 : i32
      %dma_wait3A_175 = tpu.memref_slice %arg5[%dma_wait3A_173, %dma_wait3A_174] : memref<10000x128xf32, #tpu.memory_space<hbm>> -> memref<10000x128xf32, #tpu.memory_space<hbm>>
      tpu.wait_indirect_dma semaphore(%arg15 : memref<!tpu.dma_semaphore, #tpu.memory_space<semaphore_mem>>) src(%dma_wait3A_175 : memref<10000x128xf32, #tpu.memory_space<hbm>>) dst(%arg10 : memref<128x128xf32, #tpu.memory_space<vmem>>)
      %mul3A_176 = arith.constant 128 : i32
      %mul3A_177 = arith.muli %add3A_166, %mul3A_176 : i32
      %add3A_178 = arith.addi %add3A_130, %mul3A_177 : i32
      %dma_wait3A_179 = arith.constant 0 : i32
      %dma_wait3A_180 = tpu.memref_slice %arg12[%dma_wait3A_179] : memref<144xf32, #tpu.memory_space<vmem>> -> memref<128xf32, #tpu.memory_space<vmem>>
      %dma_wait3A_181 = tpu.memref_slice %arg4[%add3A_178] : memref<327680xf32, #tpu.memory_space<hbm>> -> memref<128xf32, #tpu.memory_space<hbm>>
      %dma_wait3A_182 = arith.constant 0 : i32
      %dma_wait3A_183 = tpu.memref_slice %arg12[%dma_wait3A_182] : memref<144xf32, #tpu.memory_space<vmem>> -> memref<128xf32, #tpu.memory_space<vmem>>
      %dma_wait3A_184 = tpu.memref_slice %arg4[%add3A_178] : memref<327680xf32, #tpu.memory_space<hbm>> -> memref<128xf32, #tpu.memory_space<hbm>>
      tpu.wait_dma2 semaphore(%arg17 : memref<!tpu.dma_semaphore, #tpu.memory_space<semaphore_mem>>) src(%dma_wait3A_184 : memref<128xf32, #tpu.memory_space<hbm>>) dst(%dma_wait3A_183 : memref<128xf32, #tpu.memory_space<vmem>>)
      %parallel_loop3A = arith.constant 0 : i32
      %parallel_loop3A_185 = arith.constant 128 : i32
      %parallel_loop3A_186 = arith.constant 1 : i32
      scf.for %parallel_loop3A_217 = %parallel_loop3A to %parallel_loop3A_185 step %parallel_loop3A_186  : i32 {
        %parallel_loop3A_218 = arith.index_cast %parallel_loop3A_217 : i32 to index
        %parallel_loop3A_219 = tpu.vector_load %arg12[%parallel_loop3A_218] {strides = array<i32>} : memref<144xf32, #tpu.memory_space<vmem>>, vector<16xf32>,
        %parallel_loop3A_220 = vector.shape_cast %parallel_loop3A_219 : vector<16xf32> to vector<16xf32>
        %parallel_loop3A_221 = vector.extract_strided_slice %parallel_loop3A_220 {offsets = [0], sizes = [1], strides = [1]} : vector<16xf32> to vector<1xf32>
        %parallel_loop3A_222 = vector.extract %parallel_loop3A_221[0] : f32 from vector<1xf32>
        %parallel_loop3A_223 = arith.index_cast %parallel_loop3A_217 : i32 to index
        %parallel_loop3A_224 = arith.constant 0 : index
        %parallel_loop3A_225 = tpu.vector_load %arg10[%parallel_loop3A_223, %parallel_loop3A_224] {strides = array<i32>} : memref<128x128xf32, #tpu.memory_space<vmem>>, vector<1x16xf32>,
        %parallel_loop3A_226 = vector.shape_cast %parallel_loop3A_225 : vector<1x16xf32> to vector<16xf32>
        %parallel_loop3A_227 = vector.broadcast %parallel_loop3A_222 : f32 to vector<16xf32>
        %parallel_loop3A_228 = arith.mulf %parallel_loop3A_226, %parallel_loop3A_227 : vector<16xf32>
        %parallel_loop3A_229 = arith.index_cast %parallel_loop3A_217 : i32 to index
        %parallel_loop3A_230 = arith.constant 0 : index
        %parallel_loop3A_231 = tpu.vector_load %arg10[%parallel_loop3A_229, %parallel_loop3A_230] {strides = array<i32>} : memref<128x128xf32, #tpu.memory_space<vmem>>, vector<1x16xf32>,
        %parallel_loop3A_232 = vector.shape_cast %parallel_loop3A_231 : vector<1x16xf32> to vector<16xf32>
        %parallel_loop3A_233 = vector.shape_cast %parallel_loop3A_228 : vector<16xf32> to vector<1x16xf32>
        tpu.vector_store %arg10[%parallel_loop3A_229, %parallel_loop3A_230], %parallel_loop3A_233 {strides = array<i32>} : memref<128x128xf32, #tpu.memory_space<vmem>>, vector<1x16xf32>,
        %parallel_loop3A_234 = arith.index_cast %parallel_loop3A_217 : i32 to index
        %parallel_loop3A_235 = arith.constant 16 : index
        %parallel_loop3A_236 = tpu.vector_load %arg10[%parallel_loop3A_234, %parallel_loop3A_235] {strides = array<i32>} : memref<128x128xf32, #tpu.memory_space<vmem>>, vector<1x16xf32>,
        %parallel_loop3A_237 = vector.shape_cast %parallel_loop3A_236 : vector<1x16xf32> to vector<16xf32>
        %parallel_loop3A_238 = vector.broadcast %parallel_loop3A_222 : f32 to vector<16xf32>
        %parallel_loop3A_239 = arith.mulf %parallel_loop3A_237, %parallel_loop3A_238 : vector<16xf32>
        %parallel_loop3A_240 = arith.index_cast %parallel_loop3A_217 : i32 to index
        %parallel_loop3A_241 = arith.constant 16 : index
        %parallel_loop3A_242 = tpu.vector_load %arg10[%parallel_loop3A_240, %parallel_loop3A_241] {strides = array<i32>} : memref<128x128xf32, #tpu.memory_space<vmem>>, vector<1x16xf32>,
        %parallel_loop3A_243 = vector.shape_cast %parallel_loop3A_242 : vector<1x16xf32> to vector<16xf32>
        %parallel_loop3A_244 = vector.shape_cast %parallel_loop3A_239 : vector<16xf32> to vector<1x16xf32>
        tpu.vector_store %arg10[%parallel_loop3A_240, %parallel_loop3A_241], %parallel_loop3A_244 {strides = array<i32>} : memref<128x128xf32, #tpu.memory_space<vmem>>, vector<1x16xf32>,
        %parallel_loop3A_245 = arith.index_cast %parallel_loop3A_217 : i32 to index
        %parallel_loop3A_246 = arith.constant 32 : index
        %parallel_loop3A_247 = tpu.vector_load %arg10[%parallel_loop3A_245, %parallel_loop3A_246] {strides = array<i32>} : memref<128x128xf32, #tpu.memory_space<vmem>>, vector<1x16xf32>,
        %parallel_loop3A_248 = vector.shape_cast %parallel_loop3A_247 : vector<1x16xf32> to vector<16xf32>
        %parallel_loop3A_249 = vector.broadcast %parallel_loop3A_222 : f32 to vector<16xf32>
        %parallel_loop3A_250 = arith.mulf %parallel_loop3A_248, %parallel_loop3A_249 : vector<16xf32>
        %parallel_loop3A_251 = arith.index_cast %parallel_loop3A_217 : i32 to index
        %parallel_loop3A_252 = arith.constant 32 : index
        %parallel_loop3A_253 = tpu.vector_load %arg10[%parallel_loop3A_251, %parallel_loop3A_252] {strides = array<i32>} : memref<128x128xf32, #tpu.memory_space<vmem>>, vector<1x16xf32>,
        %parallel_loop3A_254 = vector.shape_cast %parallel_loop3A_253 : vector<1x16xf32> to vector<16xf32>
        %parallel_loop3A_255 = vector.shape_cast %parallel_loop3A_250 : vector<16xf32> to vector<1x16xf32>
        tpu.vector_store %arg10[%parallel_loop3A_251, %parallel_loop3A_252], %parallel_loop3A_255 {strides = array<i32>} : memref<128x128xf32, #tpu.memory_space<vmem>>, vector<1x16xf32>,
        %parallel_loop3A_256 = arith.index_cast %parallel_loop3A_217 : i32 to index
        %parallel_loop3A_257 = arith.constant 48 : index
        %parallel_loop3A_258 = tpu.vector_load %arg10[%parallel_loop3A_256, %parallel_loop3A_257] {strides = array<i32>} : memref<128x128xf32, #tpu.memory_space<vmem>>, vector<1x16xf32>,
        %parallel_loop3A_259 = vector.shape_cast %parallel_loop3A_258 : vector<1x16xf32> to vector<16xf32>
        %parallel_loop3A_260 = vector.broadcast %parallel_loop3A_222 : f32 to vector<16xf32>
        %parallel_loop3A_261 = arith.mulf %parallel_loop3A_259, %parallel_loop3A_260 : vector<16xf32>
        %parallel_loop3A_262 = arith.index_cast %parallel_loop3A_217 : i32 to index
        %parallel_loop3A_263 = arith.constant 48 : index
        %parallel_loop3A_264 = tpu.vector_load %arg10[%parallel_loop3A_262, %parallel_loop3A_263] {strides = array<i32>} : memref<128x128xf32, #tpu.memory_space<vmem>>, vector<1x16xf32>,
        %parallel_loop3A_265 = vector.shape_cast %parallel_loop3A_264 : vector<1x16xf32> to vector<16xf32>
        %parallel_loop3A_266 = vector.shape_cast %parallel_loop3A_261 : vector<16xf32> to vector<1x16xf32>
        tpu.vector_store %arg10[%parallel_loop3A_262, %parallel_loop3A_263], %parallel_loop3A_266 {strides = array<i32>} : memref<128x128xf32, #tpu.memory_space<vmem>>, vector<1x16xf32>,
        %parallel_loop3A_267 = arith.index_cast %parallel_loop3A_217 : i32 to index
        %parallel_loop3A_268 = arith.constant 64 : index
        %parallel_loop3A_269 = tpu.vector_load %arg10[%parallel_loop3A_267, %parallel_loop3A_268] {strides = array<i32>} : memref<128x128xf32, #tpu.memory_space<vmem>>, vector<1x16xf32>,
        %parallel_loop3A_270 = vector.shape_cast %parallel_loop3A_269 : vector<1x16xf32> to vector<16xf32>
        %parallel_loop3A_271 = vector.broadcast %parallel_loop3A_222 : f32 to vector<16xf32>
        %parallel_loop3A_272 = arith.mulf %parallel_loop3A_270, %parallel_loop3A_271 : vector<16xf32>
        %parallel_loop3A_273 = arith.index_cast %parallel_loop3A_217 : i32 to index
        %parallel_loop3A_274 = arith.constant 64 : index
        %parallel_loop3A_275 = tpu.vector_load %arg10[%parallel_loop3A_273, %parallel_loop3A_274] {strides = array<i32>} : memref<128x128xf32, #tpu.memory_space<vmem>>, vector<1x16xf32>,
        %parallel_loop3A_276 = vector.shape_cast %parallel_loop3A_275 : vector<1x16xf32> to vector<16xf32>
        %parallel_loop3A_277 = vector.shape_cast %parallel_loop3A_272 : vector<16xf32> to vector<1x16xf32>
        tpu.vector_store %arg10[%parallel_loop3A_273, %parallel_loop3A_274], %parallel_loop3A_277 {strides = array<i32>} : memref<128x128xf32, #tpu.memory_space<vmem>>, vector<1x16xf32>,
        %parallel_loop3A_278 = arith.index_cast %parallel_loop3A_217 : i32 to index
        %parallel_loop3A_279 = arith.constant 80 : index
        %parallel_loop3A_280 = tpu.vector_load %arg10[%parallel_loop3A_278, %parallel_loop3A_279] {strides = array<i32>} : memref<128x128xf32, #tpu.memory_space<vmem>>, vector<1x16xf32>,
        %parallel_loop3A_281 = vector.shape_cast %parallel_loop3A_280 : vector<1x16xf32> to vector<16xf32>
        %parallel_loop3A_282 = vector.broadcast %parallel_loop3A_222 : f32 to vector<16xf32>
        %parallel_loop3A_283 = arith.mulf %parallel_loop3A_281, %parallel_loop3A_282 : vector<16xf32>
        %parallel_loop3A_284 = arith.index_cast %parallel_loop3A_217 : i32 to index
        %parallel_loop3A_285 = arith.constant 80 : index
        %parallel_loop3A_286 = tpu.vector_load %arg10[%parallel_loop3A_284, %parallel_loop3A_285] {strides = array<i32>} : memref<128x128xf32, #tpu.memory_space<vmem>>, vector<1x16xf32>,
        %parallel_loop3A_287 = vector.shape_cast %parallel_loop3A_286 : vector<1x16xf32> to vector<16xf32>
        %parallel_loop3A_288 = vector.shape_cast %parallel_loop3A_283 : vector<16xf32> to vector<1x16xf32>
        tpu.vector_store %arg10[%parallel_loop3A_284, %parallel_loop3A_285], %parallel_loop3A_288 {strides = array<i32>} : memref<128x128xf32, #tpu.memory_space<vmem>>, vector<1x16xf32>,
        %parallel_loop3A_289 = arith.index_cast %parallel_loop3A_217 : i32 to index
        %parallel_loop3A_290 = arith.constant 96 : index
        %parallel_loop3A_291 = tpu.vector_load %arg10[%parallel_loop3A_289, %parallel_loop3A_290] {strides = array<i32>} : memref<128x128xf32, #tpu.memory_space<vmem>>, vector<1x16xf32>,
        %parallel_loop3A_292 = vector.shape_cast %parallel_loop3A_291 : vector<1x16xf32> to vector<16xf32>
        %parallel_loop3A_293 = vector.broadcast %parallel_loop3A_222 : f32 to vector<16xf32>
        %parallel_loop3A_294 = arith.mulf %parallel_loop3A_292, %parallel_loop3A_293 : vector<16xf32>
        %parallel_loop3A_295 = arith.index_cast %parallel_loop3A_217 : i32 to index
        %parallel_loop3A_296 = arith.constant 96 : index
        %parallel_loop3A_297 = tpu.vector_load %arg10[%parallel_loop3A_295, %parallel_loop3A_296] {strides = array<i32>} : memref<128x128xf32, #tpu.memory_space<vmem>>, vector<1x16xf32>,
        %parallel_loop3A_298 = vector.shape_cast %parallel_loop3A_297 : vector<1x16xf32> to vector<16xf32>
        %parallel_loop3A_299 = vector.shape_cast %parallel_loop3A_294 : vector<16xf32> to vector<1x16xf32>
        tpu.vector_store %arg10[%parallel_loop3A_295, %parallel_loop3A_296], %parallel_loop3A_299 {strides = array<i32>} : memref<128x128xf32, #tpu.memory_space<vmem>>, vector<1x16xf32>,
        %parallel_loop3A_300 = arith.index_cast %parallel_loop3A_217 : i32 to index
        %parallel_loop3A_301 = arith.constant 112 : index
        %parallel_loop3A_302 = tpu.vector_load %arg10[%parallel_loop3A_300, %parallel_loop3A_301] {strides = array<i32>} : memref<128x128xf32, #tpu.memory_space<vmem>>, vector<1x16xf32>,
        %parallel_loop3A_303 = vector.shape_cast %parallel_loop3A_302 : vector<1x16xf32> to vector<16xf32>
        %parallel_loop3A_304 = vector.broadcast %parallel_loop3A_222 : f32 to vector<16xf32>
        %parallel_loop3A_305 = arith.mulf %parallel_loop3A_303, %parallel_loop3A_304 : vector<16xf32>
        %parallel_loop3A_306 = arith.index_cast %parallel_loop3A_217 : i32 to index
        %parallel_loop3A_307 = arith.constant 112 : index
        %parallel_loop3A_308 = tpu.vector_load %arg10[%parallel_loop3A_306, %parallel_loop3A_307] {strides = array<i32>} : memref<128x128xf32, #tpu.memory_space<vmem>>, vector<1x16xf32>,
        %parallel_loop3A_309 = vector.shape_cast %parallel_loop3A_308 : vector<1x16xf32> to vector<16xf32>
        %parallel_loop3A_310 = vector.shape_cast %parallel_loop3A_305 : vector<16xf32> to vector<1x16xf32>
        tpu.vector_store %arg10[%parallel_loop3A_306, %parallel_loop3A_307], %parallel_loop3A_310 {strides = array<i32>} : memref<128x128xf32, #tpu.memory_space<vmem>>, vector<1x16xf32>,
      } {sc.loop_unroll_factor = 4 : i64, sc.parallel_access}
      "tpu.region"() ({
        %run_scoped3A = tpu.sem_alloc : memref<!tpu.dma_semaphore, #tpu.memory_space<semaphore_mem>>
        %dma_start3A_217 = arith.constant 0 : i32
        %dma_start3A_218 = tpu.memref_slice %arg9[%add3A_166, %dma_start3A_217] : memref<20x128xi32, #tpu.memory_space<vmem>> -> memref<1x128xi32, #tpu.memory_space<vmem>>
        %dma_start3A_219 = tpu.memref_squeeze %dma_start3A_218 : memref<1x128xi32, #tpu.memory_space<vmem>> -> memref<128xi32, #tpu.memory_space<vmem>>
        %dma_start3A_220 = arith.constant 0 : i32
        %dma_start3A_221 = arith.constant 0 : i32
        %dma_start3A_222 = tpu.memref_slice %arg14[%dma_start3A_220, %dma_start3A_221] : memref<10240x128xf32, #tpu.memory_space<vmem_shared>> -> memref<10240x128xf32, #tpu.memory_space<vmem_shared>>
        tpu.enqueue_indirect_dma source(%arg10 : memref<128x128xf32, #tpu.memory_space<vmem>>) target(%dma_start3A_222 : memref<10240x128xf32, #tpu.memory_space<vmem_shared>>) offsets(%dma_start3A_219 : memref<128xi32, #tpu.memory_space<vmem>>) semaphore(%run_scoped3A : memref<!tpu.dma_semaphore, #tpu.memory_space<semaphore_mem>>) {add = true}
        %dma_wait3A_223 = arith.constant 0 : i32
        %dma_wait3A_224 = tpu.memref_slice %arg9[%add3A_166, %dma_wait3A_223] : memref<20x128xi32, #tpu.memory_space<vmem>> -> memref<1x128xi32, #tpu.memory_space<vmem>>
        %dma_wait3A_225 = tpu.memref_squeeze %dma_wait3A_224 : memref<1x128xi32, #tpu.memory_space<vmem>> -> memref<128xi32, #tpu.memory_space<vmem>>
        %dma_wait3A_226 = arith.constant 0 : i32
        %dma_wait3A_227 = arith.constant 0 : i32
        %dma_wait3A_228 = tpu.memref_slice %arg14[%dma_wait3A_226, %dma_wait3A_227] : memref<10240x128xf32, #tpu.memory_space<vmem_shared>> -> memref<10240x128xf32, #tpu.memory_space<vmem_shared>>
        tpu.wait_indirect_dma semaphore(%run_scoped3A : memref<!tpu.dma_semaphore, #tpu.memory_space<semaphore_mem>>) src(%arg10 : memref<128x128xf32, #tpu.memory_space<vmem>>) dst(%dma_wait3A_228 : memref<10240x128xf32, #tpu.memory_space<vmem_shared>>)
        tpu.yield
      }) : () -> ()
      %mul3A_187 = arith.constant 2 : i32
      %mul3A_188 = arith.muli %mul3A_187, %scan3A_161 : i32
      %add3A_189 = arith.constant 1 : i32
      %add3A_190 = arith.addi %mul3A_188, %add3A_189 : i32
      %add3A_191 = arith.constant 1 : i32
      %add3A_192 = arith.addi %add3A_190, %add3A_191 : i32
      %lt3A_193 = arith.constant 20 : i32
      %lt3A_194 = arith.cmpi slt, %add3A_192, %lt3A_193 : i32
      %convert_element_type3A_195 = arith.extui %lt3A_194 : i1 to i32
      %cond3A_196 = arith.constant 0 : i32
      %cond3A_197 = arith.cmpi ne, %convert_element_type3A_195, %cond3A_196 : i32
      scf.if %cond3A_197 {
        %dma_start3A_217 = arith.constant 0 : i32
        %dma_start3A_218 = tpu.memref_slice %arg8[%add3A_192, %dma_start3A_217] : memref<20x128xi32, #tpu.memory_space<vmem>> -> memref<1x128xi32, #tpu.memory_space<vmem>>
        %dma_start3A_219 = tpu.memref_squeeze %dma_start3A_218 : memref<1x128xi32, #tpu.memory_space<vmem>> -> memref<128xi32, #tpu.memory_space<vmem>>
        %dma_start3A_220 = arith.constant 0 : i32
        %dma_start3A_221 = arith.constant 0 : i32
        %dma_start3A_222 = tpu.memref_slice %arg5[%dma_start3A_220, %dma_start3A_221] : memref<10000x128xf32, #tpu.memory_space<hbm>> -> memref<10000x128xf32, #tpu.memory_space<hbm>>
        tpu.enqueue_indirect_dma source(%dma_start3A_222 : memref<10000x128xf32, #tpu.memory_space<hbm>>) target(%arg10 : memref<128x128xf32, #tpu.memory_space<vmem>>) offsets(%dma_start3A_219 : memref<128xi32, #tpu.memory_space<vmem>>) semaphore(%arg15 : memref<!tpu.dma_semaphore, #tpu.memory_space<semaphore_mem>>)
        %mul3A_223 = arith.constant 128 : i32
        %mul3A_224 = arith.muli %add3A_192, %mul3A_223 : i32
        %add3A_225 = arith.addi %add3A_130, %mul3A_224 : i32
        %dma_start3A_226 = arith.constant 0 : i32
        %dma_start3A_227 = tpu.memref_slice %arg12[%dma_start3A_226] : memref<144xf32, #tpu.memory_space<vmem>> -> memref<128xf32, #tpu.memory_space<vmem>>
        %dma_start3A_228 = tpu.memref_slice %arg4[%add3A_225] : memref<327680xf32, #tpu.memory_space<hbm>> -> memref<128xf32, #tpu.memory_space<hbm>>
        %dma_start3A_229 = arith.constant 0 : i32
        %dma_start3A_230 = tpu.memref_slice %arg12[%dma_start3A_229] : memref<144xf32, #tpu.memory_space<vmem>> -> memref<128xf32, #tpu.memory_space<vmem>>
        %dma_start3A_231 = tpu.memref_slice %arg4[%add3A_225] : memref<327680xf32, #tpu.memory_space<hbm>> -> memref<128xf32, #tpu.memory_space<hbm>>
        tpu.enqueue_dma source(%dma_start3A_231 : memref<128xf32, #tpu.memory_space<hbm>>) target(%dma_start3A_230 : memref<128xf32, #tpu.memory_space<vmem>>) target_semaphore(%arg17 : memref<!tpu.dma_semaphore, #tpu.memory_space<semaphore_mem>>)
      } else {
      }
      %dma_wait3A_198 = arith.constant 0 : i32
      %dma_wait3A_199 = tpu.memref_slice %arg8[%add3A_190, %dma_wait3A_198] : memref<20x128xi32, #tpu.memory_space<vmem>> -> memref<1x128xi32, #tpu.memory_space<vmem>>
      %dma_wait3A_200 = tpu.memref_squeeze %dma_wait3A_199 : memref<1x128xi32, #tpu.memory_space<vmem>> -> memref<128xi32, #tpu.memory_space<vmem>>
      %dma_wait3A_201 = arith.constant 0 : i32
      %dma_wait3A_202 = arith.constant 0 : i32
      %dma_wait3A_203 = tpu.memref_slice %arg5[%dma_wait3A_201, %dma_wait3A_202] : memref<10000x128xf32, #tpu.memory_space<hbm>> -> memref<10000x128xf32, #tpu.memory_space<hbm>>
      tpu.wait_indirect_dma semaphore(%arg16 : memref<!tpu.dma_semaphore, #tpu.memory_space<semaphore_mem>>) src(%dma_wait3A_203 : memref<10000x128xf32, #tpu.memory_space<hbm>>) dst(%arg11 : memref<128x128xf32, #tpu.memory_space<vmem>>)
      %mul3A_204 = arith.constant 128 : i32
      %mul3A_205 = arith.muli %add3A_190, %mul3A_204 : i32
      %add3A_206 = arith.addi %add3A_130, %mul3A_205 : i32
      %dma_wait3A_207 = arith.constant 0 : i32
      %dma_wait3A_208 = tpu.memref_slice %arg13[%dma_wait3A_207] : memref<144xf32, #tpu.memory_space<vmem>> -> memref<128xf32, #tpu.memory_space<vmem>>
      %dma_wait3A_209 = tpu.memref_slice %arg4[%add3A_206] : memref<327680xf32, #tpu.memory_space<hbm>> -> memref<128xf32, #tpu.memory_space<hbm>>
      %dma_wait3A_210 = arith.constant 0 : i32
      %dma_wait3A_211 = tpu.memref_slice %arg13[%dma_wait3A_210] : memref<144xf32, #tpu.memory_space<vmem>> -> memref<128xf32, #tpu.memory_space<vmem>>
      %dma_wait3A_212 = tpu.memref_slice %arg4[%add3A_206] : memref<327680xf32, #tpu.memory_space<hbm>> -> memref<128xf32, #tpu.memory_space<hbm>>
      tpu.wait_dma2 semaphore(%arg18 : memref<!tpu.dma_semaphore, #tpu.memory_space<semaphore_mem>>) src(%dma_wait3A_212 : memref<128xf32, #tpu.memory_space<hbm>>) dst(%dma_wait3A_211 : memref<128xf32, #tpu.memory_space<vmem>>)
      %parallel_loop3A_213 = arith.constant 0 : i32
      %parallel_loop3A_214 = arith.constant 128 : i32
      %parallel_loop3A_215 = arith.constant 1 : i32
      scf.for %parallel_loop3A_217 = %parallel_loop3A_213 to %parallel_loop3A_214 step %parallel_loop3A_215  : i32 {
        %parallel_loop3A_218 = arith.index_cast %parallel_loop3A_217 : i32 to index
        %parallel_loop3A_219 = tpu.vector_load %arg13[%parallel_loop3A_218] {strides = array<i32>} : memref<144xf32, #tpu.memory_space<vmem>>, vector<16xf32>,
        %parallel_loop3A_220 = vector.shape_cast %parallel_loop3A_219 : vector<16xf32> to vector<16xf32>
        %parallel_loop3A_221 = vector.extract_strided_slice %parallel_loop3A_220 {offsets = [0], sizes = [1], strides = [1]} : vector<16xf32> to vector<1xf32>
        %parallel_loop3A_222 = vector.extract %parallel_loop3A_221[0] : f32 from vector<1xf32>
        %parallel_loop3A_223 = arith.index_cast %parallel_loop3A_217 : i32 to index
        %parallel_loop3A_224 = arith.constant 0 : index
        %parallel_loop3A_225 = tpu.vector_load %arg11[%parallel_loop3A_223, %parallel_loop3A_224] {strides = array<i32>} : memref<128x128xf32, #tpu.memory_space<vmem>>, vector<1x16xf32>,
        %parallel_loop3A_226 = vector.shape_cast %parallel_loop3A_225 : vector<1x16xf32> to vector<16xf32>
        %parallel_loop3A_227 = vector.broadcast %parallel_loop3A_222 : f32 to vector<16xf32>
        %parallel_loop3A_228 = arith.mulf %parallel_loop3A_226, %parallel_loop3A_227 : vector<16xf32>
        %parallel_loop3A_229 = arith.index_cast %parallel_loop3A_217 : i32 to index
        %parallel_loop3A_230 = arith.constant 0 : index
        %parallel_loop3A_231 = tpu.vector_load %arg11[%parallel_loop3A_229, %parallel_loop3A_230] {strides = array<i32>} : memref<128x128xf32, #tpu.memory_space<vmem>>, vector<1x16xf32>,
        %parallel_loop3A_232 = vector.shape_cast %parallel_loop3A_231 : vector<1x16xf32> to vector<16xf32>
        %parallel_loop3A_233 = vector.shape_cast %parallel_loop3A_228 : vector<16xf32> to vector<1x16xf32>
        tpu.vector_store %arg11[%parallel_loop3A_229, %parallel_loop3A_230], %parallel_loop3A_233 {strides = array<i32>} : memref<128x128xf32, #tpu.memory_space<vmem>>, vector<1x16xf32>,
        %parallel_loop3A_234 = arith.index_cast %parallel_loop3A_217 : i32 to index
        %parallel_loop3A_235 = arith.constant 16 : index
        %parallel_loop3A_236 = tpu.vector_load %arg11[%parallel_loop3A_234, %parallel_loop3A_235] {strides = array<i32>} : memref<128x128xf32, #tpu.memory_space<vmem>>, vector<1x16xf32>,
        %parallel_loop3A_237 = vector.shape_cast %parallel_loop3A_236 : vector<1x16xf32> to vector<16xf32>
        %parallel_loop3A_238 = vector.broadcast %parallel_loop3A_222 : f32 to vector<16xf32>
        %parallel_loop3A_239 = arith.mulf %parallel_loop3A_237, %parallel_loop3A_238 : vector<16xf32>
        %parallel_loop3A_240 = arith.index_cast %parallel_loop3A_217 : i32 to index
        %parallel_loop3A_241 = arith.constant 16 : index
        %parallel_loop3A_242 = tpu.vector_load %arg11[%parallel_loop3A_240, %parallel_loop3A_241] {strides = array<i32>} : memref<128x128xf32, #tpu.memory_space<vmem>>, vector<1x16xf32>,
        %parallel_loop3A_243 = vector.shape_cast %parallel_loop3A_242 : vector<1x16xf32> to vector<16xf32>
        %parallel_loop3A_244 = vector.shape_cast %parallel_loop3A_239 : vector<16xf32> to vector<1x16xf32>
        tpu.vector_store %arg11[%parallel_loop3A_240, %parallel_loop3A_241], %parallel_loop3A_244 {strides = array<i32>} : memref<128x128xf32, #tpu.memory_space<vmem>>, vector<1x16xf32>,
        %parallel_loop3A_245 = arith.index_cast %parallel_loop3A_217 : i32 to index
        %parallel_loop3A_246 = arith.constant 32 : index
        %parallel_loop3A_247 = tpu.vector_load %arg11[%parallel_loop3A_245, %parallel_loop3A_246] {strides = array<i32>} : memref<128x128xf32, #tpu.memory_space<vmem>>, vector<1x16xf32>,
        %parallel_loop3A_248 = vector.shape_cast %parallel_loop3A_247 : vector<1x16xf32> to vector<16xf32>
        %parallel_loop3A_249 = vector.broadcast %parallel_loop3A_222 : f32 to vector<16xf32>
        %parallel_loop3A_250 = arith.mulf %parallel_loop3A_248, %parallel_loop3A_249 : vector<16xf32>
        %parallel_loop3A_251 = arith.index_cast %parallel_loop3A_217 : i32 to index
        %parallel_loop3A_252 = arith.constant 32 : index
        %parallel_loop3A_253 = tpu.vector_load %arg11[%parallel_loop3A_251, %parallel_loop3A_252] {strides = array<i32>} : memref<128x128xf32, #tpu.memory_space<vmem>>, vector<1x16xf32>,
        %parallel_loop3A_254 = vector.shape_cast %parallel_loop3A_253 : vector<1x16xf32> to vector<16xf32>
        %parallel_loop3A_255 = vector.shape_cast %parallel_loop3A_250 : vector<16xf32> to vector<1x16xf32>
        tpu.vector_store %arg11[%parallel_loop3A_251, %parallel_loop3A_252], %parallel_loop3A_255 {strides = array<i32>} : memref<128x128xf32, #tpu.memory_space<vmem>>, vector<1x16xf32>,
        %parallel_loop3A_256 = arith.index_cast %parallel_loop3A_217 : i32 to index
        %parallel_loop3A_257 = arith.constant 48 : index
        %parallel_loop3A_258 = tpu.vector_load %arg11[%parallel_loop3A_256, %parallel_loop3A_257] {strides = array<i32>} : memref<128x128xf32, #tpu.memory_space<vmem>>, vector<1x16xf32>,
        %parallel_loop3A_259 = vector.shape_cast %parallel_loop3A_258 : vector<1x16xf32> to vector<16xf32>
        %parallel_loop3A_260 = vector.broadcast %parallel_loop3A_222 : f32 to vector<16xf32>
        %parallel_loop3A_261 = arith.mulf %parallel_loop3A_259, %parallel_loop3A_260 : vector<16xf32>
        %parallel_loop3A_262 = arith.index_cast %parallel_loop3A_217 : i32 to index
        %parallel_loop3A_263 = arith.constant 48 : index
        %parallel_loop3A_264 = tpu.vector_load %arg11[%parallel_loop3A_262, %parallel_loop3A_263] {strides = array<i32>} : memref<128x128xf32, #tpu.memory_space<vmem>>, vector<1x16xf32>,
        %parallel_loop3A_265 = vector.shape_cast %parallel_loop3A_264 : vector<1x16xf32> to vector<16xf32>
        %parallel_loop3A_266 = vector.shape_cast %parallel_loop3A_261 : vector<16xf32> to vector<1x16xf32>
        tpu.vector_store %arg11[%parallel_loop3A_262, %parallel_loop3A_263], %parallel_loop3A_266 {strides = array<i32>} : memref<128x128xf32, #tpu.memory_space<vmem>>, vector<1x16xf32>,
        %parallel_loop3A_267 = arith.index_cast %parallel_loop3A_217 : i32 to index
        %parallel_loop3A_268 = arith.constant 64 : index
        %parallel_loop3A_269 = tpu.vector_load %arg11[%parallel_loop3A_267, %parallel_loop3A_268] {strides = array<i32>} : memref<128x128xf32, #tpu.memory_space<vmem>>, vector<1x16xf32>,
        %parallel_loop3A_270 = vector.shape_cast %parallel_loop3A_269 : vector<1x16xf32> to vector<16xf32>
        %parallel_loop3A_271 = vector.broadcast %parallel_loop3A_222 : f32 to vector<16xf32>
        %parallel_loop3A_272 = arith.mulf %parallel_loop3A_270, %parallel_loop3A_271 : vector<16xf32>
        %parallel_loop3A_273 = arith.index_cast %parallel_loop3A_217 : i32 to index
        %parallel_loop3A_274 = arith.constant 64 : index
        %parallel_loop3A_275 = tpu.vector_load %arg11[%parallel_loop3A_273, %parallel_loop3A_274] {strides = array<i32>} : memref<128x128xf32, #tpu.memory_space<vmem>>, vector<1x16xf32>,
        %parallel_loop3A_276 = vector.shape_cast %parallel_loop3A_275 : vector<1x16xf32> to vector<16xf32>
        %parallel_loop3A_277 = vector.shape_cast %parallel_loop3A_272 : vector<16xf32> to vector<1x16xf32>
        tpu.vector_store %arg11[%parallel_loop3A_273, %parallel_loop3A_274], %parallel_loop3A_277 {strides = array<i32>} : memref<128x128xf32, #tpu.memory_space<vmem>>, vector<1x16xf32>,
        %parallel_loop3A_278 = arith.index_cast %parallel_loop3A_217 : i32 to index
        %parallel_loop3A_279 = arith.constant 80 : index
        %parallel_loop3A_280 = tpu.vector_load %arg11[%parallel_loop3A_278, %parallel_loop3A_279] {strides = array<i32>} : memref<128x128xf32, #tpu.memory_space<vmem>>, vector<1x16xf32>,
        %parallel_loop3A_281 = vector.shape_cast %parallel_loop3A_280 : vector<1x16xf32> to vector<16xf32>
        %parallel_loop3A_282 = vector.broadcast %parallel_loop3A_222 : f32 to vector<16xf32>
        %parallel_loop3A_283 = arith.mulf %parallel_loop3A_281, %parallel_loop3A_282 : vector<16xf32>
        %parallel_loop3A_284 = arith.index_cast %parallel_loop3A_217 : i32 to index
        %parallel_loop3A_285 = arith.constant 80 : index
        %parallel_loop3A_286 = tpu.vector_load %arg11[%parallel_loop3A_284, %parallel_loop3A_285] {strides = array<i32>} : memref<128x128xf32, #tpu.memory_space<vmem>>, vector<1x16xf32>,
        %parallel_loop3A_287 = vector.shape_cast %parallel_loop3A_286 : vector<1x16xf32> to vector<16xf32>
        %parallel_loop3A_288 = vector.shape_cast %parallel_loop3A_283 : vector<16xf32> to vector<1x16xf32>
        tpu.vector_store %arg11[%parallel_loop3A_284, %parallel_loop3A_285], %parallel_loop3A_288 {strides = array<i32>} : memref<128x128xf32, #tpu.memory_space<vmem>>, vector<1x16xf32>,
        %parallel_loop3A_289 = arith.index_cast %parallel_loop3A_217 : i32 to index
        %parallel_loop3A_290 = arith.constant 96 : index
        %parallel_loop3A_291 = tpu.vector_load %arg11[%parallel_loop3A_289, %parallel_loop3A_290] {strides = array<i32>} : memref<128x128xf32, #tpu.memory_space<vmem>>, vector<1x16xf32>,
        %parallel_loop3A_292 = vector.shape_cast %parallel_loop3A_291 : vector<1x16xf32> to vector<16xf32>
        %parallel_loop3A_293 = vector.broadcast %parallel_loop3A_222 : f32 to vector<16xf32>
        %parallel_loop3A_294 = arith.mulf %parallel_loop3A_292, %parallel_loop3A_293 : vector<16xf32>
        %parallel_loop3A_295 = arith.index_cast %parallel_loop3A_217 : i32 to index
        %parallel_loop3A_296 = arith.constant 96 : index
        %parallel_loop3A_297 = tpu.vector_load %arg11[%parallel_loop3A_295, %parallel_loop3A_296] {strides = array<i32>} : memref<128x128xf32, #tpu.memory_space<vmem>>, vector<1x16xf32>,
        %parallel_loop3A_298 = vector.shape_cast %parallel_loop3A_297 : vector<1x16xf32> to vector<16xf32>
        %parallel_loop3A_299 = vector.shape_cast %parallel_loop3A_294 : vector<16xf32> to vector<1x16xf32>
        tpu.vector_store %arg11[%parallel_loop3A_295, %parallel_loop3A_296], %parallel_loop3A_299 {strides = array<i32>} : memref<128x128xf32, #tpu.memory_space<vmem>>, vector<1x16xf32>,
        %parallel_loop3A_300 = arith.index_cast %parallel_loop3A_217 : i32 to index
        %parallel_loop3A_301 = arith.constant 112 : index
        %parallel_loop3A_302 = tpu.vector_load %arg11[%parallel_loop3A_300, %parallel_loop3A_301] {strides = array<i32>} : memref<128x128xf32, #tpu.memory_space<vmem>>, vector<1x16xf32>,
        %parallel_loop3A_303 = vector.shape_cast %parallel_loop3A_302 : vector<1x16xf32> to vector<16xf32>
        %parallel_loop3A_304 = vector.broadcast %parallel_loop3A_222 : f32 to vector<16xf32>
        %parallel_loop3A_305 = arith.mulf %parallel_loop3A_303, %parallel_loop3A_304 : vector<16xf32>
        %parallel_loop3A_306 = arith.index_cast %parallel_loop3A_217 : i32 to index
        %parallel_loop3A_307 = arith.constant 112 : index
        %parallel_loop3A_308 = tpu.vector_load %arg11[%parallel_loop3A_306, %parallel_loop3A_307] {strides = array<i32>} : memref<128x128xf32, #tpu.memory_space<vmem>>, vector<1x16xf32>,
        %parallel_loop3A_309 = vector.shape_cast %parallel_loop3A_308 : vector<1x16xf32> to vector<16xf32>
        %parallel_loop3A_310 = vector.shape_cast %parallel_loop3A_305 : vector<16xf32> to vector<1x16xf32>
        tpu.vector_store %arg11[%parallel_loop3A_306, %parallel_loop3A_307], %parallel_loop3A_310 {strides = array<i32>} : memref<128x128xf32, #tpu.memory_space<vmem>>, vector<1x16xf32>,
      } {sc.loop_unroll_factor = 4 : i64, sc.parallel_access}
      "tpu.region"() ({
        %run_scoped3A = tpu.sem_alloc : memref<!tpu.dma_semaphore, #tpu.memory_space<semaphore_mem>>
        %dma_start3A_217 = arith.constant 0 : i32
        %dma_start3A_218 = tpu.memref_slice %arg9[%add3A_190, %dma_start3A_217] : memref<20x128xi32, #tpu.memory_space<vmem>> -> memref<1x128xi32, #tpu.memory_space<vmem>>
        %dma_start3A_219 = tpu.memref_squeeze %dma_start3A_218 : memref<1x128xi32, #tpu.memory_space<vmem>> -> memref<128xi32, #tpu.memory_space<vmem>>
        %dma_start3A_220 = arith.constant 0 : i32
        %dma_start3A_221 = arith.constant 0 : i32
        %dma_start3A_222 = tpu.memref_slice %arg14[%dma_start3A_220, %dma_start3A_221] : memref<10240x128xf32, #tpu.memory_space<vmem_shared>> -> memref<10240x128xf32, #tpu.memory_space<vmem_shared>>
        tpu.enqueue_indirect_dma source(%arg11 : memref<128x128xf32, #tpu.memory_space<vmem>>) target(%dma_start3A_222 : memref<10240x128xf32, #tpu.memory_space<vmem_shared>>) offsets(%dma_start3A_219 : memref<128xi32, #tpu.memory_space<vmem>>) semaphore(%run_scoped3A : memref<!tpu.dma_semaphore, #tpu.memory_space<semaphore_mem>>) {add = true}
        %dma_wait3A_223 = arith.constant 0 : i32
        %dma_wait3A_224 = tpu.memref_slice %arg9[%add3A_190, %dma_wait3A_223] : memref<20x128xi32, #tpu.memory_space<vmem>> -> memref<1x128xi32, #tpu.memory_space<vmem>>
        %dma_wait3A_225 = tpu.memref_squeeze %dma_wait3A_224 : memref<1x128xi32, #tpu.memory_space<vmem>> -> memref<128xi32, #tpu.memory_space<vmem>>
        %dma_wait3A_226 = arith.constant 0 : i32
        %dma_wait3A_227 = arith.constant 0 : i32
        %dma_wait3A_228 = tpu.memref_slice %arg14[%dma_wait3A_226, %dma_wait3A_227] : memref<10240x128xf32, #tpu.memory_space<vmem_shared>> -> memref<10240x128xf32, #tpu.memory_space<vmem_shared>>
        tpu.wait_indirect_dma semaphore(%run_scoped3A : memref<!tpu.dma_semaphore, #tpu.memory_space<semaphore_mem>>) src(%arg11 : memref<128x128xf32, #tpu.memory_space<vmem>>) dst(%dma_wait3A_228 : memref<10240x128xf32, #tpu.memory_space<vmem_shared>>)
        tpu.yield
      }) : () -> ()
      %scan3A_216 = arith.constant 0 : i32
      scf.yield %scan3A_216 : i32
    }
    %scan3A_158 = arith.constant 10 : i32
    %barrier3A_159 = arith.constant 0 : index
    tpu.barrier barrier_id(%barrier3A_159)
    "tpu.region"() ({
      %run_scoped3A = tpu.sem_alloc : memref<!tpu.dma_semaphore, #tpu.memory_space<semaphore_mem>>
      %dma_start3A_161 = arith.constant 0 : i32
      %dma_start3A_162 = tpu.memref_slice %arg6[%add3A_125, %mul3A_0, %dma_start3A_161] : memref<8x10240x128xf32, #tpu.memory_space<hbm>> -> memref<1x640x128xf32, #tpu.memory_space<hbm>>
      %dma_start3A_163 = tpu.memref_squeeze %dma_start3A_162 : memref<1x640x128xf32, #tpu.memory_space<hbm>> -> memref<640x128xf32, #tpu.memory_space<hbm>>
      %dma_start3A_164 = arith.constant 0 : i32
      %dma_start3A_165 = tpu.memref_slice %arg14[%mul3A_0, %dma_start3A_164] : memref<10240x128xf32, #tpu.memory_space<vmem_shared>> -> memref<640x128xf32, #tpu.memory_space<vmem_shared>>
      tpu.enqueue_dma source(%dma_start3A_165 : memref<640x128xf32, #tpu.memory_space<vmem_shared>>) target(%dma_start3A_163 : memref<640x128xf32, #tpu.memory_space<hbm>>) target_semaphore(%run_scoped3A : memref<!tpu.dma_semaphore, #tpu.memory_space<semaphore_mem>>)
      %dma_wait3A = arith.constant 0 : i32
      %dma_wait3A_166 = tpu.memref_slice %arg6[%add3A_125, %mul3A_0, %dma_wait3A] : memref<8x10240x128xf32, #tpu.memory_space<hbm>> -> memref<1x640x128xf32, #tpu.memory_space<hbm>>
      %dma_wait3A_167 = tpu.memref_squeeze %dma_wait3A_166 : memref<1x640x128xf32, #tpu.memory_space<hbm>> -> memref<640x128xf32, #tpu.memory_space<hbm>>
      %dma_wait3A_168 = arith.constant 0 : i32
      %dma_wait3A_169 = tpu.memref_slice %arg14[%mul3A_0, %dma_wait3A_168] : memref<10240x128xf32, #tpu.memory_space<vmem_shared>> -> memref<640x128xf32, #tpu.memory_space<vmem_shared>>
      tpu.wait_dma2 semaphore(%run_scoped3A : memref<!tpu.dma_semaphore, #tpu.memory_space<semaphore_mem>>) src(%dma_wait3A_169 : memref<640x128xf32, #tpu.memory_space<vmem_shared>>) dst(%dma_wait3A_167 : memref<640x128xf32, #tpu.memory_space<hbm>>)
      tpu.yield
    }) : () -> ()
    %barrier3A_160 = arith.constant 0 : index
    tpu.barrier barrier_id(%barrier3A_160)
    return
  }
}

module attributes {stable_mosaic.version = 14 : i64} {
  func.func @body(%arg0: i32, %arg1: memref<8x1000x128xf32, #tpu.memory_space<vmem>>, %arg2: memref<8x128x128xf32, #tpu.memory_space<vmem>>, %arg3: memref<1000x128xf32, #tpu.memory_space<vmem>>) attributes {dimension_semantics = [#tpu.dimension_semantics<arbitrary>], iteration_bounds = array<i64: 10>, scalar_prefetch = 0 : i64, scratch_operands = 0 : i64, tpu.core_type = #tpu.core_type<tc>, window_params = [{transform_indices = @transform_0, window_bounds = array<i64: 8, 1000, 128>}, {pipeline_mode = #tpu.pipeline_mode<synchronous>, transform_indices = @transform_1, window_bounds = array<i64: 8, 128, 128>}, {transform_indices = @transform_2, window_bounds = array<i64: 1000, 128>}]} {
    %broadcast_in_dim3A = arith.constant 0.000000e+00 : f32
    %broadcast_in_dim3A_0 = vector.broadcast %broadcast_in_dim3A : f32 to vector<1000x128xf32>
    %get3A = arith.constant 0 : index
    %get3A_1 = arith.constant 0 : index
    %get3A_2 = arith.constant 0 : index
    %get3A_3 = vector.load %arg1[%get3A, %get3A_1, %get3A_2] : memref<8x1000x128xf32, #tpu.memory_space<vmem>>, vector<1x1000x128xf32>
    %get3A_4 = vector.shape_cast %get3A_3 : vector<1x1000x128xf32> to vector<1000x128xf32>
    %get3A_5 = arith.constant 0 : index
    %get3A_6 = arith.constant 0 : index
    %get3A_7 = arith.constant 0 : index
    %get3A_8 = vector.load %arg2[%get3A_5, %get3A_6, %get3A_7] : memref<8x128x128xf32, #tpu.memory_space<vmem>>, vector<1x128x128xf32>
    %get3A_9 = vector.shape_cast %get3A_8 : vector<1x128x128xf32> to vector<128x128xf32>
    %dot_general3A = arith.constant dense<0.000000e+00> : vector<1000x128xf32>
    %dot_general3A_10 = tpu.matmul %get3A_4, %get3A_9, %dot_general3A {dimension_numbers = #tpu.dot_dimension_numbers<[1], [0], [0], [1], [0, 0, 1, 1], [], []>, transpose_lhs_hint = false} : vector<1000x128xf32>, vector<128x128xf32>, vector<1000x128xf32> -> vector<1000x128xf32>
    %add3A = arith.addf %broadcast_in_dim3A_0, %dot_general3A_10 : vector<1000x128xf32>
    %get3A_11 = arith.constant 1 : index
    %get3A_12 = arith.constant 0 : index
    %get3A_13 = arith.constant 0 : index
    %get3A_14 = vector.load %arg1[%get3A_11, %get3A_12, %get3A_13] : memref<8x1000x128xf32, #tpu.memory_space<vmem>>, vector<1x1000x128xf32>
    %get3A_15 = vector.shape_cast %get3A_14 : vector<1x1000x128xf32> to vector<1000x128xf32>
    %get3A_16 = arith.constant 1 : index
    %get3A_17 = arith.constant 0 : index
    %get3A_18 = arith.constant 0 : index
    %get3A_19 = vector.load %arg2[%get3A_16, %get3A_17, %get3A_18] : memref<8x128x128xf32, #tpu.memory_space<vmem>>, vector<1x128x128xf32>
    %get3A_20 = vector.shape_cast %get3A_19 : vector<1x128x128xf32> to vector<128x128xf32>
    %dot_general3A_21 = arith.constant dense<0.000000e+00> : vector<1000x128xf32>
    %dot_general3A_22 = tpu.matmul %get3A_15, %get3A_20, %dot_general3A_21 {dimension_numbers = #tpu.dot_dimension_numbers<[1], [0], [0], [1], [0, 0, 1, 1], [], []>, transpose_lhs_hint = false} : vector<1000x128xf32>, vector<128x128xf32>, vector<1000x128xf32> -> vector<1000x128xf32>
    %add3A_23 = arith.addf %add3A, %dot_general3A_22 : vector<1000x128xf32>
    %get3A_24 = arith.constant 2 : index
    %get3A_25 = arith.constant 0 : index
    %get3A_26 = arith.constant 0 : index
    %get3A_27 = vector.load %arg1[%get3A_24, %get3A_25, %get3A_26] : memref<8x1000x128xf32, #tpu.memory_space<vmem>>, vector<1x1000x128xf32>
    %get3A_28 = vector.shape_cast %get3A_27 : vector<1x1000x128xf32> to vector<1000x128xf32>
    %get3A_29 = arith.constant 2 : index
    %get3A_30 = arith.constant 0 : index
    %get3A_31 = arith.constant 0 : index
    %get3A_32 = vector.load %arg2[%get3A_29, %get3A_30, %get3A_31] : memref<8x128x128xf32, #tpu.memory_space<vmem>>, vector<1x128x128xf32>
    %get3A_33 = vector.shape_cast %get3A_32 : vector<1x128x128xf32> to vector<128x128xf32>
    %dot_general3A_34 = arith.constant dense<0.000000e+00> : vector<1000x128xf32>
    %dot_general3A_35 = tpu.matmul %get3A_28, %get3A_33, %dot_general3A_34 {dimension_numbers = #tpu.dot_dimension_numbers<[1], [0], [0], [1], [0, 0, 1, 1], [], []>, transpose_lhs_hint = false} : vector<1000x128xf32>, vector<128x128xf32>, vector<1000x128xf32> -> vector<1000x128xf32>
    %add3A_36 = arith.addf %add3A_23, %dot_general3A_35 : vector<1000x128xf32>
    %get3A_37 = arith.constant 3 : index
    %get3A_38 = arith.constant 0 : index
    %get3A_39 = arith.constant 0 : index
    %get3A_40 = vector.load %arg1[%get3A_37, %get3A_38, %get3A_39] : memref<8x1000x128xf32, #tpu.memory_space<vmem>>, vector<1x1000x128xf32>
    %get3A_41 = vector.shape_cast %get3A_40 : vector<1x1000x128xf32> to vector<1000x128xf32>
    %get3A_42 = arith.constant 3 : index
    %get3A_43 = arith.constant 0 : index
    %get3A_44 = arith.constant 0 : index
    %get3A_45 = vector.load %arg2[%get3A_42, %get3A_43, %get3A_44] : memref<8x128x128xf32, #tpu.memory_space<vmem>>, vector<1x128x128xf32>
    %get3A_46 = vector.shape_cast %get3A_45 : vector<1x128x128xf32> to vector<128x128xf32>
    %dot_general3A_47 = arith.constant dense<0.000000e+00> : vector<1000x128xf32>
    %dot_general3A_48 = tpu.matmul %get3A_41, %get3A_46, %dot_general3A_47 {dimension_numbers = #tpu.dot_dimension_numbers<[1], [0], [0], [1], [0, 0, 1, 1], [], []>, transpose_lhs_hint = false} : vector<1000x128xf32>, vector<128x128xf32>, vector<1000x128xf32> -> vector<1000x128xf32>
    %add3A_49 = arith.addf %add3A_36, %dot_general3A_48 : vector<1000x128xf32>
    %get3A_50 = arith.constant 4 : index
    %get3A_51 = arith.constant 0 : index
    %get3A_52 = arith.constant 0 : index
    %get3A_53 = vector.load %arg1[%get3A_50, %get3A_51, %get3A_52] : memref<8x1000x128xf32, #tpu.memory_space<vmem>>, vector<1x1000x128xf32>
    %get3A_54 = vector.shape_cast %get3A_53 : vector<1x1000x128xf32> to vector<1000x128xf32>
    %get3A_55 = arith.constant 4 : index
    %get3A_56 = arith.constant 0 : index
    %get3A_57 = arith.constant 0 : index
    %get3A_58 = vector.load %arg2[%get3A_55, %get3A_56, %get3A_57] : memref<8x128x128xf32, #tpu.memory_space<vmem>>, vector<1x128x128xf32>
    %get3A_59 = vector.shape_cast %get3A_58 : vector<1x128x128xf32> to vector<128x128xf32>
    %dot_general3A_60 = arith.constant dense<0.000000e+00> : vector<1000x128xf32>
    %dot_general3A_61 = tpu.matmul %get3A_54, %get3A_59, %dot_general3A_60 {dimension_numbers = #tpu.dot_dimension_numbers<[1], [0], [0], [1], [0, 0, 1, 1], [], []>, transpose_lhs_hint = false} : vector<1000x128xf32>, vector<128x128xf32>, vector<1000x128xf32> -> vector<1000x128xf32>
    %add3A_62 = arith.addf %add3A_49, %dot_general3A_61 : vector<1000x128xf32>
    %get3A_63 = arith.constant 5 : index
    %get3A_64 = arith.constant 0 : index
    %get3A_65 = arith.constant 0 : index
    %get3A_66 = vector.load %arg1[%get3A_63, %get3A_64, %get3A_65] : memref<8x1000x128xf32, #tpu.memory_space<vmem>>, vector<1x1000x128xf32>
    %get3A_67 = vector.shape_cast %get3A_66 : vector<1x1000x128xf32> to vector<1000x128xf32>
    %get3A_68 = arith.constant 5 : index
    %get3A_69 = arith.constant 0 : index
    %get3A_70 = arith.constant 0 : index
    %get3A_71 = vector.load %arg2[%get3A_68, %get3A_69, %get3A_70] : memref<8x128x128xf32, #tpu.memory_space<vmem>>, vector<1x128x128xf32>
    %get3A_72 = vector.shape_cast %get3A_71 : vector<1x128x128xf32> to vector<128x128xf32>
    %dot_general3A_73 = arith.constant dense<0.000000e+00> : vector<1000x128xf32>
    %dot_general3A_74 = tpu.matmul %get3A_67, %get3A_72, %dot_general3A_73 {dimension_numbers = #tpu.dot_dimension_numbers<[1], [0], [0], [1], [0, 0, 1, 1], [], []>, transpose_lhs_hint = false} : vector<1000x128xf32>, vector<128x128xf32>, vector<1000x128xf32> -> vector<1000x128xf32>
    %add3A_75 = arith.addf %add3A_62, %dot_general3A_74 : vector<1000x128xf32>
    %get3A_76 = arith.constant 6 : index
    %get3A_77 = arith.constant 0 : index
    %get3A_78 = arith.constant 0 : index
    %get3A_79 = vector.load %arg1[%get3A_76, %get3A_77, %get3A_78] : memref<8x1000x128xf32, #tpu.memory_space<vmem>>, vector<1x1000x128xf32>
    %get3A_80 = vector.shape_cast %get3A_79 : vector<1x1000x128xf32> to vector<1000x128xf32>
    %get3A_81 = arith.constant 6 : index
    %get3A_82 = arith.constant 0 : index
    %get3A_83 = arith.constant 0 : index
    %get3A_84 = vector.load %arg2[%get3A_81, %get3A_82, %get3A_83] : memref<8x128x128xf32, #tpu.memory_space<vmem>>, vector<1x128x128xf32>
    %get3A_85 = vector.shape_cast %get3A_84 : vector<1x128x128xf32> to vector<128x128xf32>
    %dot_general3A_86 = arith.constant dense<0.000000e+00> : vector<1000x128xf32>
    %dot_general3A_87 = tpu.matmul %get3A_80, %get3A_85, %dot_general3A_86 {dimension_numbers = #tpu.dot_dimension_numbers<[1], [0], [0], [1], [0, 0, 1, 1], [], []>, transpose_lhs_hint = false} : vector<1000x128xf32>, vector<128x128xf32>, vector<1000x128xf32> -> vector<1000x128xf32>
    %add3A_88 = arith.addf %add3A_75, %dot_general3A_87 : vector<1000x128xf32>
    %get3A_89 = arith.constant 7 : index
    %get3A_90 = arith.constant 0 : index
    %get3A_91 = arith.constant 0 : index
    %get3A_92 = vector.load %arg1[%get3A_89, %get3A_90, %get3A_91] : memref<8x1000x128xf32, #tpu.memory_space<vmem>>, vector<1x1000x128xf32>
    %get3A_93 = vector.shape_cast %get3A_92 : vector<1x1000x128xf32> to vector<1000x128xf32>
    %get3A_94 = arith.constant 7 : index
    %get3A_95 = arith.constant 0 : index
    %get3A_96 = arith.constant 0 : index
    %get3A_97 = vector.load %arg2[%get3A_94, %get3A_95, %get3A_96] : memref<8x128x128xf32, #tpu.memory_space<vmem>>, vector<1x128x128xf32>
    %get3A_98 = vector.shape_cast %get3A_97 : vector<1x128x128xf32> to vector<128x128xf32>
    %dot_general3A_99 = arith.constant dense<0.000000e+00> : vector<1000x128xf32>
    %dot_general3A_100 = tpu.matmul %get3A_93, %get3A_98, %dot_general3A_99 {dimension_numbers = #tpu.dot_dimension_numbers<[1], [0], [0], [1], [0, 0, 1, 1], [], []>, transpose_lhs_hint = false} : vector<1000x128xf32>, vector<128x128xf32>, vector<1000x128xf32> -> vector<1000x128xf32>
    %add3A_101 = arith.addf %add3A_88, %dot_general3A_100 : vector<1000x128xf32>
    %swap3A = arith.constant 0 : index
    %swap3A_102 = arith.constant 0 : index
    %swap3A_103 = vector.load %arg3[%swap3A, %swap3A_102] : memref<1000x128xf32, #tpu.memory_space<vmem>>, vector<1000x128xf32>
    tpu.vector_store %arg3[%swap3A, %swap3A_102], %add3A_101 {strides = array<i32>} : memref<1000x128xf32, #tpu.memory_space<vmem>>, vector<1000x128xf32>,
    return
  }
  func.func @transform_0(%arg0: i32) -> (i32, i32, i32) {
    %c0_i32 = arith.constant 0 : i32
    %c0_i32_0 = arith.constant 0 : i32
    %c0_i32_1 = arith.constant 0 : i32
    return %c0_i32, %arg0, %c0_i32_0 : i32, i32, i32
  }
  func.func @transform_1(%arg0: i32) -> (i32, i32, i32) {
    %c0_i32 = arith.constant 0 : i32
    %c0_i32_0 = arith.constant 0 : i32
    %c0_i32_1 = arith.constant 0 : i32
    %c0_i32_2 = arith.constant 0 : i32
    return %c0_i32, %c0_i32_0, %c0_i32_1 : i32, i32, i32
  }
  func.func @transform_2(%arg0: i32) -> (i32, i32) {
    %c0_i32 = arith.constant 0 : i32
    %c0_i32_0 = arith.constant 0 : i32
    return %arg0, %c0_i32 : i32, i32
  }
}

</mosaic_0001>

<sc_bundles>
// kernel: kernel.4.cloned.1.call-start
scs
__scs_entry_jumppad:
0x0: {  	(pc) =	sbr.rel $0x88, $3  }
0x1: {  	(tag) =	ssettag $0x0;
	lr =	simm.s32 $0x1  }
0x2: {  	[smem:$0x3F9D] =	sst lr;
	_ =	strace $0xD0000000  }
0x3: {  	_ = 	snop  }
0x4: {  	_ = 	snop  }
0x5: {  	_ = 	snop  }
0x6: {  	_ = 	snop  }
0x7: {  	_ = 	snop  }
__scs_overlays_trampoline_lowered:
0x8: {  	[smem:$0x3FAC] =	sst s0  }
0x9: {  	[smem:$0x3FAD] =	sst s1  }
0xa: {  	[smem:$0x3FAE] =	sst s2  }
0xb: {  	[smem:$0x3FAF] =	sst s3  }
0xc: {  	[smem:$0x3FB0] =	sst s4  }
0xd: {  	[smem:$0x3FB1] =	sst s5  }
0xe: {  	[smem:$0x3FB2] =	sst s6  }
0xf: {  	[smem:$0x3FB3] =	sst s7  }
0x10: {  	[smem:$0x3FB4] =	sst s8  }
0x11: {  	[smem:$0x3FB5] =	sst s9;
	s0 =	simm.s32 @!p0 $0x0  }
0x12: {  	s1 =	sld [smem:$0x3F9B];
	s0 =	simm.s32 @p0 $0x1  }
0x13: {  	[smem:$0x3FB6] =	sst s0;
	s0 =	simm.s32 @!p1 $0x0  }
0x14: {  	s2 =	sld [smem:$0x3F9A];
	s0 =	simm.s32 @p1 $0x1  }
0x15: {  	[smem:$0x3FB7] =	sst s0;
	s0 =	simm.s32 @!p2 $0x0  }
0x16: {  	s3 =	sld [smem:$0x3FDB];
	s0 =	simm.s32 @p2 $0x1  }
0x17: {  	s4 =	simm.s32 $0x1BF5;
	[smem:$0x3FB9] =	sst s0  }
0x18: {  	s0 =	sld [smem:$0x3F9C];
	_ =	swait.ge [sflag:s4], $0x0  }
0x19: {  	s7 =	sld [smem:$0x3F9D]  }
0x1a: {  	s8 =	sadd.s32 $0xFFFFE003, lr  }
0x1b: {  	s9 =	sadd.s32 $0xFFFFFEF7, lr;
	s5 =	simm.s32 $0xFFFFFFFF;
	p2 =	slt.u32 s8, $0xFFFFF086  }
0x1c: {  	p1 =	slt.u32 s9, $0xF7A;
	s5 =	simm.s32 @!p2 $0x0  }
0x1d: {  	s5 =	simm.s32 @p1 $0x1;
	p0 =	seq.s32 s7, s2  }
0x1e: {  	s7 =	smul.u32 @!p0 $0xF7A, s2;
	p2 =	seq.s32 @!p0 s5, $0x0  }
0x1f: {  	s9 =	smul.u32 $0xF7A, s1;
	s8 =	simm.s32 @!p0 $0x1BF5;
	p2 =	por !p2, p0  }
0x20: {  	[sflag:s8] =	ssyncset.s32 @!p0 $0xFFFFF086;
	s6 =	sadd.s32 @!p0 s3, s7;
	s7 =	simm.s32 @!p0 $0x108  }
0x21: {  	s3 =	sadd.s32 s3, s9;
	s6 =	sadd.s32 @!p0 $0x88, s6;
	s7 =	simm.s32 @p2 $0x1082  }
0x22: {  	[simem:s7], [sflag:s8] =	dma.local @!p0 [hbm:s6], $0xF7A  }
0x23: {  	s9 =	sor.u32 $0xD0000000, s2;
	s6 =	simm.s32 $0x108;
	_ =	swait.ge @!p0 [sflag:s8], $0x0  }
0x24: {  	s3 =	sadd.s32 $0x88, s3;
	s6 =	simm.s32 @!p1 $0x1082;
	[sflag:s4] =	ssyncset.s32 $0xFFFFF086  }
0x25: {  	[simem:s6], [sflag:s4] =	dma.local [hbm:s3], $0xF7A  }
0x26: {  	[smem:$0x3F9D] =	sst s1;
	(tag) =	ssettag s2;
	_ =	strace s9  }
0x27: {  	s1 =	sld [smem:$0x3FAD]  }
0x28: {  	s2 =	sld [smem:$0x3FAE]  }
0x29: {  	s4 =	sld [smem:$0x3FB0]  }
0x2a: {  	p0 =	seq.s32 s5, $0x0;
	s5 =	sld [smem:$0x3FB1]  }
0x2b: {  	s6 =	sld [smem:$0x3FB2]  }
0x2c: {  	s7 =	sld [smem:$0x3FB3]  }
0x2d: {  	s3 =	simm.s32 $0x108;
	s8 =	sld [smem:$0x3FB4]  }
0x2e: {  	s3 =	simm.s32 @!p0 $0x1082;
	s9 =	sld [smem:$0x3FB5]  }
0x2f: {  	lr =	sadd.s32 s0, s3;
	s0 =	sld [smem:$0x3FAC]  }
0x30: {  	s3 =	sld [smem:$0x3FAF]  }
0x31: {  	[smem:$0x3FB8] =	sst s10  }
0x32: {  	s10 =	sld [smem:$0x3FB6];
	_ =	sdelay $0x3  }
0x33: {  	p0 =	seq.s32 s10, $0x1;
	s10 =	sld [smem:$0x3FB8];
	_ =	sdelay $0x3  }
0x34: {  	[smem:$0x3FB8] =	sst s10  }
0x35: {  	s10 =	sld [smem:$0x3FB7];
	_ =	sdelay $0x3  }
0x36: {  	p1 =	seq.s32 s10, $0x1;
	s10 =	sld [smem:$0x3FB8];
	_ =	sdelay $0x3  }
0x37: {  	[smem:$0x3FB8] =	sst s10  }
0x38: {  	s10 =	sld [smem:$0x3FB9]  }
0x39: {  	_ = 	snop;
	(pc) =	sbr.ind lr, $3  }
0x3a: {  	_ = 	snop  }
0x3b: {  	_ = 	snop  }
0x3c: {  	p2 =	seq.s32 s10, $0x1;
	s10 =	sld [smem:$0x3FB8]  }
0x3d: {  	_ =	shalt  }
0x3e: {  	_ =	shalt  }
0x3f: {  	_ =	shalt  }
0x40: {  	_ =	shalt  }
0x41: {  	_ =	shalt  }
0x42: {  	_ =	shalt  }
0x43: {  	_ =	shalt  }
0x44: {  	_ =	shalt  }
0x45: {  	_ =	shalt  }
0x46: {  	_ =	shalt  }
0x47: {  	_ =	shalt  }
0x48: {  	_ =	shalt  }
0x49: {  	_ =	shalt  }
0x4a: {  	_ =	shalt  }
0x4b: {  	_ =	shalt  }
0x4c: {  	_ =	shalt  }
0x4d: {  	_ =	shalt  }
0x4e: {  	_ =	shalt  }
0x4f: {  	_ =	shalt  }
0x50: {  	_ =	shalt  }
0x51: {  	_ =	shalt  }
0x52: {  	_ =	shalt  }
0x53: {  	_ =	shalt  }
0x54: {  	_ =	shalt  }
0x55: {  	_ =	shalt  }
0x56: {  	_ =	shalt  }
0x57: {  	_ =	shalt  }
0x58: {  	_ =	shalt  }
0x59: {  	_ =	shalt  }
0x5a: {  	_ =	shalt  }
0x5b: {  	_ =	shalt  }
0x5c: {  	_ =	shalt  }
0x5d: {  	_ =	shalt  }
0x5e: {  	_ =	shalt  }
0x5f: {  	_ =	shalt  }
0x60: {  	_ =	shalt  }
0x61: {  	_ =	shalt  }
0x62: {  	_ =	shalt  }
0x63: {  	_ =	shalt  }
0x64: {  	_ =	shalt  }
0x65: {  	_ =	shalt  }
0x66: {  	_ =	shalt  }
0x67: {  	_ =	shalt  }
0x68: {  	_ =	shalt  }
0x69: {  	_ =	shalt  }
0x6a: {  	_ =	shalt  }
0x6b: {  	_ =	shalt  }
0x6c: {  	_ =	shalt  }
0x6d: {  	_ =	shalt  }
0x6e: {  	_ =	shalt  }
0x6f: {  	_ =	shalt  }
0x70: {  	_ =	shalt  }
0x71: {  	_ =	shalt  }
0x72: {  	_ =	shalt  }
0x73: {  	_ =	shalt  }
0x74: {  	_ =	shalt  }
0x75: {  	_ =	shalt  }
0x76: {  	_ =	shalt  }
0x77: {  	_ =	shalt  }
0x78: {  	_ =	shalt  }
0x79: {  	_ =	shalt  }
0x7a: {  	_ =	shalt  }
0x7b: {  	_ =	shalt  }
0x7c: {  	_ =	shalt  }
0x7d: {  	_ =	shalt  }
0x7e: {  	_ =	shalt  }
0x7f: {  	_ =	shalt  }
0x80: {  	_ =	shalt  }
0x81: {  	_ =	shalt  }
0x82: {  	_ =	shalt  }
0x83: {  	_ =	shalt  }
0x84: {  	_ =	shalt  }
0x85: {  	_ =	shalt  }
0x86: {  	_ =	shalt  }
0x87: {  	_ =	shalt  }
.Lfunc_end0:
.L_simem_size_0:
called_computation_lowered:
.L_overlay_start_0:
0x88: {  	s2 =	sld [smem:$0x3FD9]  }
0x89: {  	s3 =	sld [smem:$0x3FFE];
	_ =	sdelay $0x1  }
0x8a: {  	s1 =	srdreg.scid  }
0x8b: {  	s0 =	sand.u32 $0x1, s1  }
0x8c: {  	s17 =	sshll.u32 s0, $0xA;
	s2 =	sadd.s32 s3, s2  }
0x8d: {  	s2 =	sadd.s32 s2, s17  }
0x8e: {  	[smem:$0x3FC4] =	sst s2  }
0x8f: {  	_ = 	snop  }
0x90: {  	s2 =	sld [smem:$0x3FC7]  }
0x91: {  	s18 =	sld [smem:$0x3FD0];
	(tm) =	ssettm $0x1  }
0x92: {  	s4 =	sld [smem:$0x3FFB];
	_ =	sdelay $0x3  }
0x93: {  	_ =	strace s4  }
0x94: {  	s4 =	sld [smem:$0x3FFC];
	_ =	sdelay $0x3  }
0x95: {  	_ =	strace s4  }
0x96: {  	s4 =	sld [smem:$0x3FFD];
	_ =	sdelay $0x3  }
0x97: {  	_ =	strace s4  }
0x98: {  	_ =	strace $0x8FFFFFFF  }
0x99: {  	s19 =	sld [smem:$0x3FDB];
	_ =	sdelay $0x1  }
0x9a: {  	s5 =	simm.s32 $_scs_section_size  }
0x9b: {  	s6 =	simm.s32 $_size__tile_overlayer_lowered;
	s7 =	simm.s32 $_tile_overlayer_lowered  }
0x9c: {  	s22 =	simm.s32 $0x1BFF;
	s21 =	sshll.u32 s7, $0x1;
	s4 =	sadd.s32 s5, s19  }
0x9d: {  	s8 =	simm.s32 $0x0;
	s20 =	sshll.u32 s6, $0x1;
	s6 =	sadd.s32 s21, s4  }
0x9e: {  	[timem:s8], [sflag:s22] =	dma.local [hbm:s6], s20  }
0x9f: {  	_ =	swait.ge [sflag:s22], s20  }
0xa0: {  	s5 =	ssub.s32 $0x0, s20;
	[sflag:s22] =	ssyncset.done $0x0  }
0xa1: {  	[sflag:s22] =	ssyncadd.s32 s5;
	_ =	sdelay $0x1  }
0xa2: {  	s23 =	simm.s32 $0x1B8B  }
0xa3: {  	_ =	swait.ge [sflag:s23], $0x1  }
0xa4: {  	[sflag:s23] =	ssyncset.done $0x0  }
0xa5: {  	s25 =	simm.s32 $0x1B8E;
	s24 =	sld [smem:$0x3FFE];
	[sflag:s23] =	ssyncadd.s32 $0xFFFFFFFF  }
0xa6: {  	s26 =	simm.s32 $execute0_lowered;
	[smem:$0x3FD2] =	sst s25  }
0xa7: {  	s6 =	sshll.u32 s26, $0x1;
	_ =	strace $0x80000046;
	[dreg:$0x1] =	wrdreg $0xFFFFFFFF  }
0xa8: {  	s28 =	simm.s32 $_size_execute0_lowered;
	s4 =	sadd.s32 s4, s6;
	[dreg:$0x0] =	wrdreg $0x0  }
0xa9: {  	s6 =	sshll.u32 s28, $0x1;
	[dreg:$0x2] =	wrdreg s4  }
0xaa: {  	[dreg:$0x3] =	wrdreg s6  }
0xab: {  	[dreg:$0x4] =	wrdreg $0xC0  }
0xac: {  	_ =	task [dreg:s8], $0x5FFFF  }
0xad: {  	[dreg:$0x1] =	wrdreg $0xFFFFFFFF  }
0xae: {  	[dreg:$0x0] =	wrdreg $0x60  }
0xaf: {  	[dreg:$0x2] =	wrdreg s18  }
0xb0: {  	[dreg:$0x3] =	wrdreg s24  }
0xb1: {  	[dreg:$0x4] =	wrdreg s2  }
0xb2: {  	[dreg:$0x5] =	wrdreg $0xA2000  }
0xb3: {  	[dreg:$0x6] =	wrdreg $0x9  }
0xb4: {  	_ =	task.clear_ibuf [dreg:s8], $0x7FFFF;
	_ =	strace $0x90000046  }
0xb5: {  	s29 =	simm.s32 $0x9;
	_ =	strace $0x80000048  }
0xb6: {  	_ =	swait.ge [sflag:s29], $0x1  }
0xb7: {  	[sflag:s29] =	ssyncadd.s32 $0xFFFFFFFF  }
0xb8: {  	_ =	strace $0x90000048  }
0xb9: {  	_ =	sfence  }
0xba: {  	s30 =	sld [smem:$0x0];
	_ =	sdelay $0x2  }
0xbb: {  	s31 =	sshll.u32 s1, $0xD;
	s1 =	sshrl.u32 s1, $0x2  }
0xbc: {  	s3 =	sand.u32 $0x4000, s31;
	s1 =	sadd.s32 s1, s30  }
0xbd: {  	s0 =	sor.u32 s3, s0;
	s1 =	sshll.u32 s1, $0x11  }
0xbe: {  	s0 =	sor.u32 s1, s0  }
0xbf: {  	s0 =	sadd.s32 $0x8F2B, s0  }
0xc0: {  	[sflag:s0] =	ssyncadd.remote.s32 $0x1  }
0xc1: {  	_ =	sfence.sel $0xFFFF  }
0xc2: {  	[dreg:$0x0] =	wrdreg $0xFFFFFFFF;
	(pc) =	sbr.abs _section_cstart, $3  }
0xc3: {  	[dreg:$0x1] =	wrdreg $0xFFFFFFFF  }
0xc4: {  	_ =	task.clear_ibuf [dreg:s8], $0x2FFFF;
	_ =	strace $0x9FFFFFFF  }
0xc5: {  	(tm) =	ssettm $0x7FFFFFFF  }
tec
execute0_lowered:
.L_overlay_start_1:
0x0: {  	(tag) =	ssettag $0x1  }
0x1: {  	s0 =	rddreg [dreg:$0x0]  }
0x2: {  	s1 =	rddreg [dreg:$0x1];
	s15 =	stileid.u32  }
0x3: {  	s2 =	rddreg [dreg:$0x2];
	s7 =	smul.u32 $0xA00, s15  }
0x4: {  	s4 =	srdreg.scid;
	s11 =	smul.u32 $0x50000, s15  }
0x5: {  	s3 =	rddreg [dreg:$0x3];
	s12 =	smul.u32 $0xC00, s15  }
0x6: {  	s29 =	simm.s32 $0x5;
	s6 =	sand.u32 $0x1, s4;
	s15 =	smul.u32 $0x14000, s15  }
0x7: {  	s30 =	simm.s32 $0x800;
	s31 =	simm.s32 $0x1400;
	s5 =	smul.u32 $0x28000, s6  }
0x8: {  	s4 =	simm.s32 $0x0;
	s8 =	ssub.s32 $0x2, s6;
	s9 =	smul.u32 $0x30000, s6  }
0x9: {  	s14 =	sshll.u32 s6, $0x2;
	s18 =	smul.u32 $0x500000, s6;
	s6 =	sshllo.u32 s6, $0x2  }
0xa: {  	s13 =	sadd.s32 $0xAC00, s1;
	[smem:$0x7FF] =	sst s4;
	s20 =	smul.u32 $0xA000, s6  }
0xb: {  	_ =	strace $0x80000047;
	s17 =	sor.u32 $0x1, s14;
	s26 =	smul.u32 $0xC000, s6  }
0xc: {  	s10 =	sshrl.u32 s8, $0x1;
	s14 =	sor.u32 $0x2, s14;
	s23 =	smul.u32 $0xA000, s17  }
0xd: {  	s16 =	ssub.s32 s8, s10;
	s22 =	sor.u32 s12, s9;
	s24 =	smul.u32 $0xC000, s17  }
0xe: {  	s5 =	sadd.s32 s7, s5;
	s25 =	smul.u32 $0xA000, s14;
	s8 =	sshrl.u32 s22, $0x3  }
0xf: {  	s22 =	smul.u32 $0xC000, s14;
	s28 =	smax.u32 s16, $0x1;
	s19 =	sadd.s32 s0, s8  }
0x10: {  	s16 =	simm.s32 $0x0;
	s8 =	sadd.s32 s13, s8;
	[dreg:$0x5] =	wrdreg s19  }
0x11: {  	s10 =	sadd.s32 s12, s24;
	s9 =	sadd.s32 s7, s25;
	[dreg:$0x6] =	wrdreg s8  }
0x12: {  	s8 =	sadd.s32 s7, s23;
	s21 =	sshrl.u32 s10, $0x3;
	s10 =	sadd.s32 s7, s20  }
0x13: {  	s24 =	sadd.s32 s12, s22;
	s7 =	sadd.s32 s12, s26;
	s20 =	sadd.s32 s0, s21  }
0x14: {  	s23 =	sadd.s32 s13, s21;
	s25 =	sshrl.u32 s24, $0x3;
	s7 =	sshrl.u32 s7, $0x3  }
0x15: {  	s21 =	smul.u32 $0x140000, s14;
	s24 =	sshrl.u32 s11, $0x2;
	[dreg:$0x7] =	wrdreg s20  }
0x16: {  	s14 =	sshrl.u32 s5, $0x3;
	s11 =	simm.s32 $0xA100;
	[dreg:$0x8] =	wrdreg s23  }
0x17: {  	s20 =	smul.u32 $0x140000, s17;
	s26 =	sadd.s32 s0, s25;
	s19 =	sadd.s32 s13, s25  }
0x18: {  	s0 =	sadd.s32 s0, s7;
	s22 =	sadd.s32 s13, s7;
	s17 =	sadd.s32 $0xC00, s1  }
0x19: {  	s23 =	smul.u32 $0x140000, s6;
	s25 =	sadd.s32 s15, s18;
	[dreg:$0x9] =	wrdreg s26  }
0x1a: {  	s18 =	sadd.s32 s24, s3;
	s24 =	sshrl.u32 s9, $0x3;
	[dreg:$0xa] =	wrdreg s19  }
0x1b: {  	s7 =	simm.s32 $0x6000;
	s13 =	simm.s32 $0x3;
	[dreg:$0xb] =	wrdreg s0  }
0x1c: {  	[dreg:$0xc] =	wrdreg s22;
	s0 =	sadd.s32 $0x16C00, s1;
	s12 =	sadd.s32 s15, s21  }
0x1d: {  	s19 =	sshrl.u32 s25, $0x3;
	s25 =	sadd.s32 s17, s24;
	s26 =	sadd.s32 s15, s20  }
0x1e: {  	s1 =	sadd.s32 s15, s23;
	s15 =	sadd.s32 s17, s14;
	s6 =	sadd.s32 s0, s19  }
0x1f: {  	s21 =	sshrl.u32 s12, $0x3;
	s23 =	sshrl.u32 s8, $0x3;
	[dreg:$0x13] =	wrdreg s25  }
0x20: {  	s12 =	simm.s32 $0x1;
	s14 =	simm.s32 $0x2;
	[dreg:$0xd] =	wrdreg s15  }
0x21: {  	[dreg:$0xe] =	wrdreg s6;
	s20 =	sshrl.u32 s26, $0x3;
	s22 =	sadd.s32 s0, s21  }
0x22: {  	s1 =	sshrl.u32 s1, $0x3;
	s6 =	sadd.s32 s0, s20;
	[dreg:$0x10] =	wrdreg s22  }
0x23: {  	s26 =	sshrl.u32 s10, $0x3;
	s0 =	sadd.s32 s0, s1;
	[dreg:$0xf] =	wrdreg s6  }
0x24: {  	s15 =	simm.s32 $0x4;
	[dreg:$0x11] =	wrdreg s0;
	s0 =	sadd.s32 s17, s23  }
0x25: {  	s1 =	simm.s32 $0x2000;
	[dreg:$0x12] =	wrdreg s0;
	s0 =	sadd.s32 s17, s26  }
0x26: {  	v0 =	vimm.f32 $0.0e+00;
	s6 =	simm.s32 $0xA000;
	[dreg:$0x14] =	wrdreg s0;
	s0 =	simm.s32 $0x80  }
.LBB2_1:
0x27: {  	s19 =	simm.s32 $0x0;
	s20 =	simm.s32 $0x0  }
.LBB2_2:
0x28: {  	p0 =	sne.s32 s20, $0x1FC0  }
.Ltmp0:
0x29: {  	_ = 	snop;
	(pc) =	sbr.rel @p0 .LBB2_2-.Ltmp0, $4  }
0x2a: {  	s21 =	sand.u32 $0x1E00, s20  }
0x2b: {  	s22 =	sand.u32 $0x70, s19;
	s21 =	sshrl.u32 s21, $0x2  }
0x2c: {  	s21 =	sor.u32 s22, s21  }
0x2d: {  	s19 =	sadd.s32 $0x10, s19;
	s20 =	sadd.s32 $0x40, s20;
	[tilespmem:s21+$0x0] =	vst v0  }
0x2e: {  	s19 =	sadd.s32 $0x0, s18  }
0x2f: {  	[spmem:s19] =	stream.linear.scatter [tilespmem:s4], [sflag:$0x5], $0x800, $0x38;
	[tilespmem:$0x1E200] =	vst v63  }
0x30: {  	s19 =	simm.s32 $0x2000;
	_ =	swait.ge [sflag:s29], $0x800  }
.LBB2_4:
0x31: {  	s20 =	sshra.s32 s19, $0x2;
	[sflag:s29] =	ssyncset.done $0x0;
	p0 =	sne.s32 s19, $0x4E000  }
.Ltmp1:
0x32: {  	s20 =	sadd.s32 s20, s18;
	[sflag:s29] =	ssyncadd.s32 $0xFFFFF800;
	(pc) =	sbr.rel @p0 .LBB2_4-.Ltmp1, $3  }
0x33: {  	[spmem:s20] =	stream.linear.scatter [tilespmem:s4], [sflag:$0x5], $0x800, $0x38;
	[tilespmem:$0x1E200] =	vst v63  }
0x34: {  	s19 =	sadd.s32 $0x2000, s19;
	_ =	sdelay $0x1  }
0x35: {  	_ =	swait.ge [sflag:s29], $0x800  }
0x36: {  	[sflag:s29] =	ssyncset.done $0x0  }
0x37: {  	s19 =	simm.s32 $0x0;
	s20 =	rddreg [dreg:$0x5];
	[sflag:s29] =	ssyncadd.s32 $0xFFFFF800  }
0x38: {  	[tilespmem:s30], [sflag:$0x5] =	stream.linear.gather [hbm4b:s20+s19], $0xA00, $0x38;
	[tilespmem:$0x1E200] =	vst v63  }
0x39: {  	_ =	swait.ge [sflag:s29], $0xA00  }
0x3a: {  	[sflag:s29] =	ssyncset.done $0x0  }
0x3b: {  	s25 =	rddreg [dreg:$0x6];
	[sflag:s29] =	ssyncadd.s32 $0xFFFFF600  }
0x3c: {  	[tilespmem:s31], [sflag:$0x5] =	stream.linear.gather [hbm4b:s25+s19], $0xA00, $0x38;
	[tilespmem:$0x1E200] =	vst v63  }
0x3d: {  	_ =	swait.ge [sflag:s29], $0xA00  }
0x3e: {  	[sflag:s29] =	ssyncset.done $0x0  }
0x3f: {  	[sflag:s29] =	ssyncadd.s32 $0xFFFFF600  }
0x40: {  	[bflag:$0x0] =	sbarrier.arrive $0xFFFF  }
0x41: {  	[tilespmem:s1], [sflag:$0x1] =	stream.indirect.gather [hbm4b:s2+s0], $0x80, s30, s0, $0xb8;
	[tilespmem:$0x1E200] =	vst v63  }
0x42: {  	s26 =	rddreg [dreg:$0xd]  }
0x43: {  	[tilespmem:s6], [sflag:$0x3] =	stream.linear.gather [hbm4b:s26+s19], $0x80, $0x38;
	[tilespmem:$0x1E200] =	vst v63  }
.LBB2_6:
0x44: {  	s20 =	sshllo.u32 s19, $0x1  }
0x45: {  	s20 =	sshll.u32 s20, $0x7  }
0x46: {  	s21 =	sadd.s32 $0x800, s20;
	s26 =	sadd.s32 s5, s20  }
0x47: {  	[tilespmem:s7], [sflag:$0x2] =	stream.indirect.gather [hbm4b:s2+s0], $0x80, s21, s0, $0xb8;
	[tilespmem:$0x1E200] =	vst v63  }
0x48: {  	s21 =	sshrl.u32 s26, $0x3  }
0x49: {  	s21 =	sadd.s32 s17, s21  }
0x4a: {  	[tilespmem:s11], [sflag:$0x4] =	stream.linear.gather [hbm4b:s21+s4], $0x80, $0x38;
	[tilespmem:$0x1E200] =	vst v63  }
0x4b: {  	_ =	swait.ge [sflag:s12], $0x4000  }
0x4c: {  	[sflag:s12] =	ssyncset.done $0x0  }
0x4d: {  	[sflag:s12] =	ssyncadd.s32 $0xFFFFC000  }
0x4e: {  	_ =	swait.ge [sflag:s13], $0x80  }
0x4f: {  	[sflag:s13] =	ssyncset.done $0x0  }
0x50: {  	s22 =	simm.s32 $0xA002;
	[sflag:s13] =	ssyncadd.s32 $0xFFFFFF80  }
0x51: {  	s21 =	simm.s32 $0x2100;
	v1 =	vld.msk [tilespmem:s22+$0x1 ss:$0x0], $0xffff  }
0x52: {  	v3 =	vld [tilespmem:s21+$0xF0]  }
0x53: {  	v2 =	vld.msk [tilespmem:s22+$0xFFFFFFFE ss:$0x0], $0xffff  }
0x54: {  	v4 =	vld.msk [tilespmem:s22+$0xFFFFFFFF ss:$0x0], $0xffff  }
0x55: {  	v5 =	vld [tilespmem:s21+$0xFFFFFF10]  }
0x56: {  	v6 =	vld [tilespmem:s21+$0xFFFFFF20]  }
0x57: {  	v10 =	vld [tilespmem:s21+$0xFFFFFF60]  }
0x58: {  	v11 =	vld [tilespmem:s21+$0xFFFFFF70]  }
0x59: {  	v7 =	vld [tilespmem:s21+$0xFFFFFF30]  }
0x5a: {  	v8 =	vld [tilespmem:s21+$0xFFFFFF40];
	v3 =	vmul.f32 v3, v1  }
0x5b: {  	v9 =	vld [tilespmem:s21+$0xFFFFFF50];
	v5 =	vmul.f32 v5, v2  }
0x5c: {  	v12 =	vld [tilespmem:s21+$0xFFFFFF80];
	v10 =	vmul.f32 v10, v2;
	[tilespmem:s21+$0xF0] =	vst v3  }
0x5d: {  	v62 =	vld [tilespmem:s21+$0xFFFFFFD0];
	v11 =	vmul.f32 v11, v2;
	[tilespmem:s21+$0xFFFFFF10] =	vst v5  }
0x5e: {  	v3 =	vmul.f32 v6, v2;
	v6 =	vld [tilespmem:s21+$0xFFFFFF90];
	[tilespmem:s21+$0xFFFFFF60] =	vst v10  }
0x5f: {  	v5 =	vmul.f32 v7, v2;
	v7 =	vld [tilespmem:s21+$0xFFFFFFA0];
	[tilespmem:s21+$0xFFFFFF70] =	vst v11  }
0x60: {  	[tilespmem:s21+$0xFFFFFF20] =	vst v3;
	v3 =	vmul.f32 v8, v2;
	v8 =	vld [tilespmem:s21+$0xFFFFFFB0]  }
0x61: {  	[tilespmem:s21+$0xFFFFFF30] =	vst v5;
	v5 =	vmul.f32 v9, v2;
	v9 =	vld [tilespmem:s21+$0xFFFFFFC0]  }
0x62: {  	v10 =	vld [tilespmem:s21+$0xFFFFFFF0];
	[tilespmem:s21+$0xFFFFFF40] =	vst v3;
	v3 =	vmul.f32 v4, v12  }
0x63: {  	[tilespmem:s21+$0xFFFFFF50] =	vst v5;
	v5 =	vld [tilespmem:s21+$0xFFFFFFE0];
	v6 =	vmul.f32 v6, v4  }
0x64: {  	v11 =	vld [tilespmem:s21+$0x0];
	v7 =	vmul.f32 v7, v4;
	[tilespmem:s21+$0xFFFFFF80] =	vst v3  }
0x65: {  	v3 =	vld.msk [tilespmem:s22+$0x0 ss:$0x0], $0xffff;
	[tilespmem:s21+$0xFFFFFF90] =	vst v6;
	v6 =	vmul.f32 v8, v4  }
0x66: {  	v8 =	vld [tilespmem:s21+$0x10];
	[tilespmem:s21+$0xFFFFFFA0] =	vst v7;
	v7 =	vmul.f32 v9, v4  }
0x67: {  	v9 =	vld [tilespmem:s21+$0x20];
	[tilespmem:s21+$0xFFFFFFB0] =	vst v6;
	v6 =	vmul.f32 v62, v4  }
0x68: {  	v63 =	vld [tilespmem:s21+$0x30];
	[tilespmem:s21+$0xFFFFFFC0] =	vst v7;
	v5 =	vmul.f32 v5, v4  }
0x69: {  	v7 =	vld [tilespmem:s21+$0x40];
	v4 =	vmul.f32 v10, v4;
	[tilespmem:s21+$0xFFFFFFD0] =	vst v6  }
0x6a: {  	v6 =	vmul.f32 v3, v11;
	v11 =	vld [tilespmem:s21+$0x50];
	[tilespmem:s21+$0xFFFFFFE0] =	vst v5  }
0x6b: {  	v5 =	vld [tilespmem:s21+$0x60];
	[tilespmem:s21+$0xFFFFFFF0] =	vst v4;
	v8 =	vmul.f32 v8, v3  }
0x6c: {  	v4 =	vmul.f32 v9, v3;
	[tilespmem:s21+$0x0] =	vst v6;
	v6 =	vld [tilespmem:s21+$0x70]  }
0x6d: {  	v9 =	vld [tilespmem:s21+$0x80];
	[tilespmem:s21+$0x10] =	vst v8;
	v8 =	vmul.f32 v63, v3  }
0x6e: {  	[tilespmem:s21+$0x20] =	vst v4;
	v4 =	vmul.f32 v7, v3;
	v7 =	vld [tilespmem:s21+$0x90]  }
0x6f: {  	v10 =	vld [tilespmem:s21+$0xA0];
	[tilespmem:s21+$0x30] =	vst v8;
	v8 =	vmul.f32 v11, v3  }
0x70: {  	[tilespmem:s21+$0x40] =	vst v4;
	v5 =	vmul.f32 v5, v3;
	v4 =	vld [tilespmem:s21+$0xB0]  }
0x71: {  	[tilespmem:s21+$0x50] =	vst v8;
	v6 =	vmul.f32 v6, v3;
	v3 =	vld [tilespmem:s21+$0xC0]  }
0x72: {  	v9 =	vmul.f32 v1, v9;
	[tilespmem:s21+$0x60] =	vst v5;
	v5 =	vld [tilespmem:s21+$0xD0]  }
0x73: {  	v8 =	vmul.f32 v7, v1;
	[tilespmem:s21+$0x70] =	vst v6;
	v6 =	vld [tilespmem:s21+$0xE0]  }
0x74: {  	s23 =	simm.s32 $0xA006;
	s24 =	simm.s32 $0x2100;
	s22 =	simm.s32 $0x0;
	v7 =	vld [tilespmem:s21+$0xFFFFFF00];
	[tilespmem:s21+$0x80] =	vst v9;
	v9 =	vmul.f32 v10, v1  }
.LBB2_7:
0x75: {  	v10 =	vld.msk [tilespmem:s23+$0x1 ss:$0x0], $0xffff;
	s22 =	sadd.s32 $0x4, s22;
	[tilespmem:s21+$0x90] =	vst v8;
	v4 =	vmul.f32 v4, v1;
	s24 =	sadd.s32 $0x200, s24  }
0x76: {  	v8 =	vld [tilespmem:s24+$0xF0];
	p0 =	slt.u32 s22, $0x7C;
	[tilespmem:s21+$0xA0] =	vst v9;
	v3 =	vmul.f32 v3, v1  }
0x77: {  	v9 =	vld.msk [tilespmem:s23+$0xFFFFFFFE ss:$0x0], $0xffff;
	[tilespmem:s21+$0xB0] =	vst v4;
	v4 =	vmul.f32 v5, v1  }
0x78: {  	v5 =	vld.msk [tilespmem:s23+$0xFFFFFFFF ss:$0x0], $0xffff;
	[tilespmem:s21+$0xC0] =	vst v3;
	v11 =	vmul.f32 v6, v1  }
0x79: {  	v3 =	vld.msk [tilespmem:s23+$0x0 ss:$0x0], $0xffff;
	v2 =	vmul.f32 v2, v7;
	[tilespmem:s21+$0xD0] =	vst v4  }
0x7a: {  	v4 =	vld [tilespmem:s24+$0xFFFFFF10];
	[tilespmem:s21+$0xE0] =	vst v11  }
0x7b: {  	v1 =	vmov v10;
	v6 =	vld [tilespmem:s24+$0xFFFFFF20];
	v7 =	vmul.f32 v8, v10;
	[tilespmem:s21+$0xFFFFFF00] =	vst v2;
	s21 =	smov.u32 s24  }
0x7c: {  	v8 =	vld [tilespmem:s24+$0xFFFFFF30]  }
0x7d: {  	v10 =	vld [tilespmem:s24+$0xFFFFFF40];
	[tilespmem:s24+$0xF0] =	vst v7;
	v2 =	vmov v9  }
0x7e: {  	v7 =	vld [tilespmem:s24+$0xFFFFFF50]  }
0x7f: {  	v4 =	vmul.f32 v4, v2;
	v9 =	vld [tilespmem:s24+$0xFFFFFF60]  }
0x80: {  	v6 =	vmul.f32 v6, v2;
	v11 =	vld [tilespmem:s24+$0xFFFFFF70]  }
0x81: {  	[tilespmem:s24+$0xFFFFFF10] =	vst v4;
	v4 =	vmul.f32 v8, v2;
	v8 =	vld [tilespmem:s24+$0xFFFFFF80]  }
0x82: {  	[tilespmem:s24+$0xFFFFFF20] =	vst v6;
	v6 =	vmul.f32 v10, v2;
	v10 =	vld [tilespmem:s24+$0xFFFFFF90]  }
0x83: {  	[tilespmem:s24+$0xFFFFFF30] =	vst v4;
	v4 =	vmul.f32 v7, v2;
	v7 =	vld [tilespmem:s24+$0xFFFFFFA0]  }
0x84: {  	[tilespmem:s24+$0xFFFFFF40] =	vst v6;
	v6 =	vmul.f32 v9, v2;
	v9 =	vld [tilespmem:s24+$0xFFFFFFB0]  }
0x85: {  	[tilespmem:s24+$0xFFFFFF50] =	vst v4;
	v4 =	vmul.f32 v11, v2;
	v11 =	vld [tilespmem:s24+$0xFFFFFFC0]  }
0x86: {  	[tilespmem:s24+$0xFFFFFF60] =	vst v6;
	v6 =	vmul.f32 v5, v8;
	v8 =	vld [tilespmem:s24+$0xFFFFFFD0]  }
0x87: {  	[tilespmem:s24+$0xFFFFFF70] =	vst v4;
	v4 =	vmul.f32 v10, v5;
	v10 =	vld [tilespmem:s24+$0xFFFFFFE0]  }
0x88: {  	[tilespmem:s24+$0xFFFFFF80] =	vst v6;
	v6 =	vmul.f32 v7, v5;
	v7 =	vld [tilespmem:s24+$0xFFFFFFF0]  }
0x89: {  	[tilespmem:s24+$0xFFFFFF90] =	vst v4;
	v4 =	vmul.f32 v9, v5;
	v9 =	vld [tilespmem:s24+$0x0]  }
0x8a: {  	[tilespmem:s24+$0xFFFFFFA0] =	vst v6;
	v6 =	vmul.f32 v11, v5;
	v11 =	vld [tilespmem:s24+$0x10]  }
0x8b: {  	[tilespmem:s24+$0xFFFFFFB0] =	vst v4;
	v4 =	vmul.f32 v8, v5;
	v8 =	vld [tilespmem:s24+$0x20]  }
0x8c: {  	[tilespmem:s24+$0xFFFFFFC0] =	vst v6;
	v6 =	vmul.f32 v10, v5;
	v10 =	vld [tilespmem:s24+$0x30]  }
0x8d: {  	[tilespmem:s24+$0xFFFFFFD0] =	vst v4;
	v4 =	vmul.f32 v7, v5;
	v5 =	vld [tilespmem:s24+$0x40]  }
0x8e: {  	[tilespmem:s24+$0xFFFFFFE0] =	vst v6;
	v6 =	vmul.f32 v3, v9;
	v7 =	vld [tilespmem:s24+$0x50]  }
0x8f: {  	[tilespmem:s24+$0xFFFFFFF0] =	vst v4;
	v4 =	vmul.f32 v11, v3;
	v9 =	vld [tilespmem:s24+$0x60]  }
0x90: {  	[tilespmem:s24+$0x0] =	vst v6;
	v6 =	vmul.f32 v8, v3;
	v8 =	vld [tilespmem:s24+$0x70]  }
0x91: {  	[tilespmem:s24+$0x10] =	vst v4;
	v4 =	vmul.f32 v10, v3;
	v10 =	vld [tilespmem:s24+$0x80]  }
0x92: {  	[tilespmem:s24+$0x20] =	vst v6;
	v5 =	vmul.f32 v5, v3;
	v6 =	vld [tilespmem:s24+$0x90]  }
0x93: {  	[tilespmem:s24+$0x30] =	vst v4;
	v7 =	vmul.f32 v7, v3;
	v11 =	vld [tilespmem:s24+$0xA0]  }
.Ltmp2:
0x94: {  	[tilespmem:s24+$0x40] =	vst v5;
	v5 =	vmul.f32 v9, v3;
	v4 =	vld [tilespmem:s24+$0xB0];
	(pc) =	sbr.rel @p0 .LBB2_7-.Ltmp2, $4  }
0x95: {  	[tilespmem:s24+$0x50] =	vst v7;
	v7 =	vmul.f32 v8, v3;
	v3 =	vld [tilespmem:s24+$0xC0]  }
0x96: {  	[tilespmem:s24+$0x60] =	vst v5;
	v9 =	vmul.f32 v1, v10;
	v5 =	vld [tilespmem:s24+$0xD0]  }
0x97: {  	[tilespmem:s24+$0x70] =	vst v7;
	v8 =	vmul.f32 v6, v1;
	v6 =	vld [tilespmem:s24+$0xE0]  }
0x98: {  	s23 =	sadd.s32 $0x4, s23;
	v7 =	vld [tilespmem:s24+$0xFFFFFF00];
	[tilespmem:s24+$0x80] =	vst v9;
	v9 =	vmul.f32 v11, v1  }
0x99: {  	[tilespmem:s21+$0x90] =	vst v8;
	v4 =	vmul.f32 v4, v1  }
0x9a: {  	[tilespmem:s21+$0xA0] =	vst v9;
	v3 =	vmul.f32 v3, v1  }
0x9b: {  	[tilespmem:s21+$0xB0] =	vst v4;
	v4 =	vmul.f32 v5, v1  }
0x9c: {  	[tilespmem:s21+$0xC0] =	vst v3;
	v1 =	vmul.f32 v6, v1  }
0x9d: {  	s22 =	sshll.u32 s19, $0x8;
	v2 =	vmul.f32 v2, v7;
	[tilespmem:s21+$0xD0] =	vst v4  }
0x9e: {  	s22 =	sand.u32 $0x3FFFFF00, s22;
	[tilespmem:s21+$0xE0] =	vst v1  }
0x9f: {  	p0 =	seq.s32 s19, $0x9;
	s25 =	sadd.s32 $0x1400, s22;
	[tilespmem:s21+$0xFFFFFF00] =	vst v2  }
0xa0: {  	[spmem:s3] =	stream.indirect.scatter.add.f32 [tilespmem:s1], [sflag:$0x5], $0x80, s25, s0, $0xb8;
	[tilespmem:$0x1E200] =	vst v63  }
0xa1: {  	s23 =	simm.s32 @!p0 $0x80;
	_ =	swait.ge [sflag:s29], $0x4000  }
0xa2: {  	s24 =	simm.s32 @!p0 $0x2000;
	s21 =	sshll.u32 @!p0 s19, $0x8;
	[sflag:s29] =	ssyncset.done $0x0  }
0xa3: {  	s22 =	sadd.s32 @!p0 s5, s21;
	s21 =	sadd.s32 @!p0 $0x900, s21;
	[sflag:s29] =	ssyncadd.s32 $0xFFFFC000  }
0xa4: {  	[tilespmem:s24], [sflag:$0x1] =	stream.indirect.gather @!p0 [hbm4b:s2+s23], $0x80, s21, s23, $0xb8;
	[tilespmem:$0x1E200] =	vst v63  }
0xa5: {  	s21 =	sshrl.u32 @!p0 s22, $0x3  }
0xa6: {  	s21 =	sadd.s32 @!p0 s17, s21  }
0xa7: {  	s22 =	simm.s32 @!p0 $0x0;
	s23 =	simm.s32 @!p0 $0xA000;
	s21 =	sadd.s32 @!p0 $0x20, s21  }
0xa8: {  	[tilespmem:s23], [sflag:$0x3] =	stream.linear.gather @!p0 [hbm4b:s21+s22], $0x80, $0x38;
	[tilespmem:$0x1E200] =	vst v63  }
0xa9: {  	_ =	swait.ge [sflag:s14], $0x4000  }
0xaa: {  	[sflag:s14] =	ssyncset.done $0x0  }
0xab: {  	[sflag:s14] =	ssyncadd.s32 $0xFFFFC000  }
0xac: {  	_ =	swait.ge [sflag:s15], $0x80  }
0xad: {  	[sflag:s15] =	ssyncset.done $0x0  }
0xae: {  	s26 =	simm.s32 $0xA102;
	[sflag:s15] =	ssyncadd.s32 $0xFFFFFF80  }
0xaf: {  	s21 =	simm.s32 $0x6100;
	v1 =	vld.msk [tilespmem:s26+$0x1 ss:$0x0], $0xffff  }
0xb0: {  	v3 =	vld [tilespmem:s21+$0xF0]  }
0xb1: {  	v2 =	vld.msk [tilespmem:s26+$0xFFFFFFFE ss:$0x0], $0xffff  }
0xb2: {  	v4 =	vld.msk [tilespmem:s26+$0xFFFFFFFF ss:$0x0], $0xffff  }
0xb3: {  	v5 =	vld [tilespmem:s21+$0xFFFFFF10]  }
0xb4: {  	v6 =	vld [tilespmem:s21+$0xFFFFFF20]  }
0xb5: {  	v10 =	vld [tilespmem:s21+$0xFFFFFF60]  }
0xb6: {  	v11 =	vld [tilespmem:s21+$0xFFFFFF70]  }
0xb7: {  	v7 =	vld [tilespmem:s21+$0xFFFFFF30]  }
0xb8: {  	v8 =	vld [tilespmem:s21+$0xFFFFFF40];
	v3 =	vmul.f32 v3, v1  }
0xb9: {  	v9 =	vld [tilespmem:s21+$0xFFFFFF50];
	v5 =	vmul.f32 v5, v2  }
0xba: {  	v12 =	vld [tilespmem:s21+$0xFFFFFF80];
	v10 =	vmul.f32 v10, v2;
	[tilespmem:s21+$0xF0] =	vst v3  }
0xbb: {  	v62 =	vld [tilespmem:s21+$0xFFFFFFD0];
	v11 =	vmul.f32 v11, v2;
	[tilespmem:s21+$0xFFFFFF10] =	vst v5  }
0xbc: {  	v3 =	vmul.f32 v6, v2;
	v6 =	vld [tilespmem:s21+$0xFFFFFF90];
	[tilespmem:s21+$0xFFFFFF60] =	vst v10  }
0xbd: {  	v5 =	vmul.f32 v7, v2;
	v7 =	vld [tilespmem:s21+$0xFFFFFFA0];
	[tilespmem:s21+$0xFFFFFF70] =	vst v11  }
0xbe: {  	[tilespmem:s21+$0xFFFFFF20] =	vst v3;
	v3 =	vmul.f32 v8, v2;
	v8 =	vld [tilespmem:s21+$0xFFFFFFB0]  }
0xbf: {  	[tilespmem:s21+$0xFFFFFF30] =	vst v5;
	v5 =	vmul.f32 v9, v2;
	v9 =	vld [tilespmem:s21+$0xFFFFFFC0]  }
0xc0: {  	v10 =	vld [tilespmem:s21+$0xFFFFFFF0];
	[tilespmem:s21+$0xFFFFFF40] =	vst v3;
	v3 =	vmul.f32 v4, v12  }
0xc1: {  	[tilespmem:s21+$0xFFFFFF50] =	vst v5;
	v5 =	vld [tilespmem:s21+$0xFFFFFFE0];
	v6 =	vmul.f32 v6, v4  }
0xc2: {  	v11 =	vld [tilespmem:s21+$0x0];
	v7 =	vmul.f32 v7, v4;
	[tilespmem:s21+$0xFFFFFF80] =	vst v3  }
0xc3: {  	v3 =	vld.msk [tilespmem:s26+$0x0 ss:$0x0], $0xffff;
	[tilespmem:s21+$0xFFFFFF90] =	vst v6;
	v6 =	vmul.f32 v8, v4  }
0xc4: {  	v8 =	vld [tilespmem:s21+$0x10];
	[tilespmem:s21+$0xFFFFFFA0] =	vst v7;
	v7 =	vmul.f32 v9, v4  }
0xc5: {  	v9 =	vld [tilespmem:s21+$0x20];
	[tilespmem:s21+$0xFFFFFFB0] =	vst v6;
	v6 =	vmul.f32 v62, v4  }
0xc6: {  	v63 =	vld [tilespmem:s21+$0x30];
	[tilespmem:s21+$0xFFFFFFC0] =	vst v7;
	v5 =	vmul.f32 v5, v4  }
0xc7: {  	v7 =	vld [tilespmem:s21+$0x40];
	v4 =	vmul.f32 v10, v4;
	[tilespmem:s21+$0xFFFFFFD0] =	vst v6  }
0xc8: {  	v6 =	vmul.f32 v3, v11;
	v11 =	vld [tilespmem:s21+$0x50];
	[tilespmem:s21+$0xFFFFFFE0] =	vst v5  }
0xc9: {  	v5 =	vld [tilespmem:s21+$0x60];
	[tilespmem:s21+$0xFFFFFFF0] =	vst v4;
	v8 =	vmul.f32 v8, v3  }
0xca: {  	v4 =	vmul.f32 v9, v3;
	[tilespmem:s21+$0x0] =	vst v6;
	v6 =	vld [tilespmem:s21+$0x70]  }
0xcb: {  	v9 =	vld [tilespmem:s21+$0x80];
	[tilespmem:s21+$0x10] =	vst v8;
	v8 =	vmul.f32 v63, v3  }
0xcc: {  	[tilespmem:s21+$0x20] =	vst v4;
	v4 =	vmul.f32 v7, v3;
	v7 =	vld [tilespmem:s21+$0x90]  }
0xcd: {  	v10 =	vld [tilespmem:s21+$0xA0];
	[tilespmem:s21+$0x30] =	vst v8;
	v8 =	vmul.f32 v11, v3  }
0xce: {  	[tilespmem:s21+$0x40] =	vst v4;
	v5 =	vmul.f32 v5, v3;
	v4 =	vld [tilespmem:s21+$0xB0]  }
0xcf: {  	[tilespmem:s21+$0x50] =	vst v8;
	v6 =	vmul.f32 v6, v3;
	v3 =	vld [tilespmem:s21+$0xC0]  }
0xd0: {  	v9 =	vmul.f32 v1, v9;
	[tilespmem:s21+$0x60] =	vst v5;
	v5 =	vld [tilespmem:s21+$0xD0]  }
0xd1: {  	v8 =	vmul.f32 v7, v1;
	[tilespmem:s21+$0x70] =	vst v6;
	v6 =	vld [tilespmem:s21+$0xE0]  }
0xd2: {  	s24 =	simm.s32 $0x6100;
	s22 =	simm.s32 $0x0;
	s23 =	simm.s32 $0xA106;
	v7 =	vld [tilespmem:s21+$0xFFFFFF00];
	[tilespmem:s21+$0x80] =	vst v9;
	v9 =	vmul.f32 v10, v1  }
.LBB2_9:
0xd3: {  	v10 =	vld.msk [tilespmem:s23+$0x1 ss:$0x0], $0xffff;
	s22 =	sadd.s32 $0x4, s22;
	[tilespmem:s21+$0x90] =	vst v8;
	v4 =	vmul.f32 v4, v1;
	s24 =	sadd.s32 $0x200, s24  }
0xd4: {  	v8 =	vld [tilespmem:s24+$0xF0];
	p0 =	slt.u32 s22, $0x7C;
	[tilespmem:s21+$0xA0] =	vst v9;
	v3 =	vmul.f32 v3, v1  }
0xd5: {  	v9 =	vld.msk [tilespmem:s23+$0xFFFFFFFE ss:$0x0], $0xffff;
	[tilespmem:s21+$0xB0] =	vst v4;
	v4 =	vmul.f32 v5, v1  }
0xd6: {  	v5 =	vld.msk [tilespmem:s23+$0xFFFFFFFF ss:$0x0], $0xffff;
	[tilespmem:s21+$0xC0] =	vst v3;
	v11 =	vmul.f32 v6, v1  }
0xd7: {  	v3 =	vld.msk [tilespmem:s23+$0x0 ss:$0x0], $0xffff;
	v2 =	vmul.f32 v2, v7;
	[tilespmem:s21+$0xD0] =	vst v4  }
0xd8: {  	v4 =	vld [tilespmem:s24+$0xFFFFFF10];
	[tilespmem:s21+$0xE0] =	vst v11  }
0xd9: {  	v1 =	vmov v10;
	v6 =	vld [tilespmem:s24+$0xFFFFFF20];
	v7 =	vmul.f32 v8, v10;
	[tilespmem:s21+$0xFFFFFF00] =	vst v2;
	s21 =	smov.u32 s24  }
0xda: {  	v8 =	vld [tilespmem:s24+$0xFFFFFF30]  }
0xdb: {  	v10 =	vld [tilespmem:s24+$0xFFFFFF40];
	[tilespmem:s24+$0xF0] =	vst v7;
	v2 =	vmov v9  }
0xdc: {  	v7 =	vld [tilespmem:s24+$0xFFFFFF50]  }
0xdd: {  	v4 =	vmul.f32 v4, v2;
	v9 =	vld [tilespmem:s24+$0xFFFFFF60]  }
0xde: {  	v6 =	vmul.f32 v6, v2;
	v11 =	vld [tilespmem:s24+$0xFFFFFF70]  }
0xdf: {  	[tilespmem:s24+$0xFFFFFF10] =	vst v4;
	v4 =	vmul.f32 v8, v2;
	v8 =	vld [tilespmem:s24+$0xFFFFFF80]  }
0xe0: {  	[tilespmem:s24+$0xFFFFFF20] =	vst v6;
	v6 =	vmul.f32 v10, v2;
	v10 =	vld [tilespmem:s24+$0xFFFFFF90]  }
0xe1: {  	[tilespmem:s24+$0xFFFFFF30] =	vst v4;
	v4 =	vmul.f32 v7, v2;
	v7 =	vld [tilespmem:s24+$0xFFFFFFA0]  }
0xe2: {  	[tilespmem:s24+$0xFFFFFF40] =	vst v6;
	v6 =	vmul.f32 v9, v2;
	v9 =	vld [tilespmem:s24+$0xFFFFFFB0]  }
0xe3: {  	[tilespmem:s24+$0xFFFFFF50] =	vst v4;
	v4 =	vmul.f32 v11, v2;
	v11 =	vld [tilespmem:s24+$0xFFFFFFC0]  }
0xe4: {  	[tilespmem:s24+$0xFFFFFF60] =	vst v6;
	v6 =	vmul.f32 v5, v8;
	v8 =	vld [tilespmem:s24+$0xFFFFFFD0]  }
0xe5: {  	[tilespmem:s24+$0xFFFFFF70] =	vst v4;
	v4 =	vmul.f32 v10, v5;
	v10 =	vld [tilespmem:s24+$0xFFFFFFE0]  }
0xe6: {  	[tilespmem:s24+$0xFFFFFF80] =	vst v6;
	v6 =	vmul.f32 v7, v5;
	v7 =	vld [tilespmem:s24+$0xFFFFFFF0]  }
0xe7: {  	[tilespmem:s24+$0xFFFFFF90] =	vst v4;
	v4 =	vmul.f32 v9, v5;
	v9 =	vld [tilespmem:s24+$0x0]  }
0xe8: {  	[tilespmem:s24+$0xFFFFFFA0] =	vst v6;
	v6 =	vmul.f32 v11, v5;
	v11 =	vld [tilespmem:s24+$0x10]  }
0xe9: {  	[tilespmem:s24+$0xFFFFFFB0] =	vst v4;
	v4 =	vmul.f32 v8, v5;
	v8 =	vld [tilespmem:s24+$0x20]  }
0xea: {  	[tilespmem:s24+$0xFFFFFFC0] =	vst v6;
	v6 =	vmul.f32 v10, v5;
	v10 =	vld [tilespmem:s24+$0x30]  }
0xeb: {  	[tilespmem:s24+$0xFFFFFFD0] =	vst v4;
	v4 =	vmul.f32 v7, v5;
	v5 =	vld [tilespmem:s24+$0x40]  }
0xec: {  	[tilespmem:s24+$0xFFFFFFE0] =	vst v6;
	v6 =	vmul.f32 v3, v9;
	v7 =	vld [tilespmem:s24+$0x50]  }
0xed: {  	[tilespmem:s24+$0xFFFFFFF0] =	vst v4;
	v4 =	vmul.f32 v11, v3;
	v9 =	vld [tilespmem:s24+$0x60]  }
0xee: {  	[tilespmem:s24+$0x0] =	vst v6;
	v6 =	vmul.f32 v8, v3;
	v8 =	vld [tilespmem:s24+$0x70]  }
0xef: {  	[tilespmem:s24+$0x10] =	vst v4;
	v4 =	vmul.f32 v10, v3;
	v10 =	vld [tilespmem:s24+$0x80]  }
0xf0: {  	[tilespmem:s24+$0x20] =	vst v6;
	v5 =	vmul.f32 v5, v3;
	v6 =	vld [tilespmem:s24+$0x90]  }
0xf1: {  	[tilespmem:s24+$0x30] =	vst v4;
	v7 =	vmul.f32 v7, v3;
	v11 =	vld [tilespmem:s24+$0xA0]  }
.Ltmp3:
0xf2: {  	[tilespmem:s24+$0x40] =	vst v5;
	v5 =	vmul.f32 v9, v3;
	v4 =	vld [tilespmem:s24+$0xB0];
	(pc) =	sbr.rel @p0 .LBB2_9-.Ltmp3, $4  }
0xf3: {  	[tilespmem:s24+$0x50] =	vst v7;
	v7 =	vmul.f32 v8, v3;
	v3 =	vld [tilespmem:s24+$0xC0]  }
0xf4: {  	[tilespmem:s24+$0x60] =	vst v5;
	v9 =	vmul.f32 v1, v10;
	v5 =	vld [tilespmem:s24+$0xD0]  }
0xf5: {  	[tilespmem:s24+$0x70] =	vst v7;
	v8 =	vmul.f32 v6, v1;
	v6 =	vld [tilespmem:s24+$0xE0]  }
0xf6: {  	s23 =	sadd.s32 $0x4, s23;
	v7 =	vld [tilespmem:s24+$0xFFFFFF00];
	[tilespmem:s24+$0x80] =	vst v9;
	v9 =	vmul.f32 v11, v1  }
0xf7: {  	[tilespmem:s21+$0x90] =	vst v8;
	v4 =	vmul.f32 v4, v1  }
0xf8: {  	[tilespmem:s21+$0xA0] =	vst v9;
	v3 =	vmul.f32 v3, v1  }
0xf9: {  	[tilespmem:s21+$0xB0] =	vst v4;
	v63 =	vmul.f32 v5, v1  }
0xfa: {  	[tilespmem:s21+$0xC0] =	vst v3;
	v1 =	vmul.f32 v6, v1  }
0xfb: {  	s19 =	sadd.s32 $0x1, s19;
	v2 =	vmul.f32 v2, v7;
	[tilespmem:s21+$0xD0] =	vst v63  }
0xfc: {  	s20 =	sand.u32 $0x3FFFFF80, s20;
	p0 =	sne.s32 s19, $0xA;
	[tilespmem:s21+$0xE0] =	vst v1  }
.Ltmp4:
0xfd: {  	s20 =	sadd.s32 $0x1400, s20;
	[tilespmem:s21+$0xFFFFFF00] =	vst v2;
	(pc) =	sbr.rel @p0 .LBB2_6-.Ltmp4, $4  }
0xfe: {  	[spmem:s3] =	stream.indirect.scatter.add.f32 [tilespmem:s7], [sflag:$0x5], $0x80, s20, s0, $0xb8;
	[tilespmem:$0x1E200] =	vst v63  }
0xff: {  	_ =	swait.ge [sflag:s29], $0x4000  }
0x100: {  	[sflag:s29] =	ssyncset.done $0x0  }
0x101: {  	[sflag:s29] =	ssyncadd.s32 $0xFFFFC000  }
0x102: {  	s19 =	stileid.u32  }
0x103: {  	[bflag:$0x0] =	sbarrier.arrive $0xFFFF;
	s19 =	sshll.u32 s19, $0x6  }
0x104: {  	s20 =	sshrl.u32 s18, $0x3;
	s21 =	rddreg [dreg:$0xe];
	s19 =	sor.u32 $0x1C05, s19  }
0x105: {  	[hbm:s21], [sflag:s19] =	dma.local [spmem:s20], $0x2800  }
0x106: {  	_ =	swait.ge [sflag:s29], $0x2800  }
0x107: {  	[sflag:s29] =	ssyncset.done $0x0  }
0x108: {  	[sflag:s29] =	ssyncadd.s32 $0xFFFFD800  }
0x109: {  	s26 =	sadd.s32 $0x0, s18;
	[bflag:$0x0] =	sbarrier.arrive $0xFFFF  }
0x10a: {  	[spmem:s26] =	stream.linear.scatter [tilespmem:s4], [sflag:$0x5], $0x800, $0x38;
	[tilespmem:$0x1E200] =	vst v63  }
0x10b: {  	s21 =	simm.s32 $0x2000;
	_ =	swait.ge [sflag:s29], $0x800  }
.LBB2_12:
0x10c: {  	s22 =	sshra.s32 s21, $0x2;
	[sflag:s29] =	ssyncset.done $0x0;
	p0 =	sne.s32 s21, $0x4E000  }
.Ltmp5:
0x10d: {  	s22 =	sadd.s32 s22, s18;
	[sflag:s29] =	ssyncadd.s32 $0xFFFFF800;
	(pc) =	sbr.rel @p0 .LBB2_12-.Ltmp5, $3  }
0x10e: {  	[spmem:s22] =	stream.linear.scatter [tilespmem:s4], [sflag:$0x5], $0x800, $0x38;
	[tilespmem:$0x1E200] =	vst v63  }
0x10f: {  	s21 =	sadd.s32 $0x2000, s21;
	_ =	sdelay $0x1  }
0x110: {  	_ =	swait.ge [sflag:s29], $0x800  }
0x111: {  	[sflag:s29] =	ssyncset.done $0x0  }
0x112: {  	s21 =	simm.s32 $0x0;
	s22 =	rddreg [dreg:$0x7];
	[sflag:s29] =	ssyncadd.s32 $0xFFFFF800  }
0x113: {  	[tilespmem:s30], [sflag:$0x5] =	stream.linear.gather [hbm4b:s22+s21], $0xA00, $0x38;
	[tilespmem:$0x1E200] =	vst v63  }
0x114: {  	_ =	swait.ge [sflag:s29], $0xA00  }
0x115: {  	[sflag:s29] =	ssyncset.done $0x0  }
0x116: {  	s25 =	rddreg [dreg:$0x8];
	[sflag:s29] =	ssyncadd.s32 $0xFFFFF600  }
0x117: {  	[tilespmem:s31], [sflag:$0x5] =	stream.linear.gather [hbm4b:s25+s21], $0xA00, $0x38;
	[tilespmem:$0x1E200] =	vst v63  }
0x118: {  	_ =	swait.ge [sflag:s29], $0xA00  }
0x119: {  	[sflag:s29] =	ssyncset.done $0x0  }
0x11a: {  	[sflag:s29] =	ssyncadd.s32 $0xFFFFF600  }
0x11b: {  	[bflag:$0x0] =	sbarrier.arrive $0xFFFF  }
0x11c: {  	[tilespmem:s1], [sflag:$0x1] =	stream.indirect.gather [hbm4b:s2+s0], $0x80, s30, s0, $0xb8;
	[tilespmem:$0x1E200] =	vst v63  }
0x11d: {  	s26 =	rddreg [dreg:$0x12]  }
0x11e: {  	[tilespmem:s6], [sflag:$0x3] =	stream.linear.gather [hbm4b:s26+s21], $0x80, $0x38;
	[tilespmem:$0x1E200] =	vst v63  }
.LBB2_14:
0x11f: {  	s22 =	sshllo.u32 s21, $0x1  }
0x120: {  	s22 =	sshll.u32 s22, $0x7  }
0x121: {  	s23 =	sadd.s32 $0x800, s22;
	s26 =	sadd.s32 s8, s22  }
0x122: {  	[tilespmem:s7], [sflag:$0x2] =	stream.indirect.gather [hbm4b:s2+s0], $0x80, s23, s0, $0xb8;
	[tilespmem:$0x1E200] =	vst v63  }
0x123: {  	s23 =	sshrl.u32 s26, $0x3  }
0x124: {  	s23 =	sadd.s32 s17, s23  }
0x125: {  	[tilespmem:s11], [sflag:$0x4] =	stream.linear.gather [hbm4b:s23+s4], $0x80, $0x38;
	[tilespmem:$0x1E200] =	vst v63  }
0x126: {  	_ =	swait.ge [sflag:s12], $0x4000  }
0x127: {  	[sflag:s12] =	ssyncset.done $0x0  }
0x128: {  	[sflag:s12] =	ssyncadd.s32 $0xFFFFC000  }
0x129: {  	_ =	swait.ge [sflag:s13], $0x80  }
0x12a: {  	[sflag:s13] =	ssyncset.done $0x0  }
0x12b: {  	s24 =	simm.s32 $0xA002;
	[sflag:s13] =	ssyncadd.s32 $0xFFFFFF80  }
0x12c: {  	s23 =	simm.s32 $0x2100;
	v1 =	vld.msk [tilespmem:s24+$0x1 ss:$0x0], $0xffff  }
0x12d: {  	v3 =	vld [tilespmem:s23+$0xF0]  }
0x12e: {  	v2 =	vld.msk [tilespmem:s24+$0xFFFFFFFE ss:$0x0], $0xffff  }
0x12f: {  	v4 =	vld.msk [tilespmem:s24+$0xFFFFFFFF ss:$0x0], $0xffff  }
0x130: {  	v5 =	vld [tilespmem:s23+$0xFFFFFF10]  }
0x131: {  	v6 =	vld [tilespmem:s23+$0xFFFFFF20]  }
0x132: {  	v10 =	vld [tilespmem:s23+$0xFFFFFF60]  }
0x133: {  	v11 =	vld [tilespmem:s23+$0xFFFFFF70]  }
0x134: {  	v7 =	vld [tilespmem:s23+$0xFFFFFF30]  }
0x135: {  	v8 =	vld [tilespmem:s23+$0xFFFFFF40];
	v3 =	vmul.f32 v3, v1  }
0x136: {  	v9 =	vld [tilespmem:s23+$0xFFFFFF50];
	v5 =	vmul.f32 v5, v2  }
0x137: {  	v12 =	vld [tilespmem:s23+$0xFFFFFF80];
	v10 =	vmul.f32 v10, v2;
	[tilespmem:s23+$0xF0] =	vst v3  }
0x138: {  	v62 =	vld [tilespmem:s23+$0xFFFFFFD0];
	v11 =	vmul.f32 v11, v2;
	[tilespmem:s23+$0xFFFFFF10] =	vst v5  }
0x139: {  	v3 =	vmul.f32 v6, v2;
	v6 =	vld [tilespmem:s23+$0xFFFFFF90];
	[tilespmem:s23+$0xFFFFFF60] =	vst v10  }
0x13a: {  	v5 =	vmul.f32 v7, v2;
	v7 =	vld [tilespmem:s23+$0xFFFFFFA0];
	[tilespmem:s23+$0xFFFFFF70] =	vst v11  }
0x13b: {  	[tilespmem:s23+$0xFFFFFF20] =	vst v3;
	v3 =	vmul.f32 v8, v2;
	v8 =	vld [tilespmem:s23+$0xFFFFFFB0]  }
0x13c: {  	[tilespmem:s23+$0xFFFFFF30] =	vst v5;
	v5 =	vmul.f32 v9, v2;
	v9 =	vld [tilespmem:s23+$0xFFFFFFC0]  }
0x13d: {  	v10 =	vld [tilespmem:s23+$0xFFFFFFF0];
	[tilespmem:s23+$0xFFFFFF40] =	vst v3;
	v3 =	vmul.f32 v4, v12  }
0x13e: {  	[tilespmem:s23+$0xFFFFFF50] =	vst v5;
	v5 =	vld [tilespmem:s23+$0xFFFFFFE0];
	v6 =	vmul.f32 v6, v4  }
0x13f: {  	v11 =	vld [tilespmem:s23+$0x0];
	v7 =	vmul.f32 v7, v4;
	[tilespmem:s23+$0xFFFFFF80] =	vst v3  }
0x140: {  	v3 =	vld.msk [tilespmem:s24+$0x0 ss:$0x0], $0xffff;
	[tilespmem:s23+$0xFFFFFF90] =	vst v6;
	v6 =	vmul.f32 v8, v4  }
0x141: {  	v8 =	vld [tilespmem:s23+$0x10];
	[tilespmem:s23+$0xFFFFFFA0] =	vst v7;
	v7 =	vmul.f32 v9, v4  }
0x142: {  	v9 =	vld [tilespmem:s23+$0x20];
	[tilespmem:s23+$0xFFFFFFB0] =	vst v6;
	v6 =	vmul.f32 v62, v4  }
0x143: {  	v63 =	vld [tilespmem:s23+$0x30];
	[tilespmem:s23+$0xFFFFFFC0] =	vst v7;
	v5 =	vmul.f32 v5, v4  }
0x144: {  	v7 =	vld [tilespmem:s23+$0x40];
	v4 =	vmul.f32 v10, v4;
	[tilespmem:s23+$0xFFFFFFD0] =	vst v6  }
0x145: {  	v6 =	vmul.f32 v3, v11;
	v11 =	vld [tilespmem:s23+$0x50];
	[tilespmem:s23+$0xFFFFFFE0] =	vst v5  }
0x146: {  	v5 =	vld [tilespmem:s23+$0x60];
	[tilespmem:s23+$0xFFFFFFF0] =	vst v4;
	v8 =	vmul.f32 v8, v3  }
0x147: {  	v4 =	vmul.f32 v9, v3;
	[tilespmem:s23+$0x0] =	vst v6;
	v6 =	vld [tilespmem:s23+$0x70]  }
0x148: {  	v9 =	vld [tilespmem:s23+$0x80];
	[tilespmem:s23+$0x10] =	vst v8;
	v8 =	vmul.f32 v63, v3  }
0x149: {  	[tilespmem:s23+$0x20] =	vst v4;
	v4 =	vmul.f32 v7, v3;
	v7 =	vld [tilespmem:s23+$0x90]  }
0x14a: {  	v10 =	vld [tilespmem:s23+$0xA0];
	[tilespmem:s23+$0x30] =	vst v8;
	v8 =	vmul.f32 v11, v3  }
0x14b: {  	[tilespmem:s23+$0x40] =	vst v4;
	v5 =	vmul.f32 v5, v3;
	v4 =	vld [tilespmem:s23+$0xB0]  }
0x14c: {  	[tilespmem:s23+$0x50] =	vst v8;
	v6 =	vmul.f32 v6, v3;
	v3 =	vld [tilespmem:s23+$0xC0]  }
0x14d: {  	v9 =	vmul.f32 v1, v9;
	[tilespmem:s23+$0x60] =	vst v5;
	v5 =	vld [tilespmem:s23+$0xD0]  }
0x14e: {  	v8 =	vmul.f32 v7, v1;
	[tilespmem:s23+$0x70] =	vst v6;
	v6 =	vld [tilespmem:s23+$0xE0]  }
0x14f: {  	s25 =	simm.s32 $0xA006;
	s26 =	simm.s32 $0x2100;
	s24 =	simm.s32 $0x0;
	v7 =	vld [tilespmem:s23+$0xFFFFFF00];
	[tilespmem:s23+$0x80] =	vst v9;
	v9 =	vmul.f32 v10, v1  }
.LBB2_15:
0x150: {  	v10 =	vld.msk [tilespmem:s25+$0x1 ss:$0x0], $0xffff;
	s24 =	sadd.s32 $0x4, s24;
	[tilespmem:s23+$0x90] =	vst v8;
	v4 =	vmul.f32 v4, v1;
	s26 =	sadd.s32 $0x200, s26  }
0x151: {  	v8 =	vld [tilespmem:s26+$0xF0];
	p0 =	slt.u32 s24, $0x7C;
	[tilespmem:s23+$0xA0] =	vst v9;
	v3 =	vmul.f32 v3, v1  }
0x152: {  	v9 =	vld.msk [tilespmem:s25+$0xFFFFFFFE ss:$0x0], $0xffff;
	[tilespmem:s23+$0xB0] =	vst v4;
	v4 =	vmul.f32 v5, v1  }
0x153: {  	v5 =	vld.msk [tilespmem:s25+$0xFFFFFFFF ss:$0x0], $0xffff;
	[tilespmem:s23+$0xC0] =	vst v3;
	v11 =	vmul.f32 v6, v1  }
0x154: {  	v3 =	vld.msk [tilespmem:s25+$0x0 ss:$0x0], $0xffff;
	v2 =	vmul.f32 v2, v7;
	[tilespmem:s23+$0xD0] =	vst v4  }
0x155: {  	v4 =	vld [tilespmem:s26+$0xFFFFFF10];
	[tilespmem:s23+$0xE0] =	vst v11  }
0x156: {  	v1 =	vmov v10;
	v6 =	vld [tilespmem:s26+$0xFFFFFF20];
	v7 =	vmul.f32 v8, v10;
	[tilespmem:s23+$0xFFFFFF00] =	vst v2;
	s23 =	smov.u32 s26  }
0x157: {  	v8 =	vld [tilespmem:s26+$0xFFFFFF30]  }
0x158: {  	v10 =	vld [tilespmem:s26+$0xFFFFFF40];
	[tilespmem:s26+$0xF0] =	vst v7;
	v2 =	vmov v9  }
0x159: {  	v7 =	vld [tilespmem:s26+$0xFFFFFF50]  }
0x15a: {  	v4 =	vmul.f32 v4, v2;
	v9 =	vld [tilespmem:s26+$0xFFFFFF60]  }
0x15b: {  	v6 =	vmul.f32 v6, v2;
	v11 =	vld [tilespmem:s26+$0xFFFFFF70]  }
0x15c: {  	[tilespmem:s26+$0xFFFFFF10] =	vst v4;
	v4 =	vmul.f32 v8, v2;
	v8 =	vld [tilespmem:s26+$0xFFFFFF80]  }
0x15d: {  	[tilespmem:s26+$0xFFFFFF20] =	vst v6;
	v6 =	vmul.f32 v10, v2;
	v10 =	vld [tilespmem:s26+$0xFFFFFF90]  }
0x15e: {  	[tilespmem:s26+$0xFFFFFF30] =	vst v4;
	v4 =	vmul.f32 v7, v2;
	v7 =	vld [tilespmem:s26+$0xFFFFFFA0]  }
0x15f: {  	[tilespmem:s26+$0xFFFFFF40] =	vst v6;
	v6 =	vmul.f32 v9, v2;
	v9 =	vld [tilespmem:s26+$0xFFFFFFB0]  }
0x160: {  	[tilespmem:s26+$0xFFFFFF50] =	vst v4;
	v4 =	vmul.f32 v11, v2;
	v11 =	vld [tilespmem:s26+$0xFFFFFFC0]  }
0x161: {  	[tilespmem:s26+$0xFFFFFF60] =	vst v6;
	v6 =	vmul.f32 v5, v8;
	v8 =	vld [tilespmem:s26+$0xFFFFFFD0]  }
0x162: {  	[tilespmem:s26+$0xFFFFFF70] =	vst v4;
	v4 =	vmul.f32 v10, v5;
	v10 =	vld [tilespmem:s26+$0xFFFFFFE0]  }
0x163: {  	[tilespmem:s26+$0xFFFFFF80] =	vst v6;
	v6 =	vmul.f32 v7, v5;
	v7 =	vld [tilespmem:s26+$0xFFFFFFF0]  }
0x164: {  	[tilespmem:s26+$0xFFFFFF90] =	vst v4;
	v4 =	vmul.f32 v9, v5;
	v9 =	vld [tilespmem:s26+$0x0]  }
0x165: {  	[tilespmem:s26+$0xFFFFFFA0] =	vst v6;
	v6 =	vmul.f32 v11, v5;
	v11 =	vld [tilespmem:s26+$0x10]  }
0x166: {  	[tilespmem:s26+$0xFFFFFFB0] =	vst v4;
	v4 =	vmul.f32 v8, v5;
	v8 =	vld [tilespmem:s26+$0x20]  }
0x167: {  	[tilespmem:s26+$0xFFFFFFC0] =	vst v6;
	v6 =	vmul.f32 v10, v5;
	v10 =	vld [tilespmem:s26+$0x30]  }
0x168: {  	[tilespmem:s26+$0xFFFFFFD0] =	vst v4;
	v4 =	vmul.f32 v7, v5;
	v5 =	vld [tilespmem:s26+$0x40]  }
0x169: {  	[tilespmem:s26+$0xFFFFFFE0] =	vst v6;
	v6 =	vmul.f32 v3, v9;
	v7 =	vld [tilespmem:s26+$0x50]  }
0x16a: {  	[tilespmem:s26+$0xFFFFFFF0] =	vst v4;
	v4 =	vmul.f32 v11, v3;
	v9 =	vld [tilespmem:s26+$0x60]  }
0x16b: {  	[tilespmem:s26+$0x0] =	vst v6;
	v6 =	vmul.f32 v8, v3;
	v8 =	vld [tilespmem:s26+$0x70]  }
0x16c: {  	[tilespmem:s26+$0x10] =	vst v4;
	v4 =	vmul.f32 v10, v3;
	v10 =	vld [tilespmem:s26+$0x80]  }
0x16d: {  	[tilespmem:s26+$0x20] =	vst v6;
	v5 =	vmul.f32 v5, v3;
	v6 =	vld [tilespmem:s26+$0x90]  }
0x16e: {  	[tilespmem:s26+$0x30] =	vst v4;
	v7 =	vmul.f32 v7, v3;
	v11 =	vld [tilespmem:s26+$0xA0]  }
.Ltmp6:
0x16f: {  	[tilespmem:s26+$0x40] =	vst v5;
	v5 =	vmul.f32 v9, v3;
	v4 =	vld [tilespmem:s26+$0xB0];
	(pc) =	sbr.rel @p0 .LBB2_15-.Ltmp6, $4  }
0x170: {  	[tilespmem:s26+$0x50] =	vst v7;
	v7 =	vmul.f32 v8, v3;
	v3 =	vld [tilespmem:s26+$0xC0]  }
0x171: {  	[tilespmem:s26+$0x60] =	vst v5;
	v9 =	vmul.f32 v1, v10;
	v5 =	vld [tilespmem:s26+$0xD0]  }
0x172: {  	[tilespmem:s26+$0x70] =	vst v7;
	v8 =	vmul.f32 v6, v1;
	v6 =	vld [tilespmem:s26+$0xE0]  }
0x173: {  	s25 =	sadd.s32 $0x4, s25;
	v7 =	vld [tilespmem:s26+$0xFFFFFF00];
	[tilespmem:s26+$0x80] =	vst v9;
	v9 =	vmul.f32 v11, v1  }
0x174: {  	[tilespmem:s23+$0x90] =	vst v8;
	v4 =	vmul.f32 v4, v1  }
0x175: {  	[tilespmem:s23+$0xA0] =	vst v9;
	v3 =	vmul.f32 v3, v1  }
0x176: {  	[tilespmem:s23+$0xB0] =	vst v4;
	v4 =	vmul.f32 v5, v1  }
0x177: {  	[tilespmem:s23+$0xC0] =	vst v3;
	v1 =	vmul.f32 v6, v1  }
0x178: {  	s24 =	sshll.u32 s21, $0x8;
	v2 =	vmul.f32 v2, v7;
	[tilespmem:s23+$0xD0] =	vst v4  }
0x179: {  	s24 =	sand.u32 $0x3FFFFF00, s24;
	[tilespmem:s23+$0xE0] =	vst v1  }
0x17a: {  	p0 =	seq.s32 s21, $0x9;
	s25 =	sadd.s32 $0x1400, s24;
	[tilespmem:s23+$0xFFFFFF00] =	vst v2  }
0x17b: {  	[spmem:s3] =	stream.indirect.scatter.add.f32 [tilespmem:s1], [sflag:$0x5], $0x80, s25, s0, $0xb8;
	[tilespmem:$0x1E200] =	vst v63  }
0x17c: {  	s23 =	sshll.u32 @!p0 s21, $0x8;
	_ =	swait.ge [sflag:s29], $0x4000  }
0x17d: {  	s26 =	simm.s32 @!p0 $0x2000;
	s24 =	sadd.s32 @!p0 s8, s23;
	[sflag:s29] =	ssyncset.done $0x0  }
0x17e: {  	s23 =	sadd.s32 @!p0 $0x900, s23;
	s25 =	simm.s32 @!p0 $0x80;
	[sflag:s29] =	ssyncadd.s32 $0xFFFFC000  }
0x17f: {  	[tilespmem:s26], [sflag:$0x1] =	stream.indirect.gather @!p0 [hbm4b:s2+s25], $0x80, s23, s25, $0xb8;
	[tilespmem:$0x1E200] =	vst v63  }
0x180: {  	s23 =	sshrl.u32 @!p0 s24, $0x3  }
0x181: {  	s23 =	sadd.s32 @!p0 s17, s23  }
0x182: {  	s24 =	simm.s32 @!p0 $0x0;
	s25 =	simm.s32 @!p0 $0xA000;
	s23 =	sadd.s32 @!p0 $0x20, s23  }
0x183: {  	[tilespmem:s25], [sflag:$0x3] =	stream.linear.gather @!p0 [hbm4b:s23+s24], $0x80, $0x38;
	[tilespmem:$0x1E200] =	vst v63  }
0x184: {  	_ =	swait.ge [sflag:s14], $0x4000  }
0x185: {  	[sflag:s14] =	ssyncset.done $0x0  }
0x186: {  	[sflag:s14] =	ssyncadd.s32 $0xFFFFC000  }
0x187: {  	_ =	swait.ge [sflag:s15], $0x80  }
0x188: {  	[sflag:s15] =	ssyncset.done $0x0  }
0x189: {  	s26 =	simm.s32 $0xA102;
	[sflag:s15] =	ssyncadd.s32 $0xFFFFFF80  }
0x18a: {  	s23 =	simm.s32 $0x6100;
	v1 =	vld.msk [tilespmem:s26+$0x1 ss:$0x0], $0xffff  }
0x18b: {  	v3 =	vld [tilespmem:s23+$0xF0]  }
0x18c: {  	v2 =	vld.msk [tilespmem:s26+$0xFFFFFFFE ss:$0x0], $0xffff  }
0x18d: {  	v4 =	vld.msk [tilespmem:s26+$0xFFFFFFFF ss:$0x0], $0xffff  }
0x18e: {  	v5 =	vld [tilespmem:s23+$0xFFFFFF10]  }
0x18f: {  	v6 =	vld [tilespmem:s23+$0xFFFFFF20]  }
0x190: {  	v10 =	vld [tilespmem:s23+$0xFFFFFF60]  }
0x191: {  	v11 =	vld [tilespmem:s23+$0xFFFFFF70]  }
0x192: {  	v7 =	vld [tilespmem:s23+$0xFFFFFF30]  }
0x193: {  	v8 =	vld [tilespmem:s23+$0xFFFFFF40];
	v3 =	vmul.f32 v3, v1  }
0x194: {  	v9 =	vld [tilespmem:s23+$0xFFFFFF50];
	v5 =	vmul.f32 v5, v2  }
0x195: {  	v12 =	vld [tilespmem:s23+$0xFFFFFF80];
	v10 =	vmul.f32 v10, v2;
	[tilespmem:s23+$0xF0] =	vst v3  }
0x196: {  	v62 =	vld [tilespmem:s23+$0xFFFFFFD0];
	v11 =	vmul.f32 v11, v2;
	[tilespmem:s23+$0xFFFFFF10] =	vst v5  }
0x197: {  	v3 =	vmul.f32 v6, v2;
	v6 =	vld [tilespmem:s23+$0xFFFFFF90];
	[tilespmem:s23+$0xFFFFFF60] =	vst v10  }
0x198: {  	v5 =	vmul.f32 v7, v2;
	v7 =	vld [tilespmem:s23+$0xFFFFFFA0];
	[tilespmem:s23+$0xFFFFFF70] =	vst v11  }
0x199: {  	[tilespmem:s23+$0xFFFFFF20] =	vst v3;
	v3 =	vmul.f32 v8, v2;
	v8 =	vld [tilespmem:s23+$0xFFFFFFB0]  }
0x19a: {  	[tilespmem:s23+$0xFFFFFF30] =	vst v5;
	v5 =	vmul.f32 v9, v2;
	v9 =	vld [tilespmem:s23+$0xFFFFFFC0]  }
0x19b: {  	v10 =	vld [tilespmem:s23+$0xFFFFFFF0];
	[tilespmem:s23+$0xFFFFFF40] =	vst v3;
	v3 =	vmul.f32 v4, v12  }
0x19c: {  	[tilespmem:s23+$0xFFFFFF50] =	vst v5;
	v5 =	vld [tilespmem:s23+$0xFFFFFFE0];
	v6 =	vmul.f32 v6, v4  }
0x19d: {  	v11 =	vld [tilespmem:s23+$0x0];
	v7 =	vmul.f32 v7, v4;
	[tilespmem:s23+$0xFFFFFF80] =	vst v3  }
0x19e: {  	v3 =	vld.msk [tilespmem:s26+$0x0 ss:$0x0], $0xffff;
	[tilespmem:s23+$0xFFFFFF90] =	vst v6;
	v6 =	vmul.f32 v8, v4  }
0x19f: {  	v8 =	vld [tilespmem:s23+$0x10];
	[tilespmem:s23+$0xFFFFFFA0] =	vst v7;
	v7 =	vmul.f32 v9, v4  }
0x1a0: {  	v9 =	vld [tilespmem:s23+$0x20];
	[tilespmem:s23+$0xFFFFFFB0] =	vst v6;
	v6 =	vmul.f32 v62, v4  }
0x1a1: {  	v63 =	vld [tilespmem:s23+$0x30];
	[tilespmem:s23+$0xFFFFFFC0] =	vst v7;
	v5 =	vmul.f32 v5, v4  }
0x1a2: {  	v7 =	vld [tilespmem:s23+$0x40];
	v4 =	vmul.f32 v10, v4;
	[tilespmem:s23+$0xFFFFFFD0] =	vst v6  }
0x1a3: {  	v6 =	vmul.f32 v3, v11;
	v11 =	vld [tilespmem:s23+$0x50];
	[tilespmem:s23+$0xFFFFFFE0] =	vst v5  }
0x1a4: {  	v5 =	vld [tilespmem:s23+$0x60];
	[tilespmem:s23+$0xFFFFFFF0] =	vst v4;
	v8 =	vmul.f32 v8, v3  }
0x1a5: {  	v4 =	vmul.f32 v9, v3;
	[tilespmem:s23+$0x0] =	vst v6;
	v6 =	vld [tilespmem:s23+$0x70]  }
0x1a6: {  	v9 =	vld [tilespmem:s23+$0x80];
	[tilespmem:s23+$0x10] =	vst v8;
	v8 =	vmul.f32 v63, v3  }
0x1a7: {  	[tilespmem:s23+$0x20] =	vst v4;
	v4 =	vmul.f32 v7, v3;
	v7 =	vld [tilespmem:s23+$0x90]  }
0x1a8: {  	v10 =	vld [tilespmem:s23+$0xA0];
	[tilespmem:s23+$0x30] =	vst v8;
	v8 =	vmul.f32 v11, v3  }
0x1a9: {  	[tilespmem:s23+$0x40] =	vst v4;
	v5 =	vmul.f32 v5, v3;
	v4 =	vld [tilespmem:s23+$0xB0]  }
0x1aa: {  	[tilespmem:s23+$0x50] =	vst v8;
	v6 =	vmul.f32 v6, v3;
	v3 =	vld [tilespmem:s23+$0xC0]  }
0x1ab: {  	v9 =	vmul.f32 v1, v9;
	[tilespmem:s23+$0x60] =	vst v5;
	v5 =	vld [tilespmem:s23+$0xD0]  }
0x1ac: {  	v8 =	vmul.f32 v7, v1;
	[tilespmem:s23+$0x70] =	vst v6;
	v6 =	vld [tilespmem:s23+$0xE0]  }
0x1ad: {  	s24 =	simm.s32 $0x0;
	s25 =	simm.s32 $0xA106;
	s26 =	simm.s32 $0x6100;
	v7 =	vld [tilespmem:s23+$0xFFFFFF00];
	[tilespmem:s23+$0x80] =	vst v9;
	v9 =	vmul.f32 v10, v1  }
.LBB2_17:
0x1ae: {  	v10 =	vld.msk [tilespmem:s25+$0x1 ss:$0x0], $0xffff;
	s24 =	sadd.s32 $0x4, s24;
	[tilespmem:s23+$0x90] =	vst v8;
	v4 =	vmul.f32 v4, v1;
	s26 =	sadd.s32 $0x200, s26  }
0x1af: {  	v8 =	vld [tilespmem:s26+$0xF0];
	p0 =	slt.u32 s24, $0x7C;
	[tilespmem:s23+$0xA0] =	vst v9;
	v3 =	vmul.f32 v3, v1  }
0x1b0: {  	v9 =	vld.msk [tilespmem:s25+$0xFFFFFFFE ss:$0x0], $0xffff;
	[tilespmem:s23+$0xB0] =	vst v4;
	v4 =	vmul.f32 v5, v1  }
0x1b1: {  	v5 =	vld.msk [tilespmem:s25+$0xFFFFFFFF ss:$0x0], $0xffff;
	[tilespmem:s23+$0xC0] =	vst v3;
	v11 =	vmul.f32 v6, v1  }
0x1b2: {  	v3 =	vld.msk [tilespmem:s25+$0x0 ss:$0x0], $0xffff;
	v2 =	vmul.f32 v2, v7;
	[tilespmem:s23+$0xD0] =	vst v4  }
0x1b3: {  	v4 =	vld [tilespmem:s26+$0xFFFFFF10];
	[tilespmem:s23+$0xE0] =	vst v11  }
0x1b4: {  	v1 =	vmov v10;
	v6 =	vld [tilespmem:s26+$0xFFFFFF20];
	v7 =	vmul.f32 v8, v10;
	[tilespmem:s23+$0xFFFFFF00] =	vst v2;
	s23 =	smov.u32 s26  }
0x1b5: {  	v8 =	vld [tilespmem:s26+$0xFFFFFF30]  }
0x1b6: {  	v10 =	vld [tilespmem:s26+$0xFFFFFF40];
	[tilespmem:s26+$0xF0] =	vst v7;
	v2 =	vmov v9  }
0x1b7: {  	v7 =	vld [tilespmem:s26+$0xFFFFFF50]  }
0x1b8: {  	v4 =	vmul.f32 v4, v2;
	v9 =	vld [tilespmem:s26+$0xFFFFFF60]  }
0x1b9: {  	v6 =	vmul.f32 v6, v2;
	v11 =	vld [tilespmem:s26+$0xFFFFFF70]  }
0x1ba: {  	[tilespmem:s26+$0xFFFFFF10] =	vst v4;
	v4 =	vmul.f32 v8, v2;
	v8 =	vld [tilespmem:s26+$0xFFFFFF80]  }
0x1bb: {  	[tilespmem:s26+$0xFFFFFF20] =	vst v6;
	v6 =	vmul.f32 v10, v2;
	v10 =	vld [tilespmem:s26+$0xFFFFFF90]  }
0x1bc: {  	[tilespmem:s26+$0xFFFFFF30] =	vst v4;
	v4 =	vmul.f32 v7, v2;
	v7 =	vld [tilespmem:s26+$0xFFFFFFA0]  }
0x1bd: {  	[tilespmem:s26+$0xFFFFFF40] =	vst v6;
	v6 =	vmul.f32 v9, v2;
	v9 =	vld [tilespmem:s26+$0xFFFFFFB0]  }
0x1be: {  	[tilespmem:s26+$0xFFFFFF50] =	vst v4;
	v4 =	vmul.f32 v11, v2;
	v11 =	vld [tilespmem:s26+$0xFFFFFFC0]  }
0x1bf: {  	[tilespmem:s26+$0xFFFFFF60] =	vst v6;
	v6 =	vmul.f32 v5, v8;
	v8 =	vld [tilespmem:s26+$0xFFFFFFD0]  }
0x1c0: {  	[tilespmem:s26+$0xFFFFFF70] =	vst v4;
	v4 =	vmul.f32 v10, v5;
	v10 =	vld [tilespmem:s26+$0xFFFFFFE0]  }
0x1c1: {  	[tilespmem:s26+$0xFFFFFF80] =	vst v6;
	v6 =	vmul.f32 v7, v5;
	v7 =	vld [tilespmem:s26+$0xFFFFFFF0]  }
0x1c2: {  	[tilespmem:s26+$0xFFFFFF90] =	vst v4;
	v4 =	vmul.f32 v9, v5;
	v9 =	vld [tilespmem:s26+$0x0]  }
0x1c3: {  	[tilespmem:s26+$0xFFFFFFA0] =	vst v6;
	v6 =	vmul.f32 v11, v5;
	v11 =	vld [tilespmem:s26+$0x10]  }
0x1c4: {  	[tilespmem:s26+$0xFFFFFFB0] =	vst v4;
	v4 =	vmul.f32 v8, v5;
	v8 =	vld [tilespmem:s26+$0x20]  }
0x1c5: {  	[tilespmem:s26+$0xFFFFFFC0] =	vst v6;
	v6 =	vmul.f32 v10, v5;
	v10 =	vld [tilespmem:s26+$0x30]  }
0x1c6: {  	[tilespmem:s26+$0xFFFFFFD0] =	vst v4;
	v4 =	vmul.f32 v7, v5;
	v5 =	vld [tilespmem:s26+$0x40]  }
0x1c7: {  	[tilespmem:s26+$0xFFFFFFE0] =	vst v6;
	v6 =	vmul.f32 v3, v9;
	v7 =	vld [tilespmem:s26+$0x50]  }
0x1c8: {  	[tilespmem:s26+$0xFFFFFFF0] =	vst v4;
	v4 =	vmul.f32 v11, v3;
	v9 =	vld [tilespmem:s26+$0x60]  }
0x1c9: {  	[tilespmem:s26+$0x0] =	vst v6;
	v6 =	vmul.f32 v8, v3;
	v8 =	vld [tilespmem:s26+$0x70]  }
0x1ca: {  	[tilespmem:s26+$0x10] =	vst v4;
	v4 =	vmul.f32 v10, v3;
	v10 =	vld [tilespmem:s26+$0x80]  }
0x1cb: {  	[tilespmem:s26+$0x20] =	vst v6;
	v5 =	vmul.f32 v5, v3;
	v6 =	vld [tilespmem:s26+$0x90]  }
0x1cc: {  	[tilespmem:s26+$0x30] =	vst v4;
	v7 =	vmul.f32 v7, v3;
	v11 =	vld [tilespmem:s26+$0xA0]  }
.Ltmp7:
0x1cd: {  	[tilespmem:s26+$0x40] =	vst v5;
	v5 =	vmul.f32 v9, v3;
	v4 =	vld [tilespmem:s26+$0xB0];
	(pc) =	sbr.rel @p0 .LBB2_17-.Ltmp7, $4  }
0x1ce: {  	[tilespmem:s26+$0x50] =	vst v7;
	v7 =	vmul.f32 v8, v3;
	v3 =	vld [tilespmem:s26+$0xC0]  }
0x1cf: {  	[tilespmem:s26+$0x60] =	vst v5;
	v9 =	vmul.f32 v1, v10;
	v5 =	vld [tilespmem:s26+$0xD0]  }
0x1d0: {  	[tilespmem:s26+$0x70] =	vst v7;
	v8 =	vmul.f32 v6, v1;
	v6 =	vld [tilespmem:s26+$0xE0]  }
0x1d1: {  	s25 =	sadd.s32 $0x4, s25;
	v7 =	vld [tilespmem:s26+$0xFFFFFF00];
	[tilespmem:s26+$0x80] =	vst v9;
	v9 =	vmul.f32 v11, v1  }
0x1d2: {  	[tilespmem:s23+$0x90] =	vst v8;
	v4 =	vmul.f32 v4, v1  }
0x1d3: {  	[tilespmem:s23+$0xA0] =	vst v9;
	v3 =	vmul.f32 v3, v1  }
0x1d4: {  	[tilespmem:s23+$0xB0] =	vst v4;
	v63 =	vmul.f32 v5, v1  }
0x1d5: {  	[tilespmem:s23+$0xC0] =	vst v3;
	v1 =	vmul.f32 v6, v1  }
0x1d6: {  	s21 =	sadd.s32 $0x1, s21;
	v2 =	vmul.f32 v2, v7;
	[tilespmem:s23+$0xD0] =	vst v63  }
0x1d7: {  	s22 =	sand.u32 $0x3FFFFF80, s22;
	p0 =	sne.s32 s21, $0xA;
	[tilespmem:s23+$0xE0] =	vst v1  }
.Ltmp8:
0x1d8: {  	s22 =	sadd.s32 $0x1400, s22;
	[tilespmem:s23+$0xFFFFFF00] =	vst v2;
	(pc) =	sbr.rel @p0 .LBB2_14-.Ltmp8, $4  }
0x1d9: {  	[spmem:s3] =	stream.indirect.scatter.add.f32 [tilespmem:s7], [sflag:$0x5], $0x80, s22, s0, $0xb8;
	[tilespmem:$0x1E200] =	vst v63  }
0x1da: {  	_ =	swait.ge [sflag:s29], $0x4000  }
0x1db: {  	[sflag:s29] =	ssyncset.done $0x0  }
0x1dc: {  	[sflag:s29] =	ssyncadd.s32 $0xFFFFC000  }
0x1dd: {  	[bflag:$0x0] =	sbarrier.arrive $0xFFFF  }
0x1de: {  	s21 =	rddreg [dreg:$0xf]  }
0x1df: {  	[hbm:s21], [sflag:s19] =	dma.local [spmem:s20], $0x2800  }
0x1e0: {  	_ =	swait.ge [sflag:s29], $0x2800  }
0x1e1: {  	[sflag:s29] =	ssyncset.done $0x0  }
0x1e2: {  	[sflag:s29] =	ssyncadd.s32 $0xFFFFD800  }
0x1e3: {  	s26 =	sadd.s32 $0x0, s18;
	[bflag:$0x0] =	sbarrier.arrive $0xFFFF  }
0x1e4: {  	[spmem:s26] =	stream.linear.scatter [tilespmem:s4], [sflag:$0x5], $0x800, $0x38;
	[tilespmem:$0x1E200] =	vst v63  }
0x1e5: {  	s21 =	simm.s32 $0x2000;
	_ =	swait.ge [sflag:s29], $0x800  }
.LBB2_20:
0x1e6: {  	s22 =	sshra.s32 s21, $0x2;
	[sflag:s29] =	ssyncset.done $0x0;
	p0 =	sne.s32 s21, $0x4E000  }
.Ltmp9:
0x1e7: {  	s22 =	sadd.s32 s22, s18;
	[sflag:s29] =	ssyncadd.s32 $0xFFFFF800;
	(pc) =	sbr.rel @p0 .LBB2_20-.Ltmp9, $3  }
0x1e8: {  	[spmem:s22] =	stream.linear.scatter [tilespmem:s4], [sflag:$0x5], $0x800, $0x38;
	[tilespmem:$0x1E200] =	vst v63  }
0x1e9: {  	s21 =	sadd.s32 $0x2000, s21;
	_ =	sdelay $0x1  }
0x1ea: {  	_ =	swait.ge [sflag:s29], $0x800  }
0x1eb: {  	[sflag:s29] =	ssyncset.done $0x0  }
0x1ec: {  	s21 =	simm.s32 $0x0;
	s22 =	rddreg [dreg:$0x9];
	[sflag:s29] =	ssyncadd.s32 $0xFFFFF800  }
0x1ed: {  	[tilespmem:s30], [sflag:$0x5] =	stream.linear.gather [hbm4b:s22+s21], $0xA00, $0x38;
	[tilespmem:$0x1E200] =	vst v63  }
0x1ee: {  	_ =	swait.ge [sflag:s29], $0xA00  }
0x1ef: {  	[sflag:s29] =	ssyncset.done $0x0  }
0x1f0: {  	s25 =	rddreg [dreg:$0xa];
	[sflag:s29] =	ssyncadd.s32 $0xFFFFF600  }
0x1f1: {  	[tilespmem:s31], [sflag:$0x5] =	stream.linear.gather [hbm4b:s25+s21], $0xA00, $0x38;
	[tilespmem:$0x1E200] =	vst v63  }
0x1f2: {  	_ =	swait.ge [sflag:s29], $0xA00  }
0x1f3: {  	[sflag:s29] =	ssyncset.done $0x0  }
0x1f4: {  	[sflag:s29] =	ssyncadd.s32 $0xFFFFF600  }
0x1f5: {  	[bflag:$0x0] =	sbarrier.arrive $0xFFFF  }
0x1f6: {  	[tilespmem:s1], [sflag:$0x1] =	stream.indirect.gather [hbm4b:s2+s0], $0x80, s30, s0, $0xb8;
	[tilespmem:$0x1E200] =	vst v63  }
0x1f7: {  	s26 =	rddreg [dreg:$0x13]  }
0x1f8: {  	[tilespmem:s6], [sflag:$0x3] =	stream.linear.gather [hbm4b:s26+s21], $0x80, $0x38;
	[tilespmem:$0x1E200] =	vst v63  }
.LBB2_22:
0x1f9: {  	s22 =	sshllo.u32 s21, $0x1  }
0x1fa: {  	s22 =	sshll.u32 s22, $0x7  }
0x1fb: {  	s23 =	sadd.s32 $0x800, s22;
	s26 =	sadd.s32 s9, s22  }
0x1fc: {  	[tilespmem:s7], [sflag:$0x2] =	stream.indirect.gather [hbm4b:s2+s0], $0x80, s23, s0, $0xb8;
	[tilespmem:$0x1E200] =	vst v63  }
0x1fd: {  	s23 =	sshrl.u32 s26, $0x3  }
0x1fe: {  	s23 =	sadd.s32 s17, s23  }
0x1ff: {  	[tilespmem:s11], [sflag:$0x4] =	stream.linear.gather [hbm4b:s23+s4], $0x80, $0x38;
	[tilespmem:$0x1E200] =	vst v63  }
0x200: {  	_ =	swait.ge [sflag:s12], $0x4000  }
0x201: {  	[sflag:s12] =	ssyncset.done $0x0  }
0x202: {  	[sflag:s12] =	ssyncadd.s32 $0xFFFFC000  }
0x203: {  	_ =	swait.ge [sflag:s13], $0x80  }
0x204: {  	[sflag:s13] =	ssyncset.done $0x0  }
0x205: {  	s24 =	simm.s32 $0xA002;
	[sflag:s13] =	ssyncadd.s32 $0xFFFFFF80  }
0x206: {  	s23 =	simm.s32 $0x2100;
	v1 =	vld.msk [tilespmem:s24+$0x1 ss:$0x0], $0xffff  }
0x207: {  	v3 =	vld [tilespmem:s23+$0xF0]  }
0x208: {  	v2 =	vld.msk [tilespmem:s24+$0xFFFFFFFE ss:$0x0], $0xffff  }
0x209: {  	v4 =	vld.msk [tilespmem:s24+$0xFFFFFFFF ss:$0x0], $0xffff  }
0x20a: {  	v5 =	vld [tilespmem:s23+$0xFFFFFF10]  }
0x20b: {  	v6 =	vld [tilespmem:s23+$0xFFFFFF20]  }
0x20c: {  	v10 =	vld [tilespmem:s23+$0xFFFFFF60]  }
0x20d: {  	v11 =	vld [tilespmem:s23+$0xFFFFFF70]  }
0x20e: {  	v7 =	vld [tilespmem:s23+$0xFFFFFF30]  }
0x20f: {  	v8 =	vld [tilespmem:s23+$0xFFFFFF40];
	v3 =	vmul.f32 v3, v1  }
0x210: {  	v9 =	vld [tilespmem:s23+$0xFFFFFF50];
	v5 =	vmul.f32 v5, v2  }
0x211: {  	v12 =	vld [tilespmem:s23+$0xFFFFFF80];
	v10 =	vmul.f32 v10, v2;
	[tilespmem:s23+$0xF0] =	vst v3  }
0x212: {  	v62 =	vld [tilespmem:s23+$0xFFFFFFD0];
	v11 =	vmul.f32 v11, v2;
	[tilespmem:s23+$0xFFFFFF10] =	vst v5  }
0x213: {  	v3 =	vmul.f32 v6, v2;
	v6 =	vld [tilespmem:s23+$0xFFFFFF90];
	[tilespmem:s23+$0xFFFFFF60] =	vst v10  }
0x214: {  	v5 =	vmul.f32 v7, v2;
	v7 =	vld [tilespmem:s23+$0xFFFFFFA0];
	[tilespmem:s23+$0xFFFFFF70] =	vst v11  }
0x215: {  	[tilespmem:s23+$0xFFFFFF20] =	vst v3;
	v3 =	vmul.f32 v8, v2;
	v8 =	vld [tilespmem:s23+$0xFFFFFFB0]  }
0x216: {  	[tilespmem:s23+$0xFFFFFF30] =	vst v5;
	v5 =	vmul.f32 v9, v2;
	v9 =	vld [tilespmem:s23+$0xFFFFFFC0]  }
0x217: {  	v10 =	vld [tilespmem:s23+$0xFFFFFFF0];
	[tilespmem:s23+$0xFFFFFF40] =	vst v3;
	v3 =	vmul.f32 v4, v12  }
0x218: {  	[tilespmem:s23+$0xFFFFFF50] =	vst v5;
	v5 =	vld [tilespmem:s23+$0xFFFFFFE0];
	v6 =	vmul.f32 v6, v4  }
0x219: {  	v11 =	vld [tilespmem:s23+$0x0];
	v7 =	vmul.f32 v7, v4;
	[tilespmem:s23+$0xFFFFFF80] =	vst v3  }
0x21a: {  	v3 =	vld.msk [tilespmem:s24+$0x0 ss:$0x0], $0xffff;
	[tilespmem:s23+$0xFFFFFF90] =	vst v6;
	v6 =	vmul.f32 v8, v4  }
0x21b: {  	v8 =	vld [tilespmem:s23+$0x10];
	[tilespmem:s23+$0xFFFFFFA0] =	vst v7;
	v7 =	vmul.f32 v9, v4  }
0x21c: {  	v9 =	vld [tilespmem:s23+$0x20];
	[tilespmem:s23+$0xFFFFFFB0] =	vst v6;
	v6 =	vmul.f32 v62, v4  }
0x21d: {  	v63 =	vld [tilespmem:s23+$0x30];
	[tilespmem:s23+$0xFFFFFFC0] =	vst v7;
	v5 =	vmul.f32 v5, v4  }
0x21e: {  	v7 =	vld [tilespmem:s23+$0x40];
	v4 =	vmul.f32 v10, v4;
	[tilespmem:s23+$0xFFFFFFD0] =	vst v6  }
0x21f: {  	v6 =	vmul.f32 v3, v11;
	v11 =	vld [tilespmem:s23+$0x50];
	[tilespmem:s23+$0xFFFFFFE0] =	vst v5  }
0x220: {  	v5 =	vld [tilespmem:s23+$0x60];
	[tilespmem:s23+$0xFFFFFFF0] =	vst v4;
	v8 =	vmul.f32 v8, v3  }
0x221: {  	v4 =	vmul.f32 v9, v3;
	[tilespmem:s23+$0x0] =	vst v6;
	v6 =	vld [tilespmem:s23+$0x70]  }
0x222: {  	v9 =	vld [tilespmem:s23+$0x80];
	[tilespmem:s23+$0x10] =	vst v8;
	v8 =	vmul.f32 v63, v3  }
0x223: {  	[tilespmem:s23+$0x20] =	vst v4;
	v4 =	vmul.f32 v7, v3;
	v7 =	vld [tilespmem:s23+$0x90]  }
0x224: {  	v10 =	vld [tilespmem:s23+$0xA0];
	[tilespmem:s23+$0x30] =	vst v8;
	v8 =	vmul.f32 v11, v3  }
0x225: {  	[tilespmem:s23+$0x40] =	vst v4;
	v5 =	vmul.f32 v5, v3;
	v4 =	vld [tilespmem:s23+$0xB0]  }
0x226: {  	[tilespmem:s23+$0x50] =	vst v8;
	v6 =	vmul.f32 v6, v3;
	v3 =	vld [tilespmem:s23+$0xC0]  }
0x227: {  	v9 =	vmul.f32 v1, v9;
	[tilespmem:s23+$0x60] =	vst v5;
	v5 =	vld [tilespmem:s23+$0xD0]  }
0x228: {  	v8 =	vmul.f32 v7, v1;
	[tilespmem:s23+$0x70] =	vst v6;
	v6 =	vld [tilespmem:s23+$0xE0]  }
0x229: {  	s25 =	simm.s32 $0xA006;
	s26 =	simm.s32 $0x2100;
	s24 =	simm.s32 $0x0;
	v7 =	vld [tilespmem:s23+$0xFFFFFF00];
	[tilespmem:s23+$0x80] =	vst v9;
	v9 =	vmul.f32 v10, v1  }
.LBB2_23:
0x22a: {  	v10 =	vld.msk [tilespmem:s25+$0x1 ss:$0x0], $0xffff;
	s24 =	sadd.s32 $0x4, s24;
	[tilespmem:s23+$0x90] =	vst v8;
	v4 =	vmul.f32 v4, v1;
	s26 =	sadd.s32 $0x200, s26  }
0x22b: {  	v8 =	vld [tilespmem:s26+$0xF0];
	p0 =	slt.u32 s24, $0x7C;
	[tilespmem:s23+$0xA0] =	vst v9;
	v3 =	vmul.f32 v3, v1  }
0x22c: {  	v9 =	vld.msk [tilespmem:s25+$0xFFFFFFFE ss:$0x0], $0xffff;
	[tilespmem:s23+$0xB0] =	vst v4;
	v4 =	vmul.f32 v5, v1  }
0x22d: {  	v5 =	vld.msk [tilespmem:s25+$0xFFFFFFFF ss:$0x0], $0xffff;
	[tilespmem:s23+$0xC0] =	vst v3;
	v11 =	vmul.f32 v6, v1  }
0x22e: {  	v3 =	vld.msk [tilespmem:s25+$0x0 ss:$0x0], $0xffff;
	v2 =	vmul.f32 v2, v7;
	[tilespmem:s23+$0xD0] =	vst v4  }
0x22f: {  	v4 =	vld [tilespmem:s26+$0xFFFFFF10];
	[tilespmem:s23+$0xE0] =	vst v11  }
0x230: {  	v1 =	vmov v10;
	v6 =	vld [tilespmem:s26+$0xFFFFFF20];
	v7 =	vmul.f32 v8, v10;
	[tilespmem:s23+$0xFFFFFF00] =	vst v2;
	s23 =	smov.u32 s26  }
0x231: {  	v8 =	vld [tilespmem:s26+$0xFFFFFF30]  }
0x232: {  	v10 =	vld [tilespmem:s26+$0xFFFFFF40];
	[tilespmem:s26+$0xF0] =	vst v7;
	v2 =	vmov v9  }
0x233: {  	v7 =	vld [tilespmem:s26+$0xFFFFFF50]  }
0x234: {  	v4 =	vmul.f32 v4, v2;
	v9 =	vld [tilespmem:s26+$0xFFFFFF60]  }
0x235: {  	v6 =	vmul.f32 v6, v2;
	v11 =	vld [tilespmem:s26+$0xFFFFFF70]  }
0x236: {  	[tilespmem:s26+$0xFFFFFF10] =	vst v4;
	v4 =	vmul.f32 v8, v2;
	v8 =	vld [tilespmem:s26+$0xFFFFFF80]  }
0x237: {  	[tilespmem:s26+$0xFFFFFF20] =	vst v6;
	v6 =	vmul.f32 v10, v2;
	v10 =	vld [tilespmem:s26+$0xFFFFFF90]  }
0x238: {  	[tilespmem:s26+$0xFFFFFF30] =	vst v4;
	v4 =	vmul.f32 v7, v2;
	v7 =	vld [tilespmem:s26+$0xFFFFFFA0]  }
0x239: {  	[tilespmem:s26+$0xFFFFFF40] =	vst v6;
	v6 =	vmul.f32 v9, v2;
	v9 =	vld [tilespmem:s26+$0xFFFFFFB0]  }
0x23a: {  	[tilespmem:s26+$0xFFFFFF50] =	vst v4;
	v4 =	vmul.f32 v11, v2;
	v11 =	vld [tilespmem:s26+$0xFFFFFFC0]  }
0x23b: {  	[tilespmem:s26+$0xFFFFFF60] =	vst v6;
	v6 =	vmul.f32 v5, v8;
	v8 =	vld [tilespmem:s26+$0xFFFFFFD0]  }
0x23c: {  	[tilespmem:s26+$0xFFFFFF70] =	vst v4;
	v4 =	vmul.f32 v10, v5;
	v10 =	vld [tilespmem:s26+$0xFFFFFFE0]  }
0x23d: {  	[tilespmem:s26+$0xFFFFFF80] =	vst v6;
	v6 =	vmul.f32 v7, v5;
	v7 =	vld [tilespmem:s26+$0xFFFFFFF0]  }
0x23e: {  	[tilespmem:s26+$0xFFFFFF90] =	vst v4;
	v4 =	vmul.f32 v9, v5;
	v9 =	vld [tilespmem:s26+$0x0]  }
0x23f: {  	[tilespmem:s26+$0xFFFFFFA0] =	vst v6;
	v6 =	vmul.f32 v11, v5;
	v11 =	vld [tilespmem:s26+$0x10]  }
0x240: {  	[tilespmem:s26+$0xFFFFFFB0] =	vst v4;
	v4 =	vmul.f32 v8, v5;
	v8 =	vld [tilespmem:s26+$0x20]  }
0x241: {  	[tilespmem:s26+$0xFFFFFFC0] =	vst v6;
	v6 =	vmul.f32 v10, v5;
	v10 =	vld [tilespmem:s26+$0x30]  }
0x242: {  	[tilespmem:s26+$0xFFFFFFD0] =	vst v4;
	v4 =	vmul.f32 v7, v5;
	v5 =	vld [tilespmem:s26+$0x40]  }
0x243: {  	[tilespmem:s26+$0xFFFFFFE0] =	vst v6;
	v6 =	vmul.f32 v3, v9;
	v7 =	vld [tilespmem:s26+$0x50]  }
0x244: {  	[tilespmem:s26+$0xFFFFFFF0] =	vst v4;
	v4 =	vmul.f32 v11, v3;
	v9 =	vld [tilespmem:s26+$0x60]  }
0x245: {  	[tilespmem:s26+$0x0] =	vst v6;
	v6 =	vmul.f32 v8, v3;
	v8 =	vld [tilespmem:s26+$0x70]  }
0x246: {  	[tilespmem:s26+$0x10] =	vst v4;
	v4 =	vmul.f32 v10, v3;
	v10 =	vld [tilespmem:s26+$0x80]  }
0x247: {  	[tilespmem:s26+$0x20] =	vst v6;
	v5 =	vmul.f32 v5, v3;
	v6 =	vld [tilespmem:s26+$0x90]  }
0x248: {  	[tilespmem:s26+$0x30] =	vst v4;
	v7 =	vmul.f32 v7, v3;
	v11 =	vld [tilespmem:s26+$0xA0]  }
.Ltmp10:
0x249: {  	[tilespmem:s26+$0x40] =	vst v5;
	v5 =	vmul.f32 v9, v3;
	v4 =	vld [tilespmem:s26+$0xB0];
	(pc) =	sbr.rel @p0 .LBB2_23-.Ltmp10, $4  }
0x24a: {  	[tilespmem:s26+$0x50] =	vst v7;
	v7 =	vmul.f32 v8, v3;
	v3 =	vld [tilespmem:s26+$0xC0]  }
0x24b: {  	[tilespmem:s26+$0x60] =	vst v5;
	v9 =	vmul.f32 v1, v10;
	v5 =	vld [tilespmem:s26+$0xD0]  }
0x24c: {  	[tilespmem:s26+$0x70] =	vst v7;
	v8 =	vmul.f32 v6, v1;
	v6 =	vld [tilespmem:s26+$0xE0]  }
0x24d: {  	s25 =	sadd.s32 $0x4, s25;
	v7 =	vld [tilespmem:s26+$0xFFFFFF00];
	[tilespmem:s26+$0x80] =	vst v9;
	v9 =	vmul.f32 v11, v1  }
0x24e: {  	[tilespmem:s23+$0x90] =	vst v8;
	v4 =	vmul.f32 v4, v1  }
0x24f: {  	[tilespmem:s23+$0xA0] =	vst v9;
	v3 =	vmul.f32 v3, v1  }
0x250: {  	[tilespmem:s23+$0xB0] =	vst v4;
	v4 =	vmul.f32 v5, v1  }
0x251: {  	[tilespmem:s23+$0xC0] =	vst v3;
	v1 =	vmul.f32 v6, v1  }
0x252: {  	s24 =	sshll.u32 s21, $0x8;
	v2 =	vmul.f32 v2, v7;
	[tilespmem:s23+$0xD0] =	vst v4  }
0x253: {  	s24 =	sand.u32 $0x3FFFFF00, s24;
	[tilespmem:s23+$0xE0] =	vst v1  }
0x254: {  	p0 =	seq.s32 s21, $0x9;
	s25 =	sadd.s32 $0x1400, s24;
	[tilespmem:s23+$0xFFFFFF00] =	vst v2  }
0x255: {  	[spmem:s3] =	stream.indirect.scatter.add.f32 [tilespmem:s1], [sflag:$0x5], $0x80, s25, s0, $0xb8;
	[tilespmem:$0x1E200] =	vst v63  }
0x256: {  	s23 =	sshll.u32 @!p0 s21, $0x8;
	_ =	swait.ge [sflag:s29], $0x4000  }
0x257: {  	s26 =	simm.s32 @!p0 $0x2000;
	s24 =	sadd.s32 @!p0 s9, s23;
	[sflag:s29] =	ssyncset.done $0x0  }
0x258: {  	s23 =	sadd.s32 @!p0 $0x900, s23;
	s25 =	simm.s32 @!p0 $0x80;
	[sflag:s29] =	ssyncadd.s32 $0xFFFFC000  }
0x259: {  	[tilespmem:s26], [sflag:$0x1] =	stream.indirect.gather @!p0 [hbm4b:s2+s25], $0x80, s23, s25, $0xb8;
	[tilespmem:$0x1E200] =	vst v63  }
0x25a: {  	s23 =	sshrl.u32 @!p0 s24, $0x3  }
0x25b: {  	s23 =	sadd.s32 @!p0 s17, s23  }
0x25c: {  	s24 =	simm.s32 @!p0 $0x0;
	s25 =	simm.s32 @!p0 $0xA000;
	s23 =	sadd.s32 @!p0 $0x20, s23  }
0x25d: {  	[tilespmem:s25], [sflag:$0x3] =	stream.linear.gather @!p0 [hbm4b:s23+s24], $0x80, $0x38;
	[tilespmem:$0x1E200] =	vst v63  }
0x25e: {  	_ =	swait.ge [sflag:s14], $0x4000  }
0x25f: {  	[sflag:s14] =	ssyncset.done $0x0  }
0x260: {  	[sflag:s14] =	ssyncadd.s32 $0xFFFFC000  }
0x261: {  	_ =	swait.ge [sflag:s15], $0x80  }
0x262: {  	[sflag:s15] =	ssyncset.done $0x0  }
0x263: {  	s26 =	simm.s32 $0xA102;
	[sflag:s15] =	ssyncadd.s32 $0xFFFFFF80  }
0x264: {  	s23 =	simm.s32 $0x6100;
	v1 =	vld.msk [tilespmem:s26+$0x1 ss:$0x0], $0xffff  }
0x265: {  	v3 =	vld [tilespmem:s23+$0xF0]  }
0x266: {  	v2 =	vld.msk [tilespmem:s26+$0xFFFFFFFE ss:$0x0], $0xffff  }
0x267: {  	v4 =	vld.msk [tilespmem:s26+$0xFFFFFFFF ss:$0x0], $0xffff  }
0x268: {  	v5 =	vld [tilespmem:s23+$0xFFFFFF10]  }
0x269: {  	v6 =	vld [tilespmem:s23+$0xFFFFFF20]  }
0x26a: {  	v10 =	vld [tilespmem:s23+$0xFFFFFF60]  }
0x26b: {  	v11 =	vld [tilespmem:s23+$0xFFFFFF70]  }
0x26c: {  	v7 =	vld [tilespmem:s23+$0xFFFFFF30]  }
0x26d: {  	v8 =	vld [tilespmem:s23+$0xFFFFFF40];
	v3 =	vmul.f32 v3, v1  }
0x26e: {  	v9 =	vld [tilespmem:s23+$0xFFFFFF50];
	v5 =	vmul.f32 v5, v2  }
0x26f: {  	v12 =	vld [tilespmem:s23+$0xFFFFFF80];
	v10 =	vmul.f32 v10, v2;
	[tilespmem:s23+$0xF0] =	vst v3  }
0x270: {  	v62 =	vld [tilespmem:s23+$0xFFFFFFD0];
	v11 =	vmul.f32 v11, v2;
	[tilespmem:s23+$0xFFFFFF10] =	vst v5  }
0x271: {  	v3 =	vmul.f32 v6, v2;
	v6 =	vld [tilespmem:s23+$0xFFFFFF90];
	[tilespmem:s23+$0xFFFFFF60] =	vst v10  }
0x272: {  	v5 =	vmul.f32 v7, v2;
	v7 =	vld [tilespmem:s23+$0xFFFFFFA0];
	[tilespmem:s23+$0xFFFFFF70] =	vst v11  }
0x273: {  	[tilespmem:s23+$0xFFFFFF20] =	vst v3;
	v3 =	vmul.f32 v8, v2;
	v8 =	vld [tilespmem:s23+$0xFFFFFFB0]  }
0x274: {  	[tilespmem:s23+$0xFFFFFF30] =	vst v5;
	v5 =	vmul.f32 v9, v2;
	v9 =	vld [tilespmem:s23+$0xFFFFFFC0]  }
0x275: {  	v10 =	vld [tilespmem:s23+$0xFFFFFFF0];
	[tilespmem:s23+$0xFFFFFF40] =	vst v3;
	v3 =	vmul.f32 v4, v12  }
0x276: {  	[tilespmem:s23+$0xFFFFFF50] =	vst v5;
	v5 =	vld [tilespmem:s23+$0xFFFFFFE0];
	v6 =	vmul.f32 v6, v4  }
0x277: {  	v11 =	vld [tilespmem:s23+$0x0];
	v7 =	vmul.f32 v7, v4;
	[tilespmem:s23+$0xFFFFFF80] =	vst v3  }
0x278: {  	v3 =	vld.msk [tilespmem:s26+$0x0 ss:$0x0], $0xffff;
	[tilespmem:s23+$0xFFFFFF90] =	vst v6;
	v6 =	vmul.f32 v8, v4  }
0x279: {  	v8 =	vld [tilespmem:s23+$0x10];
	[tilespmem:s23+$0xFFFFFFA0] =	vst v7;
	v7 =	vmul.f32 v9, v4  }
0x27a: {  	v9 =	vld [tilespmem:s23+$0x20];
	[tilespmem:s23+$0xFFFFFFB0] =	vst v6;
	v6 =	vmul.f32 v62, v4  }
0x27b: {  	v63 =	vld [tilespmem:s23+$0x30];
	[tilespmem:s23+$0xFFFFFFC0] =	vst v7;
	v5 =	vmul.f32 v5, v4  }
0x27c: {  	v7 =	vld [tilespmem:s23+$0x40];
	v4 =	vmul.f32 v10, v4;
	[tilespmem:s23+$0xFFFFFFD0] =	vst v6  }
0x27d: {  	v6 =	vmul.f32 v3, v11;
	v11 =	vld [tilespmem:s23+$0x50];
	[tilespmem:s23+$0xFFFFFFE0] =	vst v5  }
0x27e: {  	v5 =	vld [tilespmem:s23+$0x60];
	[tilespmem:s23+$0xFFFFFFF0] =	vst v4;
	v8 =	vmul.f32 v8, v3  }
0x27f: {  	v4 =	vmul.f32 v9, v3;
	[tilespmem:s23+$0x0] =	vst v6;
	v6 =	vld [tilespmem:s23+$0x70]  }
0x280: {  	v9 =	vld [tilespmem:s23+$0x80];
	[tilespmem:s23+$0x10] =	vst v8;
	v8 =	vmul.f32 v63, v3  }
0x281: {  	[tilespmem:s23+$0x20] =	vst v4;
	v4 =	vmul.f32 v7, v3;
	v7 =	vld [tilespmem:s23+$0x90]  }
0x282: {  	v10 =	vld [tilespmem:s23+$0xA0];
	[tilespmem:s23+$0x30] =	vst v8;
	v8 =	vmul.f32 v11, v3  }
0x283: {  	[tilespmem:s23+$0x40] =	vst v4;
	v5 =	vmul.f32 v5, v3;
	v4 =	vld [tilespmem:s23+$0xB0]  }
0x284: {  	[tilespmem:s23+$0x50] =	vst v8;
	v6 =	vmul.f32 v6, v3;
	v3 =	vld [tilespmem:s23+$0xC0]  }
0x285: {  	v9 =	vmul.f32 v1, v9;
	[tilespmem:s23+$0x60] =	vst v5;
	v5 =	vld [tilespmem:s23+$0xD0]  }
0x286: {  	v8 =	vmul.f32 v7, v1;
	[tilespmem:s23+$0x70] =	vst v6;
	v6 =	vld [tilespmem:s23+$0xE0]  }
0x287: {  	s24 =	simm.s32 $0x0;
	s25 =	simm.s32 $0xA106;
	s26 =	simm.s32 $0x6100;
	v7 =	vld [tilespmem:s23+$0xFFFFFF00];
	[tilespmem:s23+$0x80] =	vst v9;
	v9 =	vmul.f32 v10, v1  }
.LBB2_25:
0x288: {  	v10 =	vld.msk [tilespmem:s25+$0x1 ss:$0x0], $0xffff;
	s24 =	sadd.s32 $0x4, s24;
	[tilespmem:s23+$0x90] =	vst v8;
	v4 =	vmul.f32 v4, v1;
	s26 =	sadd.s32 $0x200, s26  }
0x289: {  	v8 =	vld [tilespmem:s26+$0xF0];
	p0 =	slt.u32 s24, $0x7C;
	[tilespmem:s23+$0xA0] =	vst v9;
	v3 =	vmul.f32 v3, v1  }
0x28a: {  	v9 =	vld.msk [tilespmem:s25+$0xFFFFFFFE ss:$0x0], $0xffff;
	[tilespmem:s23+$0xB0] =	vst v4;
	v4 =	vmul.f32 v5, v1  }
0x28b: {  	v5 =	vld.msk [tilespmem:s25+$0xFFFFFFFF ss:$0x0], $0xffff;
	[tilespmem:s23+$0xC0] =	vst v3;
	v11 =	vmul.f32 v6, v1  }
0x28c: {  	v3 =	vld.msk [tilespmem:s25+$0x0 ss:$0x0], $0xffff;
	v2 =	vmul.f32 v2, v7;
	[tilespmem:s23+$0xD0] =	vst v4  }
0x28d: {  	v4 =	vld [tilespmem:s26+$0xFFFFFF10];
	[tilespmem:s23+$0xE0] =	vst v11  }
0x28e: {  	v1 =	vmov v10;
	v6 =	vld [tilespmem:s26+$0xFFFFFF20];
	v7 =	vmul.f32 v8, v10;
	[tilespmem:s23+$0xFFFFFF00] =	vst v2;
	s23 =	smov.u32 s26  }
0x28f: {  	v8 =	vld [tilespmem:s26+$0xFFFFFF30]  }
0x290: {  	v10 =	vld [tilespmem:s26+$0xFFFFFF40];
	[tilespmem:s26+$0xF0] =	vst v7;
	v2 =	vmov v9  }
0x291: {  	v7 =	vld [tilespmem:s26+$0xFFFFFF50]  }
0x292: {  	v4 =	vmul.f32 v4, v2;
	v9 =	vld [tilespmem:s26+$0xFFFFFF60]  }
0x293: {  	v6 =	vmul.f32 v6, v2;
	v11 =	vld [tilespmem:s26+$0xFFFFFF70]  }
0x294: {  	[tilespmem:s26+$0xFFFFFF10] =	vst v4;
	v4 =	vmul.f32 v8, v2;
	v8 =	vld [tilespmem:s26+$0xFFFFFF80]  }
0x295: {  	[tilespmem:s26+$0xFFFFFF20] =	vst v6;
	v6 =	vmul.f32 v10, v2;
	v10 =	vld [tilespmem:s26+$0xFFFFFF90]  }
0x296: {  	[tilespmem:s26+$0xFFFFFF30] =	vst v4;
	v4 =	vmul.f32 v7, v2;
	v7 =	vld [tilespmem:s26+$0xFFFFFFA0]  }
0x297: {  	[tilespmem:s26+$0xFFFFFF40] =	vst v6;
	v6 =	vmul.f32 v9, v2;
	v9 =	vld [tilespmem:s26+$0xFFFFFFB0]  }
0x298: {  	[tilespmem:s26+$0xFFFFFF50] =	vst v4;
	v4 =	vmul.f32 v11, v2;
	v11 =	vld [tilespmem:s26+$0xFFFFFFC0]  }
0x299: {  	[tilespmem:s26+$0xFFFFFF60] =	vst v6;
	v6 =	vmul.f32 v5, v8;
	v8 =	vld [tilespmem:s26+$0xFFFFFFD0]  }
0x29a: {  	[tilespmem:s26+$0xFFFFFF70] =	vst v4;
	v4 =	vmul.f32 v10, v5;
	v10 =	vld [tilespmem:s26+$0xFFFFFFE0]  }
0x29b: {  	[tilespmem:s26+$0xFFFFFF80] =	vst v6;
	v6 =	vmul.f32 v7, v5;
	v7 =	vld [tilespmem:s26+$0xFFFFFFF0]  }
0x29c: {  	[tilespmem:s26+$0xFFFFFF90] =	vst v4;
	v4 =	vmul.f32 v9, v5;
	v9 =	vld [tilespmem:s26+$0x0]  }
0x29d: {  	[tilespmem:s26+$0xFFFFFFA0] =	vst v6;
	v6 =	vmul.f32 v11, v5;
	v11 =	vld [tilespmem:s26+$0x10]  }
0x29e: {  	[tilespmem:s26+$0xFFFFFFB0] =	vst v4;
	v4 =	vmul.f32 v8, v5;
	v8 =	vld [tilespmem:s26+$0x20]  }
0x29f: {  	[tilespmem:s26+$0xFFFFFFC0] =	vst v6;
	v6 =	vmul.f32 v10, v5;
	v10 =	vld [tilespmem:s26+$0x30]  }
0x2a0: {  	[tilespmem:s26+$0xFFFFFFD0] =	vst v4;
	v4 =	vmul.f32 v7, v5;
	v5 =	vld [tilespmem:s26+$0x40]  }
0x2a1: {  	[tilespmem:s26+$0xFFFFFFE0] =	vst v6;
	v6 =	vmul.f32 v3, v9;
	v7 =	vld [tilespmem:s26+$0x50]  }
0x2a2: {  	[tilespmem:s26+$0xFFFFFFF0] =	vst v4;
	v4 =	vmul.f32 v11, v3;
	v9 =	vld [tilespmem:s26+$0x60]  }
0x2a3: {  	[tilespmem:s26+$0x0] =	vst v6;
	v6 =	vmul.f32 v8, v3;
	v8 =	vld [tilespmem:s26+$0x70]  }
0x2a4: {  	[tilespmem:s26+$0x10] =	vst v4;
	v4 =	vmul.f32 v10, v3;
	v10 =	vld [tilespmem:s26+$0x80]  }
0x2a5: {  	[tilespmem:s26+$0x20] =	vst v6;
	v5 =	vmul.f32 v5, v3;
	v6 =	vld [tilespmem:s26+$0x90]  }
0x2a6: {  	[tilespmem:s26+$0x30] =	vst v4;
	v7 =	vmul.f32 v7, v3;
	v11 =	vld [tilespmem:s26+$0xA0]  }
.Ltmp11:
0x2a7: {  	[tilespmem:s26+$0x40] =	vst v5;
	v5 =	vmul.f32 v9, v3;
	v4 =	vld [tilespmem:s26+$0xB0];
	(pc) =	sbr.rel @p0 .LBB2_25-.Ltmp11, $4  }
0x2a8: {  	[tilespmem:s26+$0x50] =	vst v7;
	v7 =	vmul.f32 v8, v3;
	v3 =	vld [tilespmem:s26+$0xC0]  }
0x2a9: {  	[tilespmem:s26+$0x60] =	vst v5;
	v9 =	vmul.f32 v1, v10;
	v5 =	vld [tilespmem:s26+$0xD0]  }
0x2aa: {  	[tilespmem:s26+$0x70] =	vst v7;
	v8 =	vmul.f32 v6, v1;
	v6 =	vld [tilespmem:s26+$0xE0]  }
0x2ab: {  	s25 =	sadd.s32 $0x4, s25;
	v7 =	vld [tilespmem:s26+$0xFFFFFF00];
	[tilespmem:s26+$0x80] =	vst v9;
	v9 =	vmul.f32 v11, v1  }
0x2ac: {  	[tilespmem:s23+$0x90] =	vst v8;
	v4 =	vmul.f32 v4, v1  }
0x2ad: {  	[tilespmem:s23+$0xA0] =	vst v9;
	v3 =	vmul.f32 v3, v1  }
0x2ae: {  	[tilespmem:s23+$0xB0] =	vst v4;
	v63 =	vmul.f32 v5, v1  }
0x2af: {  	[tilespmem:s23+$0xC0] =	vst v3;
	v1 =	vmul.f32 v6, v1  }
0x2b0: {  	s21 =	sadd.s32 $0x1, s21;
	v2 =	vmul.f32 v2, v7;
	[tilespmem:s23+$0xD0] =	vst v63  }
0x2b1: {  	s22 =	sand.u32 $0x3FFFFF80, s22;
	p0 =	sne.s32 s21, $0xA;
	[tilespmem:s23+$0xE0] =	vst v1  }
.Ltmp12:
0x2b2: {  	s22 =	sadd.s32 $0x1400, s22;
	[tilespmem:s23+$0xFFFFFF00] =	vst v2;
	(pc) =	sbr.rel @p0 .LBB2_22-.Ltmp12, $4  }
0x2b3: {  	[spmem:s3] =	stream.indirect.scatter.add.f32 [tilespmem:s7], [sflag:$0x5], $0x80, s22, s0, $0xb8;
	[tilespmem:$0x1E200] =	vst v63  }
0x2b4: {  	_ =	swait.ge [sflag:s29], $0x4000  }
0x2b5: {  	[sflag:s29] =	ssyncset.done $0x0  }
0x2b6: {  	[sflag:s29] =	ssyncadd.s32 $0xFFFFC000  }
0x2b7: {  	[bflag:$0x0] =	sbarrier.arrive $0xFFFF  }
0x2b8: {  	s21 =	rddreg [dreg:$0x10]  }
0x2b9: {  	[hbm:s21], [sflag:s19] =	dma.local [spmem:s20], $0x2800  }
0x2ba: {  	_ =	swait.ge [sflag:s29], $0x2800  }
0x2bb: {  	[sflag:s29] =	ssyncset.done $0x0  }
0x2bc: {  	[sflag:s29] =	ssyncadd.s32 $0xFFFFD800  }
0x2bd: {  	s26 =	sadd.s32 $0x0, s18;
	[bflag:$0x0] =	sbarrier.arrive $0xFFFF  }
0x2be: {  	[spmem:s26] =	stream.linear.scatter [tilespmem:s4], [sflag:$0x5], $0x800, $0x38;
	[tilespmem:$0x1E200] =	vst v63  }
0x2bf: {  	s21 =	simm.s32 $0x2000;
	_ =	swait.ge [sflag:s29], $0x800  }
.LBB2_28:
0x2c0: {  	s22 =	sshra.s32 s21, $0x2;
	[sflag:s29] =	ssyncset.done $0x0;
	p0 =	sne.s32 s21, $0x4E000  }
.Ltmp13:
0x2c1: {  	s22 =	sadd.s32 s22, s18;
	[sflag:s29] =	ssyncadd.s32 $0xFFFFF800;
	(pc) =	sbr.rel @p0 .LBB2_28-.Ltmp13, $3  }
0x2c2: {  	[spmem:s22] =	stream.linear.scatter [tilespmem:s4], [sflag:$0x5], $0x800, $0x38;
	[tilespmem:$0x1E200] =	vst v63  }
0x2c3: {  	s21 =	sadd.s32 $0x2000, s21;
	_ =	sdelay $0x1  }
0x2c4: {  	_ =	swait.ge [sflag:s29], $0x800  }
0x2c5: {  	[sflag:s29] =	ssyncset.done $0x0  }
0x2c6: {  	s21 =	simm.s32 $0x0;
	s22 =	rddreg [dreg:$0xb];
	[sflag:s29] =	ssyncadd.s32 $0xFFFFF800  }
0x2c7: {  	[tilespmem:s30], [sflag:$0x5] =	stream.linear.gather [hbm4b:s22+s21], $0xA00, $0x38;
	[tilespmem:$0x1E200] =	vst v63  }
0x2c8: {  	_ =	swait.ge [sflag:s29], $0xA00  }
0x2c9: {  	[sflag:s29] =	ssyncset.done $0x0  }
0x2ca: {  	s25 =	rddreg [dreg:$0xc];
	[sflag:s29] =	ssyncadd.s32 $0xFFFFF600  }
0x2cb: {  	[tilespmem:s31], [sflag:$0x5] =	stream.linear.gather [hbm4b:s25+s21], $0xA00, $0x38;
	[tilespmem:$0x1E200] =	vst v63  }
0x2cc: {  	_ =	swait.ge [sflag:s29], $0xA00  }
0x2cd: {  	[sflag:s29] =	ssyncset.done $0x0  }
0x2ce: {  	[sflag:s29] =	ssyncadd.s32 $0xFFFFF600  }
0x2cf: {  	[bflag:$0x0] =	sbarrier.arrive $0xFFFF  }
0x2d0: {  	[tilespmem:s1], [sflag:$0x1] =	stream.indirect.gather [hbm4b:s2+s0], $0x80, s30, s0, $0xb8;
	[tilespmem:$0x1E200] =	vst v63  }
0x2d1: {  	s26 =	rddreg [dreg:$0x14]  }
0x2d2: {  	[tilespmem:s6], [sflag:$0x3] =	stream.linear.gather [hbm4b:s26+s21], $0x80, $0x38;
	[tilespmem:$0x1E200] =	vst v63  }
.LBB2_30:
0x2d3: {  	s22 =	sshllo.u32 s21, $0x1  }
0x2d4: {  	s22 =	sshll.u32 s22, $0x7  }
0x2d5: {  	s23 =	sadd.s32 $0x800, s22;
	s26 =	sadd.s32 s10, s22  }
0x2d6: {  	[tilespmem:s7], [sflag:$0x2] =	stream.indirect.gather [hbm4b:s2+s0], $0x80, s23, s0, $0xb8;
	[tilespmem:$0x1E200] =	vst v63  }
0x2d7: {  	s23 =	sshrl.u32 s26, $0x3  }
0x2d8: {  	s23 =	sadd.s32 s17, s23  }
0x2d9: {  	[tilespmem:s11], [sflag:$0x4] =	stream.linear.gather [hbm4b:s23+s4], $0x80, $0x38;
	[tilespmem:$0x1E200] =	vst v63  }
0x2da: {  	_ =	swait.ge [sflag:s12], $0x4000  }
0x2db: {  	[sflag:s12] =	ssyncset.done $0x0  }
0x2dc: {  	[sflag:s12] =	ssyncadd.s32 $0xFFFFC000  }
0x2dd: {  	_ =	swait.ge [sflag:s13], $0x80  }
0x2de: {  	[sflag:s13] =	ssyncset.done $0x0  }
0x2df: {  	s24 =	simm.s32 $0xA002;
	[sflag:s13] =	ssyncadd.s32 $0xFFFFFF80  }
0x2e0: {  	s23 =	simm.s32 $0x2100;
	v1 =	vld.msk [tilespmem:s24+$0x1 ss:$0x0], $0xffff  }
0x2e1: {  	v3 =	vld [tilespmem:s23+$0xF0]  }
0x2e2: {  	v2 =	vld.msk [tilespmem:s24+$0xFFFFFFFE ss:$0x0], $0xffff  }
0x2e3: {  	v4 =	vld.msk [tilespmem:s24+$0xFFFFFFFF ss:$0x0], $0xffff  }
0x2e4: {  	v5 =	vld [tilespmem:s23+$0xFFFFFF10]  }
0x2e5: {  	v6 =	vld [tilespmem:s23+$0xFFFFFF20]  }
0x2e6: {  	v10 =	vld [tilespmem:s23+$0xFFFFFF60]  }
0x2e7: {  	v11 =	vld [tilespmem:s23+$0xFFFFFF70]  }
0x2e8: {  	v7 =	vld [tilespmem:s23+$0xFFFFFF30]  }
0x2e9: {  	v8 =	vld [tilespmem:s23+$0xFFFFFF40];
	v3 =	vmul.f32 v3, v1  }
0x2ea: {  	v9 =	vld [tilespmem:s23+$0xFFFFFF50];
	v5 =	vmul.f32 v5, v2  }
0x2eb: {  	v12 =	vld [tilespmem:s23+$0xFFFFFF80];
	v10 =	vmul.f32 v10, v2;
	[tilespmem:s23+$0xF0] =	vst v3  }
0x2ec: {  	v62 =	vld [tilespmem:s23+$0xFFFFFFD0];
	v11 =	vmul.f32 v11, v2;
	[tilespmem:s23+$0xFFFFFF10] =	vst v5  }
0x2ed: {  	v3 =	vmul.f32 v6, v2;
	v6 =	vld [tilespmem:s23+$0xFFFFFF90];
	[tilespmem:s23+$0xFFFFFF60] =	vst v10  }
0x2ee: {  	v5 =	vmul.f32 v7, v2;
	v7 =	vld [tilespmem:s23+$0xFFFFFFA0];
	[tilespmem:s23+$0xFFFFFF70] =	vst v11  }
0x2ef: {  	[tilespmem:s23+$0xFFFFFF20] =	vst v3;
	v3 =	vmul.f32 v8, v2;
	v8 =	vld [tilespmem:s23+$0xFFFFFFB0]  }
0x2f0: {  	[tilespmem:s23+$0xFFFFFF30] =	vst v5;
	v5 =	vmul.f32 v9, v2;
	v9 =	vld [tilespmem:s23+$0xFFFFFFC0]  }
0x2f1: {  	v10 =	vld [tilespmem:s23+$0xFFFFFFF0];
	[tilespmem:s23+$0xFFFFFF40] =	vst v3;
	v3 =	vmul.f32 v4, v12  }
0x2f2: {  	[tilespmem:s23+$0xFFFFFF50] =	vst v5;
	v5 =	vld [tilespmem:s23+$0xFFFFFFE0];
	v6 =	vmul.f32 v6, v4  }
0x2f3: {  	v11 =	vld [tilespmem:s23+$0x0];
	v7 =	vmul.f32 v7, v4;
	[tilespmem:s23+$0xFFFFFF80] =	vst v3  }
0x2f4: {  	v3 =	vld.msk [tilespmem:s24+$0x0 ss:$0x0], $0xffff;
	[tilespmem:s23+$0xFFFFFF90] =	vst v6;
	v6 =	vmul.f32 v8, v4  }
0x2f5: {  	v8 =	vld [tilespmem:s23+$0x10];
	[tilespmem:s23+$0xFFFFFFA0] =	vst v7;
	v7 =	vmul.f32 v9, v4  }
0x2f6: {  	v9 =	vld [tilespmem:s23+$0x20];
	[tilespmem:s23+$0xFFFFFFB0] =	vst v6;
	v6 =	vmul.f32 v62, v4  }
0x2f7: {  	v63 =	vld [tilespmem:s23+$0x30];
	[tilespmem:s23+$0xFFFFFFC0] =	vst v7;
	v5 =	vmul.f32 v5, v4  }
0x2f8: {  	v7 =	vld [tilespmem:s23+$0x40];
	v4 =	vmul.f32 v10, v4;
	[tilespmem:s23+$0xFFFFFFD0] =	vst v6  }
0x2f9: {  	v6 =	vmul.f32 v3, v11;
	v11 =	vld [tilespmem:s23+$0x50];
	[tilespmem:s23+$0xFFFFFFE0] =	vst v5  }
0x2fa: {  	v5 =	vld [tilespmem:s23+$0x60];
	[tilespmem:s23+$0xFFFFFFF0] =	vst v4;
	v8 =	vmul.f32 v8, v3  }
0x2fb: {  	v4 =	vmul.f32 v9, v3;
	[tilespmem:s23+$0x0] =	vst v6;
	v6 =	vld [tilespmem:s23+$0x70]  }
0x2fc: {  	v9 =	vld [tilespmem:s23+$0x80];
	[tilespmem:s23+$0x10] =	vst v8;
	v8 =	vmul.f32 v63, v3  }
0x2fd: {  	[tilespmem:s23+$0x20] =	vst v4;
	v4 =	vmul.f32 v7, v3;
	v7 =	vld [tilespmem:s23+$0x90]  }
0x2fe: {  	v10 =	vld [tilespmem:s23+$0xA0];
	[tilespmem:s23+$0x30] =	vst v8;
	v8 =	vmul.f32 v11, v3  }
0x2ff: {  	[tilespmem:s23+$0x40] =	vst v4;
	v5 =	vmul.f32 v5, v3;
	v4 =	vld [tilespmem:s23+$0xB0]  }
0x300: {  	[tilespmem:s23+$0x50] =	vst v8;
	v6 =	vmul.f32 v6, v3;
	v3 =	vld [tilespmem:s23+$0xC0]  }
0x301: {  	v9 =	vmul.f32 v1, v9;
	[tilespmem:s23+$0x60] =	vst v5;
	v5 =	vld [tilespmem:s23+$0xD0]  }
0x302: {  	v8 =	vmul.f32 v7, v1;
	[tilespmem:s23+$0x70] =	vst v6;
	v6 =	vld [tilespmem:s23+$0xE0]  }
0x303: {  	s25 =	simm.s32 $0xA006;
	s26 =	simm.s32 $0x2100;
	s24 =	simm.s32 $0x0;
	v7 =	vld [tilespmem:s23+$0xFFFFFF00];
	[tilespmem:s23+$0x80] =	vst v9;
	v9 =	vmul.f32 v10, v1  }
.LBB2_31:
0x304: {  	v10 =	vld.msk [tilespmem:s25+$0x1 ss:$0x0], $0xffff;
	s24 =	sadd.s32 $0x4, s24;
	[tilespmem:s23+$0x90] =	vst v8;
	v4 =	vmul.f32 v4, v1;
	s26 =	sadd.s32 $0x200, s26  }
0x305: {  	v8 =	vld [tilespmem:s26+$0xF0];
	p0 =	slt.u32 s24, $0x7C;
	[tilespmem:s23+$0xA0] =	vst v9;
	v3 =	vmul.f32 v3, v1  }
0x306: {  	v9 =	vld.msk [tilespmem:s25+$0xFFFFFFFE ss:$0x0], $0xffff;
	[tilespmem:s23+$0xB0] =	vst v4;
	v4 =	vmul.f32 v5, v1  }
0x307: {  	v5 =	vld.msk [tilespmem:s25+$0xFFFFFFFF ss:$0x0], $0xffff;
	[tilespmem:s23+$0xC0] =	vst v3;
	v11 =	vmul.f32 v6, v1  }
0x308: {  	v3 =	vld.msk [tilespmem:s25+$0x0 ss:$0x0], $0xffff;
	v2 =	vmul.f32 v2, v7;
	[tilespmem:s23+$0xD0] =	vst v4  }
0x309: {  	v4 =	vld [tilespmem:s26+$0xFFFFFF10];
	[tilespmem:s23+$0xE0] =	vst v11  }
0x30a: {  	v1 =	vmov v10;
	v6 =	vld [tilespmem:s26+$0xFFFFFF20];
	v7 =	vmul.f32 v8, v10;
	[tilespmem:s23+$0xFFFFFF00] =	vst v2;
	s23 =	smov.u32 s26  }
0x30b: {  	v8 =	vld [tilespmem:s26+$0xFFFFFF30]  }
0x30c: {  	v10 =	vld [tilespmem:s26+$0xFFFFFF40];
	[tilespmem:s26+$0xF0] =	vst v7;
	v2 =	vmov v9  }
0x30d: {  	v7 =	vld [tilespmem:s26+$0xFFFFFF50]  }
0x30e: {  	v4 =	vmul.f32 v4, v2;
	v9 =	vld [tilespmem:s26+$0xFFFFFF60]  }
0x30f: {  	v6 =	vmul.f32 v6, v2;
	v11 =	vld [tilespmem:s26+$0xFFFFFF70]  }
0x310: {  	[tilespmem:s26+$0xFFFFFF10] =	vst v4;
	v4 =	vmul.f32 v8, v2;
	v8 =	vld [tilespmem:s26+$0xFFFFFF80]  }
0x311: {  	[tilespmem:s26+$0xFFFFFF20] =	vst v6;
	v6 =	vmul.f32 v10, v2;
	v10 =	vld [tilespmem:s26+$0xFFFFFF90]  }
0x312: {  	[tilespmem:s26+$0xFFFFFF30] =	vst v4;
	v4 =	vmul.f32 v7, v2;
	v7 =	vld [tilespmem:s26+$0xFFFFFFA0]  }
0x313: {  	[tilespmem:s26+$0xFFFFFF40] =	vst v6;
	v6 =	vmul.f32 v9, v2;
	v9 =	vld [tilespmem:s26+$0xFFFFFFB0]  }
0x314: {  	[tilespmem:s26+$0xFFFFFF50] =	vst v4;
	v4 =	vmul.f32 v11, v2;
	v11 =	vld [tilespmem:s26+$0xFFFFFFC0]  }
0x315: {  	[tilespmem:s26+$0xFFFFFF60] =	vst v6;
	v6 =	vmul.f32 v5, v8;
	v8 =	vld [tilespmem:s26+$0xFFFFFFD0]  }
0x316: {  	[tilespmem:s26+$0xFFFFFF70] =	vst v4;
	v4 =	vmul.f32 v10, v5;
	v10 =	vld [tilespmem:s26+$0xFFFFFFE0]  }
0x317: {  	[tilespmem:s26+$0xFFFFFF80] =	vst v6;
	v6 =	vmul.f32 v7, v5;
	v7 =	vld [tilespmem:s26+$0xFFFFFFF0]  }
0x318: {  	[tilespmem:s26+$0xFFFFFF90] =	vst v4;
	v4 =	vmul.f32 v9, v5;
	v9 =	vld [tilespmem:s26+$0x0]  }
0x319: {  	[tilespmem:s26+$0xFFFFFFA0] =	vst v6;
	v6 =	vmul.f32 v11, v5;
	v11 =	vld [tilespmem:s26+$0x10]  }
0x31a: {  	[tilespmem:s26+$0xFFFFFFB0] =	vst v4;
	v4 =	vmul.f32 v8, v5;
	v8 =	vld [tilespmem:s26+$0x20]  }
0x31b: {  	[tilespmem:s26+$0xFFFFFFC0] =	vst v6;
	v6 =	vmul.f32 v10, v5;
	v10 =	vld [tilespmem:s26+$0x30]  }
0x31c: {  	[tilespmem:s26+$0xFFFFFFD0] =	vst v4;
	v4 =	vmul.f32 v7, v5;
	v5 =	vld [tilespmem:s26+$0x40]  }
0x31d: {  	[tilespmem:s26+$0xFFFFFFE0] =	vst v6;
	v6 =	vmul.f32 v3, v9;
	v7 =	vld [tilespmem:s26+$0x50]  }
0x31e: {  	[tilespmem:s26+$0xFFFFFFF0] =	vst v4;
	v4 =	vmul.f32 v11, v3;
	v9 =	vld [tilespmem:s26+$0x60]  }
0x31f: {  	[tilespmem:s26+$0x0] =	vst v6;
	v6 =	vmul.f32 v8, v3;
	v8 =	vld [tilespmem:s26+$0x70]  }
0x320: {  	[tilespmem:s26+$0x10] =	vst v4;
	v4 =	vmul.f32 v10, v3;
	v10 =	vld [tilespmem:s26+$0x80]  }
0x321: {  	[tilespmem:s26+$0x20] =	vst v6;
	v5 =	vmul.f32 v5, v3;
	v6 =	vld [tilespmem:s26+$0x90]  }
0x322: {  	[tilespmem:s26+$0x30] =	vst v4;
	v7 =	vmul.f32 v7, v3;
	v11 =	vld [tilespmem:s26+$0xA0]  }
.Ltmp14:
0x323: {  	[tilespmem:s26+$0x40] =	vst v5;
	v5 =	vmul.f32 v9, v3;
	v4 =	vld [tilespmem:s26+$0xB0];
	(pc) =	sbr.rel @p0 .LBB2_31-.Ltmp14, $4  }
0x324: {  	[tilespmem:s26+$0x50] =	vst v7;
	v7 =	vmul.f32 v8, v3;
	v3 =	vld [tilespmem:s26+$0xC0]  }
0x325: {  	[tilespmem:s26+$0x60] =	vst v5;
	v9 =	vmul.f32 v1, v10;
	v5 =	vld [tilespmem:s26+$0xD0]  }
0x326: {  	[tilespmem:s26+$0x70] =	vst v7;
	v8 =	vmul.f32 v6, v1;
	v6 =	vld [tilespmem:s26+$0xE0]  }
0x327: {  	s25 =	sadd.s32 $0x4, s25;
	v7 =	vld [tilespmem:s26+$0xFFFFFF00];
	[tilespmem:s26+$0x80] =	vst v9;
	v9 =	vmul.f32 v11, v1  }
0x328: {  	[tilespmem:s23+$0x90] =	vst v8;
	v4 =	vmul.f32 v4, v1  }
0x329: {  	[tilespmem:s23+$0xA0] =	vst v9;
	v3 =	vmul.f32 v3, v1  }
0x32a: {  	[tilespmem:s23+$0xB0] =	vst v4;
	v4 =	vmul.f32 v5, v1  }
0x32b: {  	[tilespmem:s23+$0xC0] =	vst v3;
	v1 =	vmul.f32 v6, v1  }
0x32c: {  	s24 =	sshll.u32 s21, $0x8;
	v2 =	vmul.f32 v2, v7;
	[tilespmem:s23+$0xD0] =	vst v4  }
0x32d: {  	s24 =	sand.u32 $0x3FFFFF00, s24;
	[tilespmem:s23+$0xE0] =	vst v1  }
0x32e: {  	p0 =	seq.s32 s21, $0x9;
	s25 =	sadd.s32 $0x1400, s24;
	[tilespmem:s23+$0xFFFFFF00] =	vst v2  }
0x32f: {  	[spmem:s3] =	stream.indirect.scatter.add.f32 [tilespmem:s1], [sflag:$0x5], $0x80, s25, s0, $0xb8;
	[tilespmem:$0x1E200] =	vst v63  }
0x330: {  	s23 =	sshll.u32 @!p0 s21, $0x8;
	_ =	swait.ge [sflag:s29], $0x4000  }
0x331: {  	s26 =	simm.s32 @!p0 $0x2000;
	s24 =	sadd.s32 @!p0 s10, s23;
	[sflag:s29] =	ssyncset.done $0x0  }
0x332: {  	s23 =	sadd.s32 @!p0 $0x900, s23;
	s25 =	simm.s32 @!p0 $0x80;
	[sflag:s29] =	ssyncadd.s32 $0xFFFFC000  }
0x333: {  	[tilespmem:s26], [sflag:$0x1] =	stream.indirect.gather @!p0 [hbm4b:s2+s25], $0x80, s23, s25, $0xb8;
	[tilespmem:$0x1E200] =	vst v63  }
0x334: {  	s23 =	sshrl.u32 @!p0 s24, $0x3  }
0x335: {  	s23 =	sadd.s32 @!p0 s17, s23  }
0x336: {  	s24 =	simm.s32 @!p0 $0x0;
	s25 =	simm.s32 @!p0 $0xA000;
	s23 =	sadd.s32 @!p0 $0x20, s23  }
0x337: {  	[tilespmem:s25], [sflag:$0x3] =	stream.linear.gather @!p0 [hbm4b:s23+s24], $0x80, $0x38;
	[tilespmem:$0x1E200] =	vst v63  }
0x338: {  	_ =	swait.ge [sflag:s14], $0x4000  }
0x339: {  	[sflag:s14] =	ssyncset.done $0x0  }
0x33a: {  	[sflag:s14] =	ssyncadd.s32 $0xFFFFC000  }
0x33b: {  	_ =	swait.ge [sflag:s15], $0x80  }
0x33c: {  	[sflag:s15] =	ssyncset.done $0x0  }
0x33d: {  	s26 =	simm.s32 $0xA102;
	[sflag:s15] =	ssyncadd.s32 $0xFFFFFF80  }
0x33e: {  	s23 =	simm.s32 $0x6100;
	v1 =	vld.msk [tilespmem:s26+$0x1 ss:$0x0], $0xffff  }
0x33f: {  	v3 =	vld [tilespmem:s23+$0xF0]  }
0x340: {  	v2 =	vld.msk [tilespmem:s26+$0xFFFFFFFE ss:$0x0], $0xffff  }
0x341: {  	v4 =	vld.msk [tilespmem:s26+$0xFFFFFFFF ss:$0x0], $0xffff  }
0x342: {  	v5 =	vld [tilespmem:s23+$0xFFFFFF10]  }
0x343: {  	v6 =	vld [tilespmem:s23+$0xFFFFFF20]  }
0x344: {  	v10 =	vld [tilespmem:s23+$0xFFFFFF60]  }
0x345: {  	v11 =	vld [tilespmem:s23+$0xFFFFFF70]  }
0x346: {  	v7 =	vld [tilespmem:s23+$0xFFFFFF30]  }
0x347: {  	v8 =	vld [tilespmem:s23+$0xFFFFFF40];
	v3 =	vmul.f32 v3, v1  }
0x348: {  	v9 =	vld [tilespmem:s23+$0xFFFFFF50];
	v5 =	vmul.f32 v5, v2  }
0x349: {  	v12 =	vld [tilespmem:s23+$0xFFFFFF80];
	v10 =	vmul.f32 v10, v2;
	[tilespmem:s23+$0xF0] =	vst v3  }
0x34a: {  	v62 =	vld [tilespmem:s23+$0xFFFFFFD0];
	v11 =	vmul.f32 v11, v2;
	[tilespmem:s23+$0xFFFFFF10] =	vst v5  }
0x34b: {  	v3 =	vmul.f32 v6, v2;
	v6 =	vld [tilespmem:s23+$0xFFFFFF90];
	[tilespmem:s23+$0xFFFFFF60] =	vst v10  }
0x34c: {  	v5 =	vmul.f32 v7, v2;
	v7 =	vld [tilespmem:s23+$0xFFFFFFA0];
	[tilespmem:s23+$0xFFFFFF70] =	vst v11  }
0x34d: {  	[tilespmem:s23+$0xFFFFFF20] =	vst v3;
	v3 =	vmul.f32 v8, v2;
	v8 =	vld [tilespmem:s23+$0xFFFFFFB0]  }
0x34e: {  	[tilespmem:s23+$0xFFFFFF30] =	vst v5;
	v5 =	vmul.f32 v9, v2;
	v9 =	vld [tilespmem:s23+$0xFFFFFFC0]  }
0x34f: {  	v10 =	vld [tilespmem:s23+$0xFFFFFFF0];
	[tilespmem:s23+$0xFFFFFF40] =	vst v3;
	v3 =	vmul.f32 v4, v12  }
0x350: {  	[tilespmem:s23+$0xFFFFFF50] =	vst v5;
	v5 =	vld [tilespmem:s23+$0xFFFFFFE0];
	v6 =	vmul.f32 v6, v4  }
0x351: {  	v11 =	vld [tilespmem:s23+$0x0];
	v7 =	vmul.f32 v7, v4;
	[tilespmem:s23+$0xFFFFFF80] =	vst v3  }
0x352: {  	v3 =	vld.msk [tilespmem:s26+$0x0 ss:$0x0], $0xffff;
	[tilespmem:s23+$0xFFFFFF90] =	vst v6;
	v6 =	vmul.f32 v8, v4  }
0x353: {  	v8 =	vld [tilespmem:s23+$0x10];
	[tilespmem:s23+$0xFFFFFFA0] =	vst v7;
	v7 =	vmul.f32 v9, v4  }
0x354: {  	v9 =	vld [tilespmem:s23+$0x20];
	[tilespmem:s23+$0xFFFFFFB0] =	vst v6;
	v6 =	vmul.f32 v62, v4  }
0x355: {  	v63 =	vld [tilespmem:s23+$0x30];
	[tilespmem:s23+$0xFFFFFFC0] =	vst v7;
	v5 =	vmul.f32 v5, v4  }
0x356: {  	v7 =	vld [tilespmem:s23+$0x40];
	v4 =	vmul.f32 v10, v4;
	[tilespmem:s23+$0xFFFFFFD0] =	vst v6  }
0x357: {  	v6 =	vmul.f32 v3, v11;
	v11 =	vld [tilespmem:s23+$0x50];
	[tilespmem:s23+$0xFFFFFFE0] =	vst v5  }
0x358: {  	v5 =	vld [tilespmem:s23+$0x60];
	[tilespmem:s23+$0xFFFFFFF0] =	vst v4;
	v8 =	vmul.f32 v8, v3  }
0x359: {  	v4 =	vmul.f32 v9, v3;
	[tilespmem:s23+$0x0] =	vst v6;
	v6 =	vld [tilespmem:s23+$0x70]  }
0x35a: {  	v9 =	vld [tilespmem:s23+$0x80];
	[tilespmem:s23+$0x10] =	vst v8;
	v8 =	vmul.f32 v63, v3  }
0x35b: {  	[tilespmem:s23+$0x20] =	vst v4;
	v4 =	vmul.f32 v7, v3;
	v7 =	vld [tilespmem:s23+$0x90]  }
0x35c: {  	v10 =	vld [tilespmem:s23+$0xA0];
	[tilespmem:s23+$0x30] =	vst v8;
	v8 =	vmul.f32 v11, v3  }
0x35d: {  	[tilespmem:s23+$0x40] =	vst v4;
	v5 =	vmul.f32 v5, v3;
	v4 =	vld [tilespmem:s23+$0xB0]  }
0x35e: {  	[tilespmem:s23+$0x50] =	vst v8;
	v6 =	vmul.f32 v6, v3;
	v3 =	vld [tilespmem:s23+$0xC0]  }
0x35f: {  	v9 =	vmul.f32 v1, v9;
	[tilespmem:s23+$0x60] =	vst v5;
	v5 =	vld [tilespmem:s23+$0xD0]  }
0x360: {  	v8 =	vmul.f32 v7, v1;
	[tilespmem:s23+$0x70] =	vst v6;
	v6 =	vld [tilespmem:s23+$0xE0]  }
0x361: {  	s24 =	simm.s32 $0x0;
	s25 =	simm.s32 $0xA106;
	s26 =	simm.s32 $0x6100;
	v7 =	vld [tilespmem:s23+$0xFFFFFF00];
	[tilespmem:s23+$0x80] =	vst v9;
	v9 =	vmul.f32 v10, v1  }
.LBB2_33:
0x362: {  	v10 =	vld.msk [tilespmem:s25+$0x1 ss:$0x0], $0xffff;
	s24 =	sadd.s32 $0x4, s24;
	[tilespmem:s23+$0x90] =	vst v8;
	v4 =	vmul.f32 v4, v1;
	s26 =	sadd.s32 $0x200, s26  }
0x363: {  	v8 =	vld [tilespmem:s26+$0xF0];
	p0 =	slt.u32 s24, $0x7C;
	[tilespmem:s23+$0xA0] =	vst v9;
	v3 =	vmul.f32 v3, v1  }
0x364: {  	v9 =	vld.msk [tilespmem:s25+$0xFFFFFFFE ss:$0x0], $0xffff;
	[tilespmem:s23+$0xB0] =	vst v4;
	v4 =	vmul.f32 v5, v1  }
0x365: {  	v5 =	vld.msk [tilespmem:s25+$0xFFFFFFFF ss:$0x0], $0xffff;
	[tilespmem:s23+$0xC0] =	vst v3;
	v11 =	vmul.f32 v6, v1  }
0x366: {  	v3 =	vld.msk [tilespmem:s25+$0x0 ss:$0x0], $0xffff;
	v2 =	vmul.f32 v2, v7;
	[tilespmem:s23+$0xD0] =	vst v4  }
0x367: {  	v4 =	vld [tilespmem:s26+$0xFFFFFF10];
	[tilespmem:s23+$0xE0] =	vst v11  }
0x368: {  	v1 =	vmov v10;
	v6 =	vld [tilespmem:s26+$0xFFFFFF20];
	v7 =	vmul.f32 v8, v10;
	[tilespmem:s23+$0xFFFFFF00] =	vst v2;
	s23 =	smov.u32 s26  }
0x369: {  	v8 =	vld [tilespmem:s26+$0xFFFFFF30]  }
0x36a: {  	v10 =	vld [tilespmem:s26+$0xFFFFFF40];
	[tilespmem:s26+$0xF0] =	vst v7;
	v2 =	vmov v9  }
0x36b: {  	v7 =	vld [tilespmem:s26+$0xFFFFFF50]  }
0x36c: {  	v4 =	vmul.f32 v4, v2;
	v9 =	vld [tilespmem:s26+$0xFFFFFF60]  }
0x36d: {  	v6 =	vmul.f32 v6, v2;
	v11 =	vld [tilespmem:s26+$0xFFFFFF70]  }
0x36e: {  	[tilespmem:s26+$0xFFFFFF10] =	vst v4;
	v4 =	vmul.f32 v8, v2;
	v8 =	vld [tilespmem:s26+$0xFFFFFF80]  }
0x36f: {  	[tilespmem:s26+$0xFFFFFF20] =	vst v6;
	v6 =	vmul.f32 v10, v2;
	v10 =	vld [tilespmem:s26+$0xFFFFFF90]  }
0x370: {  	[tilespmem:s26+$0xFFFFFF30] =	vst v4;
	v4 =	vmul.f32 v7, v2;
	v7 =	vld [tilespmem:s26+$0xFFFFFFA0]  }
0x371: {  	[tilespmem:s26+$0xFFFFFF40] =	vst v6;
	v6 =	vmul.f32 v9, v2;
	v9 =	vld [tilespmem:s26+$0xFFFFFFB0]  }
0x372: {  	[tilespmem:s26+$0xFFFFFF50] =	vst v4;
	v4 =	vmul.f32 v11, v2;
	v11 =	vld [tilespmem:s26+$0xFFFFFFC0]  }
0x373: {  	[tilespmem:s26+$0xFFFFFF60] =	vst v6;
	v6 =	vmul.f32 v5, v8;
	v8 =	vld [tilespmem:s26+$0xFFFFFFD0]  }
0x374: {  	[tilespmem:s26+$0xFFFFFF70] =	vst v4;
	v4 =	vmul.f32 v10, v5;
	v10 =	vld [tilespmem:s26+$0xFFFFFFE0]  }
0x375: {  	[tilespmem:s26+$0xFFFFFF80] =	vst v6;
	v6 =	vmul.f32 v7, v5;
	v7 =	vld [tilespmem:s26+$0xFFFFFFF0]  }
0x376: {  	[tilespmem:s26+$0xFFFFFF90] =	vst v4;
	v4 =	vmul.f32 v9, v5;
	v9 =	vld [tilespmem:s26+$0x0]  }
0x377: {  	[tilespmem:s26+$0xFFFFFFA0] =	vst v6;
	v6 =	vmul.f32 v11, v5;
	v11 =	vld [tilespmem:s26+$0x10]  }
0x378: {  	[tilespmem:s26+$0xFFFFFFB0] =	vst v4;
	v4 =	vmul.f32 v8, v5;
	v8 =	vld [tilespmem:s26+$0x20]  }
0x379: {  	[tilespmem:s26+$0xFFFFFFC0] =	vst v6;
	v6 =	vmul.f32 v10, v5;
	v10 =	vld [tilespmem:s26+$0x30]  }
0x37a: {  	[tilespmem:s26+$0xFFFFFFD0] =	vst v4;
	v4 =	vmul.f32 v7, v5;
	v5 =	vld [tilespmem:s26+$0x40]  }
0x37b: {  	[tilespmem:s26+$0xFFFFFFE0] =	vst v6;
	v6 =	vmul.f32 v3, v9;
	v7 =	vld [tilespmem:s26+$0x50]  }
0x37c: {  	[tilespmem:s26+$0xFFFFFFF0] =	vst v4;
	v4 =	vmul.f32 v11, v3;
	v9 =	vld [tilespmem:s26+$0x60]  }
0x37d: {  	[tilespmem:s26+$0x0] =	vst v6;
	v6 =	vmul.f32 v8, v3;
	v8 =	vld [tilespmem:s26+$0x70]  }
0x37e: {  	[tilespmem:s26+$0x10] =	vst v4;
	v4 =	vmul.f32 v10, v3;
	v10 =	vld [tilespmem:s26+$0x80]  }
0x37f: {  	[tilespmem:s26+$0x20] =	vst v6;
	v5 =	vmul.f32 v5, v3;
	v6 =	vld [tilespmem:s26+$0x90]  }
0x380: {  	[tilespmem:s26+$0x30] =	vst v4;
	v7 =	vmul.f32 v7, v3;
	v11 =	vld [tilespmem:s26+$0xA0]  }
.Ltmp15:
0x381: {  	[tilespmem:s26+$0x40] =	vst v5;
	v5 =	vmul.f32 v9, v3;
	v4 =	vld [tilespmem:s26+$0xB0];
	(pc) =	sbr.rel @p0 .LBB2_33-.Ltmp15, $4  }
0x382: {  	[tilespmem:s26+$0x50] =	vst v7;
	v7 =	vmul.f32 v8, v3;
	v3 =	vld [tilespmem:s26+$0xC0]  }
0x383: {  	[tilespmem:s26+$0x60] =	vst v5;
	v9 =	vmul.f32 v1, v10;
	v5 =	vld [tilespmem:s26+$0xD0]  }
0x384: {  	[tilespmem:s26+$0x70] =	vst v7;
	v8 =	vmul.f32 v6, v1;
	v6 =	vld [tilespmem:s26+$0xE0]  }
0x385: {  	s25 =	sadd.s32 $0x4, s25;
	v7 =	vld [tilespmem:s26+$0xFFFFFF00];
	[tilespmem:s26+$0x80] =	vst v9;
	v9 =	vmul.f32 v11, v1  }
0x386: {  	[tilespmem:s23+$0x90] =	vst v8;
	v4 =	vmul.f32 v4, v1  }
0x387: {  	[tilespmem:s23+$0xA0] =	vst v9;
	v3 =	vmul.f32 v3, v1  }
0x388: {  	[tilespmem:s23+$0xB0] =	vst v4;
	v63 =	vmul.f32 v5, v1  }
0x389: {  	[tilespmem:s23+$0xC0] =	vst v3;
	v1 =	vmul.f32 v6, v1  }
0x38a: {  	s21 =	sadd.s32 $0x1, s21;
	v2 =	vmul.f32 v2, v7;
	[tilespmem:s23+$0xD0] =	vst v63  }
0x38b: {  	s22 =	sand.u32 $0x3FFFFF80, s22;
	p0 =	sne.s32 s21, $0xA;
	[tilespmem:s23+$0xE0] =	vst v1  }
.Ltmp16:
0x38c: {  	s22 =	sadd.s32 $0x1400, s22;
	[tilespmem:s23+$0xFFFFFF00] =	vst v2;
	(pc) =	sbr.rel @p0 .LBB2_30-.Ltmp16, $4  }
0x38d: {  	[spmem:s3] =	stream.indirect.scatter.add.f32 [tilespmem:s7], [sflag:$0x5], $0x80, s22, s0, $0xb8;
	[tilespmem:$0x1E200] =	vst v63  }
0x38e: {  	_ =	swait.ge [sflag:s29], $0x4000  }
0x38f: {  	[sflag:s29] =	ssyncset.done $0x0  }
0x390: {  	[sflag:s29] =	ssyncadd.s32 $0xFFFFC000  }
0x391: {  	[bflag:$0x0] =	sbarrier.arrive $0xFFFF;
	s16 =	sadd.s32 $0x1, s16  }
0x392: {  	s21 =	rddreg [dreg:$0x11];
	p0 =	sne.s32 s16, s28  }
0x393: {  	[hbm:s21], [sflag:s19] =	dma.local [spmem:s20], $0x2800  }
.Ltmp17:
0x394: {  	_ =	swait.ge [sflag:s29], $0x2800;
	(pc) =	sbr.rel @p0 .LBB2_1-.Ltmp17, $3  }
0x395: {  	[sflag:s29] =	ssyncset.done $0x0  }
0x396: {  	[sflag:s29] =	ssyncadd.s32 $0xFFFFD800  }
0x397: {  	[bflag:$0x0] =	sbarrier.arrive $0xFFFF;
	_ =	sdelay $0x1  }
0x398: {  	_ =	sfence.sel $0x180000  }
0x399: {  	[bflag:$0x0] =	sbarrier.arrive $0xFFFF  }
0x39a: {  	_ =	strace $0x90000047  }
0x39b: {  	s0 =	stileid.u32;
	[bflag:$0x2] =	sbarrier.arrive $0xFFFF  }
0x39c: {  	p0 =	sne.s32 s0, $0x0;
	s0 =	rddreg [dreg:$0x4]  }
0x39d: {  	s0 =	sadd.s32 @!p0 $0x100000, s0  }
0x39e: {  	[sflag:s0] =	ssyncadd.tile.s32 @!p0 $0x1;
	_ =	shalt  }
.Lfunc_end2:
_tile_overlayer_lowered:
.L_overlay_start_2:
0x39f: {  	(tag) =	ssettag $0x2  }
0x3a0: {  	s0 =	rddreg [dreg:$0x0];
	s2 =	stileid.u32  }
0x3a1: {  	s1 =	rddreg [dreg:$0x1];
	p0 =	sne.s32 s2, $0x0  }
0x3a2: {  	s3 =	rddreg [dreg:$0x2];
	[bflag:$0x3] =	sbarrier.arrive $0xFFFF;
	s2 =	simm.s32 @!p0 $0x1C05  }
0x3a3: {  	[timem:s3], [sflag:s2] =	dma.local @!p0 [hbm:s0], s1  }
0x3a4: {  	s0 =	simm.s32 @!p0 $0x5  }
0x3a5: {  	_ =	swait.ge @!p0 [sflag:s0], s1  }
0x3a6: {  	s1 =	ssub.s32 @!p0 $0x0, s1;
	[sflag:s0] =	ssyncset.done @!p0 $0x0  }
0x3a7: {  	[sflag:s0] =	ssyncadd.s32 @!p0 s1  }
0x3a8: {  	[bflag:$0x3] =	sbarrier.arrive $0xFFFF  }
0x3a9: {  	_ =	shalt  }

</sc_bundles>
